<compile_context>
chip_gen: v7x
topology: tpu7x:2x2x1
jax: 0.10.2.dev20260603
libtpu: 0.0.44.dev20260713+nightly
codegen_flags: <defaults>
</compile_context>

<pallas_src>
import functools
import math

import jax
import jax.numpy as jnp
from jax import lax
from jax.experimental import pallas as pl
from jax.experimental.pallas import tpu as pltpu
from jax.experimental.pallas import tpu_sc as plsc

B = 1024
V = 100000
IGN = V - 100
SMOOTH = 0.1 / (V - 2)
CONF = 0.9
C_A = (V - 2) * SMOOTH * math.log(SMOOTH) + CONF * math.log(CONF)
C_DELTA = SMOOTH * math.log(SMOOTH)

NW = 32
G = 1
R_SC = NW * 8 * G
RPW = R_SC // NW
CH = 1408
NCHB = 99968 // CH
TAIL0 = NCHB * CH
TAILW = V - TAIL0
U = 8
NRED = CH // (16 * U)

R_TC = B - R_SC
RB = 32
NRT = R_TC // RB
J0 = R_SC // RB


@functools.cache
def _build_sc_sum():
    @functools.partial(
        pl.kernel,
        out_type=jax.ShapeDtypeStruct((NW * 16,), jnp.float32),
        mesh=plsc.VectorSubcoreMesh(core_axis_name="c", subcore_axis_name="s"),
        scratch_types=[
            pltpu.VMEM((RPW,), jnp.int32),
            pltpu.VMEM((8, CH), jnp.float32),
            pltpu.VMEM((8, CH), jnp.float32),
            pltpu.VMEM((16,), jnp.float32),
            pltpu.SemaphoreType.DMA,
            pltpu.SemaphoreType.DMA,
        ],
        compiler_params=pltpu.CompilerParams(needs_layout_passes=False),
    )
    def _sc_sum(x_hbm, tgt_hbm, out_hbm, t_v, buf0, buf1, c_v, sem0, sem1):
        wid = lax.axis_index("s") * 2 + lax.axis_index("c")
        r0 = wid * RPW
        pltpu.sync_copy(tgt_hbm.at[pl.ds(r0, RPW)], t_v)
        lane0 = lax.broadcasted_iota(jnp.int32, (16,), 0) == 0
        ivec = jnp.full((16,), IGN, jnp.int32)
        zero = jnp.zeros((16,), jnp.float32)
        accs = (zero, zero, zero, zero)

        for g in range(G):
            rowbase = r0 + g * 8
            tvecs = [
                plsc.load_gather(t_v, [jnp.full((16,), g * 8 + rr, jnp.int32)])
                for rr in range(8)
            ]

            def start(c, buf, sem):
                coff = pl.multiple_of(c * CH, CH)
                return pltpu.async_copy(
                    x_hbm.at[pl.ds(rowbase, 8), pl.ds(coff, CH)], buf, sem
                )

            def drain(buf, sem):
                pltpu.make_async_copy(
                    x_hbm.at[pl.ds(rowbase, 8), pl.ds(0, CH)], buf, sem
                ).wait()

            def process(c, buf, accs):
                acc_s, acc_t, acc_g, acc_nb = accs
                c0 = c * CH
                for rr in range(8):
                    def red(k, a, _rr=rr):
                        base = pl.multiple_of(k * (16 * U), 16 * U)
                        for u in range(U):
                            a = a + buf[_rr, pl.ds(base + u * 16, 16)]
                        return a

                    acc_s = lax.fori_loop(0, NRED, red, acc_s)
                    rvec = jnp.full((16,), rr, jnp.int32)
                    tv = tvecs[rr]
                    inb = (tv >= c0) & (tv < c0 + CH)
                    pos = jnp.where(inb, tv - c0, 0)
                    val = plsc.load_gather(buf, [rvec, pos])
                    acc_t = acc_t + jnp.where(inb & lane0, val, 0.0)
                    inbg = (ivec >= c0) & (ivec < c0 + CH)
                    posg = jnp.where(inbg, ivec - c0, 0)
                    vg = plsc.load_gather(buf, [rvec, posg])
                    acc_g = acc_g + jnp.where(inbg & lane0 & (tv != IGN), vg, 0.0)
                return (acc_s, acc_t, acc_g, acc_nb)

            acc_s, acc_t, acc_g, acc_nb = accs
            for rr in range(8):
                acc_nb = acc_nb + jnp.where(
                    lane0 & (tvecs[rr] == IGN), 1.0, 0.0
                )
            accs = (acc_s, acc_t, acc_g, acc_nb)

            start(0, buf0, sem0)

            def pair_body(k, accs):
                c1 = 2 * k + 1
                c2 = 2 * k + 2
                start(c1, buf1, sem1)
                drain(buf0, sem0)
                accs = process(2 * k, buf0, accs)
                start(c2, buf0, sem0)
                drain(buf1, sem1)
                accs = process(c1, buf1, accs)
                return accs

            accs = lax.fori_loop(0, (NCHB - 1) // 2, pair_body, accs)
            drain(buf0, sem0)
            accs = process(NCHB - 1, buf0, accs)

        acc_s, acc_t, acc_g, acc_nb = accs
        contrib = (
            jnp.float32(-SMOOTH) * acc_s
            + jnp.float32(SMOOTH) * acc_g
            + jnp.float32(SMOOTH - CONF) * acc_t
            + jnp.float32(C_DELTA) * acc_nb
        )
        c_v[...] = contrib
        pltpu.sync_copy(c_v, out_hbm.at[pl.ds(wid * 16, 16)])

    return _sc_sum


def _tc_body(x_ref, ts_ref, tv_ref, o_ref):
    j = pl.program_id(0)

    @pl.when(j == 0)
    def _init():
        o_ref[0, 0] = 0.0

    bs = jnp.sum(x_ref[...])
    ttv = tv_ref[...]
    colg = x_ref[:, IGN : IGN + 1]
    sg = jnp.sum(jnp.where(ttv != IGN, colg, 0.0))
    nb = jnp.sum((ttv == IGN).astype(jnp.float32))
    st = jnp.float32(0.0)
    for rr in range(RB):
        tb = ts_ref[rr, 0]
        c0 = (tb // 128) * 128
        strip = x_ref[pl.ds(rr, 1), pl.ds(c0, 128)]
        hit = (c0 + lax.broadcasted_iota(jnp.int32, (1, 128), 1)) == tb
        st += jnp.sum(jnp.where(hit, strip, 0.0))
    o_ref[0, 0] += (
        jnp.float32(-SMOOTH) * bs
        + jnp.float32(SMOOTH) * sg
        + jnp.float32(SMOOTH - CONF) * st
        + jnp.float32(C_DELTA) * nb
    )


_tc_call = pl.pallas_call(
    _tc_body,
    grid=(NRT,),
    in_specs=[
        pl.BlockSpec((RB, V), lambda j: (j + J0, 0)),
        pl.BlockSpec((RB, 1), lambda j: (j + J0, 0), memory_space=pltpu.SMEM),
        pl.BlockSpec((RB, 1), lambda j: (j + J0, 0)),
    ],
    out_specs=pl.BlockSpec((1, 1), lambda j: (0, 0), memory_space=pltpu.SMEM),
    out_shape=jax.ShapeDtypeStruct((1, 1), jnp.float32),
)


def _combine_body(tc_ref, sc_ref, tail_ref, t_ref, o_ref):
    tail = tail_ref[...]
    tt = t_ref[...]
    cols = TAIL0 + lax.broadcasted_iota(jnp.int32, (R_SC, 128), 1)
    valid = cols < V
    bs = jnp.sum(jnp.where(valid, tail, 0.0))
    st = jnp.sum(jnp.where((cols == tt) & valid, tail, 0.0))
    o_ref[0, 0] = (
        jnp.float32(B * C_A)
        + tc_ref[0, 0]
        + jnp.sum(sc_ref[...])
        + jnp.float32(-SMOOTH) * bs
        + jnp.float32(SMOOTH - CONF) * st
    )


_combine = pl.pallas_call(
    _combine_body,
    grid=(1,),
    in_specs=[
        pl.BlockSpec((1, 1), lambda j: (0, 0), memory_space=pltpu.SMEM),
        pl.BlockSpec((NW, 16), lambda j: (0, 0)),
        pl.BlockSpec((R_SC, 128), lambda j: (0, TAIL0 // 128)),
        pl.BlockSpec((R_SC, 1), lambda j: (0, 0)),
    ],
    out_specs=pl.BlockSpec((1, 1), lambda j: (0, 0), memory_space=pltpu.SMEM),
    out_shape=jax.ShapeDtypeStruct((1, 1), jnp.float32),
)


def kernel(output, target):
    tgt = target.astype(jnp.int32)
    tgt2d = tgt.reshape(B, 1)
    sc_part = _build_sc_sum()(output, tgt)
    if R_TC > 0:
        tc_part = _tc_call(output, tgt2d, tgt2d)
    else:
        tc_part = jnp.zeros((1, 1), jnp.float32)
    res = _combine(tc_part, sc_part.reshape(NW, 16), output, tgt2d)
    return res[0, 0]

# --- scband reference (transcript-rebuilt; emitter-appended) ---
"""Pipeline reference for scband-label-smoothing-loss-25237227831566 (READ-ONLY COPY).

The authoritative reference and input builder live on the scoring server;
editing this copy changes nothing except your own understanding.
"""

import jax, jax.numpy as jnp
import numpy as np

LABEL_SMOOTHING = 0.1
VOCAB = 100000
IGNORE_INDEX = -100
CONFIDENCE = 1.0 - LABEL_SMOOTHING
BATCH = 1024


def setup_inputs(seed: int = 0) -> dict:
    key = jax.random.key(seed)
    k1, k2 = jax.random.split(key)
    output = jax.random.normal(k1, (BATCH, VOCAB), dtype=jnp.float32)
    target = jax.random.randint(k2, (BATCH,), 0, VOCAB)
    return {"output": output, "target": target}


def reference(output, target):
    # buffer: one_hot smoothing distribution (deterministic from init kwargs)
    smoothing_value = LABEL_SMOOTHING / (VOCAB - 2)
    one_hot = jnp.full((VOCAB,), smoothing_value, dtype=jnp.float32)
    # torch: one_hot[self.ignore_index] = 0 with ignore_index=-100 -> negative indexing
    one_hot = one_hot.at[IGNORE_INDEX].set(0.0)
    b = target.shape[0]
    # model_prob = one_hot.repeat(B, 1)
    model_prob = jnp.tile(one_hot[None, :], (b, 1))
    # scatter_(1, target.unsqueeze(1), confidence)
    model_prob = model_prob.at[jnp.arange(b), target].set(CONFIDENCE)
    # masked_fill_((target == ignore_index).unsqueeze(1), 0)
    mask = (target == IGNORE_INDEX)[:, None]
    model_prob = jnp.where(mask, 0.0, model_prob)
    # F.kl_div(output, model_prob, reduction='sum') = sum( xlogy(p, p) - p * output )
    plogp = jnp.where(model_prob > 0, model_prob * jnp.log(jnp.where(model_prob > 0, model_prob, 1.0)), 0.0)
    loss = jnp.sum(plogp - model_prob * output)
    return loss

if __name__ == "__main__":
    import jax
    _d = setup_inputs()
    print(jax.jit(kernel)(*tuple(_d.values())))

</pallas_src>

<mosaic_0001>
#map = affine_map<(d0, d1) -> (0, 0)>
#map1 = affine_map<(d0, d1) -> (0)>
module attributes {stable_mosaic.version = 14 : i64} {
  func.func @_sc_sum(%arg0: i32, %arg1: i32, %arg2: memref<1024x100000xf32, #tpu.memory_space<hbm>>, %arg3: memref<1024xi32, #tpu.memory_space<hbm>>, %arg4: memref<512xf32, #tpu.memory_space<hbm>>, %arg5: memref<8xi32, #tpu.memory_space<vmem>>, %arg6: memref<8x1408xf32, #tpu.memory_space<vmem>>, %arg7: memref<8x1408xf32, #tpu.memory_space<vmem>>, %arg8: memref<16xf32, #tpu.memory_space<vmem>>, %arg9: memref<!tpu.dma_semaphore, #tpu.memory_space<semaphore_mem>>, %arg10: memref<!tpu.dma_semaphore, #tpu.memory_space<semaphore_mem>>) attributes {dimension_semantics = [#tpu.dimension_semantics<core_parallel>, #tpu.dimension_semantics<subcore_parallel>], iteration_bounds = array<i64: 2, 16>, scalar_prefetch = 0 : i64, scratch_operands = 6 : i64, tpu.core_type = #tpu.core_type<sc_vector_subcore>, window_params = [{transform_indices = #map}, {transform_indices = #map1}, {transform_indices = #map1}]} {
    %mul3A = arith.constant 2 : i32
    %mul3A_0 = arith.muli %arg1, %mul3A : i32
    %add3A = arith.addi %mul3A_0, %arg0 : i32
    %mul3A_1 = arith.constant 8 : i32
    %mul3A_2 = arith.muli %add3A, %mul3A_1 : i32
    "tpu.region"() ({
      %run_scoped3A = tpu.sem_alloc : memref<!tpu.dma_semaphore, #tpu.memory_space<semaphore_mem>>
      %dma_start3A_534 = tpu.memref_slice %arg3[%mul3A_2] : memref<1024xi32, #tpu.memory_space<hbm>> -> memref<8xi32, #tpu.memory_space<hbm>>
      %dma_start3A_535 = tpu.memref_slice %arg3[%mul3A_2] : memref<1024xi32, #tpu.memory_space<hbm>> -> memref<8xi32, #tpu.memory_space<hbm>>
      tpu.enqueue_dma source(%dma_start3A_535 : memref<8xi32, #tpu.memory_space<hbm>>) target(%arg5 : memref<8xi32, #tpu.memory_space<vmem>>) target_semaphore(%run_scoped3A : memref<!tpu.dma_semaphore, #tpu.memory_space<semaphore_mem>>)
      %dma_wait3A_536 = tpu.memref_slice %arg3[%mul3A_2] : memref<1024xi32, #tpu.memory_space<hbm>> -> memref<8xi32, #tpu.memory_space<hbm>>
      %dma_wait3A_537 = tpu.memref_slice %arg3[%mul3A_2] : memref<1024xi32, #tpu.memory_space<hbm>> -> memref<8xi32, #tpu.memory_space<hbm>>
      tpu.wait_dma2 semaphore(%run_scoped3A : memref<!tpu.dma_semaphore, #tpu.memory_space<semaphore_mem>>) src(%dma_wait3A_537 : memref<8xi32, #tpu.memory_space<hbm>>) dst(%arg5 : memref<8xi32, #tpu.memory_space<vmem>>)
      tpu.yield
    }) : () -> ()
    %iota3A = tpu.iota {dimensions = array<i32: 0>} : vector<16xi32>
    %eq3A = arith.constant 0 : i32
    %eq3A_3 = vector.broadcast %eq3A : i32 to vector<16xi32>
    %eq3A_4 = arith.cmpi eq, %iota3A, %eq3A_3 : vector<16xi32>
    %broadcast_in_dim3A = arith.constant 99900 : i32
    %broadcast_in_dim3A_5 = vector.broadcast %broadcast_in_dim3A : i32 to vector<16xi32>
    %broadcast_in_dim3A_6 = arith.constant 0.000000e+00 : f32
    %broadcast_in_dim3A_7 = vector.broadcast %broadcast_in_dim3A_6 : f32 to vector<16xf32>
    %add3A_8 = arith.constant 0 : i32
    %add3A_9 = arith.addi %mul3A_2, %add3A_8 : i32
    %broadcast_in_dim3A_10 = arith.constant 0 : i32
    %broadcast_in_dim3A_11 = vector.broadcast %broadcast_in_dim3A_10 : i32 to vector<16xi32>
    %gather3A = tpu.vector_load_idx %arg5[%broadcast_in_dim3A_11] : memref<8xi32, #tpu.memory_space<vmem>>[vector<16xi32>], vector<16xi32>,
    %broadcast_in_dim3A_12 = arith.constant 1 : i32
    %broadcast_in_dim3A_13 = vector.broadcast %broadcast_in_dim3A_12 : i32 to vector<16xi32>
    %gather3A_14 = tpu.vector_load_idx %arg5[%broadcast_in_dim3A_13] : memref<8xi32, #tpu.memory_space<vmem>>[vector<16xi32>], vector<16xi32>,
    %broadcast_in_dim3A_15 = arith.constant 2 : i32
    %broadcast_in_dim3A_16 = vector.broadcast %broadcast_in_dim3A_15 : i32 to vector<16xi32>
    %gather3A_17 = tpu.vector_load_idx %arg5[%broadcast_in_dim3A_16] : memref<8xi32, #tpu.memory_space<vmem>>[vector<16xi32>], vector<16xi32>,
    %broadcast_in_dim3A_18 = arith.constant 3 : i32
    %broadcast_in_dim3A_19 = vector.broadcast %broadcast_in_dim3A_18 : i32 to vector<16xi32>
    %gather3A_20 = tpu.vector_load_idx %arg5[%broadcast_in_dim3A_19] : memref<8xi32, #tpu.memory_space<vmem>>[vector<16xi32>], vector<16xi32>,
    %broadcast_in_dim3A_21 = arith.constant 4 : i32
    %broadcast_in_dim3A_22 = vector.broadcast %broadcast_in_dim3A_21 : i32 to vector<16xi32>
    %gather3A_23 = tpu.vector_load_idx %arg5[%broadcast_in_dim3A_22] : memref<8xi32, #tpu.memory_space<vmem>>[vector<16xi32>], vector<16xi32>,
    %broadcast_in_dim3A_24 = arith.constant 5 : i32
    %broadcast_in_dim3A_25 = vector.broadcast %broadcast_in_dim3A_24 : i32 to vector<16xi32>
    %gather3A_26 = tpu.vector_load_idx %arg5[%broadcast_in_dim3A_25] : memref<8xi32, #tpu.memory_space<vmem>>[vector<16xi32>], vector<16xi32>,
    %broadcast_in_dim3A_27 = arith.constant 6 : i32
    %broadcast_in_dim3A_28 = vector.broadcast %broadcast_in_dim3A_27 : i32 to vector<16xi32>
    %gather3A_29 = tpu.vector_load_idx %arg5[%broadcast_in_dim3A_28] : memref<8xi32, #tpu.memory_space<vmem>>[vector<16xi32>], vector<16xi32>,
    %broadcast_in_dim3A_30 = arith.constant 7 : i32
    %broadcast_in_dim3A_31 = vector.broadcast %broadcast_in_dim3A_30 : i32 to vector<16xi32>
    %gather3A_32 = tpu.vector_load_idx %arg5[%broadcast_in_dim3A_31] : memref<8xi32, #tpu.memory_space<vmem>>[vector<16xi32>], vector<16xi32>,
    %eq3A_33 = arith.constant 99900 : i32
    %eq3A_34 = vector.broadcast %eq3A_33 : i32 to vector<16xi32>
    %eq3A_35 = arith.cmpi eq, %gather3A, %eq3A_34 : vector<16xi32>
    %and3A = arith.andi %eq3A_4, %eq3A_35 : vector<16xi1>
    %jit3A = arith.constant 1.000000e+00 : f32
    %jit3A_36 = arith.constant 0.000000e+00 : f32
    %broadcast_in_dim3A_37 = vector.broadcast %jit3A : f32 to vector<16xf32>
    %broadcast_in_dim3A_38 = vector.broadcast %jit3A_36 : f32 to vector<16xf32>
    %select_n3A = arith.select %and3A, %broadcast_in_dim3A_37, %broadcast_in_dim3A_38 : vector<16xi1>, vector<16xf32>
    %add3A_39 = arith.addf %broadcast_in_dim3A_7, %select_n3A : vector<16xf32>
    %eq3A_40 = arith.constant 99900 : i32
    %eq3A_41 = vector.broadcast %eq3A_40 : i32 to vector<16xi32>
    %eq3A_42 = arith.cmpi eq, %gather3A_14, %eq3A_41 : vector<16xi32>
    %and3A_43 = arith.andi %eq3A_4, %eq3A_42 : vector<16xi1>
    %jit3A_44 = arith.constant 1.000000e+00 : f32
    %jit3A_45 = arith.constant 0.000000e+00 : f32
    %broadcast_in_dim3A_46 = vector.broadcast %jit3A_44 : f32 to vector<16xf32>
    %broadcast_in_dim3A_47 = vector.broadcast %jit3A_45 : f32 to vector<16xf32>
    %select_n3A_48 = arith.select %and3A_43, %broadcast_in_dim3A_46, %broadcast_in_dim3A_47 : vector<16xi1>, vector<16xf32>
    %add3A_49 = arith.addf %add3A_39, %select_n3A_48 : vector<16xf32>
    %eq3A_50 = arith.constant 99900 : i32
    %eq3A_51 = vector.broadcast %eq3A_50 : i32 to vector<16xi32>
    %eq3A_52 = arith.cmpi eq, %gather3A_17, %eq3A_51 : vector<16xi32>
    %and3A_53 = arith.andi %eq3A_4, %eq3A_52 : vector<16xi1>
    %jit3A_54 = arith.constant 1.000000e+00 : f32
    %jit3A_55 = arith.constant 0.000000e+00 : f32
    %broadcast_in_dim3A_56 = vector.broadcast %jit3A_54 : f32 to vector<16xf32>
    %broadcast_in_dim3A_57 = vector.broadcast %jit3A_55 : f32 to vector<16xf32>
    %select_n3A_58 = arith.select %and3A_53, %broadcast_in_dim3A_56, %broadcast_in_dim3A_57 : vector<16xi1>, vector<16xf32>
    %add3A_59 = arith.addf %add3A_49, %select_n3A_58 : vector<16xf32>
    %eq3A_60 = arith.constant 99900 : i32
    %eq3A_61 = vector.broadcast %eq3A_60 : i32 to vector<16xi32>
    %eq3A_62 = arith.cmpi eq, %gather3A_20, %eq3A_61 : vector<16xi32>
    %and3A_63 = arith.andi %eq3A_4, %eq3A_62 : vector<16xi1>
    %jit3A_64 = arith.constant 1.000000e+00 : f32
    %jit3A_65 = arith.constant 0.000000e+00 : f32
    %broadcast_in_dim3A_66 = vector.broadcast %jit3A_64 : f32 to vector<16xf32>
    %broadcast_in_dim3A_67 = vector.broadcast %jit3A_65 : f32 to vector<16xf32>
    %select_n3A_68 = arith.select %and3A_63, %broadcast_in_dim3A_66, %broadcast_in_dim3A_67 : vector<16xi1>, vector<16xf32>
    %add3A_69 = arith.addf %add3A_59, %select_n3A_68 : vector<16xf32>
    %eq3A_70 = arith.constant 99900 : i32
    %eq3A_71 = vector.broadcast %eq3A_70 : i32 to vector<16xi32>
    %eq3A_72 = arith.cmpi eq, %gather3A_23, %eq3A_71 : vector<16xi32>
    %and3A_73 = arith.andi %eq3A_4, %eq3A_72 : vector<16xi1>
    %jit3A_74 = arith.constant 1.000000e+00 : f32
    %jit3A_75 = arith.constant 0.000000e+00 : f32
    %broadcast_in_dim3A_76 = vector.broadcast %jit3A_74 : f32 to vector<16xf32>
    %broadcast_in_dim3A_77 = vector.broadcast %jit3A_75 : f32 to vector<16xf32>
    %select_n3A_78 = arith.select %and3A_73, %broadcast_in_dim3A_76, %broadcast_in_dim3A_77 : vector<16xi1>, vector<16xf32>
    %add3A_79 = arith.addf %add3A_69, %select_n3A_78 : vector<16xf32>
    %eq3A_80 = arith.constant 99900 : i32
    %eq3A_81 = vector.broadcast %eq3A_80 : i32 to vector<16xi32>
    %eq3A_82 = arith.cmpi eq, %gather3A_26, %eq3A_81 : vector<16xi32>
    %and3A_83 = arith.andi %eq3A_4, %eq3A_82 : vector<16xi1>
    %jit3A_84 = arith.constant 1.000000e+00 : f32
    %jit3A_85 = arith.constant 0.000000e+00 : f32
    %broadcast_in_dim3A_86 = vector.broadcast %jit3A_84 : f32 to vector<16xf32>
    %broadcast_in_dim3A_87 = vector.broadcast %jit3A_85 : f32 to vector<16xf32>
    %select_n3A_88 = arith.select %and3A_83, %broadcast_in_dim3A_86, %broadcast_in_dim3A_87 : vector<16xi1>, vector<16xf32>
    %add3A_89 = arith.addf %add3A_79, %select_n3A_88 : vector<16xf32>
    %eq3A_90 = arith.constant 99900 : i32
    %eq3A_91 = vector.broadcast %eq3A_90 : i32 to vector<16xi32>
    %eq3A_92 = arith.cmpi eq, %gather3A_29, %eq3A_91 : vector<16xi32>
    %and3A_93 = arith.andi %eq3A_4, %eq3A_92 : vector<16xi1>
    %jit3A_94 = arith.constant 1.000000e+00 : f32
    %jit3A_95 = arith.constant 0.000000e+00 : f32
    %broadcast_in_dim3A_96 = vector.broadcast %jit3A_94 : f32 to vector<16xf32>
    %broadcast_in_dim3A_97 = vector.broadcast %jit3A_95 : f32 to vector<16xf32>
    %select_n3A_98 = arith.select %and3A_93, %broadcast_in_dim3A_96, %broadcast_in_dim3A_97 : vector<16xi1>, vector<16xf32>
    %add3A_99 = arith.addf %add3A_89, %select_n3A_98 : vector<16xf32>
    %eq3A_100 = arith.constant 99900 : i32
    %eq3A_101 = vector.broadcast %eq3A_100 : i32 to vector<16xi32>
    %eq3A_102 = arith.cmpi eq, %gather3A_32, %eq3A_101 : vector<16xi32>
    %and3A_103 = arith.andi %eq3A_4, %eq3A_102 : vector<16xi1>
    %jit3A_104 = arith.constant 1.000000e+00 : f32
    %jit3A_105 = arith.constant 0.000000e+00 : f32
    %broadcast_in_dim3A_106 = vector.broadcast %jit3A_104 : f32 to vector<16xf32>
    %broadcast_in_dim3A_107 = vector.broadcast %jit3A_105 : f32 to vector<16xf32>
    %select_n3A_108 = arith.select %and3A_103, %broadcast_in_dim3A_106, %broadcast_in_dim3A_107 : vector<16xi1>, vector<16xf32>
    %add3A_109 = arith.addf %add3A_99, %select_n3A_108 : vector<16xf32>
    %multiple_of3A = arith.constant 0 : i32
    %multiple_of3A_110 = tpu.assume_multiple %multiple_of3A, 1408 : i32
    %dma_start3A = tpu.memref_slice %arg2[%add3A_9, %multiple_of3A_110] : memref<1024x100000xf32, #tpu.memory_space<hbm>> -> memref<8x1408xf32, #tpu.memory_space<hbm>>
    %dma_start3A_111 = tpu.memref_slice %arg2[%add3A_9, %multiple_of3A_110] : memref<1024x100000xf32, #tpu.memory_space<hbm>> -> memref<8x1408xf32, #tpu.memory_space<hbm>>
    tpu.enqueue_dma source(%dma_start3A_111 : memref<8x1408xf32, #tpu.memory_space<hbm>>) target(%arg6 : memref<8x1408xf32, #tpu.memory_space<vmem>>) target_semaphore(%arg9 : memref<!tpu.dma_semaphore, #tpu.memory_space<semaphore_mem>>)
    %scan3A = arith.constant 0 : i32
    %scan3A_112 = arith.constant 35 : i32
    %scan3A_113 = arith.addi %scan3A, %scan3A_112 : i32
    %scan3A_114 = arith.constant 1 : i32
    %scan3A_115:3 = scf.for %scan3A_534 = %scan3A to %scan3A_113 step %scan3A_114 iter_args(%scan3A_535 = %broadcast_in_dim3A_7, %scan3A_536 = %broadcast_in_dim3A_7, %scan3A_537 = %broadcast_in_dim3A_7) -> (vector<16xf32>, vector<16xf32>, vector<16xf32>)  : i32 {
      %mul3A_538 = arith.constant 2 : i32
      %mul3A_539 = arith.muli %mul3A_538, %scan3A_534 : i32
      %add3A_540 = arith.constant 1 : i32
      %add3A_541 = arith.addi %mul3A_539, %add3A_540 : i32
      %mul3A_542 = arith.constant 2 : i32
      %mul3A_543 = arith.muli %mul3A_542, %scan3A_534 : i32
      %add3A_544 = arith.constant 2 : i32
      %add3A_545 = arith.addi %mul3A_543, %add3A_544 : i32
      %mul3A_546 = arith.constant 1408 : i32
      %mul3A_547 = arith.muli %add3A_541, %mul3A_546 : i32
      %multiple_of3A_548 = tpu.assume_multiple %mul3A_547, 1408 : i32
      %dma_start3A_549 = tpu.memref_slice %arg2[%add3A_9, %multiple_of3A_548] : memref<1024x100000xf32, #tpu.memory_space<hbm>> -> memref<8x1408xf32, #tpu.memory_space<hbm>>
      %dma_start3A_550 = tpu.memref_slice %arg2[%add3A_9, %multiple_of3A_548] : memref<1024x100000xf32, #tpu.memory_space<hbm>> -> memref<8x1408xf32, #tpu.memory_space<hbm>>
      tpu.enqueue_dma source(%dma_start3A_550 : memref<8x1408xf32, #tpu.memory_space<hbm>>) target(%arg7 : memref<8x1408xf32, #tpu.memory_space<vmem>>) target_semaphore(%arg10 : memref<!tpu.dma_semaphore, #tpu.memory_space<semaphore_mem>>)
      %dma_wait3A_551 = arith.constant 0 : i32
      %dma_wait3A_552 = tpu.memref_slice %arg2[%add3A_9, %dma_wait3A_551] : memref<1024x100000xf32, #tpu.memory_space<hbm>> -> memref<8x1408xf32, #tpu.memory_space<hbm>>
      %dma_wait3A_553 = arith.constant 0 : i32
      %dma_wait3A_554 = tpu.memref_slice %arg2[%add3A_9, %dma_wait3A_553] : memref<1024x100000xf32, #tpu.memory_space<hbm>> -> memref<8x1408xf32, #tpu.memory_space<hbm>>
      tpu.wait_dma2 semaphore(%arg9 : memref<!tpu.dma_semaphore, #tpu.memory_space<semaphore_mem>>) src(%dma_wait3A_554 : memref<8x1408xf32, #tpu.memory_space<hbm>>) dst(%arg6 : memref<8x1408xf32, #tpu.memory_space<vmem>>)
      %mul3A_555 = arith.constant 2 : i32
      %mul3A_556 = arith.muli %mul3A_555, %scan3A_534 : i32
      %mul3A_557 = arith.constant 1408 : i32
      %mul3A_558 = arith.muli %mul3A_556, %mul3A_557 : i32
      %scan3A_559 = arith.constant 0 : i32
      %scan3A_560 = arith.constant 11 : i32
      %scan3A_561 = arith.addi %scan3A_559, %scan3A_560 : i32
      %scan3A_562 = arith.constant 1 : i32
      %scan3A_563 = scf.for %scan3A_1338 = %scan3A_559 to %scan3A_561 step %scan3A_562 iter_args(%scan3A_1339 = %scan3A_535) -> (vector<16xf32>)  : i32 {
        %mul3A_1340 = arith.constant 128 : i32
        %mul3A_1341 = arith.muli %scan3A_1338, %mul3A_1340 : i32
        %multiple_of3A_1342 = tpu.assume_multiple %mul3A_1341, 128 : i32
        %add3A_1343 = arith.constant 0 : i32
        %add3A_1344 = arith.addi %multiple_of3A_1342, %add3A_1343 : i32
        %get3A = arith.constant 0 : i32
        %get3A_1345 = arith.index_cast %get3A : i32 to index
        %get3A_1346 = arith.index_cast %add3A_1344 : i32 to index
        %get3A_1347 = tpu.vector_load %arg6[%get3A_1345, %get3A_1346] {strides = array<i32>} : memref<8x1408xf32, #tpu.memory_space<vmem>>, vector<16xf32>,
        %add3A_1348 = arith.addf %scan3A_1339, %get3A_1347 : vector<16xf32>
        %add3A_1349 = arith.constant 16 : i32
        %add3A_1350 = arith.addi %multiple_of3A_1342, %add3A_1349 : i32
        %get3A_1351 = arith.constant 0 : i32
        %get3A_1352 = arith.index_cast %get3A_1351 : i32 to index
        %get3A_1353 = arith.index_cast %add3A_1350 : i32 to index
        %get3A_1354 = tpu.vector_load %arg6[%get3A_1352, %get3A_1353] {strides = array<i32>} : memref<8x1408xf32, #tpu.memory_space<vmem>>, vector<16xf32>,
        %add3A_1355 = arith.addf %add3A_1348, %get3A_1354 : vector<16xf32>
        %add3A_1356 = arith.constant 32 : i32
        %add3A_1357 = arith.addi %multiple_of3A_1342, %add3A_1356 : i32
        %get3A_1358 = arith.constant 0 : i32
        %get3A_1359 = arith.index_cast %get3A_1358 : i32 to index
        %get3A_1360 = arith.index_cast %add3A_1357 : i32 to index
        %get3A_1361 = tpu.vector_load %arg6[%get3A_1359, %get3A_1360] {strides = array<i32>} : memref<8x1408xf32, #tpu.memory_space<vmem>>, vector<16xf32>,
        %add3A_1362 = arith.addf %add3A_1355, %get3A_1361 : vector<16xf32>
        %add3A_1363 = arith.constant 48 : i32
        %add3A_1364 = arith.addi %multiple_of3A_1342, %add3A_1363 : i32
        %get3A_1365 = arith.constant 0 : i32
        %get3A_1366 = arith.index_cast %get3A_1365 : i32 to index
        %get3A_1367 = arith.index_cast %add3A_1364 : i32 to index
        %get3A_1368 = tpu.vector_load %arg6[%get3A_1366, %get3A_1367] {strides = array<i32>} : memref<8x1408xf32, #tpu.memory_space<vmem>>, vector<16xf32>,
        %add3A_1369 = arith.addf %add3A_1362, %get3A_1368 : vector<16xf32>
        %add3A_1370 = arith.constant 64 : i32
        %add3A_1371 = arith.addi %multiple_of3A_1342, %add3A_1370 : i32
        %get3A_1372 = arith.constant 0 : i32
        %get3A_1373 = arith.index_cast %get3A_1372 : i32 to index
        %get3A_1374 = arith.index_cast %add3A_1371 : i32 to index
        %get3A_1375 = tpu.vector_load %arg6[%get3A_1373, %get3A_1374] {strides = array<i32>} : memref<8x1408xf32, #tpu.memory_space<vmem>>, vector<16xf32>,
        %add3A_1376 = arith.addf %add3A_1369, %get3A_1375 : vector<16xf32>
        %add3A_1377 = arith.constant 80 : i32
        %add3A_1378 = arith.addi %multiple_of3A_1342, %add3A_1377 : i32
        %get3A_1379 = arith.constant 0 : i32
        %get3A_1380 = arith.index_cast %get3A_1379 : i32 to index
        %get3A_1381 = arith.index_cast %add3A_1378 : i32 to index
        %get3A_1382 = tpu.vector_load %arg6[%get3A_1380, %get3A_1381] {strides = array<i32>} : memref<8x1408xf32, #tpu.memory_space<vmem>>, vector<16xf32>,
        %add3A_1383 = arith.addf %add3A_1376, %get3A_1382 : vector<16xf32>
        %add3A_1384 = arith.constant 96 : i32
        %add3A_1385 = arith.addi %multiple_of3A_1342, %add3A_1384 : i32
        %get3A_1386 = arith.constant 0 : i32
        %get3A_1387 = arith.index_cast %get3A_1386 : i32 to index
        %get3A_1388 = arith.index_cast %add3A_1385 : i32 to index
        %get3A_1389 = tpu.vector_load %arg6[%get3A_1387, %get3A_1388] {strides = array<i32>} : memref<8x1408xf32, #tpu.memory_space<vmem>>, vector<16xf32>,
        %add3A_1390 = arith.addf %add3A_1383, %get3A_1389 : vector<16xf32>
        %add3A_1391 = arith.constant 112 : i32
        %add3A_1392 = arith.addi %multiple_of3A_1342, %add3A_1391 : i32
        %get3A_1393 = arith.constant 0 : i32
        %get3A_1394 = arith.index_cast %get3A_1393 : i32 to index
        %get3A_1395 = arith.index_cast %add3A_1392 : i32 to index
        %get3A_1396 = tpu.vector_load %arg6[%get3A_1394, %get3A_1395] {strides = array<i32>} : memref<8x1408xf32, #tpu.memory_space<vmem>>, vector<16xf32>,
        %add3A_1397 = arith.addf %add3A_1390, %get3A_1396 : vector<16xf32>
        scf.yield %add3A_1397 : vector<16xf32>
      }
      %scan3A_564 = arith.constant 11 : i32
      %broadcast_in_dim3A_565 = arith.constant 0 : i32
      %broadcast_in_dim3A_566 = vector.broadcast %broadcast_in_dim3A_565 : i32 to vector<16xi32>
      %ge3A_567 = vector.broadcast %mul3A_558 : i32 to vector<16xi32>
      %ge3A_568 = arith.cmpi sge, %gather3A, %ge3A_567 : vector<16xi32>
      %add3A_569 = arith.constant 1408 : i32
      %add3A_570 = arith.addi %mul3A_558, %add3A_569 : i32
      %lt3A_571 = vector.broadcast %add3A_570 : i32 to vector<16xi32>
      %lt3A_572 = arith.cmpi slt, %gather3A, %lt3A_571 : vector<16xi32>
      %and3A_573 = arith.andi %ge3A_568, %lt3A_572 : vector<16xi1>
      %sub3A_574 = vector.broadcast %mul3A_558 : i32 to vector<16xi32>
      %sub3A_575 = arith.subi %gather3A, %sub3A_574 : vector<16xi32>
      %jit3A_576 = arith.constant 0 : i32
      %broadcast_in_dim3A_577 = vector.broadcast %jit3A_576 : i32 to vector<16xi32>
      %select_n3A_578 = arith.select %and3A_573, %sub3A_575, %broadcast_in_dim3A_577 : vector<16xi1>, vector<16xi32>
      %gather3A_579 = tpu.vector_load_idx %arg6[%broadcast_in_dim3A_566, %select_n3A_578] : memref<8x1408xf32, #tpu.memory_space<vmem>>[vector<16xi32>, vector<16xi32>], vector<16xf32>,
      %and3A_580 = arith.andi %and3A_573, %eq3A_4 : vector<16xi1>
      %jit3A_581 = arith.constant 0.000000e+00 : f32
      %broadcast_in_dim3A_582 = vector.broadcast %jit3A_581 : f32 to vector<16xf32>
      %select_n3A_583 = arith.select %and3A_580, %gather3A_579, %broadcast_in_dim3A_582 : vector<16xi1>, vector<16xf32>
      %add3A_584 = arith.addf %scan3A_536, %select_n3A_583 : vector<16xf32>
      %ge3A_585 = vector.broadcast %mul3A_558 : i32 to vector<16xi32>
      %ge3A_586 = arith.cmpi sge, %broadcast_in_dim3A_5, %ge3A_585 : vector<16xi32>
      %add3A_587 = arith.constant 1408 : i32
      %add3A_588 = arith.addi %mul3A_558, %add3A_587 : i32
      %lt3A_589 = vector.broadcast %add3A_588 : i32 to vector<16xi32>
      %lt3A_590 = arith.cmpi slt, %broadcast_in_dim3A_5, %lt3A_589 : vector<16xi32>
      %and3A_591 = arith.andi %ge3A_586, %lt3A_590 : vector<16xi1>
      %sub3A_592 = vector.broadcast %mul3A_558 : i32 to vector<16xi32>
      %sub3A_593 = arith.subi %broadcast_in_dim3A_5, %sub3A_592 : vector<16xi32>
      %jit3A_594 = arith.constant 0 : i32
      %broadcast_in_dim3A_595 = vector.broadcast %jit3A_594 : i32 to vector<16xi32>
      %select_n3A_596 = arith.select %and3A_591, %sub3A_593, %broadcast_in_dim3A_595 : vector<16xi1>, vector<16xi32>
      %gather3A_597 = tpu.vector_load_idx %arg6[%broadcast_in_dim3A_566, %select_n3A_596] : memref<8x1408xf32, #tpu.memory_space<vmem>>[vector<16xi32>, vector<16xi32>], vector<16xf32>,
      %and3A_598 = arith.andi %and3A_591, %eq3A_4 : vector<16xi1>
      %ne3A_599 = arith.constant 99900 : i32
      %ne3A_600 = vector.broadcast %ne3A_599 : i32 to vector<16xi32>
      %ne3A_601 = arith.cmpi ne, %gather3A, %ne3A_600 : vector<16xi32>
      %and3A_602 = arith.andi %and3A_598, %ne3A_601 : vector<16xi1>
      %jit3A_603 = arith.constant 0.000000e+00 : f32
      %broadcast_in_dim3A_604 = vector.broadcast %jit3A_603 : f32 to vector<16xf32>
      %select_n3A_605 = arith.select %and3A_602, %gather3A_597, %broadcast_in_dim3A_604 : vector<16xi1>, vector<16xf32>
      %add3A_606 = arith.addf %scan3A_537, %select_n3A_605 : vector<16xf32>
      %scan3A_607 = arith.constant 0 : i32
      %scan3A_608 = arith.constant 11 : i32
      %scan3A_609 = arith.addi %scan3A_607, %scan3A_608 : i32
      %scan3A_610 = arith.constant 1 : i32
      %scan3A_611 = scf.for %scan3A_1338 = %scan3A_607 to %scan3A_609 step %scan3A_610 iter_args(%scan3A_1339 = %scan3A_563) -> (vector<16xf32>)  : i32 {
        %mul3A_1340 = arith.constant 128 : i32
        %mul3A_1341 = arith.muli %scan3A_1338, %mul3A_1340 : i32
        %multiple_of3A_1342 = tpu.assume_multiple %mul3A_1341, 128 : i32
        %add3A_1343 = arith.constant 0 : i32
        %add3A_1344 = arith.addi %multiple_of3A_1342, %add3A_1343 : i32
        %get3A = arith.constant 1 : i32
        %get3A_1345 = arith.index_cast %get3A : i32 to index
        %get3A_1346 = arith.index_cast %add3A_1344 : i32 to index
        %get3A_1347 = tpu.vector_load %arg6[%get3A_1345, %get3A_1346] {strides = array<i32>} : memref<8x1408xf32, #tpu.memory_space<vmem>>, vector<16xf32>,
        %add3A_1348 = arith.addf %scan3A_1339, %get3A_1347 : vector<16xf32>
        %add3A_1349 = arith.constant 16 : i32
        %add3A_1350 = arith.addi %multiple_of3A_1342, %add3A_1349 : i32
        %get3A_1351 = arith.constant 1 : i32
        %get3A_1352 = arith.index_cast %get3A_1351 : i32 to index
        %get3A_1353 = arith.index_cast %add3A_1350 : i32 to index
        %get3A_1354 = tpu.vector_load %arg6[%get3A_1352, %get3A_1353] {strides = array<i32>} : memref<8x1408xf32, #tpu.memory_space<vmem>>, vector<16xf32>,
        %add3A_1355 = arith.addf %add3A_1348, %get3A_1354 : vector<16xf32>
        %add3A_1356 = arith.constant 32 : i32
        %add3A_1357 = arith.addi %multiple_of3A_1342, %add3A_1356 : i32
        %get3A_1358 = arith.constant 1 : i32
        %get3A_1359 = arith.index_cast %get3A_1358 : i32 to index
        %get3A_1360 = arith.index_cast %add3A_1357 : i32 to index
        %get3A_1361 = tpu.vector_load %arg6[%get3A_1359, %get3A_1360] {strides = array<i32>} : memref<8x1408xf32, #tpu.memory_space<vmem>>, vector<16xf32>,
        %add3A_1362 = arith.addf %add3A_1355, %get3A_1361 : vector<16xf32>
        %add3A_1363 = arith.constant 48 : i32
        %add3A_1364 = arith.addi %multiple_of3A_1342, %add3A_1363 : i32
        %get3A_1365 = arith.constant 1 : i32
        %get3A_1366 = arith.index_cast %get3A_1365 : i32 to index
        %get3A_1367 = arith.index_cast %add3A_1364 : i32 to index
        %get3A_1368 = tpu.vector_load %arg6[%get3A_1366, %get3A_1367] {strides = array<i32>} : memref<8x1408xf32, #tpu.memory_space<vmem>>, vector<16xf32>,
        %add3A_1369 = arith.addf %add3A_1362, %get3A_1368 : vector<16xf32>
        %add3A_1370 = arith.constant 64 : i32
        %add3A_1371 = arith.addi %multiple_of3A_1342, %add3A_1370 : i32
        %get3A_1372 = arith.constant 1 : i32
        %get3A_1373 = arith.index_cast %get3A_1372 : i32 to index
        %get3A_1374 = arith.index_cast %add3A_1371 : i32 to index
        %get3A_1375 = tpu.vector_load %arg6[%get3A_1373, %get3A_1374] {strides = array<i32>} : memref<8x1408xf32, #tpu.memory_space<vmem>>, vector<16xf32>,
        %add3A_1376 = arith.addf %add3A_1369, %get3A_1375 : vector<16xf32>
        %add3A_1377 = arith.constant 80 : i32
        %add3A_1378 = arith.addi %multiple_of3A_1342, %add3A_1377 : i32
        %get3A_1379 = arith.constant 1 : i32
        %get3A_1380 = arith.index_cast %get3A_1379 : i32 to index
        %get3A_1381 = arith.index_cast %add3A_1378 : i32 to index
        %get3A_1382 = tpu.vector_load %arg6[%get3A_1380, %get3A_1381] {strides = array<i32>} : memref<8x1408xf32, #tpu.memory_space<vmem>>, vector<16xf32>,
        %add3A_1383 = arith.addf %add3A_1376, %get3A_1382 : vector<16xf32>
        %add3A_1384 = arith.constant 96 : i32
        %add3A_1385 = arith.addi %multiple_of3A_1342, %add3A_1384 : i32
        %get3A_1386 = arith.constant 1 : i32
        %get3A_1387 = arith.index_cast %get3A_1386 : i32 to index
        %get3A_1388 = arith.index_cast %add3A_1385 : i32 to index
        %get3A_1389 = tpu.vector_load %arg6[%get3A_1387, %get3A_1388] {strides = array<i32>} : memref<8x1408xf32, #tpu.memory_space<vmem>>, vector<16xf32>,
        %add3A_1390 = arith.addf %add3A_1383, %get3A_1389 : vector<16xf32>
        %add3A_1391 = arith.constant 112 : i32
        %add3A_1392 = arith.addi %multiple_of3A_1342, %add3A_1391 : i32
        %get3A_1393 = arith.constant 1 : i32
        %get3A_1394 = arith.index_cast %get3A_1393 : i32 to index
        %get3A_1395 = arith.index_cast %add3A_1392 : i32 to index
        %get3A_1396 = tpu.vector_load %arg6[%get3A_1394, %get3A_1395] {strides = array<i32>} : memref<8x1408xf32, #tpu.memory_space<vmem>>, vector<16xf32>,
        %add3A_1397 = arith.addf %add3A_1390, %get3A_1396 : vector<16xf32>
        scf.yield %add3A_1397 : vector<16xf32>
      }
      %scan3A_612 = arith.constant 11 : i32
      %broadcast_in_dim3A_613 = arith.constant 1 : i32
      %broadcast_in_dim3A_614 = vector.broadcast %broadcast_in_dim3A_613 : i32 to vector<16xi32>
      %ge3A_615 = vector.broadcast %mul3A_558 : i32 to vector<16xi32>
      %ge3A_616 = arith.cmpi sge, %gather3A_14, %ge3A_615 : vector<16xi32>
      %add3A_617 = arith.constant 1408 : i32
      %add3A_618 = arith.addi %mul3A_558, %add3A_617 : i32
      %lt3A_619 = vector.broadcast %add3A_618 : i32 to vector<16xi32>
      %lt3A_620 = arith.cmpi slt, %gather3A_14, %lt3A_619 : vector<16xi32>
      %and3A_621 = arith.andi %ge3A_616, %lt3A_620 : vector<16xi1>
      %sub3A_622 = vector.broadcast %mul3A_558 : i32 to vector<16xi32>
      %sub3A_623 = arith.subi %gather3A_14, %sub3A_622 : vector<16xi32>
      %jit3A_624 = arith.constant 0 : i32
      %broadcast_in_dim3A_625 = vector.broadcast %jit3A_624 : i32 to vector<16xi32>
      %select_n3A_626 = arith.select %and3A_621, %sub3A_623, %broadcast_in_dim3A_625 : vector<16xi1>, vector<16xi32>
      %gather3A_627 = tpu.vector_load_idx %arg6[%broadcast_in_dim3A_614, %select_n3A_626] : memref<8x1408xf32, #tpu.memory_space<vmem>>[vector<16xi32>, vector<16xi32>], vector<16xf32>,
      %and3A_628 = arith.andi %and3A_621, %eq3A_4 : vector<16xi1>
      %jit3A_629 = arith.constant 0.000000e+00 : f32
      %broadcast_in_dim3A_630 = vector.broadcast %jit3A_629 : f32 to vector<16xf32>
      %select_n3A_631 = arith.select %and3A_628, %gather3A_627, %broadcast_in_dim3A_630 : vector<16xi1>, vector<16xf32>
      %add3A_632 = arith.addf %add3A_584, %select_n3A_631 : vector<16xf32>
      %ge3A_633 = vector.broadcast %mul3A_558 : i32 to vector<16xi32>
      %ge3A_634 = arith.cmpi sge, %broadcast_in_dim3A_5, %ge3A_633 : vector<16xi32>
      %add3A_635 = arith.constant 1408 : i32
      %add3A_636 = arith.addi %mul3A_558, %add3A_635 : i32
      %lt3A_637 = vector.broadcast %add3A_636 : i32 to vector<16xi32>
      %lt3A_638 = arith.cmpi slt, %broadcast_in_dim3A_5, %lt3A_637 : vector<16xi32>
      %and3A_639 = arith.andi %ge3A_634, %lt3A_638 : vector<16xi1>
      %sub3A_640 = vector.broadcast %mul3A_558 : i32 to vector<16xi32>
      %sub3A_641 = arith.subi %broadcast_in_dim3A_5, %sub3A_640 : vector<16xi32>
      %jit3A_642 = arith.constant 0 : i32
      %broadcast_in_dim3A_643 = vector.broadcast %jit3A_642 : i32 to vector<16xi32>
      %select_n3A_644 = arith.select %and3A_639, %sub3A_641, %broadcast_in_dim3A_643 : vector<16xi1>, vector<16xi32>
      %gather3A_645 = tpu.vector_load_idx %arg6[%broadcast_in_dim3A_614, %select_n3A_644] : memref<8x1408xf32, #tpu.memory_space<vmem>>[vector<16xi32>, vector<16xi32>], vector<16xf32>,
      %and3A_646 = arith.andi %and3A_639, %eq3A_4 : vector<16xi1>
      %ne3A_647 = arith.constant 99900 : i32
      %ne3A_648 = vector.broadcast %ne3A_647 : i32 to vector<16xi32>
      %ne3A_649 = arith.cmpi ne, %gather3A_14, %ne3A_648 : vector<16xi32>
      %and3A_650 = arith.andi %and3A_646, %ne3A_649 : vector<16xi1>
      %jit3A_651 = arith.constant 0.000000e+00 : f32
      %broadcast_in_dim3A_652 = vector.broadcast %jit3A_651 : f32 to vector<16xf32>
      %select_n3A_653 = arith.select %and3A_650, %gather3A_645, %broadcast_in_dim3A_652 : vector<16xi1>, vector<16xf32>
      %add3A_654 = arith.addf %add3A_606, %select_n3A_653 : vector<16xf32>
      %scan3A_655 = arith.constant 0 : i32
      %scan3A_656 = arith.constant 11 : i32
      %scan3A_657 = arith.addi %scan3A_655, %scan3A_656 : i32
      %scan3A_658 = arith.constant 1 : i32
      %scan3A_659 = scf.for %scan3A_1338 = %scan3A_655 to %scan3A_657 step %scan3A_658 iter_args(%scan3A_1339 = %scan3A_611) -> (vector<16xf32>)  : i32 {
        %mul3A_1340 = arith.constant 128 : i32
        %mul3A_1341 = arith.muli %scan3A_1338, %mul3A_1340 : i32
        %multiple_of3A_1342 = tpu.assume_multiple %mul3A_1341, 128 : i32
        %add3A_1343 = arith.constant 0 : i32
        %add3A_1344 = arith.addi %multiple_of3A_1342, %add3A_1343 : i32
        %get3A = arith.constant 2 : i32
        %get3A_1345 = arith.index_cast %get3A : i32 to index
        %get3A_1346 = arith.index_cast %add3A_1344 : i32 to index
        %get3A_1347 = tpu.vector_load %arg6[%get3A_1345, %get3A_1346] {strides = array<i32>} : memref<8x1408xf32, #tpu.memory_space<vmem>>, vector<16xf32>,
        %add3A_1348 = arith.addf %scan3A_1339, %get3A_1347 : vector<16xf32>
        %add3A_1349 = arith.constant 16 : i32
        %add3A_1350 = arith.addi %multiple_of3A_1342, %add3A_1349 : i32
        %get3A_1351 = arith.constant 2 : i32
        %get3A_1352 = arith.index_cast %get3A_1351 : i32 to index
        %get3A_1353 = arith.index_cast %add3A_1350 : i32 to index
        %get3A_1354 = tpu.vector_load %arg6[%get3A_1352, %get3A_1353] {strides = array<i32>} : memref<8x1408xf32, #tpu.memory_space<vmem>>, vector<16xf32>,
        %add3A_1355 = arith.addf %add3A_1348, %get3A_1354 : vector<16xf32>
        %add3A_1356 = arith.constant 32 : i32
        %add3A_1357 = arith.addi %multiple_of3A_1342, %add3A_1356 : i32
        %get3A_1358 = arith.constant 2 : i32
        %get3A_1359 = arith.index_cast %get3A_1358 : i32 to index
        %get3A_1360 = arith.index_cast %add3A_1357 : i32 to index
        %get3A_1361 = tpu.vector_load %arg6[%get3A_1359, %get3A_1360] {strides = array<i32>} : memref<8x1408xf32, #tpu.memory_space<vmem>>, vector<16xf32>,
        %add3A_1362 = arith.addf %add3A_1355, %get3A_1361 : vector<16xf32>
        %add3A_1363 = arith.constant 48 : i32
        %add3A_1364 = arith.addi %multiple_of3A_1342, %add3A_1363 : i32
        %get3A_1365 = arith.constant 2 : i32
        %get3A_1366 = arith.index_cast %get3A_1365 : i32 to index
        %get3A_1367 = arith.index_cast %add3A_1364 : i32 to index
        %get3A_1368 = tpu.vector_load %arg6[%get3A_1366, %get3A_1367] {strides = array<i32>} : memref<8x1408xf32, #tpu.memory_space<vmem>>, vector<16xf32>,
        %add3A_1369 = arith.addf %add3A_1362, %get3A_1368 : vector<16xf32>
        %add3A_1370 = arith.constant 64 : i32
        %add3A_1371 = arith.addi %multiple_of3A_1342, %add3A_1370 : i32
        %get3A_1372 = arith.constant 2 : i32
        %get3A_1373 = arith.index_cast %get3A_1372 : i32 to index
        %get3A_1374 = arith.index_cast %add3A_1371 : i32 to index
        %get3A_1375 = tpu.vector_load %arg6[%get3A_1373, %get3A_1374] {strides = array<i32>} : memref<8x1408xf32, #tpu.memory_space<vmem>>, vector<16xf32>,
        %add3A_1376 = arith.addf %add3A_1369, %get3A_1375 : vector<16xf32>
        %add3A_1377 = arith.constant 80 : i32
        %add3A_1378 = arith.addi %multiple_of3A_1342, %add3A_1377 : i32
        %get3A_1379 = arith.constant 2 : i32
        %get3A_1380 = arith.index_cast %get3A_1379 : i32 to index
        %get3A_1381 = arith.index_cast %add3A_1378 : i32 to index
        %get3A_1382 = tpu.vector_load %arg6[%get3A_1380, %get3A_1381] {strides = array<i32>} : memref<8x1408xf32, #tpu.memory_space<vmem>>, vector<16xf32>,
        %add3A_1383 = arith.addf %add3A_1376, %get3A_1382 : vector<16xf32>
        %add3A_1384 = arith.constant 96 : i32
        %add3A_1385 = arith.addi %multiple_of3A_1342, %add3A_1384 : i32
        %get3A_1386 = arith.constant 2 : i32
        %get3A_1387 = arith.index_cast %get3A_1386 : i32 to index
        %get3A_1388 = arith.index_cast %add3A_1385 : i32 to index
        %get3A_1389 = tpu.vector_load %arg6[%get3A_1387, %get3A_1388] {strides = array<i32>} : memref<8x1408xf32, #tpu.memory_space<vmem>>, vector<16xf32>,
        %add3A_1390 = arith.addf %add3A_1383, %get3A_1389 : vector<16xf32>
        %add3A_1391 = arith.constant 112 : i32
        %add3A_1392 = arith.addi %multiple_of3A_1342, %add3A_1391 : i32
        %get3A_1393 = arith.constant 2 : i32
        %get3A_1394 = arith.index_cast %get3A_1393 : i32 to index
        %get3A_1395 = arith.index_cast %add3A_1392 : i32 to index
        %get3A_1396 = tpu.vector_load %arg6[%get3A_1394, %get3A_1395] {strides = array<i32>} : memref<8x1408xf32, #tpu.memory_space<vmem>>, vector<16xf32>,
        %add3A_1397 = arith.addf %add3A_1390, %get3A_1396 : vector<16xf32>
        scf.yield %add3A_1397 : vector<16xf32>
      }
      %scan3A_660 = arith.constant 11 : i32
      %broadcast_in_dim3A_661 = arith.constant 2 : i32
      %broadcast_in_dim3A_662 = vector.broadcast %broadcast_in_dim3A_661 : i32 to vector<16xi32>
      %ge3A_663 = vector.broadcast %mul3A_558 : i32 to vector<16xi32>
      %ge3A_664 = arith.cmpi sge, %gather3A_17, %ge3A_663 : vector<16xi32>
      %add3A_665 = arith.constant 1408 : i32
      %add3A_666 = arith.addi %mul3A_558, %add3A_665 : i32
      %lt3A_667 = vector.broadcast %add3A_666 : i32 to vector<16xi32>
      %lt3A_668 = arith.cmpi slt, %gather3A_17, %lt3A_667 : vector<16xi32>
      %and3A_669 = arith.andi %ge3A_664, %lt3A_668 : vector<16xi1>
      %sub3A_670 = vector.broadcast %mul3A_558 : i32 to vector<16xi32>
      %sub3A_671 = arith.subi %gather3A_17, %sub3A_670 : vector<16xi32>
      %jit3A_672 = arith.constant 0 : i32
      %broadcast_in_dim3A_673 = vector.broadcast %jit3A_672 : i32 to vector<16xi32>
      %select_n3A_674 = arith.select %and3A_669, %sub3A_671, %broadcast_in_dim3A_673 : vector<16xi1>, vector<16xi32>
      %gather3A_675 = tpu.vector_load_idx %arg6[%broadcast_in_dim3A_662, %select_n3A_674] : memref<8x1408xf32, #tpu.memory_space<vmem>>[vector<16xi32>, vector<16xi32>], vector<16xf32>,
      %and3A_676 = arith.andi %and3A_669, %eq3A_4 : vector<16xi1>
      %jit3A_677 = arith.constant 0.000000e+00 : f32
      %broadcast_in_dim3A_678 = vector.broadcast %jit3A_677 : f32 to vector<16xf32>
      %select_n3A_679 = arith.select %and3A_676, %gather3A_675, %broadcast_in_dim3A_678 : vector<16xi1>, vector<16xf32>
      %add3A_680 = arith.addf %add3A_632, %select_n3A_679 : vector<16xf32>
      %ge3A_681 = vector.broadcast %mul3A_558 : i32 to vector<16xi32>
      %ge3A_682 = arith.cmpi sge, %broadcast_in_dim3A_5, %ge3A_681 : vector<16xi32>
      %add3A_683 = arith.constant 1408 : i32
      %add3A_684 = arith.addi %mul3A_558, %add3A_683 : i32
      %lt3A_685 = vector.broadcast %add3A_684 : i32 to vector<16xi32>
      %lt3A_686 = arith.cmpi slt, %broadcast_in_dim3A_5, %lt3A_685 : vector<16xi32>
      %and3A_687 = arith.andi %ge3A_682, %lt3A_686 : vector<16xi1>
      %sub3A_688 = vector.broadcast %mul3A_558 : i32 to vector<16xi32>
      %sub3A_689 = arith.subi %broadcast_in_dim3A_5, %sub3A_688 : vector<16xi32>
      %jit3A_690 = arith.constant 0 : i32
      %broadcast_in_dim3A_691 = vector.broadcast %jit3A_690 : i32 to vector<16xi32>
      %select_n3A_692 = arith.select %and3A_687, %sub3A_689, %broadcast_in_dim3A_691 : vector<16xi1>, vector<16xi32>
      %gather3A_693 = tpu.vector_load_idx %arg6[%broadcast_in_dim3A_662, %select_n3A_692] : memref<8x1408xf32, #tpu.memory_space<vmem>>[vector<16xi32>, vector<16xi32>], vector<16xf32>,
      %and3A_694 = arith.andi %and3A_687, %eq3A_4 : vector<16xi1>
      %ne3A_695 = arith.constant 99900 : i32
      %ne3A_696 = vector.broadcast %ne3A_695 : i32 to vector<16xi32>
      %ne3A_697 = arith.cmpi ne, %gather3A_17, %ne3A_696 : vector<16xi32>
      %and3A_698 = arith.andi %and3A_694, %ne3A_697 : vector<16xi1>
      %jit3A_699 = arith.constant 0.000000e+00 : f32
      %broadcast_in_dim3A_700 = vector.broadcast %jit3A_699 : f32 to vector<16xf32>
      %select_n3A_701 = arith.select %and3A_698, %gather3A_693, %broadcast_in_dim3A_700 : vector<16xi1>, vector<16xf32>
      %add3A_702 = arith.addf %add3A_654, %select_n3A_701 : vector<16xf32>
      %scan3A_703 = arith.constant 0 : i32
      %scan3A_704 = arith.constant 11 : i32
      %scan3A_705 = arith.addi %scan3A_703, %scan3A_704 : i32
      %scan3A_706 = arith.constant 1 : i32
      %scan3A_707 = scf.for %scan3A_1338 = %scan3A_703 to %scan3A_705 step %scan3A_706 iter_args(%scan3A_1339 = %scan3A_659) -> (vector<16xf32>)  : i32 {
        %mul3A_1340 = arith.constant 128 : i32
        %mul3A_1341 = arith.muli %scan3A_1338, %mul3A_1340 : i32
        %multiple_of3A_1342 = tpu.assume_multiple %mul3A_1341, 128 : i32
        %add3A_1343 = arith.constant 0 : i32
        %add3A_1344 = arith.addi %multiple_of3A_1342, %add3A_1343 : i32
        %get3A = arith.constant 3 : i32
        %get3A_1345 = arith.index_cast %get3A : i32 to index
        %get3A_1346 = arith.index_cast %add3A_1344 : i32 to index
        %get3A_1347 = tpu.vector_load %arg6[%get3A_1345, %get3A_1346] {strides = array<i32>} : memref<8x1408xf32, #tpu.memory_space<vmem>>, vector<16xf32>,
        %add3A_1348 = arith.addf %scan3A_1339, %get3A_1347 : vector<16xf32>
        %add3A_1349 = arith.constant 16 : i32
        %add3A_1350 = arith.addi %multiple_of3A_1342, %add3A_1349 : i32
        %get3A_1351 = arith.constant 3 : i32
        %get3A_1352 = arith.index_cast %get3A_1351 : i32 to index
        %get3A_1353 = arith.index_cast %add3A_1350 : i32 to index
        %get3A_1354 = tpu.vector_load %arg6[%get3A_1352, %get3A_1353] {strides = array<i32>} : memref<8x1408xf32, #tpu.memory_space<vmem>>, vector<16xf32>,
        %add3A_1355 = arith.addf %add3A_1348, %get3A_1354 : vector<16xf32>
        %add3A_1356 = arith.constant 32 : i32
        %add3A_1357 = arith.addi %multiple_of3A_1342, %add3A_1356 : i32
        %get3A_1358 = arith.constant 3 : i32
        %get3A_1359 = arith.index_cast %get3A_1358 : i32 to index
        %get3A_1360 = arith.index_cast %add3A_1357 : i32 to index
        %get3A_1361 = tpu.vector_load %arg6[%get3A_1359, %get3A_1360] {strides = array<i32>} : memref<8x1408xf32, #tpu.memory_space<vmem>>, vector<16xf32>,
        %add3A_1362 = arith.addf %add3A_1355, %get3A_1361 : vector<16xf32>
        %add3A_1363 = arith.constant 48 : i32
        %add3A_1364 = arith.addi %multiple_of3A_1342, %add3A_1363 : i32
        %get3A_1365 = arith.constant 3 : i32
        %get3A_1366 = arith.index_cast %get3A_1365 : i32 to index
        %get3A_1367 = arith.index_cast %add3A_1364 : i32 to index
        %get3A_1368 = tpu.vector_load %arg6[%get3A_1366, %get3A_1367] {strides = array<i32>} : memref<8x1408xf32, #tpu.memory_space<vmem>>, vector<16xf32>,
        %add3A_1369 = arith.addf %add3A_1362, %get3A_1368 : vector<16xf32>
        %add3A_1370 = arith.constant 64 : i32
        %add3A_1371 = arith.addi %multiple_of3A_1342, %add3A_1370 : i32
        %get3A_1372 = arith.constant 3 : i32
        %get3A_1373 = arith.index_cast %get3A_1372 : i32 to index
        %get3A_1374 = arith.index_cast %add3A_1371 : i32 to index
        %get3A_1375 = tpu.vector_load %arg6[%get3A_1373, %get3A_1374] {strides = array<i32>} : memref<8x1408xf32, #tpu.memory_space<vmem>>, vector<16xf32>,
        %add3A_1376 = arith.addf %add3A_1369, %get3A_1375 : vector<16xf32>
        %add3A_1377 = arith.constant 80 : i32
        %add3A_1378 = arith.addi %multiple_of3A_1342, %add3A_1377 : i32
        %get3A_1379 = arith.constant 3 : i32
        %get3A_1380 = arith.index_cast %get3A_1379 : i32 to index
        %get3A_1381 = arith.index_cast %add3A_1378 : i32 to index
        %get3A_1382 = tpu.vector_load %arg6[%get3A_1380, %get3A_1381] {strides = array<i32>} : memref<8x1408xf32, #tpu.memory_space<vmem>>, vector<16xf32>,
        %add3A_1383 = arith.addf %add3A_1376, %get3A_1382 : vector<16xf32>
        %add3A_1384 = arith.constant 96 : i32
        %add3A_1385 = arith.addi %multiple_of3A_1342, %add3A_1384 : i32
        %get3A_1386 = arith.constant 3 : i32
        %get3A_1387 = arith.index_cast %get3A_1386 : i32 to index
        %get3A_1388 = arith.index_cast %add3A_1385 : i32 to index
        %get3A_1389 = tpu.vector_load %arg6[%get3A_1387, %get3A_1388] {strides = array<i32>} : memref<8x1408xf32, #tpu.memory_space<vmem>>, vector<16xf32>,
        %add3A_1390 = arith.addf %add3A_1383, %get3A_1389 : vector<16xf32>
        %add3A_1391 = arith.constant 112 : i32
        %add3A_1392 = arith.addi %multiple_of3A_1342, %add3A_1391 : i32
        %get3A_1393 = arith.constant 3 : i32
        %get3A_1394 = arith.index_cast %get3A_1393 : i32 to index
        %get3A_1395 = arith.index_cast %add3A_1392 : i32 to index
        %get3A_1396 = tpu.vector_load %arg6[%get3A_1394, %get3A_1395] {strides = array<i32>} : memref<8x1408xf32, #tpu.memory_space<vmem>>, vector<16xf32>,
        %add3A_1397 = arith.addf %add3A_1390, %get3A_1396 : vector<16xf32>
        scf.yield %add3A_1397 : vector<16xf32>
      }
      %scan3A_708 = arith.constant 11 : i32
      %broadcast_in_dim3A_709 = arith.constant 3 : i32
      %broadcast_in_dim3A_710 = vector.broadcast %broadcast_in_dim3A_709 : i32 to vector<16xi32>
      %ge3A_711 = vector.broadcast %mul3A_558 : i32 to vector<16xi32>
      %ge3A_712 = arith.cmpi sge, %gather3A_20, %ge3A_711 : vector<16xi32>
      %add3A_713 = arith.constant 1408 : i32
      %add3A_714 = arith.addi %mul3A_558, %add3A_713 : i32
      %lt3A_715 = vector.broadcast %add3A_714 : i32 to vector<16xi32>
      %lt3A_716 = arith.cmpi slt, %gather3A_20, %lt3A_715 : vector<16xi32>
      %and3A_717 = arith.andi %ge3A_712, %lt3A_716 : vector<16xi1>
      %sub3A_718 = vector.broadcast %mul3A_558 : i32 to vector<16xi32>
      %sub3A_719 = arith.subi %gather3A_20, %sub3A_718 : vector<16xi32>
      %jit3A_720 = arith.constant 0 : i32
      %broadcast_in_dim3A_721 = vector.broadcast %jit3A_720 : i32 to vector<16xi32>
      %select_n3A_722 = arith.select %and3A_717, %sub3A_719, %broadcast_in_dim3A_721 : vector<16xi1>, vector<16xi32>
      %gather3A_723 = tpu.vector_load_idx %arg6[%broadcast_in_dim3A_710, %select_n3A_722] : memref<8x1408xf32, #tpu.memory_space<vmem>>[vector<16xi32>, vector<16xi32>], vector<16xf32>,
      %and3A_724 = arith.andi %and3A_717, %eq3A_4 : vector<16xi1>
      %jit3A_725 = arith.constant 0.000000e+00 : f32
      %broadcast_in_dim3A_726 = vector.broadcast %jit3A_725 : f32 to vector<16xf32>
      %select_n3A_727 = arith.select %and3A_724, %gather3A_723, %broadcast_in_dim3A_726 : vector<16xi1>, vector<16xf32>
      %add3A_728 = arith.addf %add3A_680, %select_n3A_727 : vector<16xf32>
      %ge3A_729 = vector.broadcast %mul3A_558 : i32 to vector<16xi32>
      %ge3A_730 = arith.cmpi sge, %broadcast_in_dim3A_5, %ge3A_729 : vector<16xi32>
      %add3A_731 = arith.constant 1408 : i32
      %add3A_732 = arith.addi %mul3A_558, %add3A_731 : i32
      %lt3A_733 = vector.broadcast %add3A_732 : i32 to vector<16xi32>
      %lt3A_734 = arith.cmpi slt, %broadcast_in_dim3A_5, %lt3A_733 : vector<16xi32>
      %and3A_735 = arith.andi %ge3A_730, %lt3A_734 : vector<16xi1>
      %sub3A_736 = vector.broadcast %mul3A_558 : i32 to vector<16xi32>
      %sub3A_737 = arith.subi %broadcast_in_dim3A_5, %sub3A_736 : vector<16xi32>
      %jit3A_738 = arith.constant 0 : i32
      %broadcast_in_dim3A_739 = vector.broadcast %jit3A_738 : i32 to vector<16xi32>
      %select_n3A_740 = arith.select %and3A_735, %sub3A_737, %broadcast_in_dim3A_739 : vector<16xi1>, vector<16xi32>
      %gather3A_741 = tpu.vector_load_idx %arg6[%broadcast_in_dim3A_710, %select_n3A_740] : memref<8x1408xf32, #tpu.memory_space<vmem>>[vector<16xi32>, vector<16xi32>], vector<16xf32>,
      %and3A_742 = arith.andi %and3A_735, %eq3A_4 : vector<16xi1>
      %ne3A_743 = arith.constant 99900 : i32
      %ne3A_744 = vector.broadcast %ne3A_743 : i32 to vector<16xi32>
      %ne3A_745 = arith.cmpi ne, %gather3A_20, %ne3A_744 : vector<16xi32>
      %and3A_746 = arith.andi %and3A_742, %ne3A_745 : vector<16xi1>
      %jit3A_747 = arith.constant 0.000000e+00 : f32
      %broadcast_in_dim3A_748 = vector.broadcast %jit3A_747 : f32 to vector<16xf32>
      %select_n3A_749 = arith.select %and3A_746, %gather3A_741, %broadcast_in_dim3A_748 : vector<16xi1>, vector<16xf32>
      %add3A_750 = arith.addf %add3A_702, %select_n3A_749 : vector<16xf32>
      %scan3A_751 = arith.constant 0 : i32
      %scan3A_752 = arith.constant 11 : i32
      %scan3A_753 = arith.addi %scan3A_751, %scan3A_752 : i32
      %scan3A_754 = arith.constant 1 : i32
      %scan3A_755 = scf.for %scan3A_1338 = %scan3A_751 to %scan3A_753 step %scan3A_754 iter_args(%scan3A_1339 = %scan3A_707) -> (vector<16xf32>)  : i32 {
        %mul3A_1340 = arith.constant 128 : i32
        %mul3A_1341 = arith.muli %scan3A_1338, %mul3A_1340 : i32
        %multiple_of3A_1342 = tpu.assume_multiple %mul3A_1341, 128 : i32
        %add3A_1343 = arith.constant 0 : i32
        %add3A_1344 = arith.addi %multiple_of3A_1342, %add3A_1343 : i32
        %get3A = arith.constant 4 : i32
        %get3A_1345 = arith.index_cast %get3A : i32 to index
        %get3A_1346 = arith.index_cast %add3A_1344 : i32 to index
        %get3A_1347 = tpu.vector_load %arg6[%get3A_1345, %get3A_1346] {strides = array<i32>} : memref<8x1408xf32, #tpu.memory_space<vmem>>, vector<16xf32>,
        %add3A_1348 = arith.addf %scan3A_1339, %get3A_1347 : vector<16xf32>
        %add3A_1349 = arith.constant 16 : i32
        %add3A_1350 = arith.addi %multiple_of3A_1342, %add3A_1349 : i32
        %get3A_1351 = arith.constant 4 : i32
        %get3A_1352 = arith.index_cast %get3A_1351 : i32 to index
        %get3A_1353 = arith.index_cast %add3A_1350 : i32 to index
        %get3A_1354 = tpu.vector_load %arg6[%get3A_1352, %get3A_1353] {strides = array<i32>} : memref<8x1408xf32, #tpu.memory_space<vmem>>, vector<16xf32>,
        %add3A_1355 = arith.addf %add3A_1348, %get3A_1354 : vector<16xf32>
        %add3A_1356 = arith.constant 32 : i32
        %add3A_1357 = arith.addi %multiple_of3A_1342, %add3A_1356 : i32
        %get3A_1358 = arith.constant 4 : i32
        %get3A_1359 = arith.index_cast %get3A_1358 : i32 to index
        %get3A_1360 = arith.index_cast %add3A_1357 : i32 to index
        %get3A_1361 = tpu.vector_load %arg6[%get3A_1359, %get3A_1360] {strides = array<i32>} : memref<8x1408xf32, #tpu.memory_space<vmem>>, vector<16xf32>,
        %add3A_1362 = arith.addf %add3A_1355, %get3A_1361 : vector<16xf32>
        %add3A_1363 = arith.constant 48 : i32
        %add3A_1364 = arith.addi %multiple_of3A_1342, %add3A_1363 : i32
        %get3A_1365 = arith.constant 4 : i32
        %get3A_1366 = arith.index_cast %get3A_1365 : i32 to index
        %get3A_1367 = arith.index_cast %add3A_1364 : i32 to index
        %get3A_1368 = tpu.vector_load %arg6[%get3A_1366, %get3A_1367] {strides = array<i32>} : memref<8x1408xf32, #tpu.memory_space<vmem>>, vector<16xf32>,
        %add3A_1369 = arith.addf %add3A_1362, %get3A_1368 : vector<16xf32>
        %add3A_1370 = arith.constant 64 : i32
        %add3A_1371 = arith.addi %multiple_of3A_1342, %add3A_1370 : i32
        %get3A_1372 = arith.constant 4 : i32
        %get3A_1373 = arith.index_cast %get3A_1372 : i32 to index
        %get3A_1374 = arith.index_cast %add3A_1371 : i32 to index
        %get3A_1375 = tpu.vector_load %arg6[%get3A_1373, %get3A_1374] {strides = array<i32>} : memref<8x1408xf32, #tpu.memory_space<vmem>>, vector<16xf32>,
        %add3A_1376 = arith.addf %add3A_1369, %get3A_1375 : vector<16xf32>
        %add3A_1377 = arith.constant 80 : i32
        %add3A_1378 = arith.addi %multiple_of3A_1342, %add3A_1377 : i32
        %get3A_1379 = arith.constant 4 : i32
        %get3A_1380 = arith.index_cast %get3A_1379 : i32 to index
        %get3A_1381 = arith.index_cast %add3A_1378 : i32 to index
        %get3A_1382 = tpu.vector_load %arg6[%get3A_1380, %get3A_1381] {strides = array<i32>} : memref<8x1408xf32, #tpu.memory_space<vmem>>, vector<16xf32>,
        %add3A_1383 = arith.addf %add3A_1376, %get3A_1382 : vector<16xf32>
        %add3A_1384 = arith.constant 96 : i32
        %add3A_1385 = arith.addi %multiple_of3A_1342, %add3A_1384 : i32
        %get3A_1386 = arith.constant 4 : i32
        %get3A_1387 = arith.index_cast %get3A_1386 : i32 to index
        %get3A_1388 = arith.index_cast %add3A_1385 : i32 to index
        %get3A_1389 = tpu.vector_load %arg6[%get3A_1387, %get3A_1388] {strides = array<i32>} : memref<8x1408xf32, #tpu.memory_space<vmem>>, vector<16xf32>,
        %add3A_1390 = arith.addf %add3A_1383, %get3A_1389 : vector<16xf32>
        %add3A_1391 = arith.constant 112 : i32
        %add3A_1392 = arith.addi %multiple_of3A_1342, %add3A_1391 : i32
        %get3A_1393 = arith.constant 4 : i32
        %get3A_1394 = arith.index_cast %get3A_1393 : i32 to index
        %get3A_1395 = arith.index_cast %add3A_1392 : i32 to index
        %get3A_1396 = tpu.vector_load %arg6[%get3A_1394, %get3A_1395] {strides = array<i32>} : memref<8x1408xf32, #tpu.memory_space<vmem>>, vector<16xf32>,
        %add3A_1397 = arith.addf %add3A_1390, %get3A_1396 : vector<16xf32>
        scf.yield %add3A_1397 : vector<16xf32>
      }
      %scan3A_756 = arith.constant 11 : i32
      %broadcast_in_dim3A_757 = arith.constant 4 : i32
      %broadcast_in_dim3A_758 = vector.broadcast %broadcast_in_dim3A_757 : i32 to vector<16xi32>
      %ge3A_759 = vector.broadcast %mul3A_558 : i32 to vector<16xi32>
      %ge3A_760 = arith.cmpi sge, %gather3A_23, %ge3A_759 : vector<16xi32>
      %add3A_761 = arith.constant 1408 : i32
      %add3A_762 = arith.addi %mul3A_558, %add3A_761 : i32
      %lt3A_763 = vector.broadcast %add3A_762 : i32 to vector<16xi32>
      %lt3A_764 = arith.cmpi slt, %gather3A_23, %lt3A_763 : vector<16xi32>
      %and3A_765 = arith.andi %ge3A_760, %lt3A_764 : vector<16xi1>
      %sub3A_766 = vector.broadcast %mul3A_558 : i32 to vector<16xi32>
      %sub3A_767 = arith.subi %gather3A_23, %sub3A_766 : vector<16xi32>
      %jit3A_768 = arith.constant 0 : i32
      %broadcast_in_dim3A_769 = vector.broadcast %jit3A_768 : i32 to vector<16xi32>
      %select_n3A_770 = arith.select %and3A_765, %sub3A_767, %broadcast_in_dim3A_769 : vector<16xi1>, vector<16xi32>
      %gather3A_771 = tpu.vector_load_idx %arg6[%broadcast_in_dim3A_758, %select_n3A_770] : memref<8x1408xf32, #tpu.memory_space<vmem>>[vector<16xi32>, vector<16xi32>], vector<16xf32>,
      %and3A_772 = arith.andi %and3A_765, %eq3A_4 : vector<16xi1>
      %jit3A_773 = arith.constant 0.000000e+00 : f32
      %broadcast_in_dim3A_774 = vector.broadcast %jit3A_773 : f32 to vector<16xf32>
      %select_n3A_775 = arith.select %and3A_772, %gather3A_771, %broadcast_in_dim3A_774 : vector<16xi1>, vector<16xf32>
      %add3A_776 = arith.addf %add3A_728, %select_n3A_775 : vector<16xf32>
      %ge3A_777 = vector.broadcast %mul3A_558 : i32 to vector<16xi32>
      %ge3A_778 = arith.cmpi sge, %broadcast_in_dim3A_5, %ge3A_777 : vector<16xi32>
      %add3A_779 = arith.constant 1408 : i32
      %add3A_780 = arith.addi %mul3A_558, %add3A_779 : i32
      %lt3A_781 = vector.broadcast %add3A_780 : i32 to vector<16xi32>
      %lt3A_782 = arith.cmpi slt, %broadcast_in_dim3A_5, %lt3A_781 : vector<16xi32>
      %and3A_783 = arith.andi %ge3A_778, %lt3A_782 : vector<16xi1>
      %sub3A_784 = vector.broadcast %mul3A_558 : i32 to vector<16xi32>
      %sub3A_785 = arith.subi %broadcast_in_dim3A_5, %sub3A_784 : vector<16xi32>
      %jit3A_786 = arith.constant 0 : i32
      %broadcast_in_dim3A_787 = vector.broadcast %jit3A_786 : i32 to vector<16xi32>
      %select_n3A_788 = arith.select %and3A_783, %sub3A_785, %broadcast_in_dim3A_787 : vector<16xi1>, vector<16xi32>
      %gather3A_789 = tpu.vector_load_idx %arg6[%broadcast_in_dim3A_758, %select_n3A_788] : memref<8x1408xf32, #tpu.memory_space<vmem>>[vector<16xi32>, vector<16xi32>], vector<16xf32>,
      %and3A_790 = arith.andi %and3A_783, %eq3A_4 : vector<16xi1>
      %ne3A_791 = arith.constant 99900 : i32
      %ne3A_792 = vector.broadcast %ne3A_791 : i32 to vector<16xi32>
      %ne3A_793 = arith.cmpi ne, %gather3A_23, %ne3A_792 : vector<16xi32>
      %and3A_794 = arith.andi %and3A_790, %ne3A_793 : vector<16xi1>
      %jit3A_795 = arith.constant 0.000000e+00 : f32
      %broadcast_in_dim3A_796 = vector.broadcast %jit3A_795 : f32 to vector<16xf32>
      %select_n3A_797 = arith.select %and3A_794, %gather3A_789, %broadcast_in_dim3A_796 : vector<16xi1>, vector<16xf32>
      %add3A_798 = arith.addf %add3A_750, %select_n3A_797 : vector<16xf32>
      %scan3A_799 = arith.constant 0 : i32
      %scan3A_800 = arith.constant 11 : i32
      %scan3A_801 = arith.addi %scan3A_799, %scan3A_800 : i32
      %scan3A_802 = arith.constant 1 : i32
      %scan3A_803 = scf.for %scan3A_1338 = %scan3A_799 to %scan3A_801 step %scan3A_802 iter_args(%scan3A_1339 = %scan3A_755) -> (vector<16xf32>)  : i32 {
        %mul3A_1340 = arith.constant 128 : i32
        %mul3A_1341 = arith.muli %scan3A_1338, %mul3A_1340 : i32
        %multiple_of3A_1342 = tpu.assume_multiple %mul3A_1341, 128 : i32
        %add3A_1343 = arith.constant 0 : i32
        %add3A_1344 = arith.addi %multiple_of3A_1342, %add3A_1343 : i32
        %get3A = arith.constant 5 : i32
        %get3A_1345 = arith.index_cast %get3A : i32 to index
        %get3A_1346 = arith.index_cast %add3A_1344 : i32 to index
        %get3A_1347 = tpu.vector_load %arg6[%get3A_1345, %get3A_1346] {strides = array<i32>} : memref<8x1408xf32, #tpu.memory_space<vmem>>, vector<16xf32>,
        %add3A_1348 = arith.addf %scan3A_1339, %get3A_1347 : vector<16xf32>
        %add3A_1349 = arith.constant 16 : i32
        %add3A_1350 = arith.addi %multiple_of3A_1342, %add3A_1349 : i32
        %get3A_1351 = arith.constant 5 : i32
        %get3A_1352 = arith.index_cast %get3A_1351 : i32 to index
        %get3A_1353 = arith.index_cast %add3A_1350 : i32 to index
        %get3A_1354 = tpu.vector_load %arg6[%get3A_1352, %get3A_1353] {strides = array<i32>} : memref<8x1408xf32, #tpu.memory_space<vmem>>, vector<16xf32>,
        %add3A_1355 = arith.addf %add3A_1348, %get3A_1354 : vector<16xf32>
        %add3A_1356 = arith.constant 32 : i32
        %add3A_1357 = arith.addi %multiple_of3A_1342, %add3A_1356 : i32
        %get3A_1358 = arith.constant 5 : i32
        %get3A_1359 = arith.index_cast %get3A_1358 : i32 to index
        %get3A_1360 = arith.index_cast %add3A_1357 : i32 to index
        %get3A_1361 = tpu.vector_load %arg6[%get3A_1359, %get3A_1360] {strides = array<i32>} : memref<8x1408xf32, #tpu.memory_space<vmem>>, vector<16xf32>,
        %add3A_1362 = arith.addf %add3A_1355, %get3A_1361 : vector<16xf32>
        %add3A_1363 = arith.constant 48 : i32
        %add3A_1364 = arith.addi %multiple_of3A_1342, %add3A_1363 : i32
        %get3A_1365 = arith.constant 5 : i32
        %get3A_1366 = arith.index_cast %get3A_1365 : i32 to index
        %get3A_1367 = arith.index_cast %add3A_1364 : i32 to index
        %get3A_1368 = tpu.vector_load %arg6[%get3A_1366, %get3A_1367] {strides = array<i32>} : memref<8x1408xf32, #tpu.memory_space<vmem>>, vector<16xf32>,
        %add3A_1369 = arith.addf %add3A_1362, %get3A_1368 : vector<16xf32>
        %add3A_1370 = arith.constant 64 : i32
        %add3A_1371 = arith.addi %multiple_of3A_1342, %add3A_1370 : i32
        %get3A_1372 = arith.constant 5 : i32
        %get3A_1373 = arith.index_cast %get3A_1372 : i32 to index
        %get3A_1374 = arith.index_cast %add3A_1371 : i32 to index
        %get3A_1375 = tpu.vector_load %arg6[%get3A_1373, %get3A_1374] {strides = array<i32>} : memref<8x1408xf32, #tpu.memory_space<vmem>>, vector<16xf32>,
        %add3A_1376 = arith.addf %add3A_1369, %get3A_1375 : vector<16xf32>
        %add3A_1377 = arith.constant 80 : i32
        %add3A_1378 = arith.addi %multiple_of3A_1342, %add3A_1377 : i32
        %get3A_1379 = arith.constant 5 : i32
        %get3A_1380 = arith.index_cast %get3A_1379 : i32 to index
        %get3A_1381 = arith.index_cast %add3A_1378 : i32 to index
        %get3A_1382 = tpu.vector_load %arg6[%get3A_1380, %get3A_1381] {strides = array<i32>} : memref<8x1408xf32, #tpu.memory_space<vmem>>, vector<16xf32>,
        %add3A_1383 = arith.addf %add3A_1376, %get3A_1382 : vector<16xf32>
        %add3A_1384 = arith.constant 96 : i32
        %add3A_1385 = arith.addi %multiple_of3A_1342, %add3A_1384 : i32
        %get3A_1386 = arith.constant 5 : i32
        %get3A_1387 = arith.index_cast %get3A_1386 : i32 to index
        %get3A_1388 = arith.index_cast %add3A_1385 : i32 to index
        %get3A_1389 = tpu.vector_load %arg6[%get3A_1387, %get3A_1388] {strides = array<i32>} : memref<8x1408xf32, #tpu.memory_space<vmem>>, vector<16xf32>,
        %add3A_1390 = arith.addf %add3A_1383, %get3A_1389 : vector<16xf32>
        %add3A_1391 = arith.constant 112 : i32
        %add3A_1392 = arith.addi %multiple_of3A_1342, %add3A_1391 : i32
        %get3A_1393 = arith.constant 5 : i32
        %get3A_1394 = arith.index_cast %get3A_1393 : i32 to index
        %get3A_1395 = arith.index_cast %add3A_1392 : i32 to index
        %get3A_1396 = tpu.vector_load %arg6[%get3A_1394, %get3A_1395] {strides = array<i32>} : memref<8x1408xf32, #tpu.memory_space<vmem>>, vector<16xf32>,
        %add3A_1397 = arith.addf %add3A_1390, %get3A_1396 : vector<16xf32>
        scf.yield %add3A_1397 : vector<16xf32>
      }
      %scan3A_804 = arith.constant 11 : i32
      %broadcast_in_dim3A_805 = arith.constant 5 : i32
      %broadcast_in_dim3A_806 = vector.broadcast %broadcast_in_dim3A_805 : i32 to vector<16xi32>
      %ge3A_807 = vector.broadcast %mul3A_558 : i32 to vector<16xi32>
      %ge3A_808 = arith.cmpi sge, %gather3A_26, %ge3A_807 : vector<16xi32>
      %add3A_809 = arith.constant 1408 : i32
      %add3A_810 = arith.addi %mul3A_558, %add3A_809 : i32
      %lt3A_811 = vector.broadcast %add3A_810 : i32 to vector<16xi32>
      %lt3A_812 = arith.cmpi slt, %gather3A_26, %lt3A_811 : vector<16xi32>
      %and3A_813 = arith.andi %ge3A_808, %lt3A_812 : vector<16xi1>
      %sub3A_814 = vector.broadcast %mul3A_558 : i32 to vector<16xi32>
      %sub3A_815 = arith.subi %gather3A_26, %sub3A_814 : vector<16xi32>
      %jit3A_816 = arith.constant 0 : i32
      %broadcast_in_dim3A_817 = vector.broadcast %jit3A_816 : i32 to vector<16xi32>
      %select_n3A_818 = arith.select %and3A_813, %sub3A_815, %broadcast_in_dim3A_817 : vector<16xi1>, vector<16xi32>
      %gather3A_819 = tpu.vector_load_idx %arg6[%broadcast_in_dim3A_806, %select_n3A_818] : memref<8x1408xf32, #tpu.memory_space<vmem>>[vector<16xi32>, vector<16xi32>], vector<16xf32>,
      %and3A_820 = arith.andi %and3A_813, %eq3A_4 : vector<16xi1>
      %jit3A_821 = arith.constant 0.000000e+00 : f32
      %broadcast_in_dim3A_822 = vector.broadcast %jit3A_821 : f32 to vector<16xf32>
      %select_n3A_823 = arith.select %and3A_820, %gather3A_819, %broadcast_in_dim3A_822 : vector<16xi1>, vector<16xf32>
      %add3A_824 = arith.addf %add3A_776, %select_n3A_823 : vector<16xf32>
      %ge3A_825 = vector.broadcast %mul3A_558 : i32 to vector<16xi32>
      %ge3A_826 = arith.cmpi sge, %broadcast_in_dim3A_5, %ge3A_825 : vector<16xi32>
      %add3A_827 = arith.constant 1408 : i32
      %add3A_828 = arith.addi %mul3A_558, %add3A_827 : i32
      %lt3A_829 = vector.broadcast %add3A_828 : i32 to vector<16xi32>
      %lt3A_830 = arith.cmpi slt, %broadcast_in_dim3A_5, %lt3A_829 : vector<16xi32>
      %and3A_831 = arith.andi %ge3A_826, %lt3A_830 : vector<16xi1>
      %sub3A_832 = vector.broadcast %mul3A_558 : i32 to vector<16xi32>
      %sub3A_833 = arith.subi %broadcast_in_dim3A_5, %sub3A_832 : vector<16xi32>
      %jit3A_834 = arith.constant 0 : i32
      %broadcast_in_dim3A_835 = vector.broadcast %jit3A_834 : i32 to vector<16xi32>
      %select_n3A_836 = arith.select %and3A_831, %sub3A_833, %broadcast_in_dim3A_835 : vector<16xi1>, vector<16xi32>
      %gather3A_837 = tpu.vector_load_idx %arg6[%broadcast_in_dim3A_806, %select_n3A_836] : memref<8x1408xf32, #tpu.memory_space<vmem>>[vector<16xi32>, vector<16xi32>], vector<16xf32>,
      %and3A_838 = arith.andi %and3A_831, %eq3A_4 : vector<16xi1>
      %ne3A_839 = arith.constant 99900 : i32
      %ne3A_840 = vector.broadcast %ne3A_839 : i32 to vector<16xi32>
      %ne3A_841 = arith.cmpi ne, %gather3A_26, %ne3A_840 : vector<16xi32>
      %and3A_842 = arith.andi %and3A_838, %ne3A_841 : vector<16xi1>
      %jit3A_843 = arith.constant 0.000000e+00 : f32
      %broadcast_in_dim3A_844 = vector.broadcast %jit3A_843 : f32 to vector<16xf32>
      %select_n3A_845 = arith.select %and3A_842, %gather3A_837, %broadcast_in_dim3A_844 : vector<16xi1>, vector<16xf32>
      %add3A_846 = arith.addf %add3A_798, %select_n3A_845 : vector<16xf32>
      %scan3A_847 = arith.constant 0 : i32
      %scan3A_848 = arith.constant 11 : i32
      %scan3A_849 = arith.addi %scan3A_847, %scan3A_848 : i32
      %scan3A_850 = arith.constant 1 : i32
      %scan3A_851 = scf.for %scan3A_1338 = %scan3A_847 to %scan3A_849 step %scan3A_850 iter_args(%scan3A_1339 = %scan3A_803) -> (vector<16xf32>)  : i32 {
        %mul3A_1340 = arith.constant 128 : i32
        %mul3A_1341 = arith.muli %scan3A_1338, %mul3A_1340 : i32
        %multiple_of3A_1342 = tpu.assume_multiple %mul3A_1341, 128 : i32
        %add3A_1343 = arith.constant 0 : i32
        %add3A_1344 = arith.addi %multiple_of3A_1342, %add3A_1343 : i32
        %get3A = arith.constant 6 : i32
        %get3A_1345 = arith.index_cast %get3A : i32 to index
        %get3A_1346 = arith.index_cast %add3A_1344 : i32 to index
        %get3A_1347 = tpu.vector_load %arg6[%get3A_1345, %get3A_1346] {strides = array<i32>} : memref<8x1408xf32, #tpu.memory_space<vmem>>, vector<16xf32>,
        %add3A_1348 = arith.addf %scan3A_1339, %get3A_1347 : vector<16xf32>
        %add3A_1349 = arith.constant 16 : i32
        %add3A_1350 = arith.addi %multiple_of3A_1342, %add3A_1349 : i32
        %get3A_1351 = arith.constant 6 : i32
        %get3A_1352 = arith.index_cast %get3A_1351 : i32 to index
        %get3A_1353 = arith.index_cast %add3A_1350 : i32 to index
        %get3A_1354 = tpu.vector_load %arg6[%get3A_1352, %get3A_1353] {strides = array<i32>} : memref<8x1408xf32, #tpu.memory_space<vmem>>, vector<16xf32>,
        %add3A_1355 = arith.addf %add3A_1348, %get3A_1354 : vector<16xf32>
        %add3A_1356 = arith.constant 32 : i32
        %add3A_1357 = arith.addi %multiple_of3A_1342, %add3A_1356 : i32
        %get3A_1358 = arith.constant 6 : i32
        %get3A_1359 = arith.index_cast %get3A_1358 : i32 to index
        %get3A_1360 = arith.index_cast %add3A_1357 : i32 to index
        %get3A_1361 = tpu.vector_load %arg6[%get3A_1359, %get3A_1360] {strides = array<i32>} : memref<8x1408xf32, #tpu.memory_space<vmem>>, vector<16xf32>,
        %add3A_1362 = arith.addf %add3A_1355, %get3A_1361 : vector<16xf32>
        %add3A_1363 = arith.constant 48 : i32
        %add3A_1364 = arith.addi %multiple_of3A_1342, %add3A_1363 : i32
        %get3A_1365 = arith.constant 6 : i32
        %get3A_1366 = arith.index_cast %get3A_1365 : i32 to index
        %get3A_1367 = arith.index_cast %add3A_1364 : i32 to index
        %get3A_1368 = tpu.vector_load %arg6[%get3A_1366, %get3A_1367] {strides = array<i32>} : memref<8x1408xf32, #tpu.memory_space<vmem>>, vector<16xf32>,
        %add3A_1369 = arith.addf %add3A_1362, %get3A_1368 : vector<16xf32>
        %add3A_1370 = arith.constant 64 : i32
        %add3A_1371 = arith.addi %multiple_of3A_1342, %add3A_1370 : i32
        %get3A_1372 = arith.constant 6 : i32
        %get3A_1373 = arith.index_cast %get3A_1372 : i32 to index
        %get3A_1374 = arith.index_cast %add3A_1371 : i32 to index
        %get3A_1375 = tpu.vector_load %arg6[%get3A_1373, %get3A_1374] {strides = array<i32>} : memref<8x1408xf32, #tpu.memory_space<vmem>>, vector<16xf32>,
        %add3A_1376 = arith.addf %add3A_1369, %get3A_1375 : vector<16xf32>
        %add3A_1377 = arith.constant 80 : i32
        %add3A_1378 = arith.addi %multiple_of3A_1342, %add3A_1377 : i32
        %get3A_1379 = arith.constant 6 : i32
        %get3A_1380 = arith.index_cast %get3A_1379 : i32 to index
        %get3A_1381 = arith.index_cast %add3A_1378 : i32 to index
        %get3A_1382 = tpu.vector_load %arg6[%get3A_1380, %get3A_1381] {strides = array<i32>} : memref<8x1408xf32, #tpu.memory_space<vmem>>, vector<16xf32>,
        %add3A_1383 = arith.addf %add3A_1376, %get3A_1382 : vector<16xf32>
        %add3A_1384 = arith.constant 96 : i32
        %add3A_1385 = arith.addi %multiple_of3A_1342, %add3A_1384 : i32
        %get3A_1386 = arith.constant 6 : i32
        %get3A_1387 = arith.index_cast %get3A_1386 : i32 to index
        %get3A_1388 = arith.index_cast %add3A_1385 : i32 to index
        %get3A_1389 = tpu.vector_load %arg6[%get3A_1387, %get3A_1388] {strides = array<i32>} : memref<8x1408xf32, #tpu.memory_space<vmem>>, vector<16xf32>,
        %add3A_1390 = arith.addf %add3A_1383, %get3A_1389 : vector<16xf32>
        %add3A_1391 = arith.constant 112 : i32
        %add3A_1392 = arith.addi %multiple_of3A_1342, %add3A_1391 : i32
        %get3A_1393 = arith.constant 6 : i32
        %get3A_1394 = arith.index_cast %get3A_1393 : i32 to index
        %get3A_1395 = arith.index_cast %add3A_1392 : i32 to index
        %get3A_1396 = tpu.vector_load %arg6[%get3A_1394, %get3A_1395] {strides = array<i32>} : memref<8x1408xf32, #tpu.memory_space<vmem>>, vector<16xf32>,
        %add3A_1397 = arith.addf %add3A_1390, %get3A_1396 : vector<16xf32>
        scf.yield %add3A_1397 : vector<16xf32>
      }
      %scan3A_852 = arith.constant 11 : i32
      %broadcast_in_dim3A_853 = arith.constant 6 : i32
      %broadcast_in_dim3A_854 = vector.broadcast %broadcast_in_dim3A_853 : i32 to vector<16xi32>
      %ge3A_855 = vector.broadcast %mul3A_558 : i32 to vector<16xi32>
      %ge3A_856 = arith.cmpi sge, %gather3A_29, %ge3A_855 : vector<16xi32>
      %add3A_857 = arith.constant 1408 : i32
      %add3A_858 = arith.addi %mul3A_558, %add3A_857 : i32
      %lt3A_859 = vector.broadcast %add3A_858 : i32 to vector<16xi32>
      %lt3A_860 = arith.cmpi slt, %gather3A_29, %lt3A_859 : vector<16xi32>
      %and3A_861 = arith.andi %ge3A_856, %lt3A_860 : vector<16xi1>
      %sub3A_862 = vector.broadcast %mul3A_558 : i32 to vector<16xi32>
      %sub3A_863 = arith.subi %gather3A_29, %sub3A_862 : vector<16xi32>
      %jit3A_864 = arith.constant 0 : i32
      %broadcast_in_dim3A_865 = vector.broadcast %jit3A_864 : i32 to vector<16xi32>
      %select_n3A_866 = arith.select %and3A_861, %sub3A_863, %broadcast_in_dim3A_865 : vector<16xi1>, vector<16xi32>
      %gather3A_867 = tpu.vector_load_idx %arg6[%broadcast_in_dim3A_854, %select_n3A_866] : memref<8x1408xf32, #tpu.memory_space<vmem>>[vector<16xi32>, vector<16xi32>], vector<16xf32>,
      %and3A_868 = arith.andi %and3A_861, %eq3A_4 : vector<16xi1>
      %jit3A_869 = arith.constant 0.000000e+00 : f32
      %broadcast_in_dim3A_870 = vector.broadcast %jit3A_869 : f32 to vector<16xf32>
      %select_n3A_871 = arith.select %and3A_868, %gather3A_867, %broadcast_in_dim3A_870 : vector<16xi1>, vector<16xf32>
      %add3A_872 = arith.addf %add3A_824, %select_n3A_871 : vector<16xf32>
      %ge3A_873 = vector.broadcast %mul3A_558 : i32 to vector<16xi32>
      %ge3A_874 = arith.cmpi sge, %broadcast_in_dim3A_5, %ge3A_873 : vector<16xi32>
      %add3A_875 = arith.constant 1408 : i32
      %add3A_876 = arith.addi %mul3A_558, %add3A_875 : i32
      %lt3A_877 = vector.broadcast %add3A_876 : i32 to vector<16xi32>
      %lt3A_878 = arith.cmpi slt, %broadcast_in_dim3A_5, %lt3A_877 : vector<16xi32>
      %and3A_879 = arith.andi %ge3A_874, %lt3A_878 : vector<16xi1>
      %sub3A_880 = vector.broadcast %mul3A_558 : i32 to vector<16xi32>
      %sub3A_881 = arith.subi %broadcast_in_dim3A_5, %sub3A_880 : vector<16xi32>
      %jit3A_882 = arith.constant 0 : i32
      %broadcast_in_dim3A_883 = vector.broadcast %jit3A_882 : i32 to vector<16xi32>
      %select_n3A_884 = arith.select %and3A_879, %sub3A_881, %broadcast_in_dim3A_883 : vector<16xi1>, vector<16xi32>
      %gather3A_885 = tpu.vector_load_idx %arg6[%broadcast_in_dim3A_854, %select_n3A_884] : memref<8x1408xf32, #tpu.memory_space<vmem>>[vector<16xi32>, vector<16xi32>], vector<16xf32>,
      %and3A_886 = arith.andi %and3A_879, %eq3A_4 : vector<16xi1>
      %ne3A_887 = arith.constant 99900 : i32
      %ne3A_888 = vector.broadcast %ne3A_887 : i32 to vector<16xi32>
      %ne3A_889 = arith.cmpi ne, %gather3A_29, %ne3A_888 : vector<16xi32>
      %and3A_890 = arith.andi %and3A_886, %ne3A_889 : vector<16xi1>
      %jit3A_891 = arith.constant 0.000000e+00 : f32
      %broadcast_in_dim3A_892 = vector.broadcast %jit3A_891 : f32 to vector<16xf32>
      %select_n3A_893 = arith.select %and3A_890, %gather3A_885, %broadcast_in_dim3A_892 : vector<16xi1>, vector<16xf32>
      %add3A_894 = arith.addf %add3A_846, %select_n3A_893 : vector<16xf32>
      %scan3A_895 = arith.constant 0 : i32
      %scan3A_896 = arith.constant 11 : i32
      %scan3A_897 = arith.addi %scan3A_895, %scan3A_896 : i32
      %scan3A_898 = arith.constant 1 : i32
      %scan3A_899 = scf.for %scan3A_1338 = %scan3A_895 to %scan3A_897 step %scan3A_898 iter_args(%scan3A_1339 = %scan3A_851) -> (vector<16xf32>)  : i32 {
        %mul3A_1340 = arith.constant 128 : i32
        %mul3A_1341 = arith.muli %scan3A_1338, %mul3A_1340 : i32
        %multiple_of3A_1342 = tpu.assume_multiple %mul3A_1341, 128 : i32
        %add3A_1343 = arith.constant 0 : i32
        %add3A_1344 = arith.addi %multiple_of3A_1342, %add3A_1343 : i32
        %get3A = arith.constant 7 : i32
        %get3A_1345 = arith.index_cast %get3A : i32 to index
        %get3A_1346 = arith.index_cast %add3A_1344 : i32 to index
        %get3A_1347 = tpu.vector_load %arg6[%get3A_1345, %get3A_1346] {strides = array<i32>} : memref<8x1408xf32, #tpu.memory_space<vmem>>, vector<16xf32>,
        %add3A_1348 = arith.addf %scan3A_1339, %get3A_1347 : vector<16xf32>
        %add3A_1349 = arith.constant 16 : i32
        %add3A_1350 = arith.addi %multiple_of3A_1342, %add3A_1349 : i32
        %get3A_1351 = arith.constant 7 : i32
        %get3A_1352 = arith.index_cast %get3A_1351 : i32 to index
        %get3A_1353 = arith.index_cast %add3A_1350 : i32 to index
        %get3A_1354 = tpu.vector_load %arg6[%get3A_1352, %get3A_1353] {strides = array<i32>} : memref<8x1408xf32, #tpu.memory_space<vmem>>, vector<16xf32>,
        %add3A_1355 = arith.addf %add3A_1348, %get3A_1354 : vector<16xf32>
        %add3A_1356 = arith.constant 32 : i32
        %add3A_1357 = arith.addi %multiple_of3A_1342, %add3A_1356 : i32
        %get3A_1358 = arith.constant 7 : i32
        %get3A_1359 = arith.index_cast %get3A_1358 : i32 to index
        %get3A_1360 = arith.index_cast %add3A_1357 : i32 to index
        %get3A_1361 = tpu.vector_load %arg6[%get3A_1359, %get3A_1360] {strides = array<i32>} : memref<8x1408xf32, #tpu.memory_space<vmem>>, vector<16xf32>,
        %add3A_1362 = arith.addf %add3A_1355, %get3A_1361 : vector<16xf32>
        %add3A_1363 = arith.constant 48 : i32
        %add3A_1364 = arith.addi %multiple_of3A_1342, %add3A_1363 : i32
        %get3A_1365 = arith.constant 7 : i32
        %get3A_1366 = arith.index_cast %get3A_1365 : i32 to index
        %get3A_1367 = arith.index_cast %add3A_1364 : i32 to index
        %get3A_1368 = tpu.vector_load %arg6[%get3A_1366, %get3A_1367] {strides = array<i32>} : memref<8x1408xf32, #tpu.memory_space<vmem>>, vector<16xf32>,
        %add3A_1369 = arith.addf %add3A_1362, %get3A_1368 : vector<16xf32>
        %add3A_1370 = arith.constant 64 : i32
        %add3A_1371 = arith.addi %multiple_of3A_1342, %add3A_1370 : i32
        %get3A_1372 = arith.constant 7 : i32
        %get3A_1373 = arith.index_cast %get3A_1372 : i32 to index
        %get3A_1374 = arith.index_cast %add3A_1371 : i32 to index
        %get3A_1375 = tpu.vector_load %arg6[%get3A_1373, %get3A_1374] {strides = array<i32>} : memref<8x1408xf32, #tpu.memory_space<vmem>>, vector<16xf32>,
        %add3A_1376 = arith.addf %add3A_1369, %get3A_1375 : vector<16xf32>
        %add3A_1377 = arith.constant 80 : i32
        %add3A_1378 = arith.addi %multiple_of3A_1342, %add3A_1377 : i32
        %get3A_1379 = arith.constant 7 : i32
        %get3A_1380 = arith.index_cast %get3A_1379 : i32 to index
        %get3A_1381 = arith.index_cast %add3A_1378 : i32 to index
        %get3A_1382 = tpu.vector_load %arg6[%get3A_1380, %get3A_1381] {strides = array<i32>} : memref<8x1408xf32, #tpu.memory_space<vmem>>, vector<16xf32>,
        %add3A_1383 = arith.addf %add3A_1376, %get3A_1382 : vector<16xf32>
        %add3A_1384 = arith.constant 96 : i32
        %add3A_1385 = arith.addi %multiple_of3A_1342, %add3A_1384 : i32
        %get3A_1386 = arith.constant 7 : i32
        %get3A_1387 = arith.index_cast %get3A_1386 : i32 to index
        %get3A_1388 = arith.index_cast %add3A_1385 : i32 to index
        %get3A_1389 = tpu.vector_load %arg6[%get3A_1387, %get3A_1388] {strides = array<i32>} : memref<8x1408xf32, #tpu.memory_space<vmem>>, vector<16xf32>,
        %add3A_1390 = arith.addf %add3A_1383, %get3A_1389 : vector<16xf32>
        %add3A_1391 = arith.constant 112 : i32
        %add3A_1392 = arith.addi %multiple_of3A_1342, %add3A_1391 : i32
        %get3A_1393 = arith.constant 7 : i32
        %get3A_1394 = arith.index_cast %get3A_1393 : i32 to index
        %get3A_1395 = arith.index_cast %add3A_1392 : i32 to index
        %get3A_1396 = tpu.vector_load %arg6[%get3A_1394, %get3A_1395] {strides = array<i32>} : memref<8x1408xf32, #tpu.memory_space<vmem>>, vector<16xf32>,
        %add3A_1397 = arith.addf %add3A_1390, %get3A_1396 : vector<16xf32>
        scf.yield %add3A_1397 : vector<16xf32>
      }
      %scan3A_900 = arith.constant 11 : i32
      %broadcast_in_dim3A_901 = arith.constant 7 : i32
      %broadcast_in_dim3A_902 = vector.broadcast %broadcast_in_dim3A_901 : i32 to vector<16xi32>
      %ge3A_903 = vector.broadcast %mul3A_558 : i32 to vector<16xi32>
      %ge3A_904 = arith.cmpi sge, %gather3A_32, %ge3A_903 : vector<16xi32>
      %add3A_905 = arith.constant 1408 : i32
      %add3A_906 = arith.addi %mul3A_558, %add3A_905 : i32
      %lt3A_907 = vector.broadcast %add3A_906 : i32 to vector<16xi32>
      %lt3A_908 = arith.cmpi slt, %gather3A_32, %lt3A_907 : vector<16xi32>
      %and3A_909 = arith.andi %ge3A_904, %lt3A_908 : vector<16xi1>
      %sub3A_910 = vector.broadcast %mul3A_558 : i32 to vector<16xi32>
      %sub3A_911 = arith.subi %gather3A_32, %sub3A_910 : vector<16xi32>
      %jit3A_912 = arith.constant 0 : i32
      %broadcast_in_dim3A_913 = vector.broadcast %jit3A_912 : i32 to vector<16xi32>
      %select_n3A_914 = arith.select %and3A_909, %sub3A_911, %broadcast_in_dim3A_913 : vector<16xi1>, vector<16xi32>
      %gather3A_915 = tpu.vector_load_idx %arg6[%broadcast_in_dim3A_902, %select_n3A_914] : memref<8x1408xf32, #tpu.memory_space<vmem>>[vector<16xi32>, vector<16xi32>], vector<16xf32>,
      %and3A_916 = arith.andi %and3A_909, %eq3A_4 : vector<16xi1>
      %jit3A_917 = arith.constant 0.000000e+00 : f32
      %broadcast_in_dim3A_918 = vector.broadcast %jit3A_917 : f32 to vector<16xf32>
      %select_n3A_919 = arith.select %and3A_916, %gather3A_915, %broadcast_in_dim3A_918 : vector<16xi1>, vector<16xf32>
      %add3A_920 = arith.addf %add3A_872, %select_n3A_919 : vector<16xf32>
      %ge3A_921 = vector.broadcast %mul3A_558 : i32 to vector<16xi32>
      %ge3A_922 = arith.cmpi sge, %broadcast_in_dim3A_5, %ge3A_921 : vector<16xi32>
      %add3A_923 = arith.constant 1408 : i32
      %add3A_924 = arith.addi %mul3A_558, %add3A_923 : i32
      %lt3A_925 = vector.broadcast %add3A_924 : i32 to vector<16xi32>
      %lt3A_926 = arith.cmpi slt, %broadcast_in_dim3A_5, %lt3A_925 : vector<16xi32>
      %and3A_927 = arith.andi %ge3A_922, %lt3A_926 : vector<16xi1>
      %sub3A_928 = vector.broadcast %mul3A_558 : i32 to vector<16xi32>
      %sub3A_929 = arith.subi %broadcast_in_dim3A_5, %sub3A_928 : vector<16xi32>
      %jit3A_930 = arith.constant 0 : i32
      %broadcast_in_dim3A_931 = vector.broadcast %jit3A_930 : i32 to vector<16xi32>
      %select_n3A_932 = arith.select %and3A_927, %sub3A_929, %broadcast_in_dim3A_931 : vector<16xi1>, vector<16xi32>
      %gather3A_933 = tpu.vector_load_idx %arg6[%broadcast_in_dim3A_902, %select_n3A_932] : memref<8x1408xf32, #tpu.memory_space<vmem>>[vector<16xi32>, vector<16xi32>], vector<16xf32>,
      %and3A_934 = arith.andi %and3A_927, %eq3A_4 : vector<16xi1>
      %ne3A_935 = arith.constant 99900 : i32
      %ne3A_936 = vector.broadcast %ne3A_935 : i32 to vector<16xi32>
      %ne3A_937 = arith.cmpi ne, %gather3A_32, %ne3A_936 : vector<16xi32>
      %and3A_938 = arith.andi %and3A_934, %ne3A_937 : vector<16xi1>
      %jit3A_939 = arith.constant 0.000000e+00 : f32
      %broadcast_in_dim3A_940 = vector.broadcast %jit3A_939 : f32 to vector<16xf32>
      %select_n3A_941 = arith.select %and3A_938, %gather3A_933, %broadcast_in_dim3A_940 : vector<16xi1>, vector<16xf32>
      %add3A_942 = arith.addf %add3A_894, %select_n3A_941 : vector<16xf32>
      %mul3A_943 = arith.constant 1408 : i32
      %mul3A_944 = arith.muli %add3A_545, %mul3A_943 : i32
      %multiple_of3A_945 = tpu.assume_multiple %mul3A_944, 1408 : i32
      %dma_start3A_946 = tpu.memref_slice %arg2[%add3A_9, %multiple_of3A_945] : memref<1024x100000xf32, #tpu.memory_space<hbm>> -> memref<8x1408xf32, #tpu.memory_space<hbm>>
      %dma_start3A_947 = tpu.memref_slice %arg2[%add3A_9, %multiple_of3A_945] : memref<1024x100000xf32, #tpu.memory_space<hbm>> -> memref<8x1408xf32, #tpu.memory_space<hbm>>
      tpu.enqueue_dma source(%dma_start3A_947 : memref<8x1408xf32, #tpu.memory_space<hbm>>) target(%arg6 : memref<8x1408xf32, #tpu.memory_space<vmem>>) target_semaphore(%arg9 : memref<!tpu.dma_semaphore, #tpu.memory_space<semaphore_mem>>)
      %dma_wait3A_948 = arith.constant 0 : i32
      %dma_wait3A_949 = tpu.memref_slice %arg2[%add3A_9, %dma_wait3A_948] : memref<1024x100000xf32, #tpu.memory_space<hbm>> -> memref<8x1408xf32, #tpu.memory_space<hbm>>
      %dma_wait3A_950 = arith.constant 0 : i32
      %dma_wait3A_951 = tpu.memref_slice %arg2[%add3A_9, %dma_wait3A_950] : memref<1024x100000xf32, #tpu.memory_space<hbm>> -> memref<8x1408xf32, #tpu.memory_space<hbm>>
      tpu.wait_dma2 semaphore(%arg10 : memref<!tpu.dma_semaphore, #tpu.memory_space<semaphore_mem>>) src(%dma_wait3A_951 : memref<8x1408xf32, #tpu.memory_space<hbm>>) dst(%arg7 : memref<8x1408xf32, #tpu.memory_space<vmem>>)
      %mul3A_952 = arith.constant 1408 : i32
      %mul3A_953 = arith.muli %add3A_541, %mul3A_952 : i32
      %scan3A_954 = arith.constant 0 : i32
      %scan3A_955 = arith.constant 11 : i32
      %scan3A_956 = arith.addi %scan3A_954, %scan3A_955 : i32
      %scan3A_957 = arith.constant 1 : i32
      %scan3A_958 = scf.for %scan3A_1338 = %scan3A_954 to %scan3A_956 step %scan3A_957 iter_args(%scan3A_1339 = %scan3A_899) -> (vector<16xf32>)  : i32 {
        %mul3A_1340 = arith.constant 128 : i32
        %mul3A_1341 = arith.muli %scan3A_1338, %mul3A_1340 : i32
        %multiple_of3A_1342 = tpu.assume_multiple %mul3A_1341, 128 : i32
        %add3A_1343 = arith.constant 0 : i32
        %add3A_1344 = arith.addi %multiple_of3A_1342, %add3A_1343 : i32
        %get3A = arith.constant 0 : i32
        %get3A_1345 = arith.index_cast %get3A : i32 to index
        %get3A_1346 = arith.index_cast %add3A_1344 : i32 to index
        %get3A_1347 = tpu.vector_load %arg7[%get3A_1345, %get3A_1346] {strides = array<i32>} : memref<8x1408xf32, #tpu.memory_space<vmem>>, vector<16xf32>,
        %add3A_1348 = arith.addf %scan3A_1339, %get3A_1347 : vector<16xf32>
        %add3A_1349 = arith.constant 16 : i32
        %add3A_1350 = arith.addi %multiple_of3A_1342, %add3A_1349 : i32
        %get3A_1351 = arith.constant 0 : i32
        %get3A_1352 = arith.index_cast %get3A_1351 : i32 to index
        %get3A_1353 = arith.index_cast %add3A_1350 : i32 to index
        %get3A_1354 = tpu.vector_load %arg7[%get3A_1352, %get3A_1353] {strides = array<i32>} : memref<8x1408xf32, #tpu.memory_space<vmem>>, vector<16xf32>,
        %add3A_1355 = arith.addf %add3A_1348, %get3A_1354 : vector<16xf32>
        %add3A_1356 = arith.constant 32 : i32
        %add3A_1357 = arith.addi %multiple_of3A_1342, %add3A_1356 : i32
        %get3A_1358 = arith.constant 0 : i32
        %get3A_1359 = arith.index_cast %get3A_1358 : i32 to index
        %get3A_1360 = arith.index_cast %add3A_1357 : i32 to index
        %get3A_1361 = tpu.vector_load %arg7[%get3A_1359, %get3A_1360] {strides = array<i32>} : memref<8x1408xf32, #tpu.memory_space<vmem>>, vector<16xf32>,
        %add3A_1362 = arith.addf %add3A_1355, %get3A_1361 : vector<16xf32>
        %add3A_1363 = arith.constant 48 : i32
        %add3A_1364 = arith.addi %multiple_of3A_1342, %add3A_1363 : i32
        %get3A_1365 = arith.constant 0 : i32
        %get3A_1366 = arith.index_cast %get3A_1365 : i32 to index
        %get3A_1367 = arith.index_cast %add3A_1364 : i32 to index
        %get3A_1368 = tpu.vector_load %arg7[%get3A_1366, %get3A_1367] {strides = array<i32>} : memref<8x1408xf32, #tpu.memory_space<vmem>>, vector<16xf32>,
        %add3A_1369 = arith.addf %add3A_1362, %get3A_1368 : vector<16xf32>
        %add3A_1370 = arith.constant 64 : i32
        %add3A_1371 = arith.addi %multiple_of3A_1342, %add3A_1370 : i32
        %get3A_1372 = arith.constant 0 : i32
        %get3A_1373 = arith.index_cast %get3A_1372 : i32 to index
        %get3A_1374 = arith.index_cast %add3A_1371 : i32 to index
        %get3A_1375 = tpu.vector_load %arg7[%get3A_1373, %get3A_1374] {strides = array<i32>} : memref<8x1408xf32, #tpu.memory_space<vmem>>, vector<16xf32>,
        %add3A_1376 = arith.addf %add3A_1369, %get3A_1375 : vector<16xf32>
        %add3A_1377 = arith.constant 80 : i32
        %add3A_1378 = arith.addi %multiple_of3A_1342, %add3A_1377 : i32
        %get3A_1379 = arith.constant 0 : i32
        %get3A_1380 = arith.index_cast %get3A_1379 : i32 to index
        %get3A_1381 = arith.index_cast %add3A_1378 : i32 to index
        %get3A_1382 = tpu.vector_load %arg7[%get3A_1380, %get3A_1381] {strides = array<i32>} : memref<8x1408xf32, #tpu.memory_space<vmem>>, vector<16xf32>,
        %add3A_1383 = arith.addf %add3A_1376, %get3A_1382 : vector<16xf32>
        %add3A_1384 = arith.constant 96 : i32
        %add3A_1385 = arith.addi %multiple_of3A_1342, %add3A_1384 : i32
        %get3A_1386 = arith.constant 0 : i32
        %get3A_1387 = arith.index_cast %get3A_1386 : i32 to index
        %get3A_1388 = arith.index_cast %add3A_1385 : i32 to index
        %get3A_1389 = tpu.vector_load %arg7[%get3A_1387, %get3A_1388] {strides = array<i32>} : memref<8x1408xf32, #tpu.memory_space<vmem>>, vector<16xf32>,
        %add3A_1390 = arith.addf %add3A_1383, %get3A_1389 : vector<16xf32>
        %add3A_1391 = arith.constant 112 : i32
        %add3A_1392 = arith.addi %multiple_of3A_1342, %add3A_1391 : i32
        %get3A_1393 = arith.constant 0 : i32
        %get3A_1394 = arith.index_cast %get3A_1393 : i32 to index
        %get3A_1395 = arith.index_cast %add3A_1392 : i32 to index
        %get3A_1396 = tpu.vector_load %arg7[%get3A_1394, %get3A_1395] {strides = array<i32>} : memref<8x1408xf32, #tpu.memory_space<vmem>>, vector<16xf32>,
        %add3A_1397 = arith.addf %add3A_1390, %get3A_1396 : vector<16xf32>
        scf.yield %add3A_1397 : vector<16xf32>
      }
      %scan3A_959 = arith.constant 11 : i32
      %broadcast_in_dim3A_960 = arith.constant 0 : i32
      %broadcast_in_dim3A_961 = vector.broadcast %broadcast_in_dim3A_960 : i32 to vector<16xi32>
      %ge3A_962 = vector.broadcast %mul3A_953 : i32 to vector<16xi32>
      %ge3A_963 = arith.cmpi sge, %gather3A, %ge3A_962 : vector<16xi32>
      %add3A_964 = arith.constant 1408 : i32
      %add3A_965 = arith.addi %mul3A_953, %add3A_964 : i32
      %lt3A_966 = vector.broadcast %add3A_965 : i32 to vector<16xi32>
      %lt3A_967 = arith.cmpi slt, %gather3A, %lt3A_966 : vector<16xi32>
      %and3A_968 = arith.andi %ge3A_963, %lt3A_967 : vector<16xi1>
      %sub3A_969 = vector.broadcast %mul3A_953 : i32 to vector<16xi32>
      %sub3A_970 = arith.subi %gather3A, %sub3A_969 : vector<16xi32>
      %jit3A_971 = arith.constant 0 : i32
      %broadcast_in_dim3A_972 = vector.broadcast %jit3A_971 : i32 to vector<16xi32>
      %select_n3A_973 = arith.select %and3A_968, %sub3A_970, %broadcast_in_dim3A_972 : vector<16xi1>, vector<16xi32>
      %gather3A_974 = tpu.vector_load_idx %arg7[%broadcast_in_dim3A_961, %select_n3A_973] : memref<8x1408xf32, #tpu.memory_space<vmem>>[vector<16xi32>, vector<16xi32>], vector<16xf32>,
      %and3A_975 = arith.andi %and3A_968, %eq3A_4 : vector<16xi1>
      %jit3A_976 = arith.constant 0.000000e+00 : f32
      %broadcast_in_dim3A_977 = vector.broadcast %jit3A_976 : f32 to vector<16xf32>
      %select_n3A_978 = arith.select %and3A_975, %gather3A_974, %broadcast_in_dim3A_977 : vector<16xi1>, vector<16xf32>
      %add3A_979 = arith.addf %add3A_920, %select_n3A_978 : vector<16xf32>
      %ge3A_980 = vector.broadcast %mul3A_953 : i32 to vector<16xi32>
      %ge3A_981 = arith.cmpi sge, %broadcast_in_dim3A_5, %ge3A_980 : vector<16xi32>
      %add3A_982 = arith.constant 1408 : i32
      %add3A_983 = arith.addi %mul3A_953, %add3A_982 : i32
      %lt3A_984 = vector.broadcast %add3A_983 : i32 to vector<16xi32>
      %lt3A_985 = arith.cmpi slt, %broadcast_in_dim3A_5, %lt3A_984 : vector<16xi32>
      %and3A_986 = arith.andi %ge3A_981, %lt3A_985 : vector<16xi1>
      %sub3A_987 = vector.broadcast %mul3A_953 : i32 to vector<16xi32>
      %sub3A_988 = arith.subi %broadcast_in_dim3A_5, %sub3A_987 : vector<16xi32>
      %jit3A_989 = arith.constant 0 : i32
      %broadcast_in_dim3A_990 = vector.broadcast %jit3A_989 : i32 to vector<16xi32>
      %select_n3A_991 = arith.select %and3A_986, %sub3A_988, %broadcast_in_dim3A_990 : vector<16xi1>, vector<16xi32>
      %gather3A_992 = tpu.vector_load_idx %arg7[%broadcast_in_dim3A_961, %select_n3A_991] : memref<8x1408xf32, #tpu.memory_space<vmem>>[vector<16xi32>, vector<16xi32>], vector<16xf32>,
      %and3A_993 = arith.andi %and3A_986, %eq3A_4 : vector<16xi1>
      %ne3A_994 = arith.constant 99900 : i32
      %ne3A_995 = vector.broadcast %ne3A_994 : i32 to vector<16xi32>
      %ne3A_996 = arith.cmpi ne, %gather3A, %ne3A_995 : vector<16xi32>
      %and3A_997 = arith.andi %and3A_993, %ne3A_996 : vector<16xi1>
      %jit3A_998 = arith.constant 0.000000e+00 : f32
      %broadcast_in_dim3A_999 = vector.broadcast %jit3A_998 : f32 to vector<16xf32>
      %select_n3A_1000 = arith.select %and3A_997, %gather3A_992, %broadcast_in_dim3A_999 : vector<16xi1>, vector<16xf32>
      %add3A_1001 = arith.addf %add3A_942, %select_n3A_1000 : vector<16xf32>
      %scan3A_1002 = arith.constant 0 : i32
      %scan3A_1003 = arith.constant 11 : i32
      %scan3A_1004 = arith.addi %scan3A_1002, %scan3A_1003 : i32
      %scan3A_1005 = arith.constant 1 : i32
      %scan3A_1006 = scf.for %scan3A_1338 = %scan3A_1002 to %scan3A_1004 step %scan3A_1005 iter_args(%scan3A_1339 = %scan3A_958) -> (vector<16xf32>)  : i32 {
        %mul3A_1340 = arith.constant 128 : i32
        %mul3A_1341 = arith.muli %scan3A_1338, %mul3A_1340 : i32
        %multiple_of3A_1342 = tpu.assume_multiple %mul3A_1341, 128 : i32
        %add3A_1343 = arith.constant 0 : i32
        %add3A_1344 = arith.addi %multiple_of3A_1342, %add3A_1343 : i32
        %get3A = arith.constant 1 : i32
        %get3A_1345 = arith.index_cast %get3A : i32 to index
        %get3A_1346 = arith.index_cast %add3A_1344 : i32 to index
        %get3A_1347 = tpu.vector_load %arg7[%get3A_1345, %get3A_1346] {strides = array<i32>} : memref<8x1408xf32, #tpu.memory_space<vmem>>, vector<16xf32>,
        %add3A_1348 = arith.addf %scan3A_1339, %get3A_1347 : vector<16xf32>
        %add3A_1349 = arith.constant 16 : i32
        %add3A_1350 = arith.addi %multiple_of3A_1342, %add3A_1349 : i32
        %get3A_1351 = arith.constant 1 : i32
        %get3A_1352 = arith.index_cast %get3A_1351 : i32 to index
        %get3A_1353 = arith.index_cast %add3A_1350 : i32 to index
        %get3A_1354 = tpu.vector_load %arg7[%get3A_1352, %get3A_1353] {strides = array<i32>} : memref<8x1408xf32, #tpu.memory_space<vmem>>, vector<16xf32>,
        %add3A_1355 = arith.addf %add3A_1348, %get3A_1354 : vector<16xf32>
        %add3A_1356 = arith.constant 32 : i32
        %add3A_1357 = arith.addi %multiple_of3A_1342, %add3A_1356 : i32
        %get3A_1358 = arith.constant 1 : i32
        %get3A_1359 = arith.index_cast %get3A_1358 : i32 to index
        %get3A_1360 = arith.index_cast %add3A_1357 : i32 to index
        %get3A_1361 = tpu.vector_load %arg7[%get3A_1359, %get3A_1360] {strides = array<i32>} : memref<8x1408xf32, #tpu.memory_space<vmem>>, vector<16xf32>,
        %add3A_1362 = arith.addf %add3A_1355, %get3A_1361 : vector<16xf32>
        %add3A_1363 = arith.constant 48 : i32
        %add3A_1364 = arith.addi %multiple_of3A_1342, %add3A_1363 : i32
        %get3A_1365 = arith.constant 1 : i32
        %get3A_1366 = arith.index_cast %get3A_1365 : i32 to index
        %get3A_1367 = arith.index_cast %add3A_1364 : i32 to index
        %get3A_1368 = tpu.vector_load %arg7[%get3A_1366, %get3A_1367] {strides = array<i32>} : memref<8x1408xf32, #tpu.memory_space<vmem>>, vector<16xf32>,
        %add3A_1369 = arith.addf %add3A_1362, %get3A_1368 : vector<16xf32>
        %add3A_1370 = arith.constant 64 : i32
        %add3A_1371 = arith.addi %multiple_of3A_1342, %add3A_1370 : i32
        %get3A_1372 = arith.constant 1 : i32
        %get3A_1373 = arith.index_cast %get3A_1372 : i32 to index
        %get3A_1374 = arith.index_cast %add3A_1371 : i32 to index
        %get3A_1375 = tpu.vector_load %arg7[%get3A_1373, %get3A_1374] {strides = array<i32>} : memref<8x1408xf32, #tpu.memory_space<vmem>>, vector<16xf32>,
        %add3A_1376 = arith.addf %add3A_1369, %get3A_1375 : vector<16xf32>
        %add3A_1377 = arith.constant 80 : i32
        %add3A_1378 = arith.addi %multiple_of3A_1342, %add3A_1377 : i32
        %get3A_1379 = arith.constant 1 : i32
        %get3A_1380 = arith.index_cast %get3A_1379 : i32 to index
        %get3A_1381 = arith.index_cast %add3A_1378 : i32 to index
        %get3A_1382 = tpu.vector_load %arg7[%get3A_1380, %get3A_1381] {strides = array<i32>} : memref<8x1408xf32, #tpu.memory_space<vmem>>, vector<16xf32>,
        %add3A_1383 = arith.addf %add3A_1376, %get3A_1382 : vector<16xf32>
        %add3A_1384 = arith.constant 96 : i32
        %add3A_1385 = arith.addi %multiple_of3A_1342, %add3A_1384 : i32
        %get3A_1386 = arith.constant 1 : i32
        %get3A_1387 = arith.index_cast %get3A_1386 : i32 to index
        %get3A_1388 = arith.index_cast %add3A_1385 : i32 to index
        %get3A_1389 = tpu.vector_load %arg7[%get3A_1387, %get3A_1388] {strides = array<i32>} : memref<8x1408xf32, #tpu.memory_space<vmem>>, vector<16xf32>,
        %add3A_1390 = arith.addf %add3A_1383, %get3A_1389 : vector<16xf32>
        %add3A_1391 = arith.constant 112 : i32
        %add3A_1392 = arith.addi %multiple_of3A_1342, %add3A_1391 : i32
        %get3A_1393 = arith.constant 1 : i32
        %get3A_1394 = arith.index_cast %get3A_1393 : i32 to index
        %get3A_1395 = arith.index_cast %add3A_1392 : i32 to index
        %get3A_1396 = tpu.vector_load %arg7[%get3A_1394, %get3A_1395] {strides = array<i32>} : memref<8x1408xf32, #tpu.memory_space<vmem>>, vector<16xf32>,
        %add3A_1397 = arith.addf %add3A_1390, %get3A_1396 : vector<16xf32>
        scf.yield %add3A_1397 : vector<16xf32>
      }
      %scan3A_1007 = arith.constant 11 : i32
      %broadcast_in_dim3A_1008 = arith.constant 1 : i32
      %broadcast_in_dim3A_1009 = vector.broadcast %broadcast_in_dim3A_1008 : i32 to vector<16xi32>
      %ge3A_1010 = vector.broadcast %mul3A_953 : i32 to vector<16xi32>
      %ge3A_1011 = arith.cmpi sge, %gather3A_14, %ge3A_1010 : vector<16xi32>
      %add3A_1012 = arith.constant 1408 : i32
      %add3A_1013 = arith.addi %mul3A_953, %add3A_1012 : i32
      %lt3A_1014 = vector.broadcast %add3A_1013 : i32 to vector<16xi32>
      %lt3A_1015 = arith.cmpi slt, %gather3A_14, %lt3A_1014 : vector<16xi32>
      %and3A_1016 = arith.andi %ge3A_1011, %lt3A_1015 : vector<16xi1>
      %sub3A_1017 = vector.broadcast %mul3A_953 : i32 to vector<16xi32>
      %sub3A_1018 = arith.subi %gather3A_14, %sub3A_1017 : vector<16xi32>
      %jit3A_1019 = arith.constant 0 : i32
      %broadcast_in_dim3A_1020 = vector.broadcast %jit3A_1019 : i32 to vector<16xi32>
      %select_n3A_1021 = arith.select %and3A_1016, %sub3A_1018, %broadcast_in_dim3A_1020 : vector<16xi1>, vector<16xi32>
      %gather3A_1022 = tpu.vector_load_idx %arg7[%broadcast_in_dim3A_1009, %select_n3A_1021] : memref<8x1408xf32, #tpu.memory_space<vmem>>[vector<16xi32>, vector<16xi32>], vector<16xf32>,
      %and3A_1023 = arith.andi %and3A_1016, %eq3A_4 : vector<16xi1>
      %jit3A_1024 = arith.constant 0.000000e+00 : f32
      %broadcast_in_dim3A_1025 = vector.broadcast %jit3A_1024 : f32 to vector<16xf32>
      %select_n3A_1026 = arith.select %and3A_1023, %gather3A_1022, %broadcast_in_dim3A_1025 : vector<16xi1>, vector<16xf32>
      %add3A_1027 = arith.addf %add3A_979, %select_n3A_1026 : vector<16xf32>
      %ge3A_1028 = vector.broadcast %mul3A_953 : i32 to vector<16xi32>
      %ge3A_1029 = arith.cmpi sge, %broadcast_in_dim3A_5, %ge3A_1028 : vector<16xi32>
      %add3A_1030 = arith.constant 1408 : i32
      %add3A_1031 = arith.addi %mul3A_953, %add3A_1030 : i32
      %lt3A_1032 = vector.broadcast %add3A_1031 : i32 to vector<16xi32>
      %lt3A_1033 = arith.cmpi slt, %broadcast_in_dim3A_5, %lt3A_1032 : vector<16xi32>
      %and3A_1034 = arith.andi %ge3A_1029, %lt3A_1033 : vector<16xi1>
      %sub3A_1035 = vector.broadcast %mul3A_953 : i32 to vector<16xi32>
      %sub3A_1036 = arith.subi %broadcast_in_dim3A_5, %sub3A_1035 : vector<16xi32>
      %jit3A_1037 = arith.constant 0 : i32
      %broadcast_in_dim3A_1038 = vector.broadcast %jit3A_1037 : i32 to vector<16xi32>
      %select_n3A_1039 = arith.select %and3A_1034, %sub3A_1036, %broadcast_in_dim3A_1038 : vector<16xi1>, vector<16xi32>
      %gather3A_1040 = tpu.vector_load_idx %arg7[%broadcast_in_dim3A_1009, %select_n3A_1039] : memref<8x1408xf32, #tpu.memory_space<vmem>>[vector<16xi32>, vector<16xi32>], vector<16xf32>,
      %and3A_1041 = arith.andi %and3A_1034, %eq3A_4 : vector<16xi1>
      %ne3A_1042 = arith.constant 99900 : i32
      %ne3A_1043 = vector.broadcast %ne3A_1042 : i32 to vector<16xi32>
      %ne3A_1044 = arith.cmpi ne, %gather3A_14, %ne3A_1043 : vector<16xi32>
      %and3A_1045 = arith.andi %and3A_1041, %ne3A_1044 : vector<16xi1>
      %jit3A_1046 = arith.constant 0.000000e+00 : f32
      %broadcast_in_dim3A_1047 = vector.broadcast %jit3A_1046 : f32 to vector<16xf32>
      %select_n3A_1048 = arith.select %and3A_1045, %gather3A_1040, %broadcast_in_dim3A_1047 : vector<16xi1>, vector<16xf32>
      %add3A_1049 = arith.addf %add3A_1001, %select_n3A_1048 : vector<16xf32>
      %scan3A_1050 = arith.constant 0 : i32
      %scan3A_1051 = arith.constant 11 : i32
      %scan3A_1052 = arith.addi %scan3A_1050, %scan3A_1051 : i32
      %scan3A_1053 = arith.constant 1 : i32
      %scan3A_1054 = scf.for %scan3A_1338 = %scan3A_1050 to %scan3A_1052 step %scan3A_1053 iter_args(%scan3A_1339 = %scan3A_1006) -> (vector<16xf32>)  : i32 {
        %mul3A_1340 = arith.constant 128 : i32
        %mul3A_1341 = arith.muli %scan3A_1338, %mul3A_1340 : i32
        %multiple_of3A_1342 = tpu.assume_multiple %mul3A_1341, 128 : i32
        %add3A_1343 = arith.constant 0 : i32
        %add3A_1344 = arith.addi %multiple_of3A_1342, %add3A_1343 : i32
        %get3A = arith.constant 2 : i32
        %get3A_1345 = arith.index_cast %get3A : i32 to index
        %get3A_1346 = arith.index_cast %add3A_1344 : i32 to index
        %get3A_1347 = tpu.vector_load %arg7[%get3A_1345, %get3A_1346] {strides = array<i32>} : memref<8x1408xf32, #tpu.memory_space<vmem>>, vector<16xf32>,
        %add3A_1348 = arith.addf %scan3A_1339, %get3A_1347 : vector<16xf32>
        %add3A_1349 = arith.constant 16 : i32
        %add3A_1350 = arith.addi %multiple_of3A_1342, %add3A_1349 : i32
        %get3A_1351 = arith.constant 2 : i32
        %get3A_1352 = arith.index_cast %get3A_1351 : i32 to index
        %get3A_1353 = arith.index_cast %add3A_1350 : i32 to index
        %get3A_1354 = tpu.vector_load %arg7[%get3A_1352, %get3A_1353] {strides = array<i32>} : memref<8x1408xf32, #tpu.memory_space<vmem>>, vector<16xf32>,
        %add3A_1355 = arith.addf %add3A_1348, %get3A_1354 : vector<16xf32>
        %add3A_1356 = arith.constant 32 : i32
        %add3A_1357 = arith.addi %multiple_of3A_1342, %add3A_1356 : i32
        %get3A_1358 = arith.constant 2 : i32
        %get3A_1359 = arith.index_cast %get3A_1358 : i32 to index
        %get3A_1360 = arith.index_cast %add3A_1357 : i32 to index
        %get3A_1361 = tpu.vector_load %arg7[%get3A_1359, %get3A_1360] {strides = array<i32>} : memref<8x1408xf32, #tpu.memory_space<vmem>>, vector<16xf32>,
        %add3A_1362 = arith.addf %add3A_1355, %get3A_1361 : vector<16xf32>
        %add3A_1363 = arith.constant 48 : i32
        %add3A_1364 = arith.addi %multiple_of3A_1342, %add3A_1363 : i32
        %get3A_1365 = arith.constant 2 : i32
        %get3A_1366 = arith.index_cast %get3A_1365 : i32 to index
        %get3A_1367 = arith.index_cast %add3A_1364 : i32 to index
        %get3A_1368 = tpu.vector_load %arg7[%get3A_1366, %get3A_1367] {strides = array<i32>} : memref<8x1408xf32, #tpu.memory_space<vmem>>, vector<16xf32>,
        %add3A_1369 = arith.addf %add3A_1362, %get3A_1368 : vector<16xf32>
        %add3A_1370 = arith.constant 64 : i32
        %add3A_1371 = arith.addi %multiple_of3A_1342, %add3A_1370 : i32
        %get3A_1372 = arith.constant 2 : i32
        %get3A_1373 = arith.index_cast %get3A_1372 : i32 to index
        %get3A_1374 = arith.index_cast %add3A_1371 : i32 to index
        %get3A_1375 = tpu.vector_load %arg7[%get3A_1373, %get3A_1374] {strides = array<i32>} : memref<8x1408xf32, #tpu.memory_space<vmem>>, vector<16xf32>,
        %add3A_1376 = arith.addf %add3A_1369, %get3A_1375 : vector<16xf32>
        %add3A_1377 = arith.constant 80 : i32
        %add3A_1378 = arith.addi %multiple_of3A_1342, %add3A_1377 : i32
        %get3A_1379 = arith.constant 2 : i32
        %get3A_1380 = arith.index_cast %get3A_1379 : i32 to index
        %get3A_1381 = arith.index_cast %add3A_1378 : i32 to index
        %get3A_1382 = tpu.vector_load %arg7[%get3A_1380, %get3A_1381] {strides = array<i32>} : memref<8x1408xf32, #tpu.memory_space<vmem>>, vector<16xf32>,
        %add3A_1383 = arith.addf %add3A_1376, %get3A_1382 : vector<16xf32>
        %add3A_1384 = arith.constant 96 : i32
        %add3A_1385 = arith.addi %multiple_of3A_1342, %add3A_1384 : i32
        %get3A_1386 = arith.constant 2 : i32
        %get3A_1387 = arith.index_cast %get3A_1386 : i32 to index
        %get3A_1388 = arith.index_cast %add3A_1385 : i32 to index
        %get3A_1389 = tpu.vector_load %arg7[%get3A_1387, %get3A_1388] {strides = array<i32>} : memref<8x1408xf32, #tpu.memory_space<vmem>>, vector<16xf32>,
        %add3A_1390 = arith.addf %add3A_1383, %get3A_1389 : vector<16xf32>
        %add3A_1391 = arith.constant 112 : i32
        %add3A_1392 = arith.addi %multiple_of3A_1342, %add3A_1391 : i32
        %get3A_1393 = arith.constant 2 : i32
        %get3A_1394 = arith.index_cast %get3A_1393 : i32 to index
        %get3A_1395 = arith.index_cast %add3A_1392 : i32 to index
        %get3A_1396 = tpu.vector_load %arg7[%get3A_1394, %get3A_1395] {strides = array<i32>} : memref<8x1408xf32, #tpu.memory_space<vmem>>, vector<16xf32>,
        %add3A_1397 = arith.addf %add3A_1390, %get3A_1396 : vector<16xf32>
        scf.yield %add3A_1397 : vector<16xf32>
      }
      %scan3A_1055 = arith.constant 11 : i32
      %broadcast_in_dim3A_1056 = arith.constant 2 : i32
      %broadcast_in_dim3A_1057 = vector.broadcast %broadcast_in_dim3A_1056 : i32 to vector<16xi32>
      %ge3A_1058 = vector.broadcast %mul3A_953 : i32 to vector<16xi32>
      %ge3A_1059 = arith.cmpi sge, %gather3A_17, %ge3A_1058 : vector<16xi32>
      %add3A_1060 = arith.constant 1408 : i32
      %add3A_1061 = arith.addi %mul3A_953, %add3A_1060 : i32
      %lt3A_1062 = vector.broadcast %add3A_1061 : i32 to vector<16xi32>
      %lt3A_1063 = arith.cmpi slt, %gather3A_17, %lt3A_1062 : vector<16xi32>
      %and3A_1064 = arith.andi %ge3A_1059, %lt3A_1063 : vector<16xi1>
      %sub3A_1065 = vector.broadcast %mul3A_953 : i32 to vector<16xi32>
      %sub3A_1066 = arith.subi %gather3A_17, %sub3A_1065 : vector<16xi32>
      %jit3A_1067 = arith.constant 0 : i32
      %broadcast_in_dim3A_1068 = vector.broadcast %jit3A_1067 : i32 to vector<16xi32>
      %select_n3A_1069 = arith.select %and3A_1064, %sub3A_1066, %broadcast_in_dim3A_1068 : vector<16xi1>, vector<16xi32>
      %gather3A_1070 = tpu.vector_load_idx %arg7[%broadcast_in_dim3A_1057, %select_n3A_1069] : memref<8x1408xf32, #tpu.memory_space<vmem>>[vector<16xi32>, vector<16xi32>], vector<16xf32>,
      %and3A_1071 = arith.andi %and3A_1064, %eq3A_4 : vector<16xi1>
      %jit3A_1072 = arith.constant 0.000000e+00 : f32
      %broadcast_in_dim3A_1073 = vector.broadcast %jit3A_1072 : f32 to vector<16xf32>
      %select_n3A_1074 = arith.select %and3A_1071, %gather3A_1070, %broadcast_in_dim3A_1073 : vector<16xi1>, vector<16xf32>
      %add3A_1075 = arith.addf %add3A_1027, %select_n3A_1074 : vector<16xf32>
      %ge3A_1076 = vector.broadcast %mul3A_953 : i32 to vector<16xi32>
      %ge3A_1077 = arith.cmpi sge, %broadcast_in_dim3A_5, %ge3A_1076 : vector<16xi32>
      %add3A_1078 = arith.constant 1408 : i32
      %add3A_1079 = arith.addi %mul3A_953, %add3A_1078 : i32
      %lt3A_1080 = vector.broadcast %add3A_1079 : i32 to vector<16xi32>
      %lt3A_1081 = arith.cmpi slt, %broadcast_in_dim3A_5, %lt3A_1080 : vector<16xi32>
      %and3A_1082 = arith.andi %ge3A_1077, %lt3A_1081 : vector<16xi1>
      %sub3A_1083 = vector.broadcast %mul3A_953 : i32 to vector<16xi32>
      %sub3A_1084 = arith.subi %broadcast_in_dim3A_5, %sub3A_1083 : vector<16xi32>
      %jit3A_1085 = arith.constant 0 : i32
      %broadcast_in_dim3A_1086 = vector.broadcast %jit3A_1085 : i32 to vector<16xi32>
      %select_n3A_1087 = arith.select %and3A_1082, %sub3A_1084, %broadcast_in_dim3A_1086 : vector<16xi1>, vector<16xi32>
      %gather3A_1088 = tpu.vector_load_idx %arg7[%broadcast_in_dim3A_1057, %select_n3A_1087] : memref<8x1408xf32, #tpu.memory_space<vmem>>[vector<16xi32>, vector<16xi32>], vector<16xf32>,
      %and3A_1089 = arith.andi %and3A_1082, %eq3A_4 : vector<16xi1>
      %ne3A_1090 = arith.constant 99900 : i32
      %ne3A_1091 = vector.broadcast %ne3A_1090 : i32 to vector<16xi32>
      %ne3A_1092 = arith.cmpi ne, %gather3A_17, %ne3A_1091 : vector<16xi32>
      %and3A_1093 = arith.andi %and3A_1089, %ne3A_1092 : vector<16xi1>
      %jit3A_1094 = arith.constant 0.000000e+00 : f32
      %broadcast_in_dim3A_1095 = vector.broadcast %jit3A_1094 : f32 to vector<16xf32>
      %select_n3A_1096 = arith.select %and3A_1093, %gather3A_1088, %broadcast_in_dim3A_1095 : vector<16xi1>, vector<16xf32>
      %add3A_1097 = arith.addf %add3A_1049, %select_n3A_1096 : vector<16xf32>
      %scan3A_1098 = arith.constant 0 : i32
      %scan3A_1099 = arith.constant 11 : i32
      %scan3A_1100 = arith.addi %scan3A_1098, %scan3A_1099 : i32
      %scan3A_1101 = arith.constant 1 : i32
      %scan3A_1102 = scf.for %scan3A_1338 = %scan3A_1098 to %scan3A_1100 step %scan3A_1101 iter_args(%scan3A_1339 = %scan3A_1054) -> (vector<16xf32>)  : i32 {
        %mul3A_1340 = arith.constant 128 : i32
        %mul3A_1341 = arith.muli %scan3A_1338, %mul3A_1340 : i32
        %multiple_of3A_1342 = tpu.assume_multiple %mul3A_1341, 128 : i32
        %add3A_1343 = arith.constant 0 : i32
        %add3A_1344 = arith.addi %multiple_of3A_1342, %add3A_1343 : i32
        %get3A = arith.constant 3 : i32
        %get3A_1345 = arith.index_cast %get3A : i32 to index
        %get3A_1346 = arith.index_cast %add3A_1344 : i32 to index
        %get3A_1347 = tpu.vector_load %arg7[%get3A_1345, %get3A_1346] {strides = array<i32>} : memref<8x1408xf32, #tpu.memory_space<vmem>>, vector<16xf32>,
        %add3A_1348 = arith.addf %scan3A_1339, %get3A_1347 : vector<16xf32>
        %add3A_1349 = arith.constant 16 : i32
        %add3A_1350 = arith.addi %multiple_of3A_1342, %add3A_1349 : i32
        %get3A_1351 = arith.constant 3 : i32
        %get3A_1352 = arith.index_cast %get3A_1351 : i32 to index
        %get3A_1353 = arith.index_cast %add3A_1350 : i32 to index
        %get3A_1354 = tpu.vector_load %arg7[%get3A_1352, %get3A_1353] {strides = array<i32>} : memref<8x1408xf32, #tpu.memory_space<vmem>>, vector<16xf32>,
        %add3A_1355 = arith.addf %add3A_1348, %get3A_1354 : vector<16xf32>
        %add3A_1356 = arith.constant 32 : i32
        %add3A_1357 = arith.addi %multiple_of3A_1342, %add3A_1356 : i32
        %get3A_1358 = arith.constant 3 : i32
        %get3A_1359 = arith.index_cast %get3A_1358 : i32 to index
        %get3A_1360 = arith.index_cast %add3A_1357 : i32 to index
        %get3A_1361 = tpu.vector_load %arg7[%get3A_1359, %get3A_1360] {strides = array<i32>} : memref<8x1408xf32, #tpu.memory_space<vmem>>, vector<16xf32>,
        %add3A_1362 = arith.addf %add3A_1355, %get3A_1361 : vector<16xf32>
        %add3A_1363 = arith.constant 48 : i32
        %add3A_1364 = arith.addi %multiple_of3A_1342, %add3A_1363 : i32
        %get3A_1365 = arith.constant 3 : i32
        %get3A_1366 = arith.index_cast %get3A_1365 : i32 to index
        %get3A_1367 = arith.index_cast %add3A_1364 : i32 to index
        %get3A_1368 = tpu.vector_load %arg7[%get3A_1366, %get3A_1367] {strides = array<i32>} : memref<8x1408xf32, #tpu.memory_space<vmem>>, vector<16xf32>,
        %add3A_1369 = arith.addf %add3A_1362, %get3A_1368 : vector<16xf32>
        %add3A_1370 = arith.constant 64 : i32
        %add3A_1371 = arith.addi %multiple_of3A_1342, %add3A_1370 : i32
        %get3A_1372 = arith.constant 3 : i32
        %get3A_1373 = arith.index_cast %get3A_1372 : i32 to index
        %get3A_1374 = arith.index_cast %add3A_1371 : i32 to index
        %get3A_1375 = tpu.vector_load %arg7[%get3A_1373, %get3A_1374] {strides = array<i32>} : memref<8x1408xf32, #tpu.memory_space<vmem>>, vector<16xf32>,
        %add3A_1376 = arith.addf %add3A_1369, %get3A_1375 : vector<16xf32>
        %add3A_1377 = arith.constant 80 : i32
        %add3A_1378 = arith.addi %multiple_of3A_1342, %add3A_1377 : i32
        %get3A_1379 = arith.constant 3 : i32
        %get3A_1380 = arith.index_cast %get3A_1379 : i32 to index
        %get3A_1381 = arith.index_cast %add3A_1378 : i32 to index
        %get3A_1382 = tpu.vector_load %arg7[%get3A_1380, %get3A_1381] {strides = array<i32>} : memref<8x1408xf32, #tpu.memory_space<vmem>>, vector<16xf32>,
        %add3A_1383 = arith.addf %add3A_1376, %get3A_1382 : vector<16xf32>
        %add3A_1384 = arith.constant 96 : i32
        %add3A_1385 = arith.addi %multiple_of3A_1342, %add3A_1384 : i32
        %get3A_1386 = arith.constant 3 : i32
        %get3A_1387 = arith.index_cast %get3A_1386 : i32 to index
        %get3A_1388 = arith.index_cast %add3A_1385 : i32 to index
        %get3A_1389 = tpu.vector_load %arg7[%get3A_1387, %get3A_1388] {strides = array<i32>} : memref<8x1408xf32, #tpu.memory_space<vmem>>, vector<16xf32>,
        %add3A_1390 = arith.addf %add3A_1383, %get3A_1389 : vector<16xf32>
        %add3A_1391 = arith.constant 112 : i32
        %add3A_1392 = arith.addi %multiple_of3A_1342, %add3A_1391 : i32
        %get3A_1393 = arith.constant 3 : i32
        %get3A_1394 = arith.index_cast %get3A_1393 : i32 to index
        %get3A_1395 = arith.index_cast %add3A_1392 : i32 to index
        %get3A_1396 = tpu.vector_load %arg7[%get3A_1394, %get3A_1395] {strides = array<i32>} : memref<8x1408xf32, #tpu.memory_space<vmem>>, vector<16xf32>,
        %add3A_1397 = arith.addf %add3A_1390, %get3A_1396 : vector<16xf32>
        scf.yield %add3A_1397 : vector<16xf32>
      }
      %scan3A_1103 = arith.constant 11 : i32
      %broadcast_in_dim3A_1104 = arith.constant 3 : i32
      %broadcast_in_dim3A_1105 = vector.broadcast %broadcast_in_dim3A_1104 : i32 to vector<16xi32>
      %ge3A_1106 = vector.broadcast %mul3A_953 : i32 to vector<16xi32>
      %ge3A_1107 = arith.cmpi sge, %gather3A_20, %ge3A_1106 : vector<16xi32>
      %add3A_1108 = arith.constant 1408 : i32
      %add3A_1109 = arith.addi %mul3A_953, %add3A_1108 : i32
      %lt3A_1110 = vector.broadcast %add3A_1109 : i32 to vector<16xi32>
      %lt3A_1111 = arith.cmpi slt, %gather3A_20, %lt3A_1110 : vector<16xi32>
      %and3A_1112 = arith.andi %ge3A_1107, %lt3A_1111 : vector<16xi1>
      %sub3A_1113 = vector.broadcast %mul3A_953 : i32 to vector<16xi32>
      %sub3A_1114 = arith.subi %gather3A_20, %sub3A_1113 : vector<16xi32>
      %jit3A_1115 = arith.constant 0 : i32
      %broadcast_in_dim3A_1116 = vector.broadcast %jit3A_1115 : i32 to vector<16xi32>
      %select_n3A_1117 = arith.select %and3A_1112, %sub3A_1114, %broadcast_in_dim3A_1116 : vector<16xi1>, vector<16xi32>
      %gather3A_1118 = tpu.vector_load_idx %arg7[%broadcast_in_dim3A_1105, %select_n3A_1117] : memref<8x1408xf32, #tpu.memory_space<vmem>>[vector<16xi32>, vector<16xi32>], vector<16xf32>,
      %and3A_1119 = arith.andi %and3A_1112, %eq3A_4 : vector<16xi1>
      %jit3A_1120 = arith.constant 0.000000e+00 : f32
      %broadcast_in_dim3A_1121 = vector.broadcast %jit3A_1120 : f32 to vector<16xf32>
      %select_n3A_1122 = arith.select %and3A_1119, %gather3A_1118, %broadcast_in_dim3A_1121 : vector<16xi1>, vector<16xf32>
      %add3A_1123 = arith.addf %add3A_1075, %select_n3A_1122 : vector<16xf32>
      %ge3A_1124 = vector.broadcast %mul3A_953 : i32 to vector<16xi32>
      %ge3A_1125 = arith.cmpi sge, %broadcast_in_dim3A_5, %ge3A_1124 : vector<16xi32>
      %add3A_1126 = arith.constant 1408 : i32
      %add3A_1127 = arith.addi %mul3A_953, %add3A_1126 : i32
      %lt3A_1128 = vector.broadcast %add3A_1127 : i32 to vector<16xi32>
      %lt3A_1129 = arith.cmpi slt, %broadcast_in_dim3A_5, %lt3A_1128 : vector<16xi32>
      %and3A_1130 = arith.andi %ge3A_1125, %lt3A_1129 : vector<16xi1>
      %sub3A_1131 = vector.broadcast %mul3A_953 : i32 to vector<16xi32>
      %sub3A_1132 = arith.subi %broadcast_in_dim3A_5, %sub3A_1131 : vector<16xi32>
      %jit3A_1133 = arith.constant 0 : i32
      %broadcast_in_dim3A_1134 = vector.broadcast %jit3A_1133 : i32 to vector<16xi32>
      %select_n3A_1135 = arith.select %and3A_1130, %sub3A_1132, %broadcast_in_dim3A_1134 : vector<16xi1>, vector<16xi32>
      %gather3A_1136 = tpu.vector_load_idx %arg7[%broadcast_in_dim3A_1105, %select_n3A_1135] : memref<8x1408xf32, #tpu.memory_space<vmem>>[vector<16xi32>, vector<16xi32>], vector<16xf32>,
      %and3A_1137 = arith.andi %and3A_1130, %eq3A_4 : vector<16xi1>
      %ne3A_1138 = arith.constant 99900 : i32
      %ne3A_1139 = vector.broadcast %ne3A_1138 : i32 to vector<16xi32>
      %ne3A_1140 = arith.cmpi ne, %gather3A_20, %ne3A_1139 : vector<16xi32>
      %and3A_1141 = arith.andi %and3A_1137, %ne3A_1140 : vector<16xi1>
      %jit3A_1142 = arith.constant 0.000000e+00 : f32
      %broadcast_in_dim3A_1143 = vector.broadcast %jit3A_1142 : f32 to vector<16xf32>
      %select_n3A_1144 = arith.select %and3A_1141, %gather3A_1136, %broadcast_in_dim3A_1143 : vector<16xi1>, vector<16xf32>
      %add3A_1145 = arith.addf %add3A_1097, %select_n3A_1144 : vector<16xf32>
      %scan3A_1146 = arith.constant 0 : i32
      %scan3A_1147 = arith.constant 11 : i32
      %scan3A_1148 = arith.addi %scan3A_1146, %scan3A_1147 : i32
      %scan3A_1149 = arith.constant 1 : i32
      %scan3A_1150 = scf.for %scan3A_1338 = %scan3A_1146 to %scan3A_1148 step %scan3A_1149 iter_args(%scan3A_1339 = %scan3A_1102) -> (vector<16xf32>)  : i32 {
        %mul3A_1340 = arith.constant 128 : i32
        %mul3A_1341 = arith.muli %scan3A_1338, %mul3A_1340 : i32
        %multiple_of3A_1342 = tpu.assume_multiple %mul3A_1341, 128 : i32
        %add3A_1343 = arith.constant 0 : i32
        %add3A_1344 = arith.addi %multiple_of3A_1342, %add3A_1343 : i32
        %get3A = arith.constant 4 : i32
        %get3A_1345 = arith.index_cast %get3A : i32 to index
        %get3A_1346 = arith.index_cast %add3A_1344 : i32 to index
        %get3A_1347 = tpu.vector_load %arg7[%get3A_1345, %get3A_1346] {strides = array<i32>} : memref<8x1408xf32, #tpu.memory_space<vmem>>, vector<16xf32>,
        %add3A_1348 = arith.addf %scan3A_1339, %get3A_1347 : vector<16xf32>
        %add3A_1349 = arith.constant 16 : i32
        %add3A_1350 = arith.addi %multiple_of3A_1342, %add3A_1349 : i32
        %get3A_1351 = arith.constant 4 : i32
        %get3A_1352 = arith.index_cast %get3A_1351 : i32 to index
        %get3A_1353 = arith.index_cast %add3A_1350 : i32 to index
        %get3A_1354 = tpu.vector_load %arg7[%get3A_1352, %get3A_1353] {strides = array<i32>} : memref<8x1408xf32, #tpu.memory_space<vmem>>, vector<16xf32>,
        %add3A_1355 = arith.addf %add3A_1348, %get3A_1354 : vector<16xf32>
        %add3A_1356 = arith.constant 32 : i32
        %add3A_1357 = arith.addi %multiple_of3A_1342, %add3A_1356 : i32
        %get3A_1358 = arith.constant 4 : i32
        %get3A_1359 = arith.index_cast %get3A_1358 : i32 to index
        %get3A_1360 = arith.index_cast %add3A_1357 : i32 to index
        %get3A_1361 = tpu.vector_load %arg7[%get3A_1359, %get3A_1360] {strides = array<i32>} : memref<8x1408xf32, #tpu.memory_space<vmem>>, vector<16xf32>,
        %add3A_1362 = arith.addf %add3A_1355, %get3A_1361 : vector<16xf32>
        %add3A_1363 = arith.constant 48 : i32
        %add3A_1364 = arith.addi %multiple_of3A_1342, %add3A_1363 : i32
        %get3A_1365 = arith.constant 4 : i32
        %get3A_1366 = arith.index_cast %get3A_1365 : i32 to index
        %get3A_1367 = arith.index_cast %add3A_1364 : i32 to index
        %get3A_1368 = tpu.vector_load %arg7[%get3A_1366, %get3A_1367] {strides = array<i32>} : memref<8x1408xf32, #tpu.memory_space<vmem>>, vector<16xf32>,
        %add3A_1369 = arith.addf %add3A_1362, %get3A_1368 : vector<16xf32>
        %add3A_1370 = arith.constant 64 : i32
        %add3A_1371 = arith.addi %multiple_of3A_1342, %add3A_1370 : i32
        %get3A_1372 = arith.constant 4 : i32
        %get3A_1373 = arith.index_cast %get3A_1372 : i32 to index
        %get3A_1374 = arith.index_cast %add3A_1371 : i32 to index
        %get3A_1375 = tpu.vector_load %arg7[%get3A_1373, %get3A_1374] {strides = array<i32>} : memref<8x1408xf32, #tpu.memory_space<vmem>>, vector<16xf32>,
        %add3A_1376 = arith.addf %add3A_1369, %get3A_1375 : vector<16xf32>
        %add3A_1377 = arith.constant 80 : i32
        %add3A_1378 = arith.addi %multiple_of3A_1342, %add3A_1377 : i32
        %get3A_1379 = arith.constant 4 : i32
        %get3A_1380 = arith.index_cast %get3A_1379 : i32 to index
        %get3A_1381 = arith.index_cast %add3A_1378 : i32 to index
        %get3A_1382 = tpu.vector_load %arg7[%get3A_1380, %get3A_1381] {strides = array<i32>} : memref<8x1408xf32, #tpu.memory_space<vmem>>, vector<16xf32>,
        %add3A_1383 = arith.addf %add3A_1376, %get3A_1382 : vector<16xf32>
        %add3A_1384 = arith.constant 96 : i32
        %add3A_1385 = arith.addi %multiple_of3A_1342, %add3A_1384 : i32
        %get3A_1386 = arith.constant 4 : i32
        %get3A_1387 = arith.index_cast %get3A_1386 : i32 to index
        %get3A_1388 = arith.index_cast %add3A_1385 : i32 to index
        %get3A_1389 = tpu.vector_load %arg7[%get3A_1387, %get3A_1388] {strides = array<i32>} : memref<8x1408xf32, #tpu.memory_space<vmem>>, vector<16xf32>,
        %add3A_1390 = arith.addf %add3A_1383, %get3A_1389 : vector<16xf32>
        %add3A_1391 = arith.constant 112 : i32
        %add3A_1392 = arith.addi %multiple_of3A_1342, %add3A_1391 : i32
        %get3A_1393 = arith.constant 4 : i32
        %get3A_1394 = arith.index_cast %get3A_1393 : i32 to index
        %get3A_1395 = arith.index_cast %add3A_1392 : i32 to index
        %get3A_1396 = tpu.vector_load %arg7[%get3A_1394, %get3A_1395] {strides = array<i32>} : memref<8x1408xf32, #tpu.memory_space<vmem>>, vector<16xf32>,
        %add3A_1397 = arith.addf %add3A_1390, %get3A_1396 : vector<16xf32>
        scf.yield %add3A_1397 : vector<16xf32>
      }
      %scan3A_1151 = arith.constant 11 : i32
      %broadcast_in_dim3A_1152 = arith.constant 4 : i32
      %broadcast_in_dim3A_1153 = vector.broadcast %broadcast_in_dim3A_1152 : i32 to vector<16xi32>
      %ge3A_1154 = vector.broadcast %mul3A_953 : i32 to vector<16xi32>
      %ge3A_1155 = arith.cmpi sge, %gather3A_23, %ge3A_1154 : vector<16xi32>
      %add3A_1156 = arith.constant 1408 : i32
      %add3A_1157 = arith.addi %mul3A_953, %add3A_1156 : i32
      %lt3A_1158 = vector.broadcast %add3A_1157 : i32 to vector<16xi32>
      %lt3A_1159 = arith.cmpi slt, %gather3A_23, %lt3A_1158 : vector<16xi32>
      %and3A_1160 = arith.andi %ge3A_1155, %lt3A_1159 : vector<16xi1>
      %sub3A_1161 = vector.broadcast %mul3A_953 : i32 to vector<16xi32>
      %sub3A_1162 = arith.subi %gather3A_23, %sub3A_1161 : vector<16xi32>
      %jit3A_1163 = arith.constant 0 : i32
      %broadcast_in_dim3A_1164 = vector.broadcast %jit3A_1163 : i32 to vector<16xi32>
      %select_n3A_1165 = arith.select %and3A_1160, %sub3A_1162, %broadcast_in_dim3A_1164 : vector<16xi1>, vector<16xi32>
      %gather3A_1166 = tpu.vector_load_idx %arg7[%broadcast_in_dim3A_1153, %select_n3A_1165] : memref<8x1408xf32, #tpu.memory_space<vmem>>[vector<16xi32>, vector<16xi32>], vector<16xf32>,
      %and3A_1167 = arith.andi %and3A_1160, %eq3A_4 : vector<16xi1>
      %jit3A_1168 = arith.constant 0.000000e+00 : f32
      %broadcast_in_dim3A_1169 = vector.broadcast %jit3A_1168 : f32 to vector<16xf32>
      %select_n3A_1170 = arith.select %and3A_1167, %gather3A_1166, %broadcast_in_dim3A_1169 : vector<16xi1>, vector<16xf32>
      %add3A_1171 = arith.addf %add3A_1123, %select_n3A_1170 : vector<16xf32>
      %ge3A_1172 = vector.broadcast %mul3A_953 : i32 to vector<16xi32>
      %ge3A_1173 = arith.cmpi sge, %broadcast_in_dim3A_5, %ge3A_1172 : vector<16xi32>
      %add3A_1174 = arith.constant 1408 : i32
      %add3A_1175 = arith.addi %mul3A_953, %add3A_1174 : i32
      %lt3A_1176 = vector.broadcast %add3A_1175 : i32 to vector<16xi32>
      %lt3A_1177 = arith.cmpi slt, %broadcast_in_dim3A_5, %lt3A_1176 : vector<16xi32>
      %and3A_1178 = arith.andi %ge3A_1173, %lt3A_1177 : vector<16xi1>
      %sub3A_1179 = vector.broadcast %mul3A_953 : i32 to vector<16xi32>
      %sub3A_1180 = arith.subi %broadcast_in_dim3A_5, %sub3A_1179 : vector<16xi32>
      %jit3A_1181 = arith.constant 0 : i32
      %broadcast_in_dim3A_1182 = vector.broadcast %jit3A_1181 : i32 to vector<16xi32>
      %select_n3A_1183 = arith.select %and3A_1178, %sub3A_1180, %broadcast_in_dim3A_1182 : vector<16xi1>, vector<16xi32>
      %gather3A_1184 = tpu.vector_load_idx %arg7[%broadcast_in_dim3A_1153, %select_n3A_1183] : memref<8x1408xf32, #tpu.memory_space<vmem>>[vector<16xi32>, vector<16xi32>], vector<16xf32>,
      %and3A_1185 = arith.andi %and3A_1178, %eq3A_4 : vector<16xi1>
      %ne3A_1186 = arith.constant 99900 : i32
      %ne3A_1187 = vector.broadcast %ne3A_1186 : i32 to vector<16xi32>
      %ne3A_1188 = arith.cmpi ne, %gather3A_23, %ne3A_1187 : vector<16xi32>
      %and3A_1189 = arith.andi %and3A_1185, %ne3A_1188 : vector<16xi1>
      %jit3A_1190 = arith.constant 0.000000e+00 : f32
      %broadcast_in_dim3A_1191 = vector.broadcast %jit3A_1190 : f32 to vector<16xf32>
      %select_n3A_1192 = arith.select %and3A_1189, %gather3A_1184, %broadcast_in_dim3A_1191 : vector<16xi1>, vector<16xf32>
      %add3A_1193 = arith.addf %add3A_1145, %select_n3A_1192 : vector<16xf32>
      %scan3A_1194 = arith.constant 0 : i32
      %scan3A_1195 = arith.constant 11 : i32
      %scan3A_1196 = arith.addi %scan3A_1194, %scan3A_1195 : i32
      %scan3A_1197 = arith.constant 1 : i32
      %scan3A_1198 = scf.for %scan3A_1338 = %scan3A_1194 to %scan3A_1196 step %scan3A_1197 iter_args(%scan3A_1339 = %scan3A_1150) -> (vector<16xf32>)  : i32 {
        %mul3A_1340 = arith.constant 128 : i32
        %mul3A_1341 = arith.muli %scan3A_1338, %mul3A_1340 : i32
        %multiple_of3A_1342 = tpu.assume_multiple %mul3A_1341, 128 : i32
        %add3A_1343 = arith.constant 0 : i32
        %add3A_1344 = arith.addi %multiple_of3A_1342, %add3A_1343 : i32
        %get3A = arith.constant 5 : i32
        %get3A_1345 = arith.index_cast %get3A : i32 to index
        %get3A_1346 = arith.index_cast %add3A_1344 : i32 to index
        %get3A_1347 = tpu.vector_load %arg7[%get3A_1345, %get3A_1346] {strides = array<i32>} : memref<8x1408xf32, #tpu.memory_space<vmem>>, vector<16xf32>,
        %add3A_1348 = arith.addf %scan3A_1339, %get3A_1347 : vector<16xf32>
        %add3A_1349 = arith.constant 16 : i32
        %add3A_1350 = arith.addi %multiple_of3A_1342, %add3A_1349 : i32
        %get3A_1351 = arith.constant 5 : i32
        %get3A_1352 = arith.index_cast %get3A_1351 : i32 to index
        %get3A_1353 = arith.index_cast %add3A_1350 : i32 to index
        %get3A_1354 = tpu.vector_load %arg7[%get3A_1352, %get3A_1353] {strides = array<i32>} : memref<8x1408xf32, #tpu.memory_space<vmem>>, vector<16xf32>,
        %add3A_1355 = arith.addf %add3A_1348, %get3A_1354 : vector<16xf32>
        %add3A_1356 = arith.constant 32 : i32
        %add3A_1357 = arith.addi %multiple_of3A_1342, %add3A_1356 : i32
        %get3A_1358 = arith.constant 5 : i32
        %get3A_1359 = arith.index_cast %get3A_1358 : i32 to index
        %get3A_1360 = arith.index_cast %add3A_1357 : i32 to index
        %get3A_1361 = tpu.vector_load %arg7[%get3A_1359, %get3A_1360] {strides = array<i32>} : memref<8x1408xf32, #tpu.memory_space<vmem>>, vector<16xf32>,
        %add3A_1362 = arith.addf %add3A_1355, %get3A_1361 : vector<16xf32>
        %add3A_1363 = arith.constant 48 : i32
        %add3A_1364 = arith.addi %multiple_of3A_1342, %add3A_1363 : i32
        %get3A_1365 = arith.constant 5 : i32
        %get3A_1366 = arith.index_cast %get3A_1365 : i32 to index
        %get3A_1367 = arith.index_cast %add3A_1364 : i32 to index
        %get3A_1368 = tpu.vector_load %arg7[%get3A_1366, %get3A_1367] {strides = array<i32>} : memref<8x1408xf32, #tpu.memory_space<vmem>>, vector<16xf32>,
        %add3A_1369 = arith.addf %add3A_1362, %get3A_1368 : vector<16xf32>
        %add3A_1370 = arith.constant 64 : i32
        %add3A_1371 = arith.addi %multiple_of3A_1342, %add3A_1370 : i32
        %get3A_1372 = arith.constant 5 : i32
        %get3A_1373 = arith.index_cast %get3A_1372 : i32 to index
        %get3A_1374 = arith.index_cast %add3A_1371 : i32 to index
        %get3A_1375 = tpu.vector_load %arg7[%get3A_1373, %get3A_1374] {strides = array<i32>} : memref<8x1408xf32, #tpu.memory_space<vmem>>, vector<16xf32>,
        %add3A_1376 = arith.addf %add3A_1369, %get3A_1375 : vector<16xf32>
        %add3A_1377 = arith.constant 80 : i32
        %add3A_1378 = arith.addi %multiple_of3A_1342, %add3A_1377 : i32
        %get3A_1379 = arith.constant 5 : i32
        %get3A_1380 = arith.index_cast %get3A_1379 : i32 to index
        %get3A_1381 = arith.index_cast %add3A_1378 : i32 to index
        %get3A_1382 = tpu.vector_load %arg7[%get3A_1380, %get3A_1381] {strides = array<i32>} : memref<8x1408xf32, #tpu.memory_space<vmem>>, vector<16xf32>,
        %add3A_1383 = arith.addf %add3A_1376, %get3A_1382 : vector<16xf32>
        %add3A_1384 = arith.constant 96 : i32
        %add3A_1385 = arith.addi %multiple_of3A_1342, %add3A_1384 : i32
        %get3A_1386 = arith.constant 5 : i32
        %get3A_1387 = arith.index_cast %get3A_1386 : i32 to index
        %get3A_1388 = arith.index_cast %add3A_1385 : i32 to index
        %get3A_1389 = tpu.vector_load %arg7[%get3A_1387, %get3A_1388] {strides = array<i32>} : memref<8x1408xf32, #tpu.memory_space<vmem>>, vector<16xf32>,
        %add3A_1390 = arith.addf %add3A_1383, %get3A_1389 : vector<16xf32>
        %add3A_1391 = arith.constant 112 : i32
        %add3A_1392 = arith.addi %multiple_of3A_1342, %add3A_1391 : i32
        %get3A_1393 = arith.constant 5 : i32
        %get3A_1394 = arith.index_cast %get3A_1393 : i32 to index
        %get3A_1395 = arith.index_cast %add3A_1392 : i32 to index
        %get3A_1396 = tpu.vector_load %arg7[%get3A_1394, %get3A_1395] {strides = array<i32>} : memref<8x1408xf32, #tpu.memory_space<vmem>>, vector<16xf32>,
        %add3A_1397 = arith.addf %add3A_1390, %get3A_1396 : vector<16xf32>
        scf.yield %add3A_1397 : vector<16xf32>
      }
      %scan3A_1199 = arith.constant 11 : i32
      %broadcast_in_dim3A_1200 = arith.constant 5 : i32
      %broadcast_in_dim3A_1201 = vector.broadcast %broadcast_in_dim3A_1200 : i32 to vector<16xi32>
      %ge3A_1202 = vector.broadcast %mul3A_953 : i32 to vector<16xi32>
      %ge3A_1203 = arith.cmpi sge, %gather3A_26, %ge3A_1202 : vector<16xi32>
      %add3A_1204 = arith.constant 1408 : i32
      %add3A_1205 = arith.addi %mul3A_953, %add3A_1204 : i32
      %lt3A_1206 = vector.broadcast %add3A_1205 : i32 to vector<16xi32>
      %lt3A_1207 = arith.cmpi slt, %gather3A_26, %lt3A_1206 : vector<16xi32>
      %and3A_1208 = arith.andi %ge3A_1203, %lt3A_1207 : vector<16xi1>
      %sub3A_1209 = vector.broadcast %mul3A_953 : i32 to vector<16xi32>
      %sub3A_1210 = arith.subi %gather3A_26, %sub3A_1209 : vector<16xi32>
      %jit3A_1211 = arith.constant 0 : i32
      %broadcast_in_dim3A_1212 = vector.broadcast %jit3A_1211 : i32 to vector<16xi32>
      %select_n3A_1213 = arith.select %and3A_1208, %sub3A_1210, %broadcast_in_dim3A_1212 : vector<16xi1>, vector<16xi32>
      %gather3A_1214 = tpu.vector_load_idx %arg7[%broadcast_in_dim3A_1201, %select_n3A_1213] : memref<8x1408xf32, #tpu.memory_space<vmem>>[vector<16xi32>, vector<16xi32>], vector<16xf32>,
      %and3A_1215 = arith.andi %and3A_1208, %eq3A_4 : vector<16xi1>
      %jit3A_1216 = arith.constant 0.000000e+00 : f32
      %broadcast_in_dim3A_1217 = vector.broadcast %jit3A_1216 : f32 to vector<16xf32>
      %select_n3A_1218 = arith.select %and3A_1215, %gather3A_1214, %broadcast_in_dim3A_1217 : vector<16xi1>, vector<16xf32>
      %add3A_1219 = arith.addf %add3A_1171, %select_n3A_1218 : vector<16xf32>
      %ge3A_1220 = vector.broadcast %mul3A_953 : i32 to vector<16xi32>
      %ge3A_1221 = arith.cmpi sge, %broadcast_in_dim3A_5, %ge3A_1220 : vector<16xi32>
      %add3A_1222 = arith.constant 1408 : i32
      %add3A_1223 = arith.addi %mul3A_953, %add3A_1222 : i32
      %lt3A_1224 = vector.broadcast %add3A_1223 : i32 to vector<16xi32>
      %lt3A_1225 = arith.cmpi slt, %broadcast_in_dim3A_5, %lt3A_1224 : vector<16xi32>
      %and3A_1226 = arith.andi %ge3A_1221, %lt3A_1225 : vector<16xi1>
      %sub3A_1227 = vector.broadcast %mul3A_953 : i32 to vector<16xi32>
      %sub3A_1228 = arith.subi %broadcast_in_dim3A_5, %sub3A_1227 : vector<16xi32>
      %jit3A_1229 = arith.constant 0 : i32
      %broadcast_in_dim3A_1230 = vector.broadcast %jit3A_1229 : i32 to vector<16xi32>
      %select_n3A_1231 = arith.select %and3A_1226, %sub3A_1228, %broadcast_in_dim3A_1230 : vector<16xi1>, vector<16xi32>
      %gather3A_1232 = tpu.vector_load_idx %arg7[%broadcast_in_dim3A_1201, %select_n3A_1231] : memref<8x1408xf32, #tpu.memory_space<vmem>>[vector<16xi32>, vector<16xi32>], vector<16xf32>,
      %and3A_1233 = arith.andi %and3A_1226, %eq3A_4 : vector<16xi1>
      %ne3A_1234 = arith.constant 99900 : i32
      %ne3A_1235 = vector.broadcast %ne3A_1234 : i32 to vector<16xi32>
      %ne3A_1236 = arith.cmpi ne, %gather3A_26, %ne3A_1235 : vector<16xi32>
      %and3A_1237 = arith.andi %and3A_1233, %ne3A_1236 : vector<16xi1>
      %jit3A_1238 = arith.constant 0.000000e+00 : f32
      %broadcast_in_dim3A_1239 = vector.broadcast %jit3A_1238 : f32 to vector<16xf32>
      %select_n3A_1240 = arith.select %and3A_1237, %gather3A_1232, %broadcast_in_dim3A_1239 : vector<16xi1>, vector<16xf32>
      %add3A_1241 = arith.addf %add3A_1193, %select_n3A_1240 : vector<16xf32>
      %scan3A_1242 = arith.constant 0 : i32
      %scan3A_1243 = arith.constant 11 : i32
      %scan3A_1244 = arith.addi %scan3A_1242, %scan3A_1243 : i32
      %scan3A_1245 = arith.constant 1 : i32
      %scan3A_1246 = scf.for %scan3A_1338 = %scan3A_1242 to %scan3A_1244 step %scan3A_1245 iter_args(%scan3A_1339 = %scan3A_1198) -> (vector<16xf32>)  : i32 {
        %mul3A_1340 = arith.constant 128 : i32
        %mul3A_1341 = arith.muli %scan3A_1338, %mul3A_1340 : i32
        %multiple_of3A_1342 = tpu.assume_multiple %mul3A_1341, 128 : i32
        %add3A_1343 = arith.constant 0 : i32
        %add3A_1344 = arith.addi %multiple_of3A_1342, %add3A_1343 : i32
        %get3A = arith.constant 6 : i32
        %get3A_1345 = arith.index_cast %get3A : i32 to index
        %get3A_1346 = arith.index_cast %add3A_1344 : i32 to index
        %get3A_1347 = tpu.vector_load %arg7[%get3A_1345, %get3A_1346] {strides = array<i32>} : memref<8x1408xf32, #tpu.memory_space<vmem>>, vector<16xf32>,
        %add3A_1348 = arith.addf %scan3A_1339, %get3A_1347 : vector<16xf32>
        %add3A_1349 = arith.constant 16 : i32
        %add3A_1350 = arith.addi %multiple_of3A_1342, %add3A_1349 : i32
        %get3A_1351 = arith.constant 6 : i32
        %get3A_1352 = arith.index_cast %get3A_1351 : i32 to index
        %get3A_1353 = arith.index_cast %add3A_1350 : i32 to index
        %get3A_1354 = tpu.vector_load %arg7[%get3A_1352, %get3A_1353] {strides = array<i32>} : memref<8x1408xf32, #tpu.memory_space<vmem>>, vector<16xf32>,
        %add3A_1355 = arith.addf %add3A_1348, %get3A_1354 : vector<16xf32>
        %add3A_1356 = arith.constant 32 : i32
        %add3A_1357 = arith.addi %multiple_of3A_1342, %add3A_1356 : i32
        %get3A_1358 = arith.constant 6 : i32
        %get3A_1359 = arith.index_cast %get3A_1358 : i32 to index
        %get3A_1360 = arith.index_cast %add3A_1357 : i32 to index
        %get3A_1361 = tpu.vector_load %arg7[%get3A_1359, %get3A_1360] {strides = array<i32>} : memref<8x1408xf32, #tpu.memory_space<vmem>>, vector<16xf32>,
        %add3A_1362 = arith.addf %add3A_1355, %get3A_1361 : vector<16xf32>
        %add3A_1363 = arith.constant 48 : i32
        %add3A_1364 = arith.addi %multiple_of3A_1342, %add3A_1363 : i32
        %get3A_1365 = arith.constant 6 : i32
        %get3A_1366 = arith.index_cast %get3A_1365 : i32 to index
        %get3A_1367 = arith.index_cast %add3A_1364 : i32 to index
        %get3A_1368 = tpu.vector_load %arg7[%get3A_1366, %get3A_1367] {strides = array<i32>} : memref<8x1408xf32, #tpu.memory_space<vmem>>, vector<16xf32>,
        %add3A_1369 = arith.addf %add3A_1362, %get3A_1368 : vector<16xf32>
        %add3A_1370 = arith.constant 64 : i32
        %add3A_1371 = arith.addi %multiple_of3A_1342, %add3A_1370 : i32
        %get3A_1372 = arith.constant 6 : i32
        %get3A_1373 = arith.index_cast %get3A_1372 : i32 to index
        %get3A_1374 = arith.index_cast %add3A_1371 : i32 to index
        %get3A_1375 = tpu.vector_load %arg7[%get3A_1373, %get3A_1374] {strides = array<i32>} : memref<8x1408xf32, #tpu.memory_space<vmem>>, vector<16xf32>,
        %add3A_1376 = arith.addf %add3A_1369, %get3A_1375 : vector<16xf32>
        %add3A_1377 = arith.constant 80 : i32
        %add3A_1378 = arith.addi %multiple_of3A_1342, %add3A_1377 : i32
        %get3A_1379 = arith.constant 6 : i32
        %get3A_1380 = arith.index_cast %get3A_1379 : i32 to index
        %get3A_1381 = arith.index_cast %add3A_1378 : i32 to index
        %get3A_1382 = tpu.vector_load %arg7[%get3A_1380, %get3A_1381] {strides = array<i32>} : memref<8x1408xf32, #tpu.memory_space<vmem>>, vector<16xf32>,
        %add3A_1383 = arith.addf %add3A_1376, %get3A_1382 : vector<16xf32>
        %add3A_1384 = arith.constant 96 : i32
        %add3A_1385 = arith.addi %multiple_of3A_1342, %add3A_1384 : i32
        %get3A_1386 = arith.constant 6 : i32
        %get3A_1387 = arith.index_cast %get3A_1386 : i32 to index
        %get3A_1388 = arith.index_cast %add3A_1385 : i32 to index
        %get3A_1389 = tpu.vector_load %arg7[%get3A_1387, %get3A_1388] {strides = array<i32>} : memref<8x1408xf32, #tpu.memory_space<vmem>>, vector<16xf32>,
        %add3A_1390 = arith.addf %add3A_1383, %get3A_1389 : vector<16xf32>
        %add3A_1391 = arith.constant 112 : i32
        %add3A_1392 = arith.addi %multiple_of3A_1342, %add3A_1391 : i32
        %get3A_1393 = arith.constant 6 : i32
        %get3A_1394 = arith.index_cast %get3A_1393 : i32 to index
        %get3A_1395 = arith.index_cast %add3A_1392 : i32 to index
        %get3A_1396 = tpu.vector_load %arg7[%get3A_1394, %get3A_1395] {strides = array<i32>} : memref<8x1408xf32, #tpu.memory_space<vmem>>, vector<16xf32>,
        %add3A_1397 = arith.addf %add3A_1390, %get3A_1396 : vector<16xf32>
        scf.yield %add3A_1397 : vector<16xf32>
      }
      %scan3A_1247 = arith.constant 11 : i32
      %broadcast_in_dim3A_1248 = arith.constant 6 : i32
      %broadcast_in_dim3A_1249 = vector.broadcast %broadcast_in_dim3A_1248 : i32 to vector<16xi32>
      %ge3A_1250 = vector.broadcast %mul3A_953 : i32 to vector<16xi32>
      %ge3A_1251 = arith.cmpi sge, %gather3A_29, %ge3A_1250 : vector<16xi32>
      %add3A_1252 = arith.constant 1408 : i32
      %add3A_1253 = arith.addi %mul3A_953, %add3A_1252 : i32
      %lt3A_1254 = vector.broadcast %add3A_1253 : i32 to vector<16xi32>
      %lt3A_1255 = arith.cmpi slt, %gather3A_29, %lt3A_1254 : vector<16xi32>
      %and3A_1256 = arith.andi %ge3A_1251, %lt3A_1255 : vector<16xi1>
      %sub3A_1257 = vector.broadcast %mul3A_953 : i32 to vector<16xi32>
      %sub3A_1258 = arith.subi %gather3A_29, %sub3A_1257 : vector<16xi32>
      %jit3A_1259 = arith.constant 0 : i32
      %broadcast_in_dim3A_1260 = vector.broadcast %jit3A_1259 : i32 to vector<16xi32>
      %select_n3A_1261 = arith.select %and3A_1256, %sub3A_1258, %broadcast_in_dim3A_1260 : vector<16xi1>, vector<16xi32>
      %gather3A_1262 = tpu.vector_load_idx %arg7[%broadcast_in_dim3A_1249, %select_n3A_1261] : memref<8x1408xf32, #tpu.memory_space<vmem>>[vector<16xi32>, vector<16xi32>], vector<16xf32>,
      %and3A_1263 = arith.andi %and3A_1256, %eq3A_4 : vector<16xi1>
      %jit3A_1264 = arith.constant 0.000000e+00 : f32
      %broadcast_in_dim3A_1265 = vector.broadcast %jit3A_1264 : f32 to vector<16xf32>
      %select_n3A_1266 = arith.select %and3A_1263, %gather3A_1262, %broadcast_in_dim3A_1265 : vector<16xi1>, vector<16xf32>
      %add3A_1267 = arith.addf %add3A_1219, %select_n3A_1266 : vector<16xf32>
      %ge3A_1268 = vector.broadcast %mul3A_953 : i32 to vector<16xi32>
      %ge3A_1269 = arith.cmpi sge, %broadcast_in_dim3A_5, %ge3A_1268 : vector<16xi32>
      %add3A_1270 = arith.constant 1408 : i32
      %add3A_1271 = arith.addi %mul3A_953, %add3A_1270 : i32
      %lt3A_1272 = vector.broadcast %add3A_1271 : i32 to vector<16xi32>
      %lt3A_1273 = arith.cmpi slt, %broadcast_in_dim3A_5, %lt3A_1272 : vector<16xi32>
      %and3A_1274 = arith.andi %ge3A_1269, %lt3A_1273 : vector<16xi1>
      %sub3A_1275 = vector.broadcast %mul3A_953 : i32 to vector<16xi32>
      %sub3A_1276 = arith.subi %broadcast_in_dim3A_5, %sub3A_1275 : vector<16xi32>
      %jit3A_1277 = arith.constant 0 : i32
      %broadcast_in_dim3A_1278 = vector.broadcast %jit3A_1277 : i32 to vector<16xi32>
      %select_n3A_1279 = arith.select %and3A_1274, %sub3A_1276, %broadcast_in_dim3A_1278 : vector<16xi1>, vector<16xi32>
      %gather3A_1280 = tpu.vector_load_idx %arg7[%broadcast_in_dim3A_1249, %select_n3A_1279] : memref<8x1408xf32, #tpu.memory_space<vmem>>[vector<16xi32>, vector<16xi32>], vector<16xf32>,
      %and3A_1281 = arith.andi %and3A_1274, %eq3A_4 : vector<16xi1>
      %ne3A_1282 = arith.constant 99900 : i32
      %ne3A_1283 = vector.broadcast %ne3A_1282 : i32 to vector<16xi32>
      %ne3A_1284 = arith.cmpi ne, %gather3A_29, %ne3A_1283 : vector<16xi32>
      %and3A_1285 = arith.andi %and3A_1281, %ne3A_1284 : vector<16xi1>
      %jit3A_1286 = arith.constant 0.000000e+00 : f32
      %broadcast_in_dim3A_1287 = vector.broadcast %jit3A_1286 : f32 to vector<16xf32>
      %select_n3A_1288 = arith.select %and3A_1285, %gather3A_1280, %broadcast_in_dim3A_1287 : vector<16xi1>, vector<16xf32>
      %add3A_1289 = arith.addf %add3A_1241, %select_n3A_1288 : vector<16xf32>
      %scan3A_1290 = arith.constant 0 : i32
      %scan3A_1291 = arith.constant 11 : i32
      %scan3A_1292 = arith.addi %scan3A_1290, %scan3A_1291 : i32
      %scan3A_1293 = arith.constant 1 : i32
      %scan3A_1294 = scf.for %scan3A_1338 = %scan3A_1290 to %scan3A_1292 step %scan3A_1293 iter_args(%scan3A_1339 = %scan3A_1246) -> (vector<16xf32>)  : i32 {
        %mul3A_1340 = arith.constant 128 : i32
        %mul3A_1341 = arith.muli %scan3A_1338, %mul3A_1340 : i32
        %multiple_of3A_1342 = tpu.assume_multiple %mul3A_1341, 128 : i32
        %add3A_1343 = arith.constant 0 : i32
        %add3A_1344 = arith.addi %multiple_of3A_1342, %add3A_1343 : i32
        %get3A = arith.constant 7 : i32
        %get3A_1345 = arith.index_cast %get3A : i32 to index
        %get3A_1346 = arith.index_cast %add3A_1344 : i32 to index
        %get3A_1347 = tpu.vector_load %arg7[%get3A_1345, %get3A_1346] {strides = array<i32>} : memref<8x1408xf32, #tpu.memory_space<vmem>>, vector<16xf32>,
        %add3A_1348 = arith.addf %scan3A_1339, %get3A_1347 : vector<16xf32>
        %add3A_1349 = arith.constant 16 : i32
        %add3A_1350 = arith.addi %multiple_of3A_1342, %add3A_1349 : i32
        %get3A_1351 = arith.constant 7 : i32
        %get3A_1352 = arith.index_cast %get3A_1351 : i32 to index
        %get3A_1353 = arith.index_cast %add3A_1350 : i32 to index
        %get3A_1354 = tpu.vector_load %arg7[%get3A_1352, %get3A_1353] {strides = array<i32>} : memref<8x1408xf32, #tpu.memory_space<vmem>>, vector<16xf32>,
        %add3A_1355 = arith.addf %add3A_1348, %get3A_1354 : vector<16xf32>
        %add3A_1356 = arith.constant 32 : i32
        %add3A_1357 = arith.addi %multiple_of3A_1342, %add3A_1356 : i32
        %get3A_1358 = arith.constant 7 : i32
        %get3A_1359 = arith.index_cast %get3A_1358 : i32 to index
        %get3A_1360 = arith.index_cast %add3A_1357 : i32 to index
        %get3A_1361 = tpu.vector_load %arg7[%get3A_1359, %get3A_1360] {strides = array<i32>} : memref<8x1408xf32, #tpu.memory_space<vmem>>, vector<16xf32>,
        %add3A_1362 = arith.addf %add3A_1355, %get3A_1361 : vector<16xf32>
        %add3A_1363 = arith.constant 48 : i32
        %add3A_1364 = arith.addi %multiple_of3A_1342, %add3A_1363 : i32
        %get3A_1365 = arith.constant 7 : i32
        %get3A_1366 = arith.index_cast %get3A_1365 : i32 to index
        %get3A_1367 = arith.index_cast %add3A_1364 : i32 to index
        %get3A_1368 = tpu.vector_load %arg7[%get3A_1366, %get3A_1367] {strides = array<i32>} : memref<8x1408xf32, #tpu.memory_space<vmem>>, vector<16xf32>,
        %add3A_1369 = arith.addf %add3A_1362, %get3A_1368 : vector<16xf32>
        %add3A_1370 = arith.constant 64 : i32
        %add3A_1371 = arith.addi %multiple_of3A_1342, %add3A_1370 : i32
        %get3A_1372 = arith.constant 7 : i32
        %get3A_1373 = arith.index_cast %get3A_1372 : i32 to index
        %get3A_1374 = arith.index_cast %add3A_1371 : i32 to index
        %get3A_1375 = tpu.vector_load %arg7[%get3A_1373, %get3A_1374] {strides = array<i32>} : memref<8x1408xf32, #tpu.memory_space<vmem>>, vector<16xf32>,
        %add3A_1376 = arith.addf %add3A_1369, %get3A_1375 : vector<16xf32>
        %add3A_1377 = arith.constant 80 : i32
        %add3A_1378 = arith.addi %multiple_of3A_1342, %add3A_1377 : i32
        %get3A_1379 = arith.constant 7 : i32
        %get3A_1380 = arith.index_cast %get3A_1379 : i32 to index
        %get3A_1381 = arith.index_cast %add3A_1378 : i32 to index
        %get3A_1382 = tpu.vector_load %arg7[%get3A_1380, %get3A_1381] {strides = array<i32>} : memref<8x1408xf32, #tpu.memory_space<vmem>>, vector<16xf32>,
        %add3A_1383 = arith.addf %add3A_1376, %get3A_1382 : vector<16xf32>
        %add3A_1384 = arith.constant 96 : i32
        %add3A_1385 = arith.addi %multiple_of3A_1342, %add3A_1384 : i32
        %get3A_1386 = arith.constant 7 : i32
        %get3A_1387 = arith.index_cast %get3A_1386 : i32 to index
        %get3A_1388 = arith.index_cast %add3A_1385 : i32 to index
        %get3A_1389 = tpu.vector_load %arg7[%get3A_1387, %get3A_1388] {strides = array<i32>} : memref<8x1408xf32, #tpu.memory_space<vmem>>, vector<16xf32>,
        %add3A_1390 = arith.addf %add3A_1383, %get3A_1389 : vector<16xf32>
        %add3A_1391 = arith.constant 112 : i32
        %add3A_1392 = arith.addi %multiple_of3A_1342, %add3A_1391 : i32
        %get3A_1393 = arith.constant 7 : i32
        %get3A_1394 = arith.index_cast %get3A_1393 : i32 to index
        %get3A_1395 = arith.index_cast %add3A_1392 : i32 to index
        %get3A_1396 = tpu.vector_load %arg7[%get3A_1394, %get3A_1395] {strides = array<i32>} : memref<8x1408xf32, #tpu.memory_space<vmem>>, vector<16xf32>,
        %add3A_1397 = arith.addf %add3A_1390, %get3A_1396 : vector<16xf32>
        scf.yield %add3A_1397 : vector<16xf32>
      }
      %scan3A_1295 = arith.constant 11 : i32
      %broadcast_in_dim3A_1296 = arith.constant 7 : i32
      %broadcast_in_dim3A_1297 = vector.broadcast %broadcast_in_dim3A_1296 : i32 to vector<16xi32>
      %ge3A_1298 = vector.broadcast %mul3A_953 : i32 to vector<16xi32>
      %ge3A_1299 = arith.cmpi sge, %gather3A_32, %ge3A_1298 : vector<16xi32>
      %add3A_1300 = arith.constant 1408 : i32
      %add3A_1301 = arith.addi %mul3A_953, %add3A_1300 : i32
      %lt3A_1302 = vector.broadcast %add3A_1301 : i32 to vector<16xi32>
      %lt3A_1303 = arith.cmpi slt, %gather3A_32, %lt3A_1302 : vector<16xi32>
      %and3A_1304 = arith.andi %ge3A_1299, %lt3A_1303 : vector<16xi1>
      %sub3A_1305 = vector.broadcast %mul3A_953 : i32 to vector<16xi32>
      %sub3A_1306 = arith.subi %gather3A_32, %sub3A_1305 : vector<16xi32>
      %jit3A_1307 = arith.constant 0 : i32
      %broadcast_in_dim3A_1308 = vector.broadcast %jit3A_1307 : i32 to vector<16xi32>
      %select_n3A_1309 = arith.select %and3A_1304, %sub3A_1306, %broadcast_in_dim3A_1308 : vector<16xi1>, vector<16xi32>
      %gather3A_1310 = tpu.vector_load_idx %arg7[%broadcast_in_dim3A_1297, %select_n3A_1309] : memref<8x1408xf32, #tpu.memory_space<vmem>>[vector<16xi32>, vector<16xi32>], vector<16xf32>,
      %and3A_1311 = arith.andi %and3A_1304, %eq3A_4 : vector<16xi1>
      %jit3A_1312 = arith.constant 0.000000e+00 : f32
      %broadcast_in_dim3A_1313 = vector.broadcast %jit3A_1312 : f32 to vector<16xf32>
      %select_n3A_1314 = arith.select %and3A_1311, %gather3A_1310, %broadcast_in_dim3A_1313 : vector<16xi1>, vector<16xf32>
      %add3A_1315 = arith.addf %add3A_1267, %select_n3A_1314 : vector<16xf32>
      %ge3A_1316 = vector.broadcast %mul3A_953 : i32 to vector<16xi32>
      %ge3A_1317 = arith.cmpi sge, %broadcast_in_dim3A_5, %ge3A_1316 : vector<16xi32>
      %add3A_1318 = arith.constant 1408 : i32
      %add3A_1319 = arith.addi %mul3A_953, %add3A_1318 : i32
      %lt3A_1320 = vector.broadcast %add3A_1319 : i32 to vector<16xi32>
      %lt3A_1321 = arith.cmpi slt, %broadcast_in_dim3A_5, %lt3A_1320 : vector<16xi32>
      %and3A_1322 = arith.andi %ge3A_1317, %lt3A_1321 : vector<16xi1>
      %sub3A_1323 = vector.broadcast %mul3A_953 : i32 to vector<16xi32>
      %sub3A_1324 = arith.subi %broadcast_in_dim3A_5, %sub3A_1323 : vector<16xi32>
      %jit3A_1325 = arith.constant 0 : i32
      %broadcast_in_dim3A_1326 = vector.broadcast %jit3A_1325 : i32 to vector<16xi32>
      %select_n3A_1327 = arith.select %and3A_1322, %sub3A_1324, %broadcast_in_dim3A_1326 : vector<16xi1>, vector<16xi32>
      %gather3A_1328 = tpu.vector_load_idx %arg7[%broadcast_in_dim3A_1297, %select_n3A_1327] : memref<8x1408xf32, #tpu.memory_space<vmem>>[vector<16xi32>, vector<16xi32>], vector<16xf32>,
      %and3A_1329 = arith.andi %and3A_1322, %eq3A_4 : vector<16xi1>
      %ne3A_1330 = arith.constant 99900 : i32
      %ne3A_1331 = vector.broadcast %ne3A_1330 : i32 to vector<16xi32>
      %ne3A_1332 = arith.cmpi ne, %gather3A_32, %ne3A_1331 : vector<16xi32>
      %and3A_1333 = arith.andi %and3A_1329, %ne3A_1332 : vector<16xi1>
      %jit3A_1334 = arith.constant 0.000000e+00 : f32
      %broadcast_in_dim3A_1335 = vector.broadcast %jit3A_1334 : f32 to vector<16xf32>
      %select_n3A_1336 = arith.select %and3A_1333, %gather3A_1328, %broadcast_in_dim3A_1335 : vector<16xi1>, vector<16xf32>
      %add3A_1337 = arith.addf %add3A_1289, %select_n3A_1336 : vector<16xf32>
      scf.yield %scan3A_1294, %add3A_1315, %add3A_1337 : vector<16xf32>, vector<16xf32>, vector<16xf32>
    }
    %scan3A_116 = arith.constant 35 : i32
    %dma_wait3A = arith.constant 0 : i32
    %dma_wait3A_117 = tpu.memref_slice %arg2[%add3A_9, %dma_wait3A] : memref<1024x100000xf32, #tpu.memory_space<hbm>> -> memref<8x1408xf32, #tpu.memory_space<hbm>>
    %dma_wait3A_118 = arith.constant 0 : i32
    %dma_wait3A_119 = tpu.memref_slice %arg2[%add3A_9, %dma_wait3A_118] : memref<1024x100000xf32, #tpu.memory_space<hbm>> -> memref<8x1408xf32, #tpu.memory_space<hbm>>
    tpu.wait_dma2 semaphore(%arg9 : memref<!tpu.dma_semaphore, #tpu.memory_space<semaphore_mem>>) src(%dma_wait3A_119 : memref<8x1408xf32, #tpu.memory_space<hbm>>) dst(%arg6 : memref<8x1408xf32, #tpu.memory_space<vmem>>)
    %scan3A_120 = arith.constant 0 : i32
    %scan3A_121 = arith.constant 11 : i32
    %scan3A_122 = arith.addi %scan3A_120, %scan3A_121 : i32
    %scan3A_123 = arith.constant 1 : i32
    %scan3A_124 = scf.for %scan3A_534 = %scan3A_120 to %scan3A_122 step %scan3A_123 iter_args(%scan3A_535 = %scan3A_115#0) -> (vector<16xf32>)  : i32 {
      %mul3A_536 = arith.constant 128 : i32
      %mul3A_537 = arith.muli %scan3A_534, %mul3A_536 : i32
      %multiple_of3A_538 = tpu.assume_multiple %mul3A_537, 128 : i32
      %add3A_539 = arith.constant 0 : i32
      %add3A_540 = arith.addi %multiple_of3A_538, %add3A_539 : i32
      %get3A = arith.constant 0 : i32
      %get3A_541 = arith.index_cast %get3A : i32 to index
      %get3A_542 = arith.index_cast %add3A_540 : i32 to index
      %get3A_543 = tpu.vector_load %arg6[%get3A_541, %get3A_542] {strides = array<i32>} : memref<8x1408xf32, #tpu.memory_space<vmem>>, vector<16xf32>,
      %add3A_544 = arith.addf %scan3A_535, %get3A_543 : vector<16xf32>
      %add3A_545 = arith.constant 16 : i32
      %add3A_546 = arith.addi %multiple_of3A_538, %add3A_545 : i32
      %get3A_547 = arith.constant 0 : i32
      %get3A_548 = arith.index_cast %get3A_547 : i32 to index
      %get3A_549 = arith.index_cast %add3A_546 : i32 to index
      %get3A_550 = tpu.vector_load %arg6[%get3A_548, %get3A_549] {strides = array<i32>} : memref<8x1408xf32, #tpu.memory_space<vmem>>, vector<16xf32>,
      %add3A_551 = arith.addf %add3A_544, %get3A_550 : vector<16xf32>
      %add3A_552 = arith.constant 32 : i32
      %add3A_553 = arith.addi %multiple_of3A_538, %add3A_552 : i32
      %get3A_554 = arith.constant 0 : i32
      %get3A_555 = arith.index_cast %get3A_554 : i32 to index
      %get3A_556 = arith.index_cast %add3A_553 : i32 to index
      %get3A_557 = tpu.vector_load %arg6[%get3A_555, %get3A_556] {strides = array<i32>} : memref<8x1408xf32, #tpu.memory_space<vmem>>, vector<16xf32>,
      %add3A_558 = arith.addf %add3A_551, %get3A_557 : vector<16xf32>
      %add3A_559 = arith.constant 48 : i32
      %add3A_560 = arith.addi %multiple_of3A_538, %add3A_559 : i32
      %get3A_561 = arith.constant 0 : i32
      %get3A_562 = arith.index_cast %get3A_561 : i32 to index
      %get3A_563 = arith.index_cast %add3A_560 : i32 to index
      %get3A_564 = tpu.vector_load %arg6[%get3A_562, %get3A_563] {strides = array<i32>} : memref<8x1408xf32, #tpu.memory_space<vmem>>, vector<16xf32>,
      %add3A_565 = arith.addf %add3A_558, %get3A_564 : vector<16xf32>
      %add3A_566 = arith.constant 64 : i32
      %add3A_567 = arith.addi %multiple_of3A_538, %add3A_566 : i32
      %get3A_568 = arith.constant 0 : i32
      %get3A_569 = arith.index_cast %get3A_568 : i32 to index
      %get3A_570 = arith.index_cast %add3A_567 : i32 to index
      %get3A_571 = tpu.vector_load %arg6[%get3A_569, %get3A_570] {strides = array<i32>} : memref<8x1408xf32, #tpu.memory_space<vmem>>, vector<16xf32>,
      %add3A_572 = arith.addf %add3A_565, %get3A_571 : vector<16xf32>
      %add3A_573 = arith.constant 80 : i32
      %add3A_574 = arith.addi %multiple_of3A_538, %add3A_573 : i32
      %get3A_575 = arith.constant 0 : i32
      %get3A_576 = arith.index_cast %get3A_575 : i32 to index
      %get3A_577 = arith.index_cast %add3A_574 : i32 to index
      %get3A_578 = tpu.vector_load %arg6[%get3A_576, %get3A_577] {strides = array<i32>} : memref<8x1408xf32, #tpu.memory_space<vmem>>, vector<16xf32>,
      %add3A_579 = arith.addf %add3A_572, %get3A_578 : vector<16xf32>
      %add3A_580 = arith.constant 96 : i32
      %add3A_581 = arith.addi %multiple_of3A_538, %add3A_580 : i32
      %get3A_582 = arith.constant 0 : i32
      %get3A_583 = arith.index_cast %get3A_582 : i32 to index
      %get3A_584 = arith.index_cast %add3A_581 : i32 to index
      %get3A_585 = tpu.vector_load %arg6[%get3A_583, %get3A_584] {strides = array<i32>} : memref<8x1408xf32, #tpu.memory_space<vmem>>, vector<16xf32>,
      %add3A_586 = arith.addf %add3A_579, %get3A_585 : vector<16xf32>
      %add3A_587 = arith.constant 112 : i32
      %add3A_588 = arith.addi %multiple_of3A_538, %add3A_587 : i32
      %get3A_589 = arith.constant 0 : i32
      %get3A_590 = arith.index_cast %get3A_589 : i32 to index
      %get3A_591 = arith.index_cast %add3A_588 : i32 to index
      %get3A_592 = tpu.vector_load %arg6[%get3A_590, %get3A_591] {strides = array<i32>} : memref<8x1408xf32, #tpu.memory_space<vmem>>, vector<16xf32>,
      %add3A_593 = arith.addf %add3A_586, %get3A_592 : vector<16xf32>
      scf.yield %add3A_593 : vector<16xf32>
    }
    %scan3A_125 = arith.constant 11 : i32
    %broadcast_in_dim3A_126 = arith.constant 0 : i32
    %broadcast_in_dim3A_127 = vector.broadcast %broadcast_in_dim3A_126 : i32 to vector<16xi32>
    %ge3A = arith.constant 98560 : i32
    %ge3A_128 = vector.broadcast %ge3A : i32 to vector<16xi32>
    %ge3A_129 = arith.cmpi sge, %gather3A, %ge3A_128 : vector<16xi32>
    %lt3A = arith.constant 99968 : i32
    %lt3A_130 = vector.broadcast %lt3A : i32 to vector<16xi32>
    %lt3A_131 = arith.cmpi slt, %gather3A, %lt3A_130 : vector<16xi32>
    %and3A_132 = arith.andi %ge3A_129, %lt3A_131 : vector<16xi1>
    %sub3A = arith.constant 98560 : i32
    %sub3A_133 = vector.broadcast %sub3A : i32 to vector<16xi32>
    %sub3A_134 = arith.subi %gather3A, %sub3A_133 : vector<16xi32>
    %jit3A_135 = arith.constant 0 : i32
    %broadcast_in_dim3A_136 = vector.broadcast %jit3A_135 : i32 to vector<16xi32>
    %select_n3A_137 = arith.select %and3A_132, %sub3A_134, %broadcast_in_dim3A_136 : vector<16xi1>, vector<16xi32>
    %gather3A_138 = tpu.vector_load_idx %arg6[%broadcast_in_dim3A_127, %select_n3A_137] : memref<8x1408xf32, #tpu.memory_space<vmem>>[vector<16xi32>, vector<16xi32>], vector<16xf32>,
    %and3A_139 = arith.andi %and3A_132, %eq3A_4 : vector<16xi1>
    %jit3A_140 = arith.constant 0.000000e+00 : f32
    %broadcast_in_dim3A_141 = vector.broadcast %jit3A_140 : f32 to vector<16xf32>
    %select_n3A_142 = arith.select %and3A_139, %gather3A_138, %broadcast_in_dim3A_141 : vector<16xi1>, vector<16xf32>
    %add3A_143 = arith.addf %scan3A_115#1, %select_n3A_142 : vector<16xf32>
    %ge3A_144 = arith.constant 98560 : i32
    %ge3A_145 = vector.broadcast %ge3A_144 : i32 to vector<16xi32>
    %ge3A_146 = arith.cmpi sge, %broadcast_in_dim3A_5, %ge3A_145 : vector<16xi32>
    %lt3A_147 = arith.constant 99968 : i32
    %lt3A_148 = vector.broadcast %lt3A_147 : i32 to vector<16xi32>
    %lt3A_149 = arith.cmpi slt, %broadcast_in_dim3A_5, %lt3A_148 : vector<16xi32>
    %and3A_150 = arith.andi %ge3A_146, %lt3A_149 : vector<16xi1>
    %sub3A_151 = arith.constant 98560 : i32
    %sub3A_152 = vector.broadcast %sub3A_151 : i32 to vector<16xi32>
    %sub3A_153 = arith.subi %broadcast_in_dim3A_5, %sub3A_152 : vector<16xi32>
    %jit3A_154 = arith.constant 0 : i32
    %broadcast_in_dim3A_155 = vector.broadcast %jit3A_154 : i32 to vector<16xi32>
    %select_n3A_156 = arith.select %and3A_150, %sub3A_153, %broadcast_in_dim3A_155 : vector<16xi1>, vector<16xi32>
    %gather3A_157 = tpu.vector_load_idx %arg6[%broadcast_in_dim3A_127, %select_n3A_156] : memref<8x1408xf32, #tpu.memory_space<vmem>>[vector<16xi32>, vector<16xi32>], vector<16xf32>,
    %and3A_158 = arith.andi %and3A_150, %eq3A_4 : vector<16xi1>
    %ne3A = arith.constant 99900 : i32
    %ne3A_159 = vector.broadcast %ne3A : i32 to vector<16xi32>
    %ne3A_160 = arith.cmpi ne, %gather3A, %ne3A_159 : vector<16xi32>
    %and3A_161 = arith.andi %and3A_158, %ne3A_160 : vector<16xi1>
    %jit3A_162 = arith.constant 0.000000e+00 : f32
    %broadcast_in_dim3A_163 = vector.broadcast %jit3A_162 : f32 to vector<16xf32>
    %select_n3A_164 = arith.select %and3A_161, %gather3A_157, %broadcast_in_dim3A_163 : vector<16xi1>, vector<16xf32>
    %add3A_165 = arith.addf %scan3A_115#2, %select_n3A_164 : vector<16xf32>
    %scan3A_166 = arith.constant 0 : i32
    %scan3A_167 = arith.constant 11 : i32
    %scan3A_168 = arith.addi %scan3A_166, %scan3A_167 : i32
    %scan3A_169 = arith.constant 1 : i32
    %scan3A_170 = scf.for %scan3A_534 = %scan3A_166 to %scan3A_168 step %scan3A_169 iter_args(%scan3A_535 = %scan3A_124) -> (vector<16xf32>)  : i32 {
      %mul3A_536 = arith.constant 128 : i32
      %mul3A_537 = arith.muli %scan3A_534, %mul3A_536 : i32
      %multiple_of3A_538 = tpu.assume_multiple %mul3A_537, 128 : i32
      %add3A_539 = arith.constant 0 : i32
      %add3A_540 = arith.addi %multiple_of3A_538, %add3A_539 : i32
      %get3A = arith.constant 1 : i32
      %get3A_541 = arith.index_cast %get3A : i32 to index
      %get3A_542 = arith.index_cast %add3A_540 : i32 to index
      %get3A_543 = tpu.vector_load %arg6[%get3A_541, %get3A_542] {strides = array<i32>} : memref<8x1408xf32, #tpu.memory_space<vmem>>, vector<16xf32>,
      %add3A_544 = arith.addf %scan3A_535, %get3A_543 : vector<16xf32>
      %add3A_545 = arith.constant 16 : i32
      %add3A_546 = arith.addi %multiple_of3A_538, %add3A_545 : i32
      %get3A_547 = arith.constant 1 : i32
      %get3A_548 = arith.index_cast %get3A_547 : i32 to index
      %get3A_549 = arith.index_cast %add3A_546 : i32 to index
      %get3A_550 = tpu.vector_load %arg6[%get3A_548, %get3A_549] {strides = array<i32>} : memref<8x1408xf32, #tpu.memory_space<vmem>>, vector<16xf32>,
      %add3A_551 = arith.addf %add3A_544, %get3A_550 : vector<16xf32>
      %add3A_552 = arith.constant 32 : i32
      %add3A_553 = arith.addi %multiple_of3A_538, %add3A_552 : i32
      %get3A_554 = arith.constant 1 : i32
      %get3A_555 = arith.index_cast %get3A_554 : i32 to index
      %get3A_556 = arith.index_cast %add3A_553 : i32 to index
      %get3A_557 = tpu.vector_load %arg6[%get3A_555, %get3A_556] {strides = array<i32>} : memref<8x1408xf32, #tpu.memory_space<vmem>>, vector<16xf32>,
      %add3A_558 = arith.addf %add3A_551, %get3A_557 : vector<16xf32>
      %add3A_559 = arith.constant 48 : i32
      %add3A_560 = arith.addi %multiple_of3A_538, %add3A_559 : i32
      %get3A_561 = arith.constant 1 : i32
      %get3A_562 = arith.index_cast %get3A_561 : i32 to index
      %get3A_563 = arith.index_cast %add3A_560 : i32 to index
      %get3A_564 = tpu.vector_load %arg6[%get3A_562, %get3A_563] {strides = array<i32>} : memref<8x1408xf32, #tpu.memory_space<vmem>>, vector<16xf32>,
      %add3A_565 = arith.addf %add3A_558, %get3A_564 : vector<16xf32>
      %add3A_566 = arith.constant 64 : i32
      %add3A_567 = arith.addi %multiple_of3A_538, %add3A_566 : i32
      %get3A_568 = arith.constant 1 : i32
      %get3A_569 = arith.index_cast %get3A_568 : i32 to index
      %get3A_570 = arith.index_cast %add3A_567 : i32 to index
      %get3A_571 = tpu.vector_load %arg6[%get3A_569, %get3A_570] {strides = array<i32>} : memref<8x1408xf32, #tpu.memory_space<vmem>>, vector<16xf32>,
      %add3A_572 = arith.addf %add3A_565, %get3A_571 : vector<16xf32>
      %add3A_573 = arith.constant 80 : i32
      %add3A_574 = arith.addi %multiple_of3A_538, %add3A_573 : i32
      %get3A_575 = arith.constant 1 : i32
      %get3A_576 = arith.index_cast %get3A_575 : i32 to index
      %get3A_577 = arith.index_cast %add3A_574 : i32 to index
      %get3A_578 = tpu.vector_load %arg6[%get3A_576, %get3A_577] {strides = array<i32>} : memref<8x1408xf32, #tpu.memory_space<vmem>>, vector<16xf32>,
      %add3A_579 = arith.addf %add3A_572, %get3A_578 : vector<16xf32>
      %add3A_580 = arith.constant 96 : i32
      %add3A_581 = arith.addi %multiple_of3A_538, %add3A_580 : i32
      %get3A_582 = arith.constant 1 : i32
      %get3A_583 = arith.index_cast %get3A_582 : i32 to index
      %get3A_584 = arith.index_cast %add3A_581 : i32 to index
      %get3A_585 = tpu.vector_load %arg6[%get3A_583, %get3A_584] {strides = array<i32>} : memref<8x1408xf32, #tpu.memory_space<vmem>>, vector<16xf32>,
      %add3A_586 = arith.addf %add3A_579, %get3A_585 : vector<16xf32>
      %add3A_587 = arith.constant 112 : i32
      %add3A_588 = arith.addi %multiple_of3A_538, %add3A_587 : i32
      %get3A_589 = arith.constant 1 : i32
      %get3A_590 = arith.index_cast %get3A_589 : i32 to index
      %get3A_591 = arith.index_cast %add3A_588 : i32 to index
      %get3A_592 = tpu.vector_load %arg6[%get3A_590, %get3A_591] {strides = array<i32>} : memref<8x1408xf32, #tpu.memory_space<vmem>>, vector<16xf32>,
      %add3A_593 = arith.addf %add3A_586, %get3A_592 : vector<16xf32>
      scf.yield %add3A_593 : vector<16xf32>
    }
    %scan3A_171 = arith.constant 11 : i32
    %broadcast_in_dim3A_172 = arith.constant 1 : i32
    %broadcast_in_dim3A_173 = vector.broadcast %broadcast_in_dim3A_172 : i32 to vector<16xi32>
    %ge3A_174 = arith.constant 98560 : i32
    %ge3A_175 = vector.broadcast %ge3A_174 : i32 to vector<16xi32>
    %ge3A_176 = arith.cmpi sge, %gather3A_14, %ge3A_175 : vector<16xi32>
    %lt3A_177 = arith.constant 99968 : i32
    %lt3A_178 = vector.broadcast %lt3A_177 : i32 to vector<16xi32>
    %lt3A_179 = arith.cmpi slt, %gather3A_14, %lt3A_178 : vector<16xi32>
    %and3A_180 = arith.andi %ge3A_176, %lt3A_179 : vector<16xi1>
    %sub3A_181 = arith.constant 98560 : i32
    %sub3A_182 = vector.broadcast %sub3A_181 : i32 to vector<16xi32>
    %sub3A_183 = arith.subi %gather3A_14, %sub3A_182 : vector<16xi32>
    %jit3A_184 = arith.constant 0 : i32
    %broadcast_in_dim3A_185 = vector.broadcast %jit3A_184 : i32 to vector<16xi32>
    %select_n3A_186 = arith.select %and3A_180, %sub3A_183, %broadcast_in_dim3A_185 : vector<16xi1>, vector<16xi32>
    %gather3A_187 = tpu.vector_load_idx %arg6[%broadcast_in_dim3A_173, %select_n3A_186] : memref<8x1408xf32, #tpu.memory_space<vmem>>[vector<16xi32>, vector<16xi32>], vector<16xf32>,
    %and3A_188 = arith.andi %and3A_180, %eq3A_4 : vector<16xi1>
    %jit3A_189 = arith.constant 0.000000e+00 : f32
    %broadcast_in_dim3A_190 = vector.broadcast %jit3A_189 : f32 to vector<16xf32>
    %select_n3A_191 = arith.select %and3A_188, %gather3A_187, %broadcast_in_dim3A_190 : vector<16xi1>, vector<16xf32>
    %add3A_192 = arith.addf %add3A_143, %select_n3A_191 : vector<16xf32>
    %ge3A_193 = arith.constant 98560 : i32
    %ge3A_194 = vector.broadcast %ge3A_193 : i32 to vector<16xi32>
    %ge3A_195 = arith.cmpi sge, %broadcast_in_dim3A_5, %ge3A_194 : vector<16xi32>
    %lt3A_196 = arith.constant 99968 : i32
    %lt3A_197 = vector.broadcast %lt3A_196 : i32 to vector<16xi32>
    %lt3A_198 = arith.cmpi slt, %broadcast_in_dim3A_5, %lt3A_197 : vector<16xi32>
    %and3A_199 = arith.andi %ge3A_195, %lt3A_198 : vector<16xi1>
    %sub3A_200 = arith.constant 98560 : i32
    %sub3A_201 = vector.broadcast %sub3A_200 : i32 to vector<16xi32>
    %sub3A_202 = arith.subi %broadcast_in_dim3A_5, %sub3A_201 : vector<16xi32>
    %jit3A_203 = arith.constant 0 : i32
    %broadcast_in_dim3A_204 = vector.broadcast %jit3A_203 : i32 to vector<16xi32>
    %select_n3A_205 = arith.select %and3A_199, %sub3A_202, %broadcast_in_dim3A_204 : vector<16xi1>, vector<16xi32>
    %gather3A_206 = tpu.vector_load_idx %arg6[%broadcast_in_dim3A_173, %select_n3A_205] : memref<8x1408xf32, #tpu.memory_space<vmem>>[vector<16xi32>, vector<16xi32>], vector<16xf32>,
    %and3A_207 = arith.andi %and3A_199, %eq3A_4 : vector<16xi1>
    %ne3A_208 = arith.constant 99900 : i32
    %ne3A_209 = vector.broadcast %ne3A_208 : i32 to vector<16xi32>
    %ne3A_210 = arith.cmpi ne, %gather3A_14, %ne3A_209 : vector<16xi32>
    %and3A_211 = arith.andi %and3A_207, %ne3A_210 : vector<16xi1>
    %jit3A_212 = arith.constant 0.000000e+00 : f32
    %broadcast_in_dim3A_213 = vector.broadcast %jit3A_212 : f32 to vector<16xf32>
    %select_n3A_214 = arith.select %and3A_211, %gather3A_206, %broadcast_in_dim3A_213 : vector<16xi1>, vector<16xf32>
    %add3A_215 = arith.addf %add3A_165, %select_n3A_214 : vector<16xf32>
    %scan3A_216 = arith.constant 0 : i32
    %scan3A_217 = arith.constant 11 : i32
    %scan3A_218 = arith.addi %scan3A_216, %scan3A_217 : i32
    %scan3A_219 = arith.constant 1 : i32
    %scan3A_220 = scf.for %scan3A_534 = %scan3A_216 to %scan3A_218 step %scan3A_219 iter_args(%scan3A_535 = %scan3A_170) -> (vector<16xf32>)  : i32 {
      %mul3A_536 = arith.constant 128 : i32
      %mul3A_537 = arith.muli %scan3A_534, %mul3A_536 : i32
      %multiple_of3A_538 = tpu.assume_multiple %mul3A_537, 128 : i32
      %add3A_539 = arith.constant 0 : i32
      %add3A_540 = arith.addi %multiple_of3A_538, %add3A_539 : i32
      %get3A = arith.constant 2 : i32
      %get3A_541 = arith.index_cast %get3A : i32 to index
      %get3A_542 = arith.index_cast %add3A_540 : i32 to index
      %get3A_543 = tpu.vector_load %arg6[%get3A_541, %get3A_542] {strides = array<i32>} : memref<8x1408xf32, #tpu.memory_space<vmem>>, vector<16xf32>,
      %add3A_544 = arith.addf %scan3A_535, %get3A_543 : vector<16xf32>
      %add3A_545 = arith.constant 16 : i32
      %add3A_546 = arith.addi %multiple_of3A_538, %add3A_545 : i32
      %get3A_547 = arith.constant 2 : i32
      %get3A_548 = arith.index_cast %get3A_547 : i32 to index
      %get3A_549 = arith.index_cast %add3A_546 : i32 to index
      %get3A_550 = tpu.vector_load %arg6[%get3A_548, %get3A_549] {strides = array<i32>} : memref<8x1408xf32, #tpu.memory_space<vmem>>, vector<16xf32>,
      %add3A_551 = arith.addf %add3A_544, %get3A_550 : vector<16xf32>
      %add3A_552 = arith.constant 32 : i32
      %add3A_553 = arith.addi %multiple_of3A_538, %add3A_552 : i32
      %get3A_554 = arith.constant 2 : i32
      %get3A_555 = arith.index_cast %get3A_554 : i32 to index
      %get3A_556 = arith.index_cast %add3A_553 : i32 to index
      %get3A_557 = tpu.vector_load %arg6[%get3A_555, %get3A_556] {strides = array<i32>} : memref<8x1408xf32, #tpu.memory_space<vmem>>, vector<16xf32>,
      %add3A_558 = arith.addf %add3A_551, %get3A_557 : vector<16xf32>
      %add3A_559 = arith.constant 48 : i32
      %add3A_560 = arith.addi %multiple_of3A_538, %add3A_559 : i32
      %get3A_561 = arith.constant 2 : i32
      %get3A_562 = arith.index_cast %get3A_561 : i32 to index
      %get3A_563 = arith.index_cast %add3A_560 : i32 to index
      %get3A_564 = tpu.vector_load %arg6[%get3A_562, %get3A_563] {strides = array<i32>} : memref<8x1408xf32, #tpu.memory_space<vmem>>, vector<16xf32>,
      %add3A_565 = arith.addf %add3A_558, %get3A_564 : vector<16xf32>
      %add3A_566 = arith.constant 64 : i32
      %add3A_567 = arith.addi %multiple_of3A_538, %add3A_566 : i32
      %get3A_568 = arith.constant 2 : i32
      %get3A_569 = arith.index_cast %get3A_568 : i32 to index
      %get3A_570 = arith.index_cast %add3A_567 : i32 to index
      %get3A_571 = tpu.vector_load %arg6[%get3A_569, %get3A_570] {strides = array<i32>} : memref<8x1408xf32, #tpu.memory_space<vmem>>, vector<16xf32>,
      %add3A_572 = arith.addf %add3A_565, %get3A_571 : vector<16xf32>
      %add3A_573 = arith.constant 80 : i32
      %add3A_574 = arith.addi %multiple_of3A_538, %add3A_573 : i32
      %get3A_575 = arith.constant 2 : i32
      %get3A_576 = arith.index_cast %get3A_575 : i32 to index
      %get3A_577 = arith.index_cast %add3A_574 : i32 to index
      %get3A_578 = tpu.vector_load %arg6[%get3A_576, %get3A_577] {strides = array<i32>} : memref<8x1408xf32, #tpu.memory_space<vmem>>, vector<16xf32>,
      %add3A_579 = arith.addf %add3A_572, %get3A_578 : vector<16xf32>
      %add3A_580 = arith.constant 96 : i32
      %add3A_581 = arith.addi %multiple_of3A_538, %add3A_580 : i32
      %get3A_582 = arith.constant 2 : i32
      %get3A_583 = arith.index_cast %get3A_582 : i32 to index
      %get3A_584 = arith.index_cast %add3A_581 : i32 to index
      %get3A_585 = tpu.vector_load %arg6[%get3A_583, %get3A_584] {strides = array<i32>} : memref<8x1408xf32, #tpu.memory_space<vmem>>, vector<16xf32>,
      %add3A_586 = arith.addf %add3A_579, %get3A_585 : vector<16xf32>
      %add3A_587 = arith.constant 112 : i32
      %add3A_588 = arith.addi %multiple_of3A_538, %add3A_587 : i32
      %get3A_589 = arith.constant 2 : i32
      %get3A_590 = arith.index_cast %get3A_589 : i32 to index
      %get3A_591 = arith.index_cast %add3A_588 : i32 to index
      %get3A_592 = tpu.vector_load %arg6[%get3A_590, %get3A_591] {strides = array<i32>} : memref<8x1408xf32, #tpu.memory_space<vmem>>, vector<16xf32>,
      %add3A_593 = arith.addf %add3A_586, %get3A_592 : vector<16xf32>
      scf.yield %add3A_593 : vector<16xf32>
    }
    %scan3A_221 = arith.constant 11 : i32
    %broadcast_in_dim3A_222 = arith.constant 2 : i32
    %broadcast_in_dim3A_223 = vector.broadcast %broadcast_in_dim3A_222 : i32 to vector<16xi32>
    %ge3A_224 = arith.constant 98560 : i32
    %ge3A_225 = vector.broadcast %ge3A_224 : i32 to vector<16xi32>
    %ge3A_226 = arith.cmpi sge, %gather3A_17, %ge3A_225 : vector<16xi32>
    %lt3A_227 = arith.constant 99968 : i32
    %lt3A_228 = vector.broadcast %lt3A_227 : i32 to vector<16xi32>
    %lt3A_229 = arith.cmpi slt, %gather3A_17, %lt3A_228 : vector<16xi32>
    %and3A_230 = arith.andi %ge3A_226, %lt3A_229 : vector<16xi1>
    %sub3A_231 = arith.constant 98560 : i32
    %sub3A_232 = vector.broadcast %sub3A_231 : i32 to vector<16xi32>
    %sub3A_233 = arith.subi %gather3A_17, %sub3A_232 : vector<16xi32>
    %jit3A_234 = arith.constant 0 : i32
    %broadcast_in_dim3A_235 = vector.broadcast %jit3A_234 : i32 to vector<16xi32>
    %select_n3A_236 = arith.select %and3A_230, %sub3A_233, %broadcast_in_dim3A_235 : vector<16xi1>, vector<16xi32>
    %gather3A_237 = tpu.vector_load_idx %arg6[%broadcast_in_dim3A_223, %select_n3A_236] : memref<8x1408xf32, #tpu.memory_space<vmem>>[vector<16xi32>, vector<16xi32>], vector<16xf32>,
    %and3A_238 = arith.andi %and3A_230, %eq3A_4 : vector<16xi1>
    %jit3A_239 = arith.constant 0.000000e+00 : f32
    %broadcast_in_dim3A_240 = vector.broadcast %jit3A_239 : f32 to vector<16xf32>
    %select_n3A_241 = arith.select %and3A_238, %gather3A_237, %broadcast_in_dim3A_240 : vector<16xi1>, vector<16xf32>
    %add3A_242 = arith.addf %add3A_192, %select_n3A_241 : vector<16xf32>
    %ge3A_243 = arith.constant 98560 : i32
    %ge3A_244 = vector.broadcast %ge3A_243 : i32 to vector<16xi32>
    %ge3A_245 = arith.cmpi sge, %broadcast_in_dim3A_5, %ge3A_244 : vector<16xi32>
    %lt3A_246 = arith.constant 99968 : i32
    %lt3A_247 = vector.broadcast %lt3A_246 : i32 to vector<16xi32>
    %lt3A_248 = arith.cmpi slt, %broadcast_in_dim3A_5, %lt3A_247 : vector<16xi32>
    %and3A_249 = arith.andi %ge3A_245, %lt3A_248 : vector<16xi1>
    %sub3A_250 = arith.constant 98560 : i32
    %sub3A_251 = vector.broadcast %sub3A_250 : i32 to vector<16xi32>
    %sub3A_252 = arith.subi %broadcast_in_dim3A_5, %sub3A_251 : vector<16xi32>
    %jit3A_253 = arith.constant 0 : i32
    %broadcast_in_dim3A_254 = vector.broadcast %jit3A_253 : i32 to vector<16xi32>
    %select_n3A_255 = arith.select %and3A_249, %sub3A_252, %broadcast_in_dim3A_254 : vector<16xi1>, vector<16xi32>
    %gather3A_256 = tpu.vector_load_idx %arg6[%broadcast_in_dim3A_223, %select_n3A_255] : memref<8x1408xf32, #tpu.memory_space<vmem>>[vector<16xi32>, vector<16xi32>], vector<16xf32>,
    %and3A_257 = arith.andi %and3A_249, %eq3A_4 : vector<16xi1>
    %ne3A_258 = arith.constant 99900 : i32
    %ne3A_259 = vector.broadcast %ne3A_258 : i32 to vector<16xi32>
    %ne3A_260 = arith.cmpi ne, %gather3A_17, %ne3A_259 : vector<16xi32>
    %and3A_261 = arith.andi %and3A_257, %ne3A_260 : vector<16xi1>
    %jit3A_262 = arith.constant 0.000000e+00 : f32
    %broadcast_in_dim3A_263 = vector.broadcast %jit3A_262 : f32 to vector<16xf32>
    %select_n3A_264 = arith.select %and3A_261, %gather3A_256, %broadcast_in_dim3A_263 : vector<16xi1>, vector<16xf32>
    %add3A_265 = arith.addf %add3A_215, %select_n3A_264 : vector<16xf32>
    %scan3A_266 = arith.constant 0 : i32
    %scan3A_267 = arith.constant 11 : i32
    %scan3A_268 = arith.addi %scan3A_266, %scan3A_267 : i32
    %scan3A_269 = arith.constant 1 : i32
    %scan3A_270 = scf.for %scan3A_534 = %scan3A_266 to %scan3A_268 step %scan3A_269 iter_args(%scan3A_535 = %scan3A_220) -> (vector<16xf32>)  : i32 {
      %mul3A_536 = arith.constant 128 : i32
      %mul3A_537 = arith.muli %scan3A_534, %mul3A_536 : i32
      %multiple_of3A_538 = tpu.assume_multiple %mul3A_537, 128 : i32
      %add3A_539 = arith.constant 0 : i32
      %add3A_540 = arith.addi %multiple_of3A_538, %add3A_539 : i32
      %get3A = arith.constant 3 : i32
      %get3A_541 = arith.index_cast %get3A : i32 to index
      %get3A_542 = arith.index_cast %add3A_540 : i32 to index
      %get3A_543 = tpu.vector_load %arg6[%get3A_541, %get3A_542] {strides = array<i32>} : memref<8x1408xf32, #tpu.memory_space<vmem>>, vector<16xf32>,
      %add3A_544 = arith.addf %scan3A_535, %get3A_543 : vector<16xf32>
      %add3A_545 = arith.constant 16 : i32
      %add3A_546 = arith.addi %multiple_of3A_538, %add3A_545 : i32
      %get3A_547 = arith.constant 3 : i32
      %get3A_548 = arith.index_cast %get3A_547 : i32 to index
      %get3A_549 = arith.index_cast %add3A_546 : i32 to index
      %get3A_550 = tpu.vector_load %arg6[%get3A_548, %get3A_549] {strides = array<i32>} : memref<8x1408xf32, #tpu.memory_space<vmem>>, vector<16xf32>,
      %add3A_551 = arith.addf %add3A_544, %get3A_550 : vector<16xf32>
      %add3A_552 = arith.constant 32 : i32
      %add3A_553 = arith.addi %multiple_of3A_538, %add3A_552 : i32
      %get3A_554 = arith.constant 3 : i32
      %get3A_555 = arith.index_cast %get3A_554 : i32 to index
      %get3A_556 = arith.index_cast %add3A_553 : i32 to index
      %get3A_557 = tpu.vector_load %arg6[%get3A_555, %get3A_556] {strides = array<i32>} : memref<8x1408xf32, #tpu.memory_space<vmem>>, vector<16xf32>,
      %add3A_558 = arith.addf %add3A_551, %get3A_557 : vector<16xf32>
      %add3A_559 = arith.constant 48 : i32
      %add3A_560 = arith.addi %multiple_of3A_538, %add3A_559 : i32
      %get3A_561 = arith.constant 3 : i32
      %get3A_562 = arith.index_cast %get3A_561 : i32 to index
      %get3A_563 = arith.index_cast %add3A_560 : i32 to index
      %get3A_564 = tpu.vector_load %arg6[%get3A_562, %get3A_563] {strides = array<i32>} : memref<8x1408xf32, #tpu.memory_space<vmem>>, vector<16xf32>,
      %add3A_565 = arith.addf %add3A_558, %get3A_564 : vector<16xf32>
      %add3A_566 = arith.constant 64 : i32
      %add3A_567 = arith.addi %multiple_of3A_538, %add3A_566 : i32
      %get3A_568 = arith.constant 3 : i32
      %get3A_569 = arith.index_cast %get3A_568 : i32 to index
      %get3A_570 = arith.index_cast %add3A_567 : i32 to index
      %get3A_571 = tpu.vector_load %arg6[%get3A_569, %get3A_570] {strides = array<i32>} : memref<8x1408xf32, #tpu.memory_space<vmem>>, vector<16xf32>,
      %add3A_572 = arith.addf %add3A_565, %get3A_571 : vector<16xf32>
      %add3A_573 = arith.constant 80 : i32
      %add3A_574 = arith.addi %multiple_of3A_538, %add3A_573 : i32
      %get3A_575 = arith.constant 3 : i32
      %get3A_576 = arith.index_cast %get3A_575 : i32 to index
      %get3A_577 = arith.index_cast %add3A_574 : i32 to index
      %get3A_578 = tpu.vector_load %arg6[%get3A_576, %get3A_577] {strides = array<i32>} : memref<8x1408xf32, #tpu.memory_space<vmem>>, vector<16xf32>,
      %add3A_579 = arith.addf %add3A_572, %get3A_578 : vector<16xf32>
      %add3A_580 = arith.constant 96 : i32
      %add3A_581 = arith.addi %multiple_of3A_538, %add3A_580 : i32
      %get3A_582 = arith.constant 3 : i32
      %get3A_583 = arith.index_cast %get3A_582 : i32 to index
      %get3A_584 = arith.index_cast %add3A_581 : i32 to index
      %get3A_585 = tpu.vector_load %arg6[%get3A_583, %get3A_584] {strides = array<i32>} : memref<8x1408xf32, #tpu.memory_space<vmem>>, vector<16xf32>,
      %add3A_586 = arith.addf %add3A_579, %get3A_585 : vector<16xf32>
      %add3A_587 = arith.constant 112 : i32
      %add3A_588 = arith.addi %multiple_of3A_538, %add3A_587 : i32
      %get3A_589 = arith.constant 3 : i32
      %get3A_590 = arith.index_cast %get3A_589 : i32 to index
      %get3A_591 = arith.index_cast %add3A_588 : i32 to index
      %get3A_592 = tpu.vector_load %arg6[%get3A_590, %get3A_591] {strides = array<i32>} : memref<8x1408xf32, #tpu.memory_space<vmem>>, vector<16xf32>,
      %add3A_593 = arith.addf %add3A_586, %get3A_592 : vector<16xf32>
      scf.yield %add3A_593 : vector<16xf32>
    }
    %scan3A_271 = arith.constant 11 : i32
    %broadcast_in_dim3A_272 = arith.constant 3 : i32
    %broadcast_in_dim3A_273 = vector.broadcast %broadcast_in_dim3A_272 : i32 to vector<16xi32>
    %ge3A_274 = arith.constant 98560 : i32
    %ge3A_275 = vector.broadcast %ge3A_274 : i32 to vector<16xi32>
    %ge3A_276 = arith.cmpi sge, %gather3A_20, %ge3A_275 : vector<16xi32>
    %lt3A_277 = arith.constant 99968 : i32
    %lt3A_278 = vector.broadcast %lt3A_277 : i32 to vector<16xi32>
    %lt3A_279 = arith.cmpi slt, %gather3A_20, %lt3A_278 : vector<16xi32>
    %and3A_280 = arith.andi %ge3A_276, %lt3A_279 : vector<16xi1>
    %sub3A_281 = arith.constant 98560 : i32
    %sub3A_282 = vector.broadcast %sub3A_281 : i32 to vector<16xi32>
    %sub3A_283 = arith.subi %gather3A_20, %sub3A_282 : vector<16xi32>
    %jit3A_284 = arith.constant 0 : i32
    %broadcast_in_dim3A_285 = vector.broadcast %jit3A_284 : i32 to vector<16xi32>
    %select_n3A_286 = arith.select %and3A_280, %sub3A_283, %broadcast_in_dim3A_285 : vector<16xi1>, vector<16xi32>
    %gather3A_287 = tpu.vector_load_idx %arg6[%broadcast_in_dim3A_273, %select_n3A_286] : memref<8x1408xf32, #tpu.memory_space<vmem>>[vector<16xi32>, vector<16xi32>], vector<16xf32>,
    %and3A_288 = arith.andi %and3A_280, %eq3A_4 : vector<16xi1>
    %jit3A_289 = arith.constant 0.000000e+00 : f32
    %broadcast_in_dim3A_290 = vector.broadcast %jit3A_289 : f32 to vector<16xf32>
    %select_n3A_291 = arith.select %and3A_288, %gather3A_287, %broadcast_in_dim3A_290 : vector<16xi1>, vector<16xf32>
    %add3A_292 = arith.addf %add3A_242, %select_n3A_291 : vector<16xf32>
    %ge3A_293 = arith.constant 98560 : i32
    %ge3A_294 = vector.broadcast %ge3A_293 : i32 to vector<16xi32>
    %ge3A_295 = arith.cmpi sge, %broadcast_in_dim3A_5, %ge3A_294 : vector<16xi32>
    %lt3A_296 = arith.constant 99968 : i32
    %lt3A_297 = vector.broadcast %lt3A_296 : i32 to vector<16xi32>
    %lt3A_298 = arith.cmpi slt, %broadcast_in_dim3A_5, %lt3A_297 : vector<16xi32>
    %and3A_299 = arith.andi %ge3A_295, %lt3A_298 : vector<16xi1>
    %sub3A_300 = arith.constant 98560 : i32
    %sub3A_301 = vector.broadcast %sub3A_300 : i32 to vector<16xi32>
    %sub3A_302 = arith.subi %broadcast_in_dim3A_5, %sub3A_301 : vector<16xi32>
    %jit3A_303 = arith.constant 0 : i32
    %broadcast_in_dim3A_304 = vector.broadcast %jit3A_303 : i32 to vector<16xi32>
    %select_n3A_305 = arith.select %and3A_299, %sub3A_302, %broadcast_in_dim3A_304 : vector<16xi1>, vector<16xi32>
    %gather3A_306 = tpu.vector_load_idx %arg6[%broadcast_in_dim3A_273, %select_n3A_305] : memref<8x1408xf32, #tpu.memory_space<vmem>>[vector<16xi32>, vector<16xi32>], vector<16xf32>,
    %and3A_307 = arith.andi %and3A_299, %eq3A_4 : vector<16xi1>
    %ne3A_308 = arith.constant 99900 : i32
    %ne3A_309 = vector.broadcast %ne3A_308 : i32 to vector<16xi32>
    %ne3A_310 = arith.cmpi ne, %gather3A_20, %ne3A_309 : vector<16xi32>
    %and3A_311 = arith.andi %and3A_307, %ne3A_310 : vector<16xi1>
    %jit3A_312 = arith.constant 0.000000e+00 : f32
    %broadcast_in_dim3A_313 = vector.broadcast %jit3A_312 : f32 to vector<16xf32>
    %select_n3A_314 = arith.select %and3A_311, %gather3A_306, %broadcast_in_dim3A_313 : vector<16xi1>, vector<16xf32>
    %add3A_315 = arith.addf %add3A_265, %select_n3A_314 : vector<16xf32>
    %scan3A_316 = arith.constant 0 : i32
    %scan3A_317 = arith.constant 11 : i32
    %scan3A_318 = arith.addi %scan3A_316, %scan3A_317 : i32
    %scan3A_319 = arith.constant 1 : i32
    %scan3A_320 = scf.for %scan3A_534 = %scan3A_316 to %scan3A_318 step %scan3A_319 iter_args(%scan3A_535 = %scan3A_270) -> (vector<16xf32>)  : i32 {
      %mul3A_536 = arith.constant 128 : i32
      %mul3A_537 = arith.muli %scan3A_534, %mul3A_536 : i32
      %multiple_of3A_538 = tpu.assume_multiple %mul3A_537, 128 : i32
      %add3A_539 = arith.constant 0 : i32
      %add3A_540 = arith.addi %multiple_of3A_538, %add3A_539 : i32
      %get3A = arith.constant 4 : i32
      %get3A_541 = arith.index_cast %get3A : i32 to index
      %get3A_542 = arith.index_cast %add3A_540 : i32 to index
      %get3A_543 = tpu.vector_load %arg6[%get3A_541, %get3A_542] {strides = array<i32>} : memref<8x1408xf32, #tpu.memory_space<vmem>>, vector<16xf32>,
      %add3A_544 = arith.addf %scan3A_535, %get3A_543 : vector<16xf32>
      %add3A_545 = arith.constant 16 : i32
      %add3A_546 = arith.addi %multiple_of3A_538, %add3A_545 : i32
      %get3A_547 = arith.constant 4 : i32
      %get3A_548 = arith.index_cast %get3A_547 : i32 to index
      %get3A_549 = arith.index_cast %add3A_546 : i32 to index
      %get3A_550 = tpu.vector_load %arg6[%get3A_548, %get3A_549] {strides = array<i32>} : memref<8x1408xf32, #tpu.memory_space<vmem>>, vector<16xf32>,
      %add3A_551 = arith.addf %add3A_544, %get3A_550 : vector<16xf32>
      %add3A_552 = arith.constant 32 : i32
      %add3A_553 = arith.addi %multiple_of3A_538, %add3A_552 : i32
      %get3A_554 = arith.constant 4 : i32
      %get3A_555 = arith.index_cast %get3A_554 : i32 to index
      %get3A_556 = arith.index_cast %add3A_553 : i32 to index
      %get3A_557 = tpu.vector_load %arg6[%get3A_555, %get3A_556] {strides = array<i32>} : memref<8x1408xf32, #tpu.memory_space<vmem>>, vector<16xf32>,
      %add3A_558 = arith.addf %add3A_551, %get3A_557 : vector<16xf32>
      %add3A_559 = arith.constant 48 : i32
      %add3A_560 = arith.addi %multiple_of3A_538, %add3A_559 : i32
      %get3A_561 = arith.constant 4 : i32
      %get3A_562 = arith.index_cast %get3A_561 : i32 to index
      %get3A_563 = arith.index_cast %add3A_560 : i32 to index
      %get3A_564 = tpu.vector_load %arg6[%get3A_562, %get3A_563] {strides = array<i32>} : memref<8x1408xf32, #tpu.memory_space<vmem>>, vector<16xf32>,
      %add3A_565 = arith.addf %add3A_558, %get3A_564 : vector<16xf32>
      %add3A_566 = arith.constant 64 : i32
      %add3A_567 = arith.addi %multiple_of3A_538, %add3A_566 : i32
      %get3A_568 = arith.constant 4 : i32
      %get3A_569 = arith.index_cast %get3A_568 : i32 to index
      %get3A_570 = arith.index_cast %add3A_567 : i32 to index
      %get3A_571 = tpu.vector_load %arg6[%get3A_569, %get3A_570] {strides = array<i32>} : memref<8x1408xf32, #tpu.memory_space<vmem>>, vector<16xf32>,
      %add3A_572 = arith.addf %add3A_565, %get3A_571 : vector<16xf32>
      %add3A_573 = arith.constant 80 : i32
      %add3A_574 = arith.addi %multiple_of3A_538, %add3A_573 : i32
      %get3A_575 = arith.constant 4 : i32
      %get3A_576 = arith.index_cast %get3A_575 : i32 to index
      %get3A_577 = arith.index_cast %add3A_574 : i32 to index
      %get3A_578 = tpu.vector_load %arg6[%get3A_576, %get3A_577] {strides = array<i32>} : memref<8x1408xf32, #tpu.memory_space<vmem>>, vector<16xf32>,
      %add3A_579 = arith.addf %add3A_572, %get3A_578 : vector<16xf32>
      %add3A_580 = arith.constant 96 : i32
      %add3A_581 = arith.addi %multiple_of3A_538, %add3A_580 : i32
      %get3A_582 = arith.constant 4 : i32
      %get3A_583 = arith.index_cast %get3A_582 : i32 to index
      %get3A_584 = arith.index_cast %add3A_581 : i32 to index
      %get3A_585 = tpu.vector_load %arg6[%get3A_583, %get3A_584] {strides = array<i32>} : memref<8x1408xf32, #tpu.memory_space<vmem>>, vector<16xf32>,
      %add3A_586 = arith.addf %add3A_579, %get3A_585 : vector<16xf32>
      %add3A_587 = arith.constant 112 : i32
      %add3A_588 = arith.addi %multiple_of3A_538, %add3A_587 : i32
      %get3A_589 = arith.constant 4 : i32
      %get3A_590 = arith.index_cast %get3A_589 : i32 to index
      %get3A_591 = arith.index_cast %add3A_588 : i32 to index
      %get3A_592 = tpu.vector_load %arg6[%get3A_590, %get3A_591] {strides = array<i32>} : memref<8x1408xf32, #tpu.memory_space<vmem>>, vector<16xf32>,
      %add3A_593 = arith.addf %add3A_586, %get3A_592 : vector<16xf32>
      scf.yield %add3A_593 : vector<16xf32>
    }
    %scan3A_321 = arith.constant 11 : i32
    %broadcast_in_dim3A_322 = arith.constant 4 : i32
    %broadcast_in_dim3A_323 = vector.broadcast %broadcast_in_dim3A_322 : i32 to vector<16xi32>
    %ge3A_324 = arith.constant 98560 : i32
    %ge3A_325 = vector.broadcast %ge3A_324 : i32 to vector<16xi32>
    %ge3A_326 = arith.cmpi sge, %gather3A_23, %ge3A_325 : vector<16xi32>
    %lt3A_327 = arith.constant 99968 : i32
    %lt3A_328 = vector.broadcast %lt3A_327 : i32 to vector<16xi32>
    %lt3A_329 = arith.cmpi slt, %gather3A_23, %lt3A_328 : vector<16xi32>
    %and3A_330 = arith.andi %ge3A_326, %lt3A_329 : vector<16xi1>
    %sub3A_331 = arith.constant 98560 : i32
    %sub3A_332 = vector.broadcast %sub3A_331 : i32 to vector<16xi32>
    %sub3A_333 = arith.subi %gather3A_23, %sub3A_332 : vector<16xi32>
    %jit3A_334 = arith.constant 0 : i32
    %broadcast_in_dim3A_335 = vector.broadcast %jit3A_334 : i32 to vector<16xi32>
    %select_n3A_336 = arith.select %and3A_330, %sub3A_333, %broadcast_in_dim3A_335 : vector<16xi1>, vector<16xi32>
    %gather3A_337 = tpu.vector_load_idx %arg6[%broadcast_in_dim3A_323, %select_n3A_336] : memref<8x1408xf32, #tpu.memory_space<vmem>>[vector<16xi32>, vector<16xi32>], vector<16xf32>,
    %and3A_338 = arith.andi %and3A_330, %eq3A_4 : vector<16xi1>
    %jit3A_339 = arith.constant 0.000000e+00 : f32
    %broadcast_in_dim3A_340 = vector.broadcast %jit3A_339 : f32 to vector<16xf32>
    %select_n3A_341 = arith.select %and3A_338, %gather3A_337, %broadcast_in_dim3A_340 : vector<16xi1>, vector<16xf32>
    %add3A_342 = arith.addf %add3A_292, %select_n3A_341 : vector<16xf32>
    %ge3A_343 = arith.constant 98560 : i32
    %ge3A_344 = vector.broadcast %ge3A_343 : i32 to vector<16xi32>
    %ge3A_345 = arith.cmpi sge, %broadcast_in_dim3A_5, %ge3A_344 : vector<16xi32>
    %lt3A_346 = arith.constant 99968 : i32
    %lt3A_347 = vector.broadcast %lt3A_346 : i32 to vector<16xi32>
    %lt3A_348 = arith.cmpi slt, %broadcast_in_dim3A_5, %lt3A_347 : vector<16xi32>
    %and3A_349 = arith.andi %ge3A_345, %lt3A_348 : vector<16xi1>
    %sub3A_350 = arith.constant 98560 : i32
    %sub3A_351 = vector.broadcast %sub3A_350 : i32 to vector<16xi32>
    %sub3A_352 = arith.subi %broadcast_in_dim3A_5, %sub3A_351 : vector<16xi32>
    %jit3A_353 = arith.constant 0 : i32
    %broadcast_in_dim3A_354 = vector.broadcast %jit3A_353 : i32 to vector<16xi32>
    %select_n3A_355 = arith.select %and3A_349, %sub3A_352, %broadcast_in_dim3A_354 : vector<16xi1>, vector<16xi32>
    %gather3A_356 = tpu.vector_load_idx %arg6[%broadcast_in_dim3A_323, %select_n3A_355] : memref<8x1408xf32, #tpu.memory_space<vmem>>[vector<16xi32>, vector<16xi32>], vector<16xf32>,
    %and3A_357 = arith.andi %and3A_349, %eq3A_4 : vector<16xi1>
    %ne3A_358 = arith.constant 99900 : i32
    %ne3A_359 = vector.broadcast %ne3A_358 : i32 to vector<16xi32>
    %ne3A_360 = arith.cmpi ne, %gather3A_23, %ne3A_359 : vector<16xi32>
    %and3A_361 = arith.andi %and3A_357, %ne3A_360 : vector<16xi1>
    %jit3A_362 = arith.constant 0.000000e+00 : f32
    %broadcast_in_dim3A_363 = vector.broadcast %jit3A_362 : f32 to vector<16xf32>
    %select_n3A_364 = arith.select %and3A_361, %gather3A_356, %broadcast_in_dim3A_363 : vector<16xi1>, vector<16xf32>
    %add3A_365 = arith.addf %add3A_315, %select_n3A_364 : vector<16xf32>
    %scan3A_366 = arith.constant 0 : i32
    %scan3A_367 = arith.constant 11 : i32
    %scan3A_368 = arith.addi %scan3A_366, %scan3A_367 : i32
    %scan3A_369 = arith.constant 1 : i32
    %scan3A_370 = scf.for %scan3A_534 = %scan3A_366 to %scan3A_368 step %scan3A_369 iter_args(%scan3A_535 = %scan3A_320) -> (vector<16xf32>)  : i32 {
      %mul3A_536 = arith.constant 128 : i32
      %mul3A_537 = arith.muli %scan3A_534, %mul3A_536 : i32
      %multiple_of3A_538 = tpu.assume_multiple %mul3A_537, 128 : i32
      %add3A_539 = arith.constant 0 : i32
      %add3A_540 = arith.addi %multiple_of3A_538, %add3A_539 : i32
      %get3A = arith.constant 5 : i32
      %get3A_541 = arith.index_cast %get3A : i32 to index
      %get3A_542 = arith.index_cast %add3A_540 : i32 to index
      %get3A_543 = tpu.vector_load %arg6[%get3A_541, %get3A_542] {strides = array<i32>} : memref<8x1408xf32, #tpu.memory_space<vmem>>, vector<16xf32>,
      %add3A_544 = arith.addf %scan3A_535, %get3A_543 : vector<16xf32>
      %add3A_545 = arith.constant 16 : i32
      %add3A_546 = arith.addi %multiple_of3A_538, %add3A_545 : i32
      %get3A_547 = arith.constant 5 : i32
      %get3A_548 = arith.index_cast %get3A_547 : i32 to index
      %get3A_549 = arith.index_cast %add3A_546 : i32 to index
      %get3A_550 = tpu.vector_load %arg6[%get3A_548, %get3A_549] {strides = array<i32>} : memref<8x1408xf32, #tpu.memory_space<vmem>>, vector<16xf32>,
      %add3A_551 = arith.addf %add3A_544, %get3A_550 : vector<16xf32>
      %add3A_552 = arith.constant 32 : i32
      %add3A_553 = arith.addi %multiple_of3A_538, %add3A_552 : i32
      %get3A_554 = arith.constant 5 : i32
      %get3A_555 = arith.index_cast %get3A_554 : i32 to index
      %get3A_556 = arith.index_cast %add3A_553 : i32 to index
      %get3A_557 = tpu.vector_load %arg6[%get3A_555, %get3A_556] {strides = array<i32>} : memref<8x1408xf32, #tpu.memory_space<vmem>>, vector<16xf32>,
      %add3A_558 = arith.addf %add3A_551, %get3A_557 : vector<16xf32>
      %add3A_559 = arith.constant 48 : i32
      %add3A_560 = arith.addi %multiple_of3A_538, %add3A_559 : i32
      %get3A_561 = arith.constant 5 : i32
      %get3A_562 = arith.index_cast %get3A_561 : i32 to index
      %get3A_563 = arith.index_cast %add3A_560 : i32 to index
      %get3A_564 = tpu.vector_load %arg6[%get3A_562, %get3A_563] {strides = array<i32>} : memref<8x1408xf32, #tpu.memory_space<vmem>>, vector<16xf32>,
      %add3A_565 = arith.addf %add3A_558, %get3A_564 : vector<16xf32>
      %add3A_566 = arith.constant 64 : i32
      %add3A_567 = arith.addi %multiple_of3A_538, %add3A_566 : i32
      %get3A_568 = arith.constant 5 : i32
      %get3A_569 = arith.index_cast %get3A_568 : i32 to index
      %get3A_570 = arith.index_cast %add3A_567 : i32 to index
      %get3A_571 = tpu.vector_load %arg6[%get3A_569, %get3A_570] {strides = array<i32>} : memref<8x1408xf32, #tpu.memory_space<vmem>>, vector<16xf32>,
      %add3A_572 = arith.addf %add3A_565, %get3A_571 : vector<16xf32>
      %add3A_573 = arith.constant 80 : i32
      %add3A_574 = arith.addi %multiple_of3A_538, %add3A_573 : i32
      %get3A_575 = arith.constant 5 : i32
      %get3A_576 = arith.index_cast %get3A_575 : i32 to index
      %get3A_577 = arith.index_cast %add3A_574 : i32 to index
      %get3A_578 = tpu.vector_load %arg6[%get3A_576, %get3A_577] {strides = array<i32>} : memref<8x1408xf32, #tpu.memory_space<vmem>>, vector<16xf32>,
      %add3A_579 = arith.addf %add3A_572, %get3A_578 : vector<16xf32>
      %add3A_580 = arith.constant 96 : i32
      %add3A_581 = arith.addi %multiple_of3A_538, %add3A_580 : i32
      %get3A_582 = arith.constant 5 : i32
      %get3A_583 = arith.index_cast %get3A_582 : i32 to index
      %get3A_584 = arith.index_cast %add3A_581 : i32 to index
      %get3A_585 = tpu.vector_load %arg6[%get3A_583, %get3A_584] {strides = array<i32>} : memref<8x1408xf32, #tpu.memory_space<vmem>>, vector<16xf32>,
      %add3A_586 = arith.addf %add3A_579, %get3A_585 : vector<16xf32>
      %add3A_587 = arith.constant 112 : i32
      %add3A_588 = arith.addi %multiple_of3A_538, %add3A_587 : i32
      %get3A_589 = arith.constant 5 : i32
      %get3A_590 = arith.index_cast %get3A_589 : i32 to index
      %get3A_591 = arith.index_cast %add3A_588 : i32 to index
      %get3A_592 = tpu.vector_load %arg6[%get3A_590, %get3A_591] {strides = array<i32>} : memref<8x1408xf32, #tpu.memory_space<vmem>>, vector<16xf32>,
      %add3A_593 = arith.addf %add3A_586, %get3A_592 : vector<16xf32>
      scf.yield %add3A_593 : vector<16xf32>
    }
    %scan3A_371 = arith.constant 11 : i32
    %broadcast_in_dim3A_372 = arith.constant 5 : i32
    %broadcast_in_dim3A_373 = vector.broadcast %broadcast_in_dim3A_372 : i32 to vector<16xi32>
    %ge3A_374 = arith.constant 98560 : i32
    %ge3A_375 = vector.broadcast %ge3A_374 : i32 to vector<16xi32>
    %ge3A_376 = arith.cmpi sge, %gather3A_26, %ge3A_375 : vector<16xi32>
    %lt3A_377 = arith.constant 99968 : i32
    %lt3A_378 = vector.broadcast %lt3A_377 : i32 to vector<16xi32>
    %lt3A_379 = arith.cmpi slt, %gather3A_26, %lt3A_378 : vector<16xi32>
    %and3A_380 = arith.andi %ge3A_376, %lt3A_379 : vector<16xi1>
    %sub3A_381 = arith.constant 98560 : i32
    %sub3A_382 = vector.broadcast %sub3A_381 : i32 to vector<16xi32>
    %sub3A_383 = arith.subi %gather3A_26, %sub3A_382 : vector<16xi32>
    %jit3A_384 = arith.constant 0 : i32
    %broadcast_in_dim3A_385 = vector.broadcast %jit3A_384 : i32 to vector<16xi32>
    %select_n3A_386 = arith.select %and3A_380, %sub3A_383, %broadcast_in_dim3A_385 : vector<16xi1>, vector<16xi32>
    %gather3A_387 = tpu.vector_load_idx %arg6[%broadcast_in_dim3A_373, %select_n3A_386] : memref<8x1408xf32, #tpu.memory_space<vmem>>[vector<16xi32>, vector<16xi32>], vector<16xf32>,
    %and3A_388 = arith.andi %and3A_380, %eq3A_4 : vector<16xi1>
    %jit3A_389 = arith.constant 0.000000e+00 : f32
    %broadcast_in_dim3A_390 = vector.broadcast %jit3A_389 : f32 to vector<16xf32>
    %select_n3A_391 = arith.select %and3A_388, %gather3A_387, %broadcast_in_dim3A_390 : vector<16xi1>, vector<16xf32>
    %add3A_392 = arith.addf %add3A_342, %select_n3A_391 : vector<16xf32>
    %ge3A_393 = arith.constant 98560 : i32
    %ge3A_394 = vector.broadcast %ge3A_393 : i32 to vector<16xi32>
    %ge3A_395 = arith.cmpi sge, %broadcast_in_dim3A_5, %ge3A_394 : vector<16xi32>
    %lt3A_396 = arith.constant 99968 : i32
    %lt3A_397 = vector.broadcast %lt3A_396 : i32 to vector<16xi32>
    %lt3A_398 = arith.cmpi slt, %broadcast_in_dim3A_5, %lt3A_397 : vector<16xi32>
    %and3A_399 = arith.andi %ge3A_395, %lt3A_398 : vector<16xi1>
    %sub3A_400 = arith.constant 98560 : i32
    %sub3A_401 = vector.broadcast %sub3A_400 : i32 to vector<16xi32>
    %sub3A_402 = arith.subi %broadcast_in_dim3A_5, %sub3A_401 : vector<16xi32>
    %jit3A_403 = arith.constant 0 : i32
    %broadcast_in_dim3A_404 = vector.broadcast %jit3A_403 : i32 to vector<16xi32>
    %select_n3A_405 = arith.select %and3A_399, %sub3A_402, %broadcast_in_dim3A_404 : vector<16xi1>, vector<16xi32>
    %gather3A_406 = tpu.vector_load_idx %arg6[%broadcast_in_dim3A_373, %select_n3A_405] : memref<8x1408xf32, #tpu.memory_space<vmem>>[vector<16xi32>, vector<16xi32>], vector<16xf32>,
    %and3A_407 = arith.andi %and3A_399, %eq3A_4 : vector<16xi1>
    %ne3A_408 = arith.constant 99900 : i32
    %ne3A_409 = vector.broadcast %ne3A_408 : i32 to vector<16xi32>
    %ne3A_410 = arith.cmpi ne, %gather3A_26, %ne3A_409 : vector<16xi32>
    %and3A_411 = arith.andi %and3A_407, %ne3A_410 : vector<16xi1>
    %jit3A_412 = arith.constant 0.000000e+00 : f32
    %broadcast_in_dim3A_413 = vector.broadcast %jit3A_412 : f32 to vector<16xf32>
    %select_n3A_414 = arith.select %and3A_411, %gather3A_406, %broadcast_in_dim3A_413 : vector<16xi1>, vector<16xf32>
    %add3A_415 = arith.addf %add3A_365, %select_n3A_414 : vector<16xf32>
    %scan3A_416 = arith.constant 0 : i32
    %scan3A_417 = arith.constant 11 : i32
    %scan3A_418 = arith.addi %scan3A_416, %scan3A_417 : i32
    %scan3A_419 = arith.constant 1 : i32
    %scan3A_420 = scf.for %scan3A_534 = %scan3A_416 to %scan3A_418 step %scan3A_419 iter_args(%scan3A_535 = %scan3A_370) -> (vector<16xf32>)  : i32 {
      %mul3A_536 = arith.constant 128 : i32
      %mul3A_537 = arith.muli %scan3A_534, %mul3A_536 : i32
      %multiple_of3A_538 = tpu.assume_multiple %mul3A_537, 128 : i32
      %add3A_539 = arith.constant 0 : i32
      %add3A_540 = arith.addi %multiple_of3A_538, %add3A_539 : i32
      %get3A = arith.constant 6 : i32
      %get3A_541 = arith.index_cast %get3A : i32 to index
      %get3A_542 = arith.index_cast %add3A_540 : i32 to index
      %get3A_543 = tpu.vector_load %arg6[%get3A_541, %get3A_542] {strides = array<i32>} : memref<8x1408xf32, #tpu.memory_space<vmem>>, vector<16xf32>,
      %add3A_544 = arith.addf %scan3A_535, %get3A_543 : vector<16xf32>
      %add3A_545 = arith.constant 16 : i32
      %add3A_546 = arith.addi %multiple_of3A_538, %add3A_545 : i32
      %get3A_547 = arith.constant 6 : i32
      %get3A_548 = arith.index_cast %get3A_547 : i32 to index
      %get3A_549 = arith.index_cast %add3A_546 : i32 to index
      %get3A_550 = tpu.vector_load %arg6[%get3A_548, %get3A_549] {strides = array<i32>} : memref<8x1408xf32, #tpu.memory_space<vmem>>, vector<16xf32>,
      %add3A_551 = arith.addf %add3A_544, %get3A_550 : vector<16xf32>
      %add3A_552 = arith.constant 32 : i32
      %add3A_553 = arith.addi %multiple_of3A_538, %add3A_552 : i32
      %get3A_554 = arith.constant 6 : i32
      %get3A_555 = arith.index_cast %get3A_554 : i32 to index
      %get3A_556 = arith.index_cast %add3A_553 : i32 to index
      %get3A_557 = tpu.vector_load %arg6[%get3A_555, %get3A_556] {strides = array<i32>} : memref<8x1408xf32, #tpu.memory_space<vmem>>, vector<16xf32>,
      %add3A_558 = arith.addf %add3A_551, %get3A_557 : vector<16xf32>
      %add3A_559 = arith.constant 48 : i32
      %add3A_560 = arith.addi %multiple_of3A_538, %add3A_559 : i32
      %get3A_561 = arith.constant 6 : i32
      %get3A_562 = arith.index_cast %get3A_561 : i32 to index
      %get3A_563 = arith.index_cast %add3A_560 : i32 to index
      %get3A_564 = tpu.vector_load %arg6[%get3A_562, %get3A_563] {strides = array<i32>} : memref<8x1408xf32, #tpu.memory_space<vmem>>, vector<16xf32>,
      %add3A_565 = arith.addf %add3A_558, %get3A_564 : vector<16xf32>
      %add3A_566 = arith.constant 64 : i32
      %add3A_567 = arith.addi %multiple_of3A_538, %add3A_566 : i32
      %get3A_568 = arith.constant 6 : i32
      %get3A_569 = arith.index_cast %get3A_568 : i32 to index
      %get3A_570 = arith.index_cast %add3A_567 : i32 to index
      %get3A_571 = tpu.vector_load %arg6[%get3A_569, %get3A_570] {strides = array<i32>} : memref<8x1408xf32, #tpu.memory_space<vmem>>, vector<16xf32>,
      %add3A_572 = arith.addf %add3A_565, %get3A_571 : vector<16xf32>
      %add3A_573 = arith.constant 80 : i32
      %add3A_574 = arith.addi %multiple_of3A_538, %add3A_573 : i32
      %get3A_575 = arith.constant 6 : i32
      %get3A_576 = arith.index_cast %get3A_575 : i32 to index
      %get3A_577 = arith.index_cast %add3A_574 : i32 to index
      %get3A_578 = tpu.vector_load %arg6[%get3A_576, %get3A_577] {strides = array<i32>} : memref<8x1408xf32, #tpu.memory_space<vmem>>, vector<16xf32>,
      %add3A_579 = arith.addf %add3A_572, %get3A_578 : vector<16xf32>
      %add3A_580 = arith.constant 96 : i32
      %add3A_581 = arith.addi %multiple_of3A_538, %add3A_580 : i32
      %get3A_582 = arith.constant 6 : i32
      %get3A_583 = arith.index_cast %get3A_582 : i32 to index
      %get3A_584 = arith.index_cast %add3A_581 : i32 to index
      %get3A_585 = tpu.vector_load %arg6[%get3A_583, %get3A_584] {strides = array<i32>} : memref<8x1408xf32, #tpu.memory_space<vmem>>, vector<16xf32>,
      %add3A_586 = arith.addf %add3A_579, %get3A_585 : vector<16xf32>
      %add3A_587 = arith.constant 112 : i32
      %add3A_588 = arith.addi %multiple_of3A_538, %add3A_587 : i32
      %get3A_589 = arith.constant 6 : i32
      %get3A_590 = arith.index_cast %get3A_589 : i32 to index
      %get3A_591 = arith.index_cast %add3A_588 : i32 to index
      %get3A_592 = tpu.vector_load %arg6[%get3A_590, %get3A_591] {strides = array<i32>} : memref<8x1408xf32, #tpu.memory_space<vmem>>, vector<16xf32>,
      %add3A_593 = arith.addf %add3A_586, %get3A_592 : vector<16xf32>
      scf.yield %add3A_593 : vector<16xf32>
    }
    %scan3A_421 = arith.constant 11 : i32
    %broadcast_in_dim3A_422 = arith.constant 6 : i32
    %broadcast_in_dim3A_423 = vector.broadcast %broadcast_in_dim3A_422 : i32 to vector<16xi32>
    %ge3A_424 = arith.constant 98560 : i32
    %ge3A_425 = vector.broadcast %ge3A_424 : i32 to vector<16xi32>
    %ge3A_426 = arith.cmpi sge, %gather3A_29, %ge3A_425 : vector<16xi32>
    %lt3A_427 = arith.constant 99968 : i32
    %lt3A_428 = vector.broadcast %lt3A_427 : i32 to vector<16xi32>
    %lt3A_429 = arith.cmpi slt, %gather3A_29, %lt3A_428 : vector<16xi32>
    %and3A_430 = arith.andi %ge3A_426, %lt3A_429 : vector<16xi1>
    %sub3A_431 = arith.constant 98560 : i32
    %sub3A_432 = vector.broadcast %sub3A_431 : i32 to vector<16xi32>
    %sub3A_433 = arith.subi %gather3A_29, %sub3A_432 : vector<16xi32>
    %jit3A_434 = arith.constant 0 : i32
    %broadcast_in_dim3A_435 = vector.broadcast %jit3A_434 : i32 to vector<16xi32>
    %select_n3A_436 = arith.select %and3A_430, %sub3A_433, %broadcast_in_dim3A_435 : vector<16xi1>, vector<16xi32>
    %gather3A_437 = tpu.vector_load_idx %arg6[%broadcast_in_dim3A_423, %select_n3A_436] : memref<8x1408xf32, #tpu.memory_space<vmem>>[vector<16xi32>, vector<16xi32>], vector<16xf32>,
    %and3A_438 = arith.andi %and3A_430, %eq3A_4 : vector<16xi1>
    %jit3A_439 = arith.constant 0.000000e+00 : f32
    %broadcast_in_dim3A_440 = vector.broadcast %jit3A_439 : f32 to vector<16xf32>
    %select_n3A_441 = arith.select %and3A_438, %gather3A_437, %broadcast_in_dim3A_440 : vector<16xi1>, vector<16xf32>
    %add3A_442 = arith.addf %add3A_392, %select_n3A_441 : vector<16xf32>
    %ge3A_443 = arith.constant 98560 : i32
    %ge3A_444 = vector.broadcast %ge3A_443 : i32 to vector<16xi32>
    %ge3A_445 = arith.cmpi sge, %broadcast_in_dim3A_5, %ge3A_444 : vector<16xi32>
    %lt3A_446 = arith.constant 99968 : i32
    %lt3A_447 = vector.broadcast %lt3A_446 : i32 to vector<16xi32>
    %lt3A_448 = arith.cmpi slt, %broadcast_in_dim3A_5, %lt3A_447 : vector<16xi32>
    %and3A_449 = arith.andi %ge3A_445, %lt3A_448 : vector<16xi1>
    %sub3A_450 = arith.constant 98560 : i32
    %sub3A_451 = vector.broadcast %sub3A_450 : i32 to vector<16xi32>
    %sub3A_452 = arith.subi %broadcast_in_dim3A_5, %sub3A_451 : vector<16xi32>
    %jit3A_453 = arith.constant 0 : i32
    %broadcast_in_dim3A_454 = vector.broadcast %jit3A_453 : i32 to vector<16xi32>
    %select_n3A_455 = arith.select %and3A_449, %sub3A_452, %broadcast_in_dim3A_454 : vector<16xi1>, vector<16xi32>
    %gather3A_456 = tpu.vector_load_idx %arg6[%broadcast_in_dim3A_423, %select_n3A_455] : memref<8x1408xf32, #tpu.memory_space<vmem>>[vector<16xi32>, vector<16xi32>], vector<16xf32>,
    %and3A_457 = arith.andi %and3A_449, %eq3A_4 : vector<16xi1>
    %ne3A_458 = arith.constant 99900 : i32
    %ne3A_459 = vector.broadcast %ne3A_458 : i32 to vector<16xi32>
    %ne3A_460 = arith.cmpi ne, %gather3A_29, %ne3A_459 : vector<16xi32>
    %and3A_461 = arith.andi %and3A_457, %ne3A_460 : vector<16xi1>
    %jit3A_462 = arith.constant 0.000000e+00 : f32
    %broadcast_in_dim3A_463 = vector.broadcast %jit3A_462 : f32 to vector<16xf32>
    %select_n3A_464 = arith.select %and3A_461, %gather3A_456, %broadcast_in_dim3A_463 : vector<16xi1>, vector<16xf32>
    %add3A_465 = arith.addf %add3A_415, %select_n3A_464 : vector<16xf32>
    %scan3A_466 = arith.constant 0 : i32
    %scan3A_467 = arith.constant 11 : i32
    %scan3A_468 = arith.addi %scan3A_466, %scan3A_467 : i32
    %scan3A_469 = arith.constant 1 : i32
    %scan3A_470 = scf.for %scan3A_534 = %scan3A_466 to %scan3A_468 step %scan3A_469 iter_args(%scan3A_535 = %scan3A_420) -> (vector<16xf32>)  : i32 {
      %mul3A_536 = arith.constant 128 : i32
      %mul3A_537 = arith.muli %scan3A_534, %mul3A_536 : i32
      %multiple_of3A_538 = tpu.assume_multiple %mul3A_537, 128 : i32
      %add3A_539 = arith.constant 0 : i32
      %add3A_540 = arith.addi %multiple_of3A_538, %add3A_539 : i32
      %get3A = arith.constant 7 : i32
      %get3A_541 = arith.index_cast %get3A : i32 to index
      %get3A_542 = arith.index_cast %add3A_540 : i32 to index
      %get3A_543 = tpu.vector_load %arg6[%get3A_541, %get3A_542] {strides = array<i32>} : memref<8x1408xf32, #tpu.memory_space<vmem>>, vector<16xf32>,
      %add3A_544 = arith.addf %scan3A_535, %get3A_543 : vector<16xf32>
      %add3A_545 = arith.constant 16 : i32
      %add3A_546 = arith.addi %multiple_of3A_538, %add3A_545 : i32
      %get3A_547 = arith.constant 7 : i32
      %get3A_548 = arith.index_cast %get3A_547 : i32 to index
      %get3A_549 = arith.index_cast %add3A_546 : i32 to index
      %get3A_550 = tpu.vector_load %arg6[%get3A_548, %get3A_549] {strides = array<i32>} : memref<8x1408xf32, #tpu.memory_space<vmem>>, vector<16xf32>,
      %add3A_551 = arith.addf %add3A_544, %get3A_550 : vector<16xf32>
      %add3A_552 = arith.constant 32 : i32
      %add3A_553 = arith.addi %multiple_of3A_538, %add3A_552 : i32
      %get3A_554 = arith.constant 7 : i32
      %get3A_555 = arith.index_cast %get3A_554 : i32 to index
      %get3A_556 = arith.index_cast %add3A_553 : i32 to index
      %get3A_557 = tpu.vector_load %arg6[%get3A_555, %get3A_556] {strides = array<i32>} : memref<8x1408xf32, #tpu.memory_space<vmem>>, vector<16xf32>,
      %add3A_558 = arith.addf %add3A_551, %get3A_557 : vector<16xf32>
      %add3A_559 = arith.constant 48 : i32
      %add3A_560 = arith.addi %multiple_of3A_538, %add3A_559 : i32
      %get3A_561 = arith.constant 7 : i32
      %get3A_562 = arith.index_cast %get3A_561 : i32 to index
      %get3A_563 = arith.index_cast %add3A_560 : i32 to index
      %get3A_564 = tpu.vector_load %arg6[%get3A_562, %get3A_563] {strides = array<i32>} : memref<8x1408xf32, #tpu.memory_space<vmem>>, vector<16xf32>,
      %add3A_565 = arith.addf %add3A_558, %get3A_564 : vector<16xf32>
      %add3A_566 = arith.constant 64 : i32
      %add3A_567 = arith.addi %multiple_of3A_538, %add3A_566 : i32
      %get3A_568 = arith.constant 7 : i32
      %get3A_569 = arith.index_cast %get3A_568 : i32 to index
      %get3A_570 = arith.index_cast %add3A_567 : i32 to index
      %get3A_571 = tpu.vector_load %arg6[%get3A_569, %get3A_570] {strides = array<i32>} : memref<8x1408xf32, #tpu.memory_space<vmem>>, vector<16xf32>,
      %add3A_572 = arith.addf %add3A_565, %get3A_571 : vector<16xf32>
      %add3A_573 = arith.constant 80 : i32
      %add3A_574 = arith.addi %multiple_of3A_538, %add3A_573 : i32
      %get3A_575 = arith.constant 7 : i32
      %get3A_576 = arith.index_cast %get3A_575 : i32 to index
      %get3A_577 = arith.index_cast %add3A_574 : i32 to index
      %get3A_578 = tpu.vector_load %arg6[%get3A_576, %get3A_577] {strides = array<i32>} : memref<8x1408xf32, #tpu.memory_space<vmem>>, vector<16xf32>,
      %add3A_579 = arith.addf %add3A_572, %get3A_578 : vector<16xf32>
      %add3A_580 = arith.constant 96 : i32
      %add3A_581 = arith.addi %multiple_of3A_538, %add3A_580 : i32
      %get3A_582 = arith.constant 7 : i32
      %get3A_583 = arith.index_cast %get3A_582 : i32 to index
      %get3A_584 = arith.index_cast %add3A_581 : i32 to index
      %get3A_585 = tpu.vector_load %arg6[%get3A_583, %get3A_584] {strides = array<i32>} : memref<8x1408xf32, #tpu.memory_space<vmem>>, vector<16xf32>,
      %add3A_586 = arith.addf %add3A_579, %get3A_585 : vector<16xf32>
      %add3A_587 = arith.constant 112 : i32
      %add3A_588 = arith.addi %multiple_of3A_538, %add3A_587 : i32
      %get3A_589 = arith.constant 7 : i32
      %get3A_590 = arith.index_cast %get3A_589 : i32 to index
      %get3A_591 = arith.index_cast %add3A_588 : i32 to index
      %get3A_592 = tpu.vector_load %arg6[%get3A_590, %get3A_591] {strides = array<i32>} : memref<8x1408xf32, #tpu.memory_space<vmem>>, vector<16xf32>,
      %add3A_593 = arith.addf %add3A_586, %get3A_592 : vector<16xf32>
      scf.yield %add3A_593 : vector<16xf32>
    }
    %scan3A_471 = arith.constant 11 : i32
    %broadcast_in_dim3A_472 = arith.constant 7 : i32
    %broadcast_in_dim3A_473 = vector.broadcast %broadcast_in_dim3A_472 : i32 to vector<16xi32>
    %ge3A_474 = arith.constant 98560 : i32
    %ge3A_475 = vector.broadcast %ge3A_474 : i32 to vector<16xi32>
    %ge3A_476 = arith.cmpi sge, %gather3A_32, %ge3A_475 : vector<16xi32>
    %lt3A_477 = arith.constant 99968 : i32
    %lt3A_478 = vector.broadcast %lt3A_477 : i32 to vector<16xi32>
    %lt3A_479 = arith.cmpi slt, %gather3A_32, %lt3A_478 : vector<16xi32>
    %and3A_480 = arith.andi %ge3A_476, %lt3A_479 : vector<16xi1>
    %sub3A_481 = arith.constant 98560 : i32
    %sub3A_482 = vector.broadcast %sub3A_481 : i32 to vector<16xi32>
    %sub3A_483 = arith.subi %gather3A_32, %sub3A_482 : vector<16xi32>
    %jit3A_484 = arith.constant 0 : i32
    %broadcast_in_dim3A_485 = vector.broadcast %jit3A_484 : i32 to vector<16xi32>
    %select_n3A_486 = arith.select %and3A_480, %sub3A_483, %broadcast_in_dim3A_485 : vector<16xi1>, vector<16xi32>
    %gather3A_487 = tpu.vector_load_idx %arg6[%broadcast_in_dim3A_473, %select_n3A_486] : memref<8x1408xf32, #tpu.memory_space<vmem>>[vector<16xi32>, vector<16xi32>], vector<16xf32>,
    %and3A_488 = arith.andi %and3A_480, %eq3A_4 : vector<16xi1>
    %jit3A_489 = arith.constant 0.000000e+00 : f32
    %broadcast_in_dim3A_490 = vector.broadcast %jit3A_489 : f32 to vector<16xf32>
    %select_n3A_491 = arith.select %and3A_488, %gather3A_487, %broadcast_in_dim3A_490 : vector<16xi1>, vector<16xf32>
    %add3A_492 = arith.addf %add3A_442, %select_n3A_491 : vector<16xf32>
    %ge3A_493 = arith.constant 98560 : i32
    %ge3A_494 = vector.broadcast %ge3A_493 : i32 to vector<16xi32>
    %ge3A_495 = arith.cmpi sge, %broadcast_in_dim3A_5, %ge3A_494 : vector<16xi32>
    %lt3A_496 = arith.constant 99968 : i32
    %lt3A_497 = vector.broadcast %lt3A_496 : i32 to vector<16xi32>
    %lt3A_498 = arith.cmpi slt, %broadcast_in_dim3A_5, %lt3A_497 : vector<16xi32>
    %and3A_499 = arith.andi %ge3A_495, %lt3A_498 : vector<16xi1>
    %sub3A_500 = arith.constant 98560 : i32
    %sub3A_501 = vector.broadcast %sub3A_500 : i32 to vector<16xi32>
    %sub3A_502 = arith.subi %broadcast_in_dim3A_5, %sub3A_501 : vector<16xi32>
    %jit3A_503 = arith.constant 0 : i32
    %broadcast_in_dim3A_504 = vector.broadcast %jit3A_503 : i32 to vector<16xi32>
    %select_n3A_505 = arith.select %and3A_499, %sub3A_502, %broadcast_in_dim3A_504 : vector<16xi1>, vector<16xi32>
    %gather3A_506 = tpu.vector_load_idx %arg6[%broadcast_in_dim3A_473, %select_n3A_505] : memref<8x1408xf32, #tpu.memory_space<vmem>>[vector<16xi32>, vector<16xi32>], vector<16xf32>,
    %and3A_507 = arith.andi %and3A_499, %eq3A_4 : vector<16xi1>
    %ne3A_508 = arith.constant 99900 : i32
    %ne3A_509 = vector.broadcast %ne3A_508 : i32 to vector<16xi32>
    %ne3A_510 = arith.cmpi ne, %gather3A_32, %ne3A_509 : vector<16xi32>
    %and3A_511 = arith.andi %and3A_507, %ne3A_510 : vector<16xi1>
    %jit3A_512 = arith.constant 0.000000e+00 : f32
    %broadcast_in_dim3A_513 = vector.broadcast %jit3A_512 : f32 to vector<16xf32>
    %select_n3A_514 = arith.select %and3A_511, %gather3A_506, %broadcast_in_dim3A_513 : vector<16xi1>, vector<16xf32>
    %add3A_515 = arith.addf %add3A_465, %select_n3A_514 : vector<16xf32>
    %mul3A_516 = arith.constant -1.000020e-06 : f32
    %mul3A_517 = vector.broadcast %mul3A_516 : f32 to vector<16xf32>
    %mul3A_518 = arith.mulf %mul3A_517, %scan3A_470 : vector<16xf32>
    %mul3A_519 = arith.constant 1.000020e-06 : f32
    %mul3A_520 = vector.broadcast %mul3A_519 : f32 to vector<16xf32>
    %mul3A_521 = arith.mulf %mul3A_520, %add3A_515 : vector<16xf32>
    %add3A_522 = arith.addf %mul3A_518, %mul3A_521 : vector<16xf32>
    %mul3A_523 = arith.constant -8.999990e-01 : f32
    %mul3A_524 = vector.broadcast %mul3A_523 : f32 to vector<16xf32>
    %mul3A_525 = arith.mulf %mul3A_524, %add3A_492 : vector<16xf32>
    %add3A_526 = arith.addf %add3A_522, %mul3A_525 : vector<16xf32>
    %mul3A_527 = arith.constant -1.38157666E-5 : f32
    %mul3A_528 = vector.broadcast %mul3A_527 : f32 to vector<16xf32>
    %mul3A_529 = arith.mulf %mul3A_528, %add3A_109 : vector<16xf32>
    %add3A_530 = arith.addf %add3A_526, %mul3A_529 : vector<16xf32>
    %swap3A = arith.constant 0 : index
    %swap3A_531 = tpu.vector_load %arg8[%swap3A] {strides = array<i32>} : memref<16xf32, #tpu.memory_space<vmem>>, vector<16xf32>,
    tpu.vector_store %arg8[%swap3A], %add3A_530 {strides = array<i32>} : memref<16xf32, #tpu.memory_space<vmem>>, vector<16xf32>,
    %mul3A_532 = arith.constant 16 : i32
    %mul3A_533 = arith.muli %add3A, %mul3A_532 : i32
    "tpu.region"() ({
      %run_scoped3A = tpu.sem_alloc : memref<!tpu.dma_semaphore, #tpu.memory_space<semaphore_mem>>
      %dma_start3A_534 = tpu.memref_slice %arg4[%mul3A_533] : memref<512xf32, #tpu.memory_space<hbm>> -> memref<16xf32, #tpu.memory_space<hbm>>
      %dma_start3A_535 = tpu.memref_slice %arg4[%mul3A_533] : memref<512xf32, #tpu.memory_space<hbm>> -> memref<16xf32, #tpu.memory_space<hbm>>
      tpu.enqueue_dma source(%arg8 : memref<16xf32, #tpu.memory_space<vmem>>) target(%dma_start3A_535 : memref<16xf32, #tpu.memory_space<hbm>>) target_semaphore(%run_scoped3A : memref<!tpu.dma_semaphore, #tpu.memory_space<semaphore_mem>>)
      %dma_wait3A_536 = tpu.memref_slice %arg4[%mul3A_533] : memref<512xf32, #tpu.memory_space<hbm>> -> memref<16xf32, #tpu.memory_space<hbm>>
      %dma_wait3A_537 = tpu.memref_slice %arg4[%mul3A_533] : memref<512xf32, #tpu.memory_space<hbm>> -> memref<16xf32, #tpu.memory_space<hbm>>
      tpu.wait_dma2 semaphore(%run_scoped3A : memref<!tpu.dma_semaphore, #tpu.memory_space<semaphore_mem>>) src(%arg8 : memref<16xf32, #tpu.memory_space<vmem>>) dst(%dma_wait3A_537 : memref<16xf32, #tpu.memory_space<hbm>>)
      tpu.yield
    }) : () -> ()
    return
  }
}

module attributes {stable_mosaic.version = 14 : i64} {
  func.func @_combine_body(%arg0: i32, %arg1: memref<1x1xf32, #tpu.memory_space<smem>>, %arg2: memref<32x16xf32, #tpu.memory_space<vmem>>, %arg3: memref<256x128xf32, #tpu.memory_space<vmem>>, %arg4: memref<256x1xi32, #tpu.memory_space<vmem>>, %arg5: memref<1x1xf32, #tpu.memory_space<smem>>) attributes {dimension_semantics = [#tpu.dimension_semantics<arbitrary>], iteration_bounds = array<i64: 1>, scalar_prefetch = 0 : i64, scratch_operands = 0 : i64, tpu.core_type = #tpu.core_type<tc>, window_params = [{transform_indices = @transform_0, window_bounds = array<i64: 1, 1>}, {pipeline_mode = #tpu.pipeline_mode<synchronous>, transform_indices = @transform_1, window_bounds = array<i64: 32, 16>}, {transform_indices = @transform_2, window_bounds = array<i64: 256, 128>}, {transform_indices = @transform_3, window_bounds = array<i64: 256, 1>}, {transform_indices = @transform_4, window_bounds = array<i64: 1, 1>}]} {
    %get3A = arith.constant 0 : index
    %get3A_0 = arith.constant 0 : index
    %get3A_1 = vector.load %arg3[%get3A, %get3A_0] : memref<256x128xf32, #tpu.memory_space<vmem>>, vector<256x128xf32>
    %get3A_2 = arith.constant 0 : index
    %get3A_3 = arith.constant 0 : index
    %get3A_4 = vector.load %arg4[%get3A_2, %get3A_3] : memref<256x1xi32, #tpu.memory_space<vmem>>, vector<256x1xi32>
    %iota3A = tpu.iota {dimensions = array<i32: 1>} : vector<256x128xi32>
    %add3A = arith.constant 99968 : i32
    %add3A_5 = vector.broadcast %add3A : i32 to vector<256x128xi32>
    %add3A_6 = arith.addi %add3A_5, %iota3A : vector<256x128xi32>
    %lt3A = arith.constant 100000 : i32
    %lt3A_7 = vector.broadcast %lt3A : i32 to vector<256x128xi32>
    %lt3A_8 = arith.cmpi slt, %add3A_6, %lt3A_7 : vector<256x128xi32>
    %jit3A = arith.constant 0.000000e+00 : f32
    %broadcast_in_dim3A = vector.broadcast %jit3A : f32 to vector<256x128xf32>
    %select_n3A = arith.select %lt3A_8, %get3A_1, %broadcast_in_dim3A : vector<256x128xi1>, vector<256x128xf32>
    %reduce_sum3A = vector.shape_cast %select_n3A : vector<256x128xf32> to vector<1x256x128xf32>
    %reduce_sum3A_9 = arith.constant dense<0.000000e+00> : vector<1xf32>
    %reduce_sum3A_10 = vector.multi_reduction <add>, %reduce_sum3A, %reduce_sum3A_9 [1, 2] : vector<1x256x128xf32> to vector<1xf32>
    %reduce_sum3A_11 = vector.shape_cast %reduce_sum3A_10 : vector<1xf32> to vector<1x1x1xf32>
    %reduce_sum3A_12 = vector.extract %reduce_sum3A_11[0, 0, 0] : f32 from vector<1x1x1xf32>
    %eq3A = vector.broadcast %get3A_4 : vector<256x1xi32> to vector<256x128xi32>
    %eq3A_13 = arith.cmpi eq, %add3A_6, %eq3A : vector<256x128xi32>
    %and3A = arith.andi %eq3A_13, %lt3A_8 : vector<256x128xi1>
    %jit3A_14 = arith.constant 0.000000e+00 : f32
    %broadcast_in_dim3A_15 = vector.broadcast %jit3A_14 : f32 to vector<256x128xf32>
    %select_n3A_16 = arith.select %and3A, %get3A_1, %broadcast_in_dim3A_15 : vector<256x128xi1>, vector<256x128xf32>
    %reduce_sum3A_17 = vector.shape_cast %select_n3A_16 : vector<256x128xf32> to vector<1x256x128xf32>
    %reduce_sum3A_18 = arith.constant dense<0.000000e+00> : vector<1xf32>
    %reduce_sum3A_19 = vector.multi_reduction <add>, %reduce_sum3A_17, %reduce_sum3A_18 [1, 2] : vector<1x256x128xf32> to vector<1xf32>
    %reduce_sum3A_20 = vector.shape_cast %reduce_sum3A_19 : vector<1xf32> to vector<1x1x1xf32>
    %reduce_sum3A_21 = vector.extract %reduce_sum3A_20[0, 0, 0] : f32 from vector<1x1x1xf32>
    %get3A_22 = arith.constant 0 : index
    %get3A_23 = arith.constant 0 : index
    %get3A_24 = memref.load %arg1[%get3A_22, %get3A_23] : memref<1x1xf32, #tpu.memory_space<smem>>
    %add3A_25 = arith.constant -1511.80652 : f32
    %add3A_26 = arith.addf %add3A_25, %get3A_24 : f32
    %get3A_27 = arith.constant 0 : index
    %get3A_28 = arith.constant 0 : index
    %get3A_29 = vector.load %arg2[%get3A_27, %get3A_28] : memref<32x16xf32, #tpu.memory_space<vmem>>, vector<32x16xf32>
    %reduce_sum3A_30 = vector.shape_cast %get3A_29 : vector<32x16xf32> to vector<1x32x16xf32>
    %reduce_sum3A_31 = arith.constant dense<0.000000e+00> : vector<1xf32>
    %reduce_sum3A_32 = vector.multi_reduction <add>, %reduce_sum3A_30, %reduce_sum3A_31 [1, 2] : vector<1x32x16xf32> to vector<1xf32>
    %reduce_sum3A_33 = vector.shape_cast %reduce_sum3A_32 : vector<1xf32> to vector<1x1x1xf32>
    %reduce_sum3A_34 = vector.extract %reduce_sum3A_33[0, 0, 0] : f32 from vector<1x1x1xf32>
    %add3A_35 = arith.addf %add3A_26, %reduce_sum3A_34 : f32
    %mul3A = arith.constant -1.000020e-06 : f32
    %mul3A_36 = arith.mulf %mul3A, %reduce_sum3A_12 : f32
    %add3A_37 = arith.addf %add3A_35, %mul3A_36 : f32
    %mul3A_38 = arith.constant -8.999990e-01 : f32
    %mul3A_39 = arith.mulf %mul3A_38, %reduce_sum3A_21 : f32
    %add3A_40 = arith.addf %add3A_37, %mul3A_39 : f32
    %swap3A = arith.constant 0 : index
    %swap3A_41 = arith.constant 0 : index
    %swap3A_42 = memref.load %arg5[%swap3A, %swap3A_41] : memref<1x1xf32, #tpu.memory_space<smem>>
    memref.store %add3A_40, %arg5[%swap3A, %swap3A_41] : memref<1x1xf32, #tpu.memory_space<smem>>
    return
  }
  func.func @transform_0(%arg0: i32) -> (i32, i32) {
    %c0_i32 = arith.constant 0 : i32
    %c0_i32_0 = arith.constant 0 : i32
    %c0_i32_1 = arith.constant 0 : i32
    return %c0_i32, %c0_i32_0 : i32, i32
  }
  func.func @transform_1(%arg0: i32) -> (i32, i32) {
    %c0_i32 = arith.constant 0 : i32
    %c0_i32_0 = arith.constant 0 : i32
    %c0_i32_1 = arith.constant 0 : i32
    return %c0_i32, %c0_i32_0 : i32, i32
  }
  func.func @transform_2(%arg0: i32) -> (i32, i32) {
    %c0_i32 = arith.constant 0 : i32
    %c781_i32 = arith.constant 781 : i32
    %c0_i32_0 = arith.constant 0 : i32
    return %c0_i32, %c781_i32 : i32, i32
  }
  func.func @transform_3(%arg0: i32) -> (i32, i32) {
    %c0_i32 = arith.constant 0 : i32
    %c0_i32_0 = arith.constant 0 : i32
    %c0_i32_1 = arith.constant 0 : i32
    return %c0_i32, %c0_i32_0 : i32, i32
  }
  func.func @transform_4(%arg0: i32) -> (i32, i32) {
    %c0_i32 = arith.constant 0 : i32
    %c0_i32_0 = arith.constant 0 : i32
    %c0_i32_1 = arith.constant 0 : i32
    return %c0_i32, %c0_i32_0 : i32, i32
  }
}

module attributes {stable_mosaic.version = 14 : i64} {
  func.func @_tc_body(%arg0: i32, %arg1: memref<32x100000xf32, #tpu.memory_space<vmem>>, %arg2: memref<32x1xi32, #tpu.memory_space<smem>>, %arg3: memref<32x1xi32, #tpu.memory_space<vmem>>, %arg4: memref<1x1xf32, #tpu.memory_space<smem>>) attributes {dimension_semantics = [#tpu.dimension_semantics<arbitrary>], iteration_bounds = array<i64: 24>, scalar_prefetch = 0 : i64, scratch_operands = 0 : i64, tpu.core_type = #tpu.core_type<tc>, window_params = [{transform_indices = @transform_0, window_bounds = array<i64: 32, 100000>}, {transform_indices = @transform_1, window_bounds = array<i64: 32, 1>}, {transform_indices = @transform_2, window_bounds = array<i64: 32, 1>}, {transform_indices = @transform_3, window_bounds = array<i64: 1, 1>}]} {
    %eq3A = arith.constant 0 : i32
    %eq3A_0 = arith.cmpi eq, %arg0, %eq3A : i32
    %convert_element_type3A = arith.extui %eq3A_0 : i1 to i32
    %cond3A = arith.constant 0 : i32
    %cond3A_1 = arith.cmpi ne, %convert_element_type3A, %cond3A : i32
    scf.if %cond3A_1 {
      %swap3A_1513 = arith.constant 0.000000e+00 : f32
      %swap3A_1514 = arith.constant 0 : index
      %swap3A_1515 = arith.constant 0 : index
      %swap3A_1516 = memref.load %arg4[%swap3A_1514, %swap3A_1515] : memref<1x1xf32, #tpu.memory_space<smem>>
      memref.store %swap3A_1513, %arg4[%swap3A_1514, %swap3A_1515] : memref<1x1xf32, #tpu.memory_space<smem>>
    } else {
    }
    %get3A = arith.constant 0 : index
    %get3A_2 = arith.constant 0 : index
    %get3A_3 = vector.load %arg1[%get3A, %get3A_2] : memref<32x100000xf32, #tpu.memory_space<vmem>>, vector<32x100000xf32>
    %reduce_sum3A = vector.shape_cast %get3A_3 : vector<32x100000xf32> to vector<1x32x100000xf32>
    %reduce_sum3A_4 = arith.constant dense<0.000000e+00> : vector<1xf32>
    %reduce_sum3A_5 = vector.multi_reduction <add>, %reduce_sum3A, %reduce_sum3A_4 [1, 2] : vector<1x32x100000xf32> to vector<1xf32>
    %reduce_sum3A_6 = vector.shape_cast %reduce_sum3A_5 : vector<1xf32> to vector<1x1x1xf32>
    %reduce_sum3A_7 = vector.extract %reduce_sum3A_6[0, 0, 0] : f32 from vector<1x1x1xf32>
    %get3A_8 = arith.constant 0 : index
    %get3A_9 = arith.constant 0 : index
    %get3A_10 = vector.load %arg3[%get3A_8, %get3A_9] : memref<32x1xi32, #tpu.memory_space<vmem>>, vector<32x1xi32>
    %get3A_11 = arith.constant 0 : index
    %get3A_12 = arith.constant 99900 : index
    %get3A_13 = vector.load %arg1[%get3A_11, %get3A_12] : memref<32x100000xf32, #tpu.memory_space<vmem>>, vector<32x1xf32>
    %ne3A = arith.constant 99900 : i32
    %ne3A_14 = vector.broadcast %ne3A : i32 to vector<32x1xi32>
    %ne3A_15 = arith.cmpi ne, %get3A_10, %ne3A_14 : vector<32x1xi32>
    %jit3A = arith.constant 0.000000e+00 : f32
    %broadcast_in_dim3A = vector.broadcast %jit3A : f32 to vector<32x1xf32>
    %select_n3A = arith.select %ne3A_15, %get3A_13, %broadcast_in_dim3A : vector<32x1xi1>, vector<32x1xf32>
    %reduce_sum3A_16 = vector.shape_cast %select_n3A : vector<32x1xf32> to vector<1x32x1xf32>
    %reduce_sum3A_17 = arith.constant dense<0.000000e+00> : vector<1xf32>
    %reduce_sum3A_18 = vector.multi_reduction <add>, %reduce_sum3A_16, %reduce_sum3A_17 [1, 2] : vector<1x32x1xf32> to vector<1xf32>
    %reduce_sum3A_19 = vector.shape_cast %reduce_sum3A_18 : vector<1xf32> to vector<1x1x1xf32>
    %reduce_sum3A_20 = vector.extract %reduce_sum3A_19[0, 0, 0] : f32 from vector<1x1x1xf32>
    %eq3A_21 = arith.constant 99900 : i32
    %eq3A_22 = vector.broadcast %eq3A_21 : i32 to vector<32x1xi32>
    %eq3A_23 = arith.cmpi eq, %get3A_10, %eq3A_22 : vector<32x1xi32>
    %convert_element_type3A_24 = arith.extui %eq3A_23 : vector<32x1xi1> to vector<32x1xi32>
    %convert_element_type3A_25 = arith.sitofp %convert_element_type3A_24 : vector<32x1xi32> to vector<32x1xf32>
    %reduce_sum3A_26 = vector.shape_cast %convert_element_type3A_25 : vector<32x1xf32> to vector<1x32x1xf32>
    %reduce_sum3A_27 = arith.constant dense<0.000000e+00> : vector<1xf32>
    %reduce_sum3A_28 = vector.multi_reduction <add>, %reduce_sum3A_26, %reduce_sum3A_27 [1, 2] : vector<1x32x1xf32> to vector<1xf32>
    %reduce_sum3A_29 = vector.shape_cast %reduce_sum3A_28 : vector<1xf32> to vector<1x1x1xf32>
    %reduce_sum3A_30 = vector.extract %reduce_sum3A_29[0, 0, 0] : f32 from vector<1x1x1xf32>
    %get3A_31 = arith.constant 0 : index
    %get3A_32 = arith.constant 0 : index
    %get3A_33 = memref.load %arg2[%get3A_31, %get3A_32] : memref<32x1xi32, #tpu.memory_space<smem>>
    %jit3A_34 = arith.constant 128 : i32
    %div3A = arith.divsi %get3A_33, %jit3A_34 : i32
    %sign3A = arith.constant 0 : i32
    %sign3A_35 = arith.cmpi sgt, %get3A_33, %sign3A : i32
    %sign3A_36 = arith.extui %sign3A_35 : i1 to i32
    %sign3A_37 = arith.constant 0 : i32
    %sign3A_38 = arith.cmpi slt, %get3A_33, %sign3A_37 : i32
    %sign3A_39 = arith.extui %sign3A_38 : i1 to i32
    %sign3A_40 = arith.subi %sign3A_36, %sign3A_39 : i32
    %sign3A_41 = arith.constant 0 : i32
    %sign3A_42 = arith.cmpi sgt, %jit3A_34, %sign3A_41 : i32
    %sign3A_43 = arith.extui %sign3A_42 : i1 to i32
    %sign3A_44 = arith.constant 0 : i32
    %sign3A_45 = arith.cmpi slt, %jit3A_34, %sign3A_44 : i32
    %sign3A_46 = arith.extui %sign3A_45 : i1 to i32
    %sign3A_47 = arith.subi %sign3A_43, %sign3A_46 : i32
    %ne3A_48 = arith.cmpi ne, %sign3A_40, %sign3A_47 : i32
    %rem3A = arith.remsi %get3A_33, %jit3A_34 : i32
    %ne3A_49 = arith.constant 0 : i32
    %ne3A_50 = arith.cmpi ne, %rem3A, %ne3A_49 : i32
    %and3A = arith.andi %ne3A_48, %ne3A_50 : i1
    %sub3A = arith.constant 1 : i32
    %sub3A_51 = arith.subi %div3A, %sub3A : i32
    %select_n3A_52 = arith.select %and3A, %sub3A_51, %div3A : i32
    %mul3A = arith.constant 128 : i32
    %mul3A_53 = arith.muli %select_n3A_52, %mul3A : i32
    %get3A_54 = arith.constant 0 : index
    %get3A_55 = arith.index_cast %mul3A_53 : i32 to index
    %get3A_56 = vector.load %arg1[%get3A_54, %get3A_55] : memref<32x100000xf32, #tpu.memory_space<vmem>>, vector<1x128xf32>
    %iota3A = tpu.iota {dimensions = array<i32: 1>} : vector<1x128xi32>
    %add3A = vector.broadcast %mul3A_53 : i32 to vector<1x128xi32>
    %add3A_57 = arith.addi %add3A, %iota3A : vector<1x128xi32>
    %eq3A_58 = vector.broadcast %get3A_33 : i32 to vector<1x128xi32>
    %eq3A_59 = arith.cmpi eq, %add3A_57, %eq3A_58 : vector<1x128xi32>
    %jit3A_60 = arith.constant 0.000000e+00 : f32
    %broadcast_in_dim3A_61 = vector.broadcast %jit3A_60 : f32 to vector<1x128xf32>
    %select_n3A_62 = arith.select %eq3A_59, %get3A_56, %broadcast_in_dim3A_61 : vector<1x128xi1>, vector<1x128xf32>
    %reduce_sum3A_63 = vector.shape_cast %select_n3A_62 : vector<1x128xf32> to vector<1x1x128xf32>
    %reduce_sum3A_64 = arith.constant dense<0.000000e+00> : vector<1xf32>
    %reduce_sum3A_65 = vector.multi_reduction <add>, %reduce_sum3A_63, %reduce_sum3A_64 [1, 2] : vector<1x1x128xf32> to vector<1xf32>
    %reduce_sum3A_66 = vector.shape_cast %reduce_sum3A_65 : vector<1xf32> to vector<1x1x1xf32>
    %reduce_sum3A_67 = vector.extract %reduce_sum3A_66[0, 0, 0] : f32 from vector<1x1x1xf32>
    %add3A_68 = arith.constant 0.000000e+00 : f32
    %add3A_69 = arith.addf %add3A_68, %reduce_sum3A_67 : f32
    %get3A_70 = arith.constant 1 : index
    %get3A_71 = arith.constant 0 : index
    %get3A_72 = memref.load %arg2[%get3A_70, %get3A_71] : memref<32x1xi32, #tpu.memory_space<smem>>
    %jit3A_73 = arith.constant 128 : i32
    %div3A_74 = arith.divsi %get3A_72, %jit3A_73 : i32
    %sign3A_75 = arith.constant 0 : i32
    %sign3A_76 = arith.cmpi sgt, %get3A_72, %sign3A_75 : i32
    %sign3A_77 = arith.extui %sign3A_76 : i1 to i32
    %sign3A_78 = arith.constant 0 : i32
    %sign3A_79 = arith.cmpi slt, %get3A_72, %sign3A_78 : i32
    %sign3A_80 = arith.extui %sign3A_79 : i1 to i32
    %sign3A_81 = arith.subi %sign3A_77, %sign3A_80 : i32
    %sign3A_82 = arith.constant 0 : i32
    %sign3A_83 = arith.cmpi sgt, %jit3A_73, %sign3A_82 : i32
    %sign3A_84 = arith.extui %sign3A_83 : i1 to i32
    %sign3A_85 = arith.constant 0 : i32
    %sign3A_86 = arith.cmpi slt, %jit3A_73, %sign3A_85 : i32
    %sign3A_87 = arith.extui %sign3A_86 : i1 to i32
    %sign3A_88 = arith.subi %sign3A_84, %sign3A_87 : i32
    %ne3A_89 = arith.cmpi ne, %sign3A_81, %sign3A_88 : i32
    %rem3A_90 = arith.remsi %get3A_72, %jit3A_73 : i32
    %ne3A_91 = arith.constant 0 : i32
    %ne3A_92 = arith.cmpi ne, %rem3A_90, %ne3A_91 : i32
    %and3A_93 = arith.andi %ne3A_89, %ne3A_92 : i1
    %sub3A_94 = arith.constant 1 : i32
    %sub3A_95 = arith.subi %div3A_74, %sub3A_94 : i32
    %select_n3A_96 = arith.select %and3A_93, %sub3A_95, %div3A_74 : i32
    %mul3A_97 = arith.constant 128 : i32
    %mul3A_98 = arith.muli %select_n3A_96, %mul3A_97 : i32
    %get3A_99 = arith.constant 1 : index
    %get3A_100 = arith.index_cast %mul3A_98 : i32 to index
    %get3A_101 = vector.load %arg1[%get3A_99, %get3A_100] : memref<32x100000xf32, #tpu.memory_space<vmem>>, vector<1x128xf32>
    %iota3A_102 = tpu.iota {dimensions = array<i32: 1>} : vector<1x128xi32>
    %add3A_103 = vector.broadcast %mul3A_98 : i32 to vector<1x128xi32>
    %add3A_104 = arith.addi %add3A_103, %iota3A_102 : vector<1x128xi32>
    %eq3A_105 = vector.broadcast %get3A_72 : i32 to vector<1x128xi32>
    %eq3A_106 = arith.cmpi eq, %add3A_104, %eq3A_105 : vector<1x128xi32>
    %jit3A_107 = arith.constant 0.000000e+00 : f32
    %broadcast_in_dim3A_108 = vector.broadcast %jit3A_107 : f32 to vector<1x128xf32>
    %select_n3A_109 = arith.select %eq3A_106, %get3A_101, %broadcast_in_dim3A_108 : vector<1x128xi1>, vector<1x128xf32>
    %reduce_sum3A_110 = vector.shape_cast %select_n3A_109 : vector<1x128xf32> to vector<1x1x128xf32>
    %reduce_sum3A_111 = arith.constant dense<0.000000e+00> : vector<1xf32>
    %reduce_sum3A_112 = vector.multi_reduction <add>, %reduce_sum3A_110, %reduce_sum3A_111 [1, 2] : vector<1x1x128xf32> to vector<1xf32>
    %reduce_sum3A_113 = vector.shape_cast %reduce_sum3A_112 : vector<1xf32> to vector<1x1x1xf32>
    %reduce_sum3A_114 = vector.extract %reduce_sum3A_113[0, 0, 0] : f32 from vector<1x1x1xf32>
    %add3A_115 = arith.addf %add3A_69, %reduce_sum3A_114 : f32
    %get3A_116 = arith.constant 2 : index
    %get3A_117 = arith.constant 0 : index
    %get3A_118 = memref.load %arg2[%get3A_116, %get3A_117] : memref<32x1xi32, #tpu.memory_space<smem>>
    %jit3A_119 = arith.constant 128 : i32
    %div3A_120 = arith.divsi %get3A_118, %jit3A_119 : i32
    %sign3A_121 = arith.constant 0 : i32
    %sign3A_122 = arith.cmpi sgt, %get3A_118, %sign3A_121 : i32
    %sign3A_123 = arith.extui %sign3A_122 : i1 to i32
    %sign3A_124 = arith.constant 0 : i32
    %sign3A_125 = arith.cmpi slt, %get3A_118, %sign3A_124 : i32
    %sign3A_126 = arith.extui %sign3A_125 : i1 to i32
    %sign3A_127 = arith.subi %sign3A_123, %sign3A_126 : i32
    %sign3A_128 = arith.constant 0 : i32
    %sign3A_129 = arith.cmpi sgt, %jit3A_119, %sign3A_128 : i32
    %sign3A_130 = arith.extui %sign3A_129 : i1 to i32
    %sign3A_131 = arith.constant 0 : i32
    %sign3A_132 = arith.cmpi slt, %jit3A_119, %sign3A_131 : i32
    %sign3A_133 = arith.extui %sign3A_132 : i1 to i32
    %sign3A_134 = arith.subi %sign3A_130, %sign3A_133 : i32
    %ne3A_135 = arith.cmpi ne, %sign3A_127, %sign3A_134 : i32
    %rem3A_136 = arith.remsi %get3A_118, %jit3A_119 : i32
    %ne3A_137 = arith.constant 0 : i32
    %ne3A_138 = arith.cmpi ne, %rem3A_136, %ne3A_137 : i32
    %and3A_139 = arith.andi %ne3A_135, %ne3A_138 : i1
    %sub3A_140 = arith.constant 1 : i32
    %sub3A_141 = arith.subi %div3A_120, %sub3A_140 : i32
    %select_n3A_142 = arith.select %and3A_139, %sub3A_141, %div3A_120 : i32
    %mul3A_143 = arith.constant 128 : i32
    %mul3A_144 = arith.muli %select_n3A_142, %mul3A_143 : i32
    %get3A_145 = arith.constant 2 : index
    %get3A_146 = arith.index_cast %mul3A_144 : i32 to index
    %get3A_147 = vector.load %arg1[%get3A_145, %get3A_146] : memref<32x100000xf32, #tpu.memory_space<vmem>>, vector<1x128xf32>
    %iota3A_148 = tpu.iota {dimensions = array<i32: 1>} : vector<1x128xi32>
    %add3A_149 = vector.broadcast %mul3A_144 : i32 to vector<1x128xi32>
    %add3A_150 = arith.addi %add3A_149, %iota3A_148 : vector<1x128xi32>
    %eq3A_151 = vector.broadcast %get3A_118 : i32 to vector<1x128xi32>
    %eq3A_152 = arith.cmpi eq, %add3A_150, %eq3A_151 : vector<1x128xi32>
    %jit3A_153 = arith.constant 0.000000e+00 : f32
    %broadcast_in_dim3A_154 = vector.broadcast %jit3A_153 : f32 to vector<1x128xf32>
    %select_n3A_155 = arith.select %eq3A_152, %get3A_147, %broadcast_in_dim3A_154 : vector<1x128xi1>, vector<1x128xf32>
    %reduce_sum3A_156 = vector.shape_cast %select_n3A_155 : vector<1x128xf32> to vector<1x1x128xf32>
    %reduce_sum3A_157 = arith.constant dense<0.000000e+00> : vector<1xf32>
    %reduce_sum3A_158 = vector.multi_reduction <add>, %reduce_sum3A_156, %reduce_sum3A_157 [1, 2] : vector<1x1x128xf32> to vector<1xf32>
    %reduce_sum3A_159 = vector.shape_cast %reduce_sum3A_158 : vector<1xf32> to vector<1x1x1xf32>
    %reduce_sum3A_160 = vector.extract %reduce_sum3A_159[0, 0, 0] : f32 from vector<1x1x1xf32>
    %add3A_161 = arith.addf %add3A_115, %reduce_sum3A_160 : f32
    %get3A_162 = arith.constant 3 : index
    %get3A_163 = arith.constant 0 : index
    %get3A_164 = memref.load %arg2[%get3A_162, %get3A_163] : memref<32x1xi32, #tpu.memory_space<smem>>
    %jit3A_165 = arith.constant 128 : i32
    %div3A_166 = arith.divsi %get3A_164, %jit3A_165 : i32
    %sign3A_167 = arith.constant 0 : i32
    %sign3A_168 = arith.cmpi sgt, %get3A_164, %sign3A_167 : i32
    %sign3A_169 = arith.extui %sign3A_168 : i1 to i32
    %sign3A_170 = arith.constant 0 : i32
    %sign3A_171 = arith.cmpi slt, %get3A_164, %sign3A_170 : i32
    %sign3A_172 = arith.extui %sign3A_171 : i1 to i32
    %sign3A_173 = arith.subi %sign3A_169, %sign3A_172 : i32
    %sign3A_174 = arith.constant 0 : i32
    %sign3A_175 = arith.cmpi sgt, %jit3A_165, %sign3A_174 : i32
    %sign3A_176 = arith.extui %sign3A_175 : i1 to i32
    %sign3A_177 = arith.constant 0 : i32
    %sign3A_178 = arith.cmpi slt, %jit3A_165, %sign3A_177 : i32
    %sign3A_179 = arith.extui %sign3A_178 : i1 to i32
    %sign3A_180 = arith.subi %sign3A_176, %sign3A_179 : i32
    %ne3A_181 = arith.cmpi ne, %sign3A_173, %sign3A_180 : i32
    %rem3A_182 = arith.remsi %get3A_164, %jit3A_165 : i32
    %ne3A_183 = arith.constant 0 : i32
    %ne3A_184 = arith.cmpi ne, %rem3A_182, %ne3A_183 : i32
    %and3A_185 = arith.andi %ne3A_181, %ne3A_184 : i1
    %sub3A_186 = arith.constant 1 : i32
    %sub3A_187 = arith.subi %div3A_166, %sub3A_186 : i32
    %select_n3A_188 = arith.select %and3A_185, %sub3A_187, %div3A_166 : i32
    %mul3A_189 = arith.constant 128 : i32
    %mul3A_190 = arith.muli %select_n3A_188, %mul3A_189 : i32
    %get3A_191 = arith.constant 3 : index
    %get3A_192 = arith.index_cast %mul3A_190 : i32 to index
    %get3A_193 = vector.load %arg1[%get3A_191, %get3A_192] : memref<32x100000xf32, #tpu.memory_space<vmem>>, vector<1x128xf32>
    %iota3A_194 = tpu.iota {dimensions = array<i32: 1>} : vector<1x128xi32>
    %add3A_195 = vector.broadcast %mul3A_190 : i32 to vector<1x128xi32>
    %add3A_196 = arith.addi %add3A_195, %iota3A_194 : vector<1x128xi32>
    %eq3A_197 = vector.broadcast %get3A_164 : i32 to vector<1x128xi32>
    %eq3A_198 = arith.cmpi eq, %add3A_196, %eq3A_197 : vector<1x128xi32>
    %jit3A_199 = arith.constant 0.000000e+00 : f32
    %broadcast_in_dim3A_200 = vector.broadcast %jit3A_199 : f32 to vector<1x128xf32>
    %select_n3A_201 = arith.select %eq3A_198, %get3A_193, %broadcast_in_dim3A_200 : vector<1x128xi1>, vector<1x128xf32>
    %reduce_sum3A_202 = vector.shape_cast %select_n3A_201 : vector<1x128xf32> to vector<1x1x128xf32>
    %reduce_sum3A_203 = arith.constant dense<0.000000e+00> : vector<1xf32>
    %reduce_sum3A_204 = vector.multi_reduction <add>, %reduce_sum3A_202, %reduce_sum3A_203 [1, 2] : vector<1x1x128xf32> to vector<1xf32>
    %reduce_sum3A_205 = vector.shape_cast %reduce_sum3A_204 : vector<1xf32> to vector<1x1x1xf32>
    %reduce_sum3A_206 = vector.extract %reduce_sum3A_205[0, 0, 0] : f32 from vector<1x1x1xf32>
    %add3A_207 = arith.addf %add3A_161, %reduce_sum3A_206 : f32
    %get3A_208 = arith.constant 4 : index
    %get3A_209 = arith.constant 0 : index
    %get3A_210 = memref.load %arg2[%get3A_208, %get3A_209] : memref<32x1xi32, #tpu.memory_space<smem>>
    %jit3A_211 = arith.constant 128 : i32
    %div3A_212 = arith.divsi %get3A_210, %jit3A_211 : i32
    %sign3A_213 = arith.constant 0 : i32
    %sign3A_214 = arith.cmpi sgt, %get3A_210, %sign3A_213 : i32
    %sign3A_215 = arith.extui %sign3A_214 : i1 to i32
    %sign3A_216 = arith.constant 0 : i32
    %sign3A_217 = arith.cmpi slt, %get3A_210, %sign3A_216 : i32
    %sign3A_218 = arith.extui %sign3A_217 : i1 to i32
    %sign3A_219 = arith.subi %sign3A_215, %sign3A_218 : i32
    %sign3A_220 = arith.constant 0 : i32
    %sign3A_221 = arith.cmpi sgt, %jit3A_211, %sign3A_220 : i32
    %sign3A_222 = arith.extui %sign3A_221 : i1 to i32
    %sign3A_223 = arith.constant 0 : i32
    %sign3A_224 = arith.cmpi slt, %jit3A_211, %sign3A_223 : i32
    %sign3A_225 = arith.extui %sign3A_224 : i1 to i32
    %sign3A_226 = arith.subi %sign3A_222, %sign3A_225 : i32
    %ne3A_227 = arith.cmpi ne, %sign3A_219, %sign3A_226 : i32
    %rem3A_228 = arith.remsi %get3A_210, %jit3A_211 : i32
    %ne3A_229 = arith.constant 0 : i32
    %ne3A_230 = arith.cmpi ne, %rem3A_228, %ne3A_229 : i32
    %and3A_231 = arith.andi %ne3A_227, %ne3A_230 : i1
    %sub3A_232 = arith.constant 1 : i32
    %sub3A_233 = arith.subi %div3A_212, %sub3A_232 : i32
    %select_n3A_234 = arith.select %and3A_231, %sub3A_233, %div3A_212 : i32
    %mul3A_235 = arith.constant 128 : i32
    %mul3A_236 = arith.muli %select_n3A_234, %mul3A_235 : i32
    %get3A_237 = arith.constant 4 : index
    %get3A_238 = arith.index_cast %mul3A_236 : i32 to index
    %get3A_239 = vector.load %arg1[%get3A_237, %get3A_238] : memref<32x100000xf32, #tpu.memory_space<vmem>>, vector<1x128xf32>
    %iota3A_240 = tpu.iota {dimensions = array<i32: 1>} : vector<1x128xi32>
    %add3A_241 = vector.broadcast %mul3A_236 : i32 to vector<1x128xi32>
    %add3A_242 = arith.addi %add3A_241, %iota3A_240 : vector<1x128xi32>
    %eq3A_243 = vector.broadcast %get3A_210 : i32 to vector<1x128xi32>
    %eq3A_244 = arith.cmpi eq, %add3A_242, %eq3A_243 : vector<1x128xi32>
    %jit3A_245 = arith.constant 0.000000e+00 : f32
    %broadcast_in_dim3A_246 = vector.broadcast %jit3A_245 : f32 to vector<1x128xf32>
    %select_n3A_247 = arith.select %eq3A_244, %get3A_239, %broadcast_in_dim3A_246 : vector<1x128xi1>, vector<1x128xf32>
    %reduce_sum3A_248 = vector.shape_cast %select_n3A_247 : vector<1x128xf32> to vector<1x1x128xf32>
    %reduce_sum3A_249 = arith.constant dense<0.000000e+00> : vector<1xf32>
    %reduce_sum3A_250 = vector.multi_reduction <add>, %reduce_sum3A_248, %reduce_sum3A_249 [1, 2] : vector<1x1x128xf32> to vector<1xf32>
    %reduce_sum3A_251 = vector.shape_cast %reduce_sum3A_250 : vector<1xf32> to vector<1x1x1xf32>
    %reduce_sum3A_252 = vector.extract %reduce_sum3A_251[0, 0, 0] : f32 from vector<1x1x1xf32>
    %add3A_253 = arith.addf %add3A_207, %reduce_sum3A_252 : f32
    %get3A_254 = arith.constant 5 : index
    %get3A_255 = arith.constant 0 : index
    %get3A_256 = memref.load %arg2[%get3A_254, %get3A_255] : memref<32x1xi32, #tpu.memory_space<smem>>
    %jit3A_257 = arith.constant 128 : i32
    %div3A_258 = arith.divsi %get3A_256, %jit3A_257 : i32
    %sign3A_259 = arith.constant 0 : i32
    %sign3A_260 = arith.cmpi sgt, %get3A_256, %sign3A_259 : i32
    %sign3A_261 = arith.extui %sign3A_260 : i1 to i32
    %sign3A_262 = arith.constant 0 : i32
    %sign3A_263 = arith.cmpi slt, %get3A_256, %sign3A_262 : i32
    %sign3A_264 = arith.extui %sign3A_263 : i1 to i32
    %sign3A_265 = arith.subi %sign3A_261, %sign3A_264 : i32
    %sign3A_266 = arith.constant 0 : i32
    %sign3A_267 = arith.cmpi sgt, %jit3A_257, %sign3A_266 : i32
    %sign3A_268 = arith.extui %sign3A_267 : i1 to i32
    %sign3A_269 = arith.constant 0 : i32
    %sign3A_270 = arith.cmpi slt, %jit3A_257, %sign3A_269 : i32
    %sign3A_271 = arith.extui %sign3A_270 : i1 to i32
    %sign3A_272 = arith.subi %sign3A_268, %sign3A_271 : i32
    %ne3A_273 = arith.cmpi ne, %sign3A_265, %sign3A_272 : i32
    %rem3A_274 = arith.remsi %get3A_256, %jit3A_257 : i32
    %ne3A_275 = arith.constant 0 : i32
    %ne3A_276 = arith.cmpi ne, %rem3A_274, %ne3A_275 : i32
    %and3A_277 = arith.andi %ne3A_273, %ne3A_276 : i1
    %sub3A_278 = arith.constant 1 : i32
    %sub3A_279 = arith.subi %div3A_258, %sub3A_278 : i32
    %select_n3A_280 = arith.select %and3A_277, %sub3A_279, %div3A_258 : i32
    %mul3A_281 = arith.constant 128 : i32
    %mul3A_282 = arith.muli %select_n3A_280, %mul3A_281 : i32
    %get3A_283 = arith.constant 5 : index
    %get3A_284 = arith.index_cast %mul3A_282 : i32 to index
    %get3A_285 = vector.load %arg1[%get3A_283, %get3A_284] : memref<32x100000xf32, #tpu.memory_space<vmem>>, vector<1x128xf32>
    %iota3A_286 = tpu.iota {dimensions = array<i32: 1>} : vector<1x128xi32>
    %add3A_287 = vector.broadcast %mul3A_282 : i32 to vector<1x128xi32>
    %add3A_288 = arith.addi %add3A_287, %iota3A_286 : vector<1x128xi32>
    %eq3A_289 = vector.broadcast %get3A_256 : i32 to vector<1x128xi32>
    %eq3A_290 = arith.cmpi eq, %add3A_288, %eq3A_289 : vector<1x128xi32>
    %jit3A_291 = arith.constant 0.000000e+00 : f32
    %broadcast_in_dim3A_292 = vector.broadcast %jit3A_291 : f32 to vector<1x128xf32>
    %select_n3A_293 = arith.select %eq3A_290, %get3A_285, %broadcast_in_dim3A_292 : vector<1x128xi1>, vector<1x128xf32>
    %reduce_sum3A_294 = vector.shape_cast %select_n3A_293 : vector<1x128xf32> to vector<1x1x128xf32>
    %reduce_sum3A_295 = arith.constant dense<0.000000e+00> : vector<1xf32>
    %reduce_sum3A_296 = vector.multi_reduction <add>, %reduce_sum3A_294, %reduce_sum3A_295 [1, 2] : vector<1x1x128xf32> to vector<1xf32>
    %reduce_sum3A_297 = vector.shape_cast %reduce_sum3A_296 : vector<1xf32> to vector<1x1x1xf32>
    %reduce_sum3A_298 = vector.extract %reduce_sum3A_297[0, 0, 0] : f32 from vector<1x1x1xf32>
    %add3A_299 = arith.addf %add3A_253, %reduce_sum3A_298 : f32
    %get3A_300 = arith.constant 6 : index
    %get3A_301 = arith.constant 0 : index
    %get3A_302 = memref.load %arg2[%get3A_300, %get3A_301] : memref<32x1xi32, #tpu.memory_space<smem>>
    %jit3A_303 = arith.constant 128 : i32
    %div3A_304 = arith.divsi %get3A_302, %jit3A_303 : i32
    %sign3A_305 = arith.constant 0 : i32
    %sign3A_306 = arith.cmpi sgt, %get3A_302, %sign3A_305 : i32
    %sign3A_307 = arith.extui %sign3A_306 : i1 to i32
    %sign3A_308 = arith.constant 0 : i32
    %sign3A_309 = arith.cmpi slt, %get3A_302, %sign3A_308 : i32
    %sign3A_310 = arith.extui %sign3A_309 : i1 to i32
    %sign3A_311 = arith.subi %sign3A_307, %sign3A_310 : i32
    %sign3A_312 = arith.constant 0 : i32
    %sign3A_313 = arith.cmpi sgt, %jit3A_303, %sign3A_312 : i32
    %sign3A_314 = arith.extui %sign3A_313 : i1 to i32
    %sign3A_315 = arith.constant 0 : i32
    %sign3A_316 = arith.cmpi slt, %jit3A_303, %sign3A_315 : i32
    %sign3A_317 = arith.extui %sign3A_316 : i1 to i32
    %sign3A_318 = arith.subi %sign3A_314, %sign3A_317 : i32
    %ne3A_319 = arith.cmpi ne, %sign3A_311, %sign3A_318 : i32
    %rem3A_320 = arith.remsi %get3A_302, %jit3A_303 : i32
    %ne3A_321 = arith.constant 0 : i32
    %ne3A_322 = arith.cmpi ne, %rem3A_320, %ne3A_321 : i32
    %and3A_323 = arith.andi %ne3A_319, %ne3A_322 : i1
    %sub3A_324 = arith.constant 1 : i32
    %sub3A_325 = arith.subi %div3A_304, %sub3A_324 : i32
    %select_n3A_326 = arith.select %and3A_323, %sub3A_325, %div3A_304 : i32
    %mul3A_327 = arith.constant 128 : i32
    %mul3A_328 = arith.muli %select_n3A_326, %mul3A_327 : i32
    %get3A_329 = arith.constant 6 : index
    %get3A_330 = arith.index_cast %mul3A_328 : i32 to index
    %get3A_331 = vector.load %arg1[%get3A_329, %get3A_330] : memref<32x100000xf32, #tpu.memory_space<vmem>>, vector<1x128xf32>
    %iota3A_332 = tpu.iota {dimensions = array<i32: 1>} : vector<1x128xi32>
    %add3A_333 = vector.broadcast %mul3A_328 : i32 to vector<1x128xi32>
    %add3A_334 = arith.addi %add3A_333, %iota3A_332 : vector<1x128xi32>
    %eq3A_335 = vector.broadcast %get3A_302 : i32 to vector<1x128xi32>
    %eq3A_336 = arith.cmpi eq, %add3A_334, %eq3A_335 : vector<1x128xi32>
    %jit3A_337 = arith.constant 0.000000e+00 : f32
    %broadcast_in_dim3A_338 = vector.broadcast %jit3A_337 : f32 to vector<1x128xf32>
    %select_n3A_339 = arith.select %eq3A_336, %get3A_331, %broadcast_in_dim3A_338 : vector<1x128xi1>, vector<1x128xf32>
    %reduce_sum3A_340 = vector.shape_cast %select_n3A_339 : vector<1x128xf32> to vector<1x1x128xf32>
    %reduce_sum3A_341 = arith.constant dense<0.000000e+00> : vector<1xf32>
    %reduce_sum3A_342 = vector.multi_reduction <add>, %reduce_sum3A_340, %reduce_sum3A_341 [1, 2] : vector<1x1x128xf32> to vector<1xf32>
    %reduce_sum3A_343 = vector.shape_cast %reduce_sum3A_342 : vector<1xf32> to vector<1x1x1xf32>
    %reduce_sum3A_344 = vector.extract %reduce_sum3A_343[0, 0, 0] : f32 from vector<1x1x1xf32>
    %add3A_345 = arith.addf %add3A_299, %reduce_sum3A_344 : f32
    %get3A_346 = arith.constant 7 : index
    %get3A_347 = arith.constant 0 : index
    %get3A_348 = memref.load %arg2[%get3A_346, %get3A_347] : memref<32x1xi32, #tpu.memory_space<smem>>
    %jit3A_349 = arith.constant 128 : i32
    %div3A_350 = arith.divsi %get3A_348, %jit3A_349 : i32
    %sign3A_351 = arith.constant 0 : i32
    %sign3A_352 = arith.cmpi sgt, %get3A_348, %sign3A_351 : i32
    %sign3A_353 = arith.extui %sign3A_352 : i1 to i32
    %sign3A_354 = arith.constant 0 : i32
    %sign3A_355 = arith.cmpi slt, %get3A_348, %sign3A_354 : i32
    %sign3A_356 = arith.extui %sign3A_355 : i1 to i32
    %sign3A_357 = arith.subi %sign3A_353, %sign3A_356 : i32
    %sign3A_358 = arith.constant 0 : i32
    %sign3A_359 = arith.cmpi sgt, %jit3A_349, %sign3A_358 : i32
    %sign3A_360 = arith.extui %sign3A_359 : i1 to i32
    %sign3A_361 = arith.constant 0 : i32
    %sign3A_362 = arith.cmpi slt, %jit3A_349, %sign3A_361 : i32
    %sign3A_363 = arith.extui %sign3A_362 : i1 to i32
    %sign3A_364 = arith.subi %sign3A_360, %sign3A_363 : i32
    %ne3A_365 = arith.cmpi ne, %sign3A_357, %sign3A_364 : i32
    %rem3A_366 = arith.remsi %get3A_348, %jit3A_349 : i32
    %ne3A_367 = arith.constant 0 : i32
    %ne3A_368 = arith.cmpi ne, %rem3A_366, %ne3A_367 : i32
    %and3A_369 = arith.andi %ne3A_365, %ne3A_368 : i1
    %sub3A_370 = arith.constant 1 : i32
    %sub3A_371 = arith.subi %div3A_350, %sub3A_370 : i32
    %select_n3A_372 = arith.select %and3A_369, %sub3A_371, %div3A_350 : i32
    %mul3A_373 = arith.constant 128 : i32
    %mul3A_374 = arith.muli %select_n3A_372, %mul3A_373 : i32
    %get3A_375 = arith.constant 7 : index
    %get3A_376 = arith.index_cast %mul3A_374 : i32 to index
    %get3A_377 = vector.load %arg1[%get3A_375, %get3A_376] : memref<32x100000xf32, #tpu.memory_space<vmem>>, vector<1x128xf32>
    %iota3A_378 = tpu.iota {dimensions = array<i32: 1>} : vector<1x128xi32>
    %add3A_379 = vector.broadcast %mul3A_374 : i32 to vector<1x128xi32>
    %add3A_380 = arith.addi %add3A_379, %iota3A_378 : vector<1x128xi32>
    %eq3A_381 = vector.broadcast %get3A_348 : i32 to vector<1x128xi32>
    %eq3A_382 = arith.cmpi eq, %add3A_380, %eq3A_381 : vector<1x128xi32>
    %jit3A_383 = arith.constant 0.000000e+00 : f32
    %broadcast_in_dim3A_384 = vector.broadcast %jit3A_383 : f32 to vector<1x128xf32>
    %select_n3A_385 = arith.select %eq3A_382, %get3A_377, %broadcast_in_dim3A_384 : vector<1x128xi1>, vector<1x128xf32>
    %reduce_sum3A_386 = vector.shape_cast %select_n3A_385 : vector<1x128xf32> to vector<1x1x128xf32>
    %reduce_sum3A_387 = arith.constant dense<0.000000e+00> : vector<1xf32>
    %reduce_sum3A_388 = vector.multi_reduction <add>, %reduce_sum3A_386, %reduce_sum3A_387 [1, 2] : vector<1x1x128xf32> to vector<1xf32>
    %reduce_sum3A_389 = vector.shape_cast %reduce_sum3A_388 : vector<1xf32> to vector<1x1x1xf32>
    %reduce_sum3A_390 = vector.extract %reduce_sum3A_389[0, 0, 0] : f32 from vector<1x1x1xf32>
    %add3A_391 = arith.addf %add3A_345, %reduce_sum3A_390 : f32
    %get3A_392 = arith.constant 8 : index
    %get3A_393 = arith.constant 0 : index
    %get3A_394 = memref.load %arg2[%get3A_392, %get3A_393] : memref<32x1xi32, #tpu.memory_space<smem>>
    %jit3A_395 = arith.constant 128 : i32
    %div3A_396 = arith.divsi %get3A_394, %jit3A_395 : i32
    %sign3A_397 = arith.constant 0 : i32
    %sign3A_398 = arith.cmpi sgt, %get3A_394, %sign3A_397 : i32
    %sign3A_399 = arith.extui %sign3A_398 : i1 to i32
    %sign3A_400 = arith.constant 0 : i32
    %sign3A_401 = arith.cmpi slt, %get3A_394, %sign3A_400 : i32
    %sign3A_402 = arith.extui %sign3A_401 : i1 to i32
    %sign3A_403 = arith.subi %sign3A_399, %sign3A_402 : i32
    %sign3A_404 = arith.constant 0 : i32
    %sign3A_405 = arith.cmpi sgt, %jit3A_395, %sign3A_404 : i32
    %sign3A_406 = arith.extui %sign3A_405 : i1 to i32
    %sign3A_407 = arith.constant 0 : i32
    %sign3A_408 = arith.cmpi slt, %jit3A_395, %sign3A_407 : i32
    %sign3A_409 = arith.extui %sign3A_408 : i1 to i32
    %sign3A_410 = arith.subi %sign3A_406, %sign3A_409 : i32
    %ne3A_411 = arith.cmpi ne, %sign3A_403, %sign3A_410 : i32
    %rem3A_412 = arith.remsi %get3A_394, %jit3A_395 : i32
    %ne3A_413 = arith.constant 0 : i32
    %ne3A_414 = arith.cmpi ne, %rem3A_412, %ne3A_413 : i32
    %and3A_415 = arith.andi %ne3A_411, %ne3A_414 : i1
    %sub3A_416 = arith.constant 1 : i32
    %sub3A_417 = arith.subi %div3A_396, %sub3A_416 : i32
    %select_n3A_418 = arith.select %and3A_415, %sub3A_417, %div3A_396 : i32
    %mul3A_419 = arith.constant 128 : i32
    %mul3A_420 = arith.muli %select_n3A_418, %mul3A_419 : i32
    %get3A_421 = arith.constant 8 : index
    %get3A_422 = arith.index_cast %mul3A_420 : i32 to index
    %get3A_423 = vector.load %arg1[%get3A_421, %get3A_422] : memref<32x100000xf32, #tpu.memory_space<vmem>>, vector<1x128xf32>
    %iota3A_424 = tpu.iota {dimensions = array<i32: 1>} : vector<1x128xi32>
    %add3A_425 = vector.broadcast %mul3A_420 : i32 to vector<1x128xi32>
    %add3A_426 = arith.addi %add3A_425, %iota3A_424 : vector<1x128xi32>
    %eq3A_427 = vector.broadcast %get3A_394 : i32 to vector<1x128xi32>
    %eq3A_428 = arith.cmpi eq, %add3A_426, %eq3A_427 : vector<1x128xi32>
    %jit3A_429 = arith.constant 0.000000e+00 : f32
    %broadcast_in_dim3A_430 = vector.broadcast %jit3A_429 : f32 to vector<1x128xf32>
    %select_n3A_431 = arith.select %eq3A_428, %get3A_423, %broadcast_in_dim3A_430 : vector<1x128xi1>, vector<1x128xf32>
    %reduce_sum3A_432 = vector.shape_cast %select_n3A_431 : vector<1x128xf32> to vector<1x1x128xf32>
    %reduce_sum3A_433 = arith.constant dense<0.000000e+00> : vector<1xf32>
    %reduce_sum3A_434 = vector.multi_reduction <add>, %reduce_sum3A_432, %reduce_sum3A_433 [1, 2] : vector<1x1x128xf32> to vector<1xf32>
    %reduce_sum3A_435 = vector.shape_cast %reduce_sum3A_434 : vector<1xf32> to vector<1x1x1xf32>
    %reduce_sum3A_436 = vector.extract %reduce_sum3A_435[0, 0, 0] : f32 from vector<1x1x1xf32>
    %add3A_437 = arith.addf %add3A_391, %reduce_sum3A_436 : f32
    %get3A_438 = arith.constant 9 : index
    %get3A_439 = arith.constant 0 : index
    %get3A_440 = memref.load %arg2[%get3A_438, %get3A_439] : memref<32x1xi32, #tpu.memory_space<smem>>
    %jit3A_441 = arith.constant 128 : i32
    %div3A_442 = arith.divsi %get3A_440, %jit3A_441 : i32
    %sign3A_443 = arith.constant 0 : i32
    %sign3A_444 = arith.cmpi sgt, %get3A_440, %sign3A_443 : i32
    %sign3A_445 = arith.extui %sign3A_444 : i1 to i32
    %sign3A_446 = arith.constant 0 : i32
    %sign3A_447 = arith.cmpi slt, %get3A_440, %sign3A_446 : i32
    %sign3A_448 = arith.extui %sign3A_447 : i1 to i32
    %sign3A_449 = arith.subi %sign3A_445, %sign3A_448 : i32
    %sign3A_450 = arith.constant 0 : i32
    %sign3A_451 = arith.cmpi sgt, %jit3A_441, %sign3A_450 : i32
    %sign3A_452 = arith.extui %sign3A_451 : i1 to i32
    %sign3A_453 = arith.constant 0 : i32
    %sign3A_454 = arith.cmpi slt, %jit3A_441, %sign3A_453 : i32
    %sign3A_455 = arith.extui %sign3A_454 : i1 to i32
    %sign3A_456 = arith.subi %sign3A_452, %sign3A_455 : i32
    %ne3A_457 = arith.cmpi ne, %sign3A_449, %sign3A_456 : i32
    %rem3A_458 = arith.remsi %get3A_440, %jit3A_441 : i32
    %ne3A_459 = arith.constant 0 : i32
    %ne3A_460 = arith.cmpi ne, %rem3A_458, %ne3A_459 : i32
    %and3A_461 = arith.andi %ne3A_457, %ne3A_460 : i1
    %sub3A_462 = arith.constant 1 : i32
    %sub3A_463 = arith.subi %div3A_442, %sub3A_462 : i32
    %select_n3A_464 = arith.select %and3A_461, %sub3A_463, %div3A_442 : i32
    %mul3A_465 = arith.constant 128 : i32
    %mul3A_466 = arith.muli %select_n3A_464, %mul3A_465 : i32
    %get3A_467 = arith.constant 9 : index
    %get3A_468 = arith.index_cast %mul3A_466 : i32 to index
    %get3A_469 = vector.load %arg1[%get3A_467, %get3A_468] : memref<32x100000xf32, #tpu.memory_space<vmem>>, vector<1x128xf32>
    %iota3A_470 = tpu.iota {dimensions = array<i32: 1>} : vector<1x128xi32>
    %add3A_471 = vector.broadcast %mul3A_466 : i32 to vector<1x128xi32>
    %add3A_472 = arith.addi %add3A_471, %iota3A_470 : vector<1x128xi32>
    %eq3A_473 = vector.broadcast %get3A_440 : i32 to vector<1x128xi32>
    %eq3A_474 = arith.cmpi eq, %add3A_472, %eq3A_473 : vector<1x128xi32>
    %jit3A_475 = arith.constant 0.000000e+00 : f32
    %broadcast_in_dim3A_476 = vector.broadcast %jit3A_475 : f32 to vector<1x128xf32>
    %select_n3A_477 = arith.select %eq3A_474, %get3A_469, %broadcast_in_dim3A_476 : vector<1x128xi1>, vector<1x128xf32>
    %reduce_sum3A_478 = vector.shape_cast %select_n3A_477 : vector<1x128xf32> to vector<1x1x128xf32>
    %reduce_sum3A_479 = arith.constant dense<0.000000e+00> : vector<1xf32>
    %reduce_sum3A_480 = vector.multi_reduction <add>, %reduce_sum3A_478, %reduce_sum3A_479 [1, 2] : vector<1x1x128xf32> to vector<1xf32>
    %reduce_sum3A_481 = vector.shape_cast %reduce_sum3A_480 : vector<1xf32> to vector<1x1x1xf32>
    %reduce_sum3A_482 = vector.extract %reduce_sum3A_481[0, 0, 0] : f32 from vector<1x1x1xf32>
    %add3A_483 = arith.addf %add3A_437, %reduce_sum3A_482 : f32
    %get3A_484 = arith.constant 10 : index
    %get3A_485 = arith.constant 0 : index
    %get3A_486 = memref.load %arg2[%get3A_484, %get3A_485] : memref<32x1xi32, #tpu.memory_space<smem>>
    %jit3A_487 = arith.constant 128 : i32
    %div3A_488 = arith.divsi %get3A_486, %jit3A_487 : i32
    %sign3A_489 = arith.constant 0 : i32
    %sign3A_490 = arith.cmpi sgt, %get3A_486, %sign3A_489 : i32
    %sign3A_491 = arith.extui %sign3A_490 : i1 to i32
    %sign3A_492 = arith.constant 0 : i32
    %sign3A_493 = arith.cmpi slt, %get3A_486, %sign3A_492 : i32
    %sign3A_494 = arith.extui %sign3A_493 : i1 to i32
    %sign3A_495 = arith.subi %sign3A_491, %sign3A_494 : i32
    %sign3A_496 = arith.constant 0 : i32
    %sign3A_497 = arith.cmpi sgt, %jit3A_487, %sign3A_496 : i32
    %sign3A_498 = arith.extui %sign3A_497 : i1 to i32
    %sign3A_499 = arith.constant 0 : i32
    %sign3A_500 = arith.cmpi slt, %jit3A_487, %sign3A_499 : i32
    %sign3A_501 = arith.extui %sign3A_500 : i1 to i32
    %sign3A_502 = arith.subi %sign3A_498, %sign3A_501 : i32
    %ne3A_503 = arith.cmpi ne, %sign3A_495, %sign3A_502 : i32
    %rem3A_504 = arith.remsi %get3A_486, %jit3A_487 : i32
    %ne3A_505 = arith.constant 0 : i32
    %ne3A_506 = arith.cmpi ne, %rem3A_504, %ne3A_505 : i32
    %and3A_507 = arith.andi %ne3A_503, %ne3A_506 : i1
    %sub3A_508 = arith.constant 1 : i32
    %sub3A_509 = arith.subi %div3A_488, %sub3A_508 : i32
    %select_n3A_510 = arith.select %and3A_507, %sub3A_509, %div3A_488 : i32
    %mul3A_511 = arith.constant 128 : i32
    %mul3A_512 = arith.muli %select_n3A_510, %mul3A_511 : i32
    %get3A_513 = arith.constant 10 : index
    %get3A_514 = arith.index_cast %mul3A_512 : i32 to index
    %get3A_515 = vector.load %arg1[%get3A_513, %get3A_514] : memref<32x100000xf32, #tpu.memory_space<vmem>>, vector<1x128xf32>
    %iota3A_516 = tpu.iota {dimensions = array<i32: 1>} : vector<1x128xi32>
    %add3A_517 = vector.broadcast %mul3A_512 : i32 to vector<1x128xi32>
    %add3A_518 = arith.addi %add3A_517, %iota3A_516 : vector<1x128xi32>
    %eq3A_519 = vector.broadcast %get3A_486 : i32 to vector<1x128xi32>
    %eq3A_520 = arith.cmpi eq, %add3A_518, %eq3A_519 : vector<1x128xi32>
    %jit3A_521 = arith.constant 0.000000e+00 : f32
    %broadcast_in_dim3A_522 = vector.broadcast %jit3A_521 : f32 to vector<1x128xf32>
    %select_n3A_523 = arith.select %eq3A_520, %get3A_515, %broadcast_in_dim3A_522 : vector<1x128xi1>, vector<1x128xf32>
    %reduce_sum3A_524 = vector.shape_cast %select_n3A_523 : vector<1x128xf32> to vector<1x1x128xf32>
    %reduce_sum3A_525 = arith.constant dense<0.000000e+00> : vector<1xf32>
    %reduce_sum3A_526 = vector.multi_reduction <add>, %reduce_sum3A_524, %reduce_sum3A_525 [1, 2] : vector<1x1x128xf32> to vector<1xf32>
    %reduce_sum3A_527 = vector.shape_cast %reduce_sum3A_526 : vector<1xf32> to vector<1x1x1xf32>
    %reduce_sum3A_528 = vector.extract %reduce_sum3A_527[0, 0, 0] : f32 from vector<1x1x1xf32>
    %add3A_529 = arith.addf %add3A_483, %reduce_sum3A_528 : f32
    %get3A_530 = arith.constant 11 : index
    %get3A_531 = arith.constant 0 : index
    %get3A_532 = memref.load %arg2[%get3A_530, %get3A_531] : memref<32x1xi32, #tpu.memory_space<smem>>
    %jit3A_533 = arith.constant 128 : i32
    %div3A_534 = arith.divsi %get3A_532, %jit3A_533 : i32
    %sign3A_535 = arith.constant 0 : i32
    %sign3A_536 = arith.cmpi sgt, %get3A_532, %sign3A_535 : i32
    %sign3A_537 = arith.extui %sign3A_536 : i1 to i32
    %sign3A_538 = arith.constant 0 : i32
    %sign3A_539 = arith.cmpi slt, %get3A_532, %sign3A_538 : i32
    %sign3A_540 = arith.extui %sign3A_539 : i1 to i32
    %sign3A_541 = arith.subi %sign3A_537, %sign3A_540 : i32
    %sign3A_542 = arith.constant 0 : i32
    %sign3A_543 = arith.cmpi sgt, %jit3A_533, %sign3A_542 : i32
    %sign3A_544 = arith.extui %sign3A_543 : i1 to i32
    %sign3A_545 = arith.constant 0 : i32
    %sign3A_546 = arith.cmpi slt, %jit3A_533, %sign3A_545 : i32
    %sign3A_547 = arith.extui %sign3A_546 : i1 to i32
    %sign3A_548 = arith.subi %sign3A_544, %sign3A_547 : i32
    %ne3A_549 = arith.cmpi ne, %sign3A_541, %sign3A_548 : i32
    %rem3A_550 = arith.remsi %get3A_532, %jit3A_533 : i32
    %ne3A_551 = arith.constant 0 : i32
    %ne3A_552 = arith.cmpi ne, %rem3A_550, %ne3A_551 : i32
    %and3A_553 = arith.andi %ne3A_549, %ne3A_552 : i1
    %sub3A_554 = arith.constant 1 : i32
    %sub3A_555 = arith.subi %div3A_534, %sub3A_554 : i32
    %select_n3A_556 = arith.select %and3A_553, %sub3A_555, %div3A_534 : i32
    %mul3A_557 = arith.constant 128 : i32
    %mul3A_558 = arith.muli %select_n3A_556, %mul3A_557 : i32
    %get3A_559 = arith.constant 11 : index
    %get3A_560 = arith.index_cast %mul3A_558 : i32 to index
    %get3A_561 = vector.load %arg1[%get3A_559, %get3A_560] : memref<32x100000xf32, #tpu.memory_space<vmem>>, vector<1x128xf32>
    %iota3A_562 = tpu.iota {dimensions = array<i32: 1>} : vector<1x128xi32>
    %add3A_563 = vector.broadcast %mul3A_558 : i32 to vector<1x128xi32>
    %add3A_564 = arith.addi %add3A_563, %iota3A_562 : vector<1x128xi32>
    %eq3A_565 = vector.broadcast %get3A_532 : i32 to vector<1x128xi32>
    %eq3A_566 = arith.cmpi eq, %add3A_564, %eq3A_565 : vector<1x128xi32>
    %jit3A_567 = arith.constant 0.000000e+00 : f32
    %broadcast_in_dim3A_568 = vector.broadcast %jit3A_567 : f32 to vector<1x128xf32>
    %select_n3A_569 = arith.select %eq3A_566, %get3A_561, %broadcast_in_dim3A_568 : vector<1x128xi1>, vector<1x128xf32>
    %reduce_sum3A_570 = vector.shape_cast %select_n3A_569 : vector<1x128xf32> to vector<1x1x128xf32>
    %reduce_sum3A_571 = arith.constant dense<0.000000e+00> : vector<1xf32>
    %reduce_sum3A_572 = vector.multi_reduction <add>, %reduce_sum3A_570, %reduce_sum3A_571 [1, 2] : vector<1x1x128xf32> to vector<1xf32>
    %reduce_sum3A_573 = vector.shape_cast %reduce_sum3A_572 : vector<1xf32> to vector<1x1x1xf32>
    %reduce_sum3A_574 = vector.extract %reduce_sum3A_573[0, 0, 0] : f32 from vector<1x1x1xf32>
    %add3A_575 = arith.addf %add3A_529, %reduce_sum3A_574 : f32
    %get3A_576 = arith.constant 12 : index
    %get3A_577 = arith.constant 0 : index
    %get3A_578 = memref.load %arg2[%get3A_576, %get3A_577] : memref<32x1xi32, #tpu.memory_space<smem>>
    %jit3A_579 = arith.constant 128 : i32
    %div3A_580 = arith.divsi %get3A_578, %jit3A_579 : i32
    %sign3A_581 = arith.constant 0 : i32
    %sign3A_582 = arith.cmpi sgt, %get3A_578, %sign3A_581 : i32
    %sign3A_583 = arith.extui %sign3A_582 : i1 to i32
    %sign3A_584 = arith.constant 0 : i32
    %sign3A_585 = arith.cmpi slt, %get3A_578, %sign3A_584 : i32
    %sign3A_586 = arith.extui %sign3A_585 : i1 to i32
    %sign3A_587 = arith.subi %sign3A_583, %sign3A_586 : i32
    %sign3A_588 = arith.constant 0 : i32
    %sign3A_589 = arith.cmpi sgt, %jit3A_579, %sign3A_588 : i32
    %sign3A_590 = arith.extui %sign3A_589 : i1 to i32
    %sign3A_591 = arith.constant 0 : i32
    %sign3A_592 = arith.cmpi slt, %jit3A_579, %sign3A_591 : i32
    %sign3A_593 = arith.extui %sign3A_592 : i1 to i32
    %sign3A_594 = arith.subi %sign3A_590, %sign3A_593 : i32
    %ne3A_595 = arith.cmpi ne, %sign3A_587, %sign3A_594 : i32
    %rem3A_596 = arith.remsi %get3A_578, %jit3A_579 : i32
    %ne3A_597 = arith.constant 0 : i32
    %ne3A_598 = arith.cmpi ne, %rem3A_596, %ne3A_597 : i32
    %and3A_599 = arith.andi %ne3A_595, %ne3A_598 : i1
    %sub3A_600 = arith.constant 1 : i32
    %sub3A_601 = arith.subi %div3A_580, %sub3A_600 : i32
    %select_n3A_602 = arith.select %and3A_599, %sub3A_601, %div3A_580 : i32
    %mul3A_603 = arith.constant 128 : i32
    %mul3A_604 = arith.muli %select_n3A_602, %mul3A_603 : i32
    %get3A_605 = arith.constant 12 : index
    %get3A_606 = arith.index_cast %mul3A_604 : i32 to index
    %get3A_607 = vector.load %arg1[%get3A_605, %get3A_606] : memref<32x100000xf32, #tpu.memory_space<vmem>>, vector<1x128xf32>
    %iota3A_608 = tpu.iota {dimensions = array<i32: 1>} : vector<1x128xi32>
    %add3A_609 = vector.broadcast %mul3A_604 : i32 to vector<1x128xi32>
    %add3A_610 = arith.addi %add3A_609, %iota3A_608 : vector<1x128xi32>
    %eq3A_611 = vector.broadcast %get3A_578 : i32 to vector<1x128xi32>
    %eq3A_612 = arith.cmpi eq, %add3A_610, %eq3A_611 : vector<1x128xi32>
    %jit3A_613 = arith.constant 0.000000e+00 : f32
    %broadcast_in_dim3A_614 = vector.broadcast %jit3A_613 : f32 to vector<1x128xf32>
    %select_n3A_615 = arith.select %eq3A_612, %get3A_607, %broadcast_in_dim3A_614 : vector<1x128xi1>, vector<1x128xf32>
    %reduce_sum3A_616 = vector.shape_cast %select_n3A_615 : vector<1x128xf32> to vector<1x1x128xf32>
    %reduce_sum3A_617 = arith.constant dense<0.000000e+00> : vector<1xf32>
    %reduce_sum3A_618 = vector.multi_reduction <add>, %reduce_sum3A_616, %reduce_sum3A_617 [1, 2] : vector<1x1x128xf32> to vector<1xf32>
    %reduce_sum3A_619 = vector.shape_cast %reduce_sum3A_618 : vector<1xf32> to vector<1x1x1xf32>
    %reduce_sum3A_620 = vector.extract %reduce_sum3A_619[0, 0, 0] : f32 from vector<1x1x1xf32>
    %add3A_621 = arith.addf %add3A_575, %reduce_sum3A_620 : f32
    %get3A_622 = arith.constant 13 : index
    %get3A_623 = arith.constant 0 : index
    %get3A_624 = memref.load %arg2[%get3A_622, %get3A_623] : memref<32x1xi32, #tpu.memory_space<smem>>
    %jit3A_625 = arith.constant 128 : i32
    %div3A_626 = arith.divsi %get3A_624, %jit3A_625 : i32
    %sign3A_627 = arith.constant 0 : i32
    %sign3A_628 = arith.cmpi sgt, %get3A_624, %sign3A_627 : i32
    %sign3A_629 = arith.extui %sign3A_628 : i1 to i32
    %sign3A_630 = arith.constant 0 : i32
    %sign3A_631 = arith.cmpi slt, %get3A_624, %sign3A_630 : i32
    %sign3A_632 = arith.extui %sign3A_631 : i1 to i32
    %sign3A_633 = arith.subi %sign3A_629, %sign3A_632 : i32
    %sign3A_634 = arith.constant 0 : i32
    %sign3A_635 = arith.cmpi sgt, %jit3A_625, %sign3A_634 : i32
    %sign3A_636 = arith.extui %sign3A_635 : i1 to i32
    %sign3A_637 = arith.constant 0 : i32
    %sign3A_638 = arith.cmpi slt, %jit3A_625, %sign3A_637 : i32
    %sign3A_639 = arith.extui %sign3A_638 : i1 to i32
    %sign3A_640 = arith.subi %sign3A_636, %sign3A_639 : i32
    %ne3A_641 = arith.cmpi ne, %sign3A_633, %sign3A_640 : i32
    %rem3A_642 = arith.remsi %get3A_624, %jit3A_625 : i32
    %ne3A_643 = arith.constant 0 : i32
    %ne3A_644 = arith.cmpi ne, %rem3A_642, %ne3A_643 : i32
    %and3A_645 = arith.andi %ne3A_641, %ne3A_644 : i1
    %sub3A_646 = arith.constant 1 : i32
    %sub3A_647 = arith.subi %div3A_626, %sub3A_646 : i32
    %select_n3A_648 = arith.select %and3A_645, %sub3A_647, %div3A_626 : i32
    %mul3A_649 = arith.constant 128 : i32
    %mul3A_650 = arith.muli %select_n3A_648, %mul3A_649 : i32
    %get3A_651 = arith.constant 13 : index
    %get3A_652 = arith.index_cast %mul3A_650 : i32 to index
    %get3A_653 = vector.load %arg1[%get3A_651, %get3A_652] : memref<32x100000xf32, #tpu.memory_space<vmem>>, vector<1x128xf32>
    %iota3A_654 = tpu.iota {dimensions = array<i32: 1>} : vector<1x128xi32>
    %add3A_655 = vector.broadcast %mul3A_650 : i32 to vector<1x128xi32>
    %add3A_656 = arith.addi %add3A_655, %iota3A_654 : vector<1x128xi32>
    %eq3A_657 = vector.broadcast %get3A_624 : i32 to vector<1x128xi32>
    %eq3A_658 = arith.cmpi eq, %add3A_656, %eq3A_657 : vector<1x128xi32>
    %jit3A_659 = arith.constant 0.000000e+00 : f32
    %broadcast_in_dim3A_660 = vector.broadcast %jit3A_659 : f32 to vector<1x128xf32>
    %select_n3A_661 = arith.select %eq3A_658, %get3A_653, %broadcast_in_dim3A_660 : vector<1x128xi1>, vector<1x128xf32>
    %reduce_sum3A_662 = vector.shape_cast %select_n3A_661 : vector<1x128xf32> to vector<1x1x128xf32>
    %reduce_sum3A_663 = arith.constant dense<0.000000e+00> : vector<1xf32>
    %reduce_sum3A_664 = vector.multi_reduction <add>, %reduce_sum3A_662, %reduce_sum3A_663 [1, 2] : vector<1x1x128xf32> to vector<1xf32>
    %reduce_sum3A_665 = vector.shape_cast %reduce_sum3A_664 : vector<1xf32> to vector<1x1x1xf32>
    %reduce_sum3A_666 = vector.extract %reduce_sum3A_665[0, 0, 0] : f32 from vector<1x1x1xf32>
    %add3A_667 = arith.addf %add3A_621, %reduce_sum3A_666 : f32
    %get3A_668 = arith.constant 14 : index
    %get3A_669 = arith.constant 0 : index
    %get3A_670 = memref.load %arg2[%get3A_668, %get3A_669] : memref<32x1xi32, #tpu.memory_space<smem>>
    %jit3A_671 = arith.constant 128 : i32
    %div3A_672 = arith.divsi %get3A_670, %jit3A_671 : i32
    %sign3A_673 = arith.constant 0 : i32
    %sign3A_674 = arith.cmpi sgt, %get3A_670, %sign3A_673 : i32
    %sign3A_675 = arith.extui %sign3A_674 : i1 to i32
    %sign3A_676 = arith.constant 0 : i32
    %sign3A_677 = arith.cmpi slt, %get3A_670, %sign3A_676 : i32
    %sign3A_678 = arith.extui %sign3A_677 : i1 to i32
    %sign3A_679 = arith.subi %sign3A_675, %sign3A_678 : i32
    %sign3A_680 = arith.constant 0 : i32
    %sign3A_681 = arith.cmpi sgt, %jit3A_671, %sign3A_680 : i32
    %sign3A_682 = arith.extui %sign3A_681 : i1 to i32
    %sign3A_683 = arith.constant 0 : i32
    %sign3A_684 = arith.cmpi slt, %jit3A_671, %sign3A_683 : i32
    %sign3A_685 = arith.extui %sign3A_684 : i1 to i32
    %sign3A_686 = arith.subi %sign3A_682, %sign3A_685 : i32
    %ne3A_687 = arith.cmpi ne, %sign3A_679, %sign3A_686 : i32
    %rem3A_688 = arith.remsi %get3A_670, %jit3A_671 : i32
    %ne3A_689 = arith.constant 0 : i32
    %ne3A_690 = arith.cmpi ne, %rem3A_688, %ne3A_689 : i32
    %and3A_691 = arith.andi %ne3A_687, %ne3A_690 : i1
    %sub3A_692 = arith.constant 1 : i32
    %sub3A_693 = arith.subi %div3A_672, %sub3A_692 : i32
    %select_n3A_694 = arith.select %and3A_691, %sub3A_693, %div3A_672 : i32
    %mul3A_695 = arith.constant 128 : i32
    %mul3A_696 = arith.muli %select_n3A_694, %mul3A_695 : i32
    %get3A_697 = arith.constant 14 : index
    %get3A_698 = arith.index_cast %mul3A_696 : i32 to index
    %get3A_699 = vector.load %arg1[%get3A_697, %get3A_698] : memref<32x100000xf32, #tpu.memory_space<vmem>>, vector<1x128xf32>
    %iota3A_700 = tpu.iota {dimensions = array<i32: 1>} : vector<1x128xi32>
    %add3A_701 = vector.broadcast %mul3A_696 : i32 to vector<1x128xi32>
    %add3A_702 = arith.addi %add3A_701, %iota3A_700 : vector<1x128xi32>
    %eq3A_703 = vector.broadcast %get3A_670 : i32 to vector<1x128xi32>
    %eq3A_704 = arith.cmpi eq, %add3A_702, %eq3A_703 : vector<1x128xi32>
    %jit3A_705 = arith.constant 0.000000e+00 : f32
    %broadcast_in_dim3A_706 = vector.broadcast %jit3A_705 : f32 to vector<1x128xf32>
    %select_n3A_707 = arith.select %eq3A_704, %get3A_699, %broadcast_in_dim3A_706 : vector<1x128xi1>, vector<1x128xf32>
    %reduce_sum3A_708 = vector.shape_cast %select_n3A_707 : vector<1x128xf32> to vector<1x1x128xf32>
    %reduce_sum3A_709 = arith.constant dense<0.000000e+00> : vector<1xf32>
    %reduce_sum3A_710 = vector.multi_reduction <add>, %reduce_sum3A_708, %reduce_sum3A_709 [1, 2] : vector<1x1x128xf32> to vector<1xf32>
    %reduce_sum3A_711 = vector.shape_cast %reduce_sum3A_710 : vector<1xf32> to vector<1x1x1xf32>
    %reduce_sum3A_712 = vector.extract %reduce_sum3A_711[0, 0, 0] : f32 from vector<1x1x1xf32>
    %add3A_713 = arith.addf %add3A_667, %reduce_sum3A_712 : f32
    %get3A_714 = arith.constant 15 : index
    %get3A_715 = arith.constant 0 : index
    %get3A_716 = memref.load %arg2[%get3A_714, %get3A_715] : memref<32x1xi32, #tpu.memory_space<smem>>
    %jit3A_717 = arith.constant 128 : i32
    %div3A_718 = arith.divsi %get3A_716, %jit3A_717 : i32
    %sign3A_719 = arith.constant 0 : i32
    %sign3A_720 = arith.cmpi sgt, %get3A_716, %sign3A_719 : i32
    %sign3A_721 = arith.extui %sign3A_720 : i1 to i32
    %sign3A_722 = arith.constant 0 : i32
    %sign3A_723 = arith.cmpi slt, %get3A_716, %sign3A_722 : i32
    %sign3A_724 = arith.extui %sign3A_723 : i1 to i32
    %sign3A_725 = arith.subi %sign3A_721, %sign3A_724 : i32
    %sign3A_726 = arith.constant 0 : i32
    %sign3A_727 = arith.cmpi sgt, %jit3A_717, %sign3A_726 : i32
    %sign3A_728 = arith.extui %sign3A_727 : i1 to i32
    %sign3A_729 = arith.constant 0 : i32
    %sign3A_730 = arith.cmpi slt, %jit3A_717, %sign3A_729 : i32
    %sign3A_731 = arith.extui %sign3A_730 : i1 to i32
    %sign3A_732 = arith.subi %sign3A_728, %sign3A_731 : i32
    %ne3A_733 = arith.cmpi ne, %sign3A_725, %sign3A_732 : i32
    %rem3A_734 = arith.remsi %get3A_716, %jit3A_717 : i32
    %ne3A_735 = arith.constant 0 : i32
    %ne3A_736 = arith.cmpi ne, %rem3A_734, %ne3A_735 : i32
    %and3A_737 = arith.andi %ne3A_733, %ne3A_736 : i1
    %sub3A_738 = arith.constant 1 : i32
    %sub3A_739 = arith.subi %div3A_718, %sub3A_738 : i32
    %select_n3A_740 = arith.select %and3A_737, %sub3A_739, %div3A_718 : i32
    %mul3A_741 = arith.constant 128 : i32
    %mul3A_742 = arith.muli %select_n3A_740, %mul3A_741 : i32
    %get3A_743 = arith.constant 15 : index
    %get3A_744 = arith.index_cast %mul3A_742 : i32 to index
    %get3A_745 = vector.load %arg1[%get3A_743, %get3A_744] : memref<32x100000xf32, #tpu.memory_space<vmem>>, vector<1x128xf32>
    %iota3A_746 = tpu.iota {dimensions = array<i32: 1>} : vector<1x128xi32>
    %add3A_747 = vector.broadcast %mul3A_742 : i32 to vector<1x128xi32>
    %add3A_748 = arith.addi %add3A_747, %iota3A_746 : vector<1x128xi32>
    %eq3A_749 = vector.broadcast %get3A_716 : i32 to vector<1x128xi32>
    %eq3A_750 = arith.cmpi eq, %add3A_748, %eq3A_749 : vector<1x128xi32>
    %jit3A_751 = arith.constant 0.000000e+00 : f32
    %broadcast_in_dim3A_752 = vector.broadcast %jit3A_751 : f32 to vector<1x128xf32>
    %select_n3A_753 = arith.select %eq3A_750, %get3A_745, %broadcast_in_dim3A_752 : vector<1x128xi1>, vector<1x128xf32>
    %reduce_sum3A_754 = vector.shape_cast %select_n3A_753 : vector<1x128xf32> to vector<1x1x128xf32>
    %reduce_sum3A_755 = arith.constant dense<0.000000e+00> : vector<1xf32>
    %reduce_sum3A_756 = vector.multi_reduction <add>, %reduce_sum3A_754, %reduce_sum3A_755 [1, 2] : vector<1x1x128xf32> to vector<1xf32>
    %reduce_sum3A_757 = vector.shape_cast %reduce_sum3A_756 : vector<1xf32> to vector<1x1x1xf32>
    %reduce_sum3A_758 = vector.extract %reduce_sum3A_757[0, 0, 0] : f32 from vector<1x1x1xf32>
    %add3A_759 = arith.addf %add3A_713, %reduce_sum3A_758 : f32
    %get3A_760 = arith.constant 16 : index
    %get3A_761 = arith.constant 0 : index
    %get3A_762 = memref.load %arg2[%get3A_760, %get3A_761] : memref<32x1xi32, #tpu.memory_space<smem>>
    %jit3A_763 = arith.constant 128 : i32
    %div3A_764 = arith.divsi %get3A_762, %jit3A_763 : i32
    %sign3A_765 = arith.constant 0 : i32
    %sign3A_766 = arith.cmpi sgt, %get3A_762, %sign3A_765 : i32
    %sign3A_767 = arith.extui %sign3A_766 : i1 to i32
    %sign3A_768 = arith.constant 0 : i32
    %sign3A_769 = arith.cmpi slt, %get3A_762, %sign3A_768 : i32
    %sign3A_770 = arith.extui %sign3A_769 : i1 to i32
    %sign3A_771 = arith.subi %sign3A_767, %sign3A_770 : i32
    %sign3A_772 = arith.constant 0 : i32
    %sign3A_773 = arith.cmpi sgt, %jit3A_763, %sign3A_772 : i32
    %sign3A_774 = arith.extui %sign3A_773 : i1 to i32
    %sign3A_775 = arith.constant 0 : i32
    %sign3A_776 = arith.cmpi slt, %jit3A_763, %sign3A_775 : i32
    %sign3A_777 = arith.extui %sign3A_776 : i1 to i32
    %sign3A_778 = arith.subi %sign3A_774, %sign3A_777 : i32
    %ne3A_779 = arith.cmpi ne, %sign3A_771, %sign3A_778 : i32
    %rem3A_780 = arith.remsi %get3A_762, %jit3A_763 : i32
    %ne3A_781 = arith.constant 0 : i32
    %ne3A_782 = arith.cmpi ne, %rem3A_780, %ne3A_781 : i32
    %and3A_783 = arith.andi %ne3A_779, %ne3A_782 : i1
    %sub3A_784 = arith.constant 1 : i32
    %sub3A_785 = arith.subi %div3A_764, %sub3A_784 : i32
    %select_n3A_786 = arith.select %and3A_783, %sub3A_785, %div3A_764 : i32
    %mul3A_787 = arith.constant 128 : i32
    %mul3A_788 = arith.muli %select_n3A_786, %mul3A_787 : i32
    %get3A_789 = arith.constant 16 : index
    %get3A_790 = arith.index_cast %mul3A_788 : i32 to index
    %get3A_791 = vector.load %arg1[%get3A_789, %get3A_790] : memref<32x100000xf32, #tpu.memory_space<vmem>>, vector<1x128xf32>
    %iota3A_792 = tpu.iota {dimensions = array<i32: 1>} : vector<1x128xi32>
    %add3A_793 = vector.broadcast %mul3A_788 : i32 to vector<1x128xi32>
    %add3A_794 = arith.addi %add3A_793, %iota3A_792 : vector<1x128xi32>
    %eq3A_795 = vector.broadcast %get3A_762 : i32 to vector<1x128xi32>
    %eq3A_796 = arith.cmpi eq, %add3A_794, %eq3A_795 : vector<1x128xi32>
    %jit3A_797 = arith.constant 0.000000e+00 : f32
    %broadcast_in_dim3A_798 = vector.broadcast %jit3A_797 : f32 to vector<1x128xf32>
    %select_n3A_799 = arith.select %eq3A_796, %get3A_791, %broadcast_in_dim3A_798 : vector<1x128xi1>, vector<1x128xf32>
    %reduce_sum3A_800 = vector.shape_cast %select_n3A_799 : vector<1x128xf32> to vector<1x1x128xf32>
    %reduce_sum3A_801 = arith.constant dense<0.000000e+00> : vector<1xf32>
    %reduce_sum3A_802 = vector.multi_reduction <add>, %reduce_sum3A_800, %reduce_sum3A_801 [1, 2] : vector<1x1x128xf32> to vector<1xf32>
    %reduce_sum3A_803 = vector.shape_cast %reduce_sum3A_802 : vector<1xf32> to vector<1x1x1xf32>
    %reduce_sum3A_804 = vector.extract %reduce_sum3A_803[0, 0, 0] : f32 from vector<1x1x1xf32>
    %add3A_805 = arith.addf %add3A_759, %reduce_sum3A_804 : f32
    %get3A_806 = arith.constant 17 : index
    %get3A_807 = arith.constant 0 : index
    %get3A_808 = memref.load %arg2[%get3A_806, %get3A_807] : memref<32x1xi32, #tpu.memory_space<smem>>
    %jit3A_809 = arith.constant 128 : i32
    %div3A_810 = arith.divsi %get3A_808, %jit3A_809 : i32
    %sign3A_811 = arith.constant 0 : i32
    %sign3A_812 = arith.cmpi sgt, %get3A_808, %sign3A_811 : i32
    %sign3A_813 = arith.extui %sign3A_812 : i1 to i32
    %sign3A_814 = arith.constant 0 : i32
    %sign3A_815 = arith.cmpi slt, %get3A_808, %sign3A_814 : i32
    %sign3A_816 = arith.extui %sign3A_815 : i1 to i32
    %sign3A_817 = arith.subi %sign3A_813, %sign3A_816 : i32
    %sign3A_818 = arith.constant 0 : i32
    %sign3A_819 = arith.cmpi sgt, %jit3A_809, %sign3A_818 : i32
    %sign3A_820 = arith.extui %sign3A_819 : i1 to i32
    %sign3A_821 = arith.constant 0 : i32
    %sign3A_822 = arith.cmpi slt, %jit3A_809, %sign3A_821 : i32
    %sign3A_823 = arith.extui %sign3A_822 : i1 to i32
    %sign3A_824 = arith.subi %sign3A_820, %sign3A_823 : i32
    %ne3A_825 = arith.cmpi ne, %sign3A_817, %sign3A_824 : i32
    %rem3A_826 = arith.remsi %get3A_808, %jit3A_809 : i32
    %ne3A_827 = arith.constant 0 : i32
    %ne3A_828 = arith.cmpi ne, %rem3A_826, %ne3A_827 : i32
    %and3A_829 = arith.andi %ne3A_825, %ne3A_828 : i1
    %sub3A_830 = arith.constant 1 : i32
    %sub3A_831 = arith.subi %div3A_810, %sub3A_830 : i32
    %select_n3A_832 = arith.select %and3A_829, %sub3A_831, %div3A_810 : i32
    %mul3A_833 = arith.constant 128 : i32
    %mul3A_834 = arith.muli %select_n3A_832, %mul3A_833 : i32
    %get3A_835 = arith.constant 17 : index
    %get3A_836 = arith.index_cast %mul3A_834 : i32 to index
    %get3A_837 = vector.load %arg1[%get3A_835, %get3A_836] : memref<32x100000xf32, #tpu.memory_space<vmem>>, vector<1x128xf32>
    %iota3A_838 = tpu.iota {dimensions = array<i32: 1>} : vector<1x128xi32>
    %add3A_839 = vector.broadcast %mul3A_834 : i32 to vector<1x128xi32>
    %add3A_840 = arith.addi %add3A_839, %iota3A_838 : vector<1x128xi32>
    %eq3A_841 = vector.broadcast %get3A_808 : i32 to vector<1x128xi32>
    %eq3A_842 = arith.cmpi eq, %add3A_840, %eq3A_841 : vector<1x128xi32>
    %jit3A_843 = arith.constant 0.000000e+00 : f32
    %broadcast_in_dim3A_844 = vector.broadcast %jit3A_843 : f32 to vector<1x128xf32>
    %select_n3A_845 = arith.select %eq3A_842, %get3A_837, %broadcast_in_dim3A_844 : vector<1x128xi1>, vector<1x128xf32>
    %reduce_sum3A_846 = vector.shape_cast %select_n3A_845 : vector<1x128xf32> to vector<1x1x128xf32>
    %reduce_sum3A_847 = arith.constant dense<0.000000e+00> : vector<1xf32>
    %reduce_sum3A_848 = vector.multi_reduction <add>, %reduce_sum3A_846, %reduce_sum3A_847 [1, 2] : vector<1x1x128xf32> to vector<1xf32>
    %reduce_sum3A_849 = vector.shape_cast %reduce_sum3A_848 : vector<1xf32> to vector<1x1x1xf32>
    %reduce_sum3A_850 = vector.extract %reduce_sum3A_849[0, 0, 0] : f32 from vector<1x1x1xf32>
    %add3A_851 = arith.addf %add3A_805, %reduce_sum3A_850 : f32
    %get3A_852 = arith.constant 18 : index
    %get3A_853 = arith.constant 0 : index
    %get3A_854 = memref.load %arg2[%get3A_852, %get3A_853] : memref<32x1xi32, #tpu.memory_space<smem>>
    %jit3A_855 = arith.constant 128 : i32
    %div3A_856 = arith.divsi %get3A_854, %jit3A_855 : i32
    %sign3A_857 = arith.constant 0 : i32
    %sign3A_858 = arith.cmpi sgt, %get3A_854, %sign3A_857 : i32
    %sign3A_859 = arith.extui %sign3A_858 : i1 to i32
    %sign3A_860 = arith.constant 0 : i32
    %sign3A_861 = arith.cmpi slt, %get3A_854, %sign3A_860 : i32
    %sign3A_862 = arith.extui %sign3A_861 : i1 to i32
    %sign3A_863 = arith.subi %sign3A_859, %sign3A_862 : i32
    %sign3A_864 = arith.constant 0 : i32
    %sign3A_865 = arith.cmpi sgt, %jit3A_855, %sign3A_864 : i32
    %sign3A_866 = arith.extui %sign3A_865 : i1 to i32
    %sign3A_867 = arith.constant 0 : i32
    %sign3A_868 = arith.cmpi slt, %jit3A_855, %sign3A_867 : i32
    %sign3A_869 = arith.extui %sign3A_868 : i1 to i32
    %sign3A_870 = arith.subi %sign3A_866, %sign3A_869 : i32
    %ne3A_871 = arith.cmpi ne, %sign3A_863, %sign3A_870 : i32
    %rem3A_872 = arith.remsi %get3A_854, %jit3A_855 : i32
    %ne3A_873 = arith.constant 0 : i32
    %ne3A_874 = arith.cmpi ne, %rem3A_872, %ne3A_873 : i32
    %and3A_875 = arith.andi %ne3A_871, %ne3A_874 : i1
    %sub3A_876 = arith.constant 1 : i32
    %sub3A_877 = arith.subi %div3A_856, %sub3A_876 : i32
    %select_n3A_878 = arith.select %and3A_875, %sub3A_877, %div3A_856 : i32
    %mul3A_879 = arith.constant 128 : i32
    %mul3A_880 = arith.muli %select_n3A_878, %mul3A_879 : i32
    %get3A_881 = arith.constant 18 : index
    %get3A_882 = arith.index_cast %mul3A_880 : i32 to index
    %get3A_883 = vector.load %arg1[%get3A_881, %get3A_882] : memref<32x100000xf32, #tpu.memory_space<vmem>>, vector<1x128xf32>
    %iota3A_884 = tpu.iota {dimensions = array<i32: 1>} : vector<1x128xi32>
    %add3A_885 = vector.broadcast %mul3A_880 : i32 to vector<1x128xi32>
    %add3A_886 = arith.addi %add3A_885, %iota3A_884 : vector<1x128xi32>
    %eq3A_887 = vector.broadcast %get3A_854 : i32 to vector<1x128xi32>
    %eq3A_888 = arith.cmpi eq, %add3A_886, %eq3A_887 : vector<1x128xi32>
    %jit3A_889 = arith.constant 0.000000e+00 : f32
    %broadcast_in_dim3A_890 = vector.broadcast %jit3A_889 : f32 to vector<1x128xf32>
    %select_n3A_891 = arith.select %eq3A_888, %get3A_883, %broadcast_in_dim3A_890 : vector<1x128xi1>, vector<1x128xf32>
    %reduce_sum3A_892 = vector.shape_cast %select_n3A_891 : vector<1x128xf32> to vector<1x1x128xf32>
    %reduce_sum3A_893 = arith.constant dense<0.000000e+00> : vector<1xf32>
    %reduce_sum3A_894 = vector.multi_reduction <add>, %reduce_sum3A_892, %reduce_sum3A_893 [1, 2] : vector<1x1x128xf32> to vector<1xf32>
    %reduce_sum3A_895 = vector.shape_cast %reduce_sum3A_894 : vector<1xf32> to vector<1x1x1xf32>
    %reduce_sum3A_896 = vector.extract %reduce_sum3A_895[0, 0, 0] : f32 from vector<1x1x1xf32>
    %add3A_897 = arith.addf %add3A_851, %reduce_sum3A_896 : f32
    %get3A_898 = arith.constant 19 : index
    %get3A_899 = arith.constant 0 : index
    %get3A_900 = memref.load %arg2[%get3A_898, %get3A_899] : memref<32x1xi32, #tpu.memory_space<smem>>
    %jit3A_901 = arith.constant 128 : i32
    %div3A_902 = arith.divsi %get3A_900, %jit3A_901 : i32
    %sign3A_903 = arith.constant 0 : i32
    %sign3A_904 = arith.cmpi sgt, %get3A_900, %sign3A_903 : i32
    %sign3A_905 = arith.extui %sign3A_904 : i1 to i32
    %sign3A_906 = arith.constant 0 : i32
    %sign3A_907 = arith.cmpi slt, %get3A_900, %sign3A_906 : i32
    %sign3A_908 = arith.extui %sign3A_907 : i1 to i32
    %sign3A_909 = arith.subi %sign3A_905, %sign3A_908 : i32
    %sign3A_910 = arith.constant 0 : i32
    %sign3A_911 = arith.cmpi sgt, %jit3A_901, %sign3A_910 : i32
    %sign3A_912 = arith.extui %sign3A_911 : i1 to i32
    %sign3A_913 = arith.constant 0 : i32
    %sign3A_914 = arith.cmpi slt, %jit3A_901, %sign3A_913 : i32
    %sign3A_915 = arith.extui %sign3A_914 : i1 to i32
    %sign3A_916 = arith.subi %sign3A_912, %sign3A_915 : i32
    %ne3A_917 = arith.cmpi ne, %sign3A_909, %sign3A_916 : i32
    %rem3A_918 = arith.remsi %get3A_900, %jit3A_901 : i32
    %ne3A_919 = arith.constant 0 : i32
    %ne3A_920 = arith.cmpi ne, %rem3A_918, %ne3A_919 : i32
    %and3A_921 = arith.andi %ne3A_917, %ne3A_920 : i1
    %sub3A_922 = arith.constant 1 : i32
    %sub3A_923 = arith.subi %div3A_902, %sub3A_922 : i32
    %select_n3A_924 = arith.select %and3A_921, %sub3A_923, %div3A_902 : i32
    %mul3A_925 = arith.constant 128 : i32
    %mul3A_926 = arith.muli %select_n3A_924, %mul3A_925 : i32
    %get3A_927 = arith.constant 19 : index
    %get3A_928 = arith.index_cast %mul3A_926 : i32 to index
    %get3A_929 = vector.load %arg1[%get3A_927, %get3A_928] : memref<32x100000xf32, #tpu.memory_space<vmem>>, vector<1x128xf32>
    %iota3A_930 = tpu.iota {dimensions = array<i32: 1>} : vector<1x128xi32>
    %add3A_931 = vector.broadcast %mul3A_926 : i32 to vector<1x128xi32>
    %add3A_932 = arith.addi %add3A_931, %iota3A_930 : vector<1x128xi32>
    %eq3A_933 = vector.broadcast %get3A_900 : i32 to vector<1x128xi32>
    %eq3A_934 = arith.cmpi eq, %add3A_932, %eq3A_933 : vector<1x128xi32>
    %jit3A_935 = arith.constant 0.000000e+00 : f32
    %broadcast_in_dim3A_936 = vector.broadcast %jit3A_935 : f32 to vector<1x128xf32>
    %select_n3A_937 = arith.select %eq3A_934, %get3A_929, %broadcast_in_dim3A_936 : vector<1x128xi1>, vector<1x128xf32>
    %reduce_sum3A_938 = vector.shape_cast %select_n3A_937 : vector<1x128xf32> to vector<1x1x128xf32>
    %reduce_sum3A_939 = arith.constant dense<0.000000e+00> : vector<1xf32>
    %reduce_sum3A_940 = vector.multi_reduction <add>, %reduce_sum3A_938, %reduce_sum3A_939 [1, 2] : vector<1x1x128xf32> to vector<1xf32>
    %reduce_sum3A_941 = vector.shape_cast %reduce_sum3A_940 : vector<1xf32> to vector<1x1x1xf32>
    %reduce_sum3A_942 = vector.extract %reduce_sum3A_941[0, 0, 0] : f32 from vector<1x1x1xf32>
    %add3A_943 = arith.addf %add3A_897, %reduce_sum3A_942 : f32
    %get3A_944 = arith.constant 20 : index
    %get3A_945 = arith.constant 0 : index
    %get3A_946 = memref.load %arg2[%get3A_944, %get3A_945] : memref<32x1xi32, #tpu.memory_space<smem>>
    %jit3A_947 = arith.constant 128 : i32
    %div3A_948 = arith.divsi %get3A_946, %jit3A_947 : i32
    %sign3A_949 = arith.constant 0 : i32
    %sign3A_950 = arith.cmpi sgt, %get3A_946, %sign3A_949 : i32
    %sign3A_951 = arith.extui %sign3A_950 : i1 to i32
    %sign3A_952 = arith.constant 0 : i32
    %sign3A_953 = arith.cmpi slt, %get3A_946, %sign3A_952 : i32
    %sign3A_954 = arith.extui %sign3A_953 : i1 to i32
    %sign3A_955 = arith.subi %sign3A_951, %sign3A_954 : i32
    %sign3A_956 = arith.constant 0 : i32
    %sign3A_957 = arith.cmpi sgt, %jit3A_947, %sign3A_956 : i32
    %sign3A_958 = arith.extui %sign3A_957 : i1 to i32
    %sign3A_959 = arith.constant 0 : i32
    %sign3A_960 = arith.cmpi slt, %jit3A_947, %sign3A_959 : i32
    %sign3A_961 = arith.extui %sign3A_960 : i1 to i32
    %sign3A_962 = arith.subi %sign3A_958, %sign3A_961 : i32
    %ne3A_963 = arith.cmpi ne, %sign3A_955, %sign3A_962 : i32
    %rem3A_964 = arith.remsi %get3A_946, %jit3A_947 : i32
    %ne3A_965 = arith.constant 0 : i32
    %ne3A_966 = arith.cmpi ne, %rem3A_964, %ne3A_965 : i32
    %and3A_967 = arith.andi %ne3A_963, %ne3A_966 : i1
    %sub3A_968 = arith.constant 1 : i32
    %sub3A_969 = arith.subi %div3A_948, %sub3A_968 : i32
    %select_n3A_970 = arith.select %and3A_967, %sub3A_969, %div3A_948 : i32
    %mul3A_971 = arith.constant 128 : i32
    %mul3A_972 = arith.muli %select_n3A_970, %mul3A_971 : i32
    %get3A_973 = arith.constant 20 : index
    %get3A_974 = arith.index_cast %mul3A_972 : i32 to index
    %get3A_975 = vector.load %arg1[%get3A_973, %get3A_974] : memref<32x100000xf32, #tpu.memory_space<vmem>>, vector<1x128xf32>
    %iota3A_976 = tpu.iota {dimensions = array<i32: 1>} : vector<1x128xi32>
    %add3A_977 = vector.broadcast %mul3A_972 : i32 to vector<1x128xi32>
    %add3A_978 = arith.addi %add3A_977, %iota3A_976 : vector<1x128xi32>
    %eq3A_979 = vector.broadcast %get3A_946 : i32 to vector<1x128xi32>
    %eq3A_980 = arith.cmpi eq, %add3A_978, %eq3A_979 : vector<1x128xi32>
    %jit3A_981 = arith.constant 0.000000e+00 : f32
    %broadcast_in_dim3A_982 = vector.broadcast %jit3A_981 : f32 to vector<1x128xf32>
    %select_n3A_983 = arith.select %eq3A_980, %get3A_975, %broadcast_in_dim3A_982 : vector<1x128xi1>, vector<1x128xf32>
    %reduce_sum3A_984 = vector.shape_cast %select_n3A_983 : vector<1x128xf32> to vector<1x1x128xf32>
    %reduce_sum3A_985 = arith.constant dense<0.000000e+00> : vector<1xf32>
    %reduce_sum3A_986 = vector.multi_reduction <add>, %reduce_sum3A_984, %reduce_sum3A_985 [1, 2] : vector<1x1x128xf32> to vector<1xf32>
    %reduce_sum3A_987 = vector.shape_cast %reduce_sum3A_986 : vector<1xf32> to vector<1x1x1xf32>
    %reduce_sum3A_988 = vector.extract %reduce_sum3A_987[0, 0, 0] : f32 from vector<1x1x1xf32>
    %add3A_989 = arith.addf %add3A_943, %reduce_sum3A_988 : f32
    %get3A_990 = arith.constant 21 : index
    %get3A_991 = arith.constant 0 : index
    %get3A_992 = memref.load %arg2[%get3A_990, %get3A_991] : memref<32x1xi32, #tpu.memory_space<smem>>
    %jit3A_993 = arith.constant 128 : i32
    %div3A_994 = arith.divsi %get3A_992, %jit3A_993 : i32
    %sign3A_995 = arith.constant 0 : i32
    %sign3A_996 = arith.cmpi sgt, %get3A_992, %sign3A_995 : i32
    %sign3A_997 = arith.extui %sign3A_996 : i1 to i32
    %sign3A_998 = arith.constant 0 : i32
    %sign3A_999 = arith.cmpi slt, %get3A_992, %sign3A_998 : i32
    %sign3A_1000 = arith.extui %sign3A_999 : i1 to i32
    %sign3A_1001 = arith.subi %sign3A_997, %sign3A_1000 : i32
    %sign3A_1002 = arith.constant 0 : i32
    %sign3A_1003 = arith.cmpi sgt, %jit3A_993, %sign3A_1002 : i32
    %sign3A_1004 = arith.extui %sign3A_1003 : i1 to i32
    %sign3A_1005 = arith.constant 0 : i32
    %sign3A_1006 = arith.cmpi slt, %jit3A_993, %sign3A_1005 : i32
    %sign3A_1007 = arith.extui %sign3A_1006 : i1 to i32
    %sign3A_1008 = arith.subi %sign3A_1004, %sign3A_1007 : i32
    %ne3A_1009 = arith.cmpi ne, %sign3A_1001, %sign3A_1008 : i32
    %rem3A_1010 = arith.remsi %get3A_992, %jit3A_993 : i32
    %ne3A_1011 = arith.constant 0 : i32
    %ne3A_1012 = arith.cmpi ne, %rem3A_1010, %ne3A_1011 : i32
    %and3A_1013 = arith.andi %ne3A_1009, %ne3A_1012 : i1
    %sub3A_1014 = arith.constant 1 : i32
    %sub3A_1015 = arith.subi %div3A_994, %sub3A_1014 : i32
    %select_n3A_1016 = arith.select %and3A_1013, %sub3A_1015, %div3A_994 : i32
    %mul3A_1017 = arith.constant 128 : i32
    %mul3A_1018 = arith.muli %select_n3A_1016, %mul3A_1017 : i32
    %get3A_1019 = arith.constant 21 : index
    %get3A_1020 = arith.index_cast %mul3A_1018 : i32 to index
    %get3A_1021 = vector.load %arg1[%get3A_1019, %get3A_1020] : memref<32x100000xf32, #tpu.memory_space<vmem>>, vector<1x128xf32>
    %iota3A_1022 = tpu.iota {dimensions = array<i32: 1>} : vector<1x128xi32>
    %add3A_1023 = vector.broadcast %mul3A_1018 : i32 to vector<1x128xi32>
    %add3A_1024 = arith.addi %add3A_1023, %iota3A_1022 : vector<1x128xi32>
    %eq3A_1025 = vector.broadcast %get3A_992 : i32 to vector<1x128xi32>
    %eq3A_1026 = arith.cmpi eq, %add3A_1024, %eq3A_1025 : vector<1x128xi32>
    %jit3A_1027 = arith.constant 0.000000e+00 : f32
    %broadcast_in_dim3A_1028 = vector.broadcast %jit3A_1027 : f32 to vector<1x128xf32>
    %select_n3A_1029 = arith.select %eq3A_1026, %get3A_1021, %broadcast_in_dim3A_1028 : vector<1x128xi1>, vector<1x128xf32>
    %reduce_sum3A_1030 = vector.shape_cast %select_n3A_1029 : vector<1x128xf32> to vector<1x1x128xf32>
    %reduce_sum3A_1031 = arith.constant dense<0.000000e+00> : vector<1xf32>
    %reduce_sum3A_1032 = vector.multi_reduction <add>, %reduce_sum3A_1030, %reduce_sum3A_1031 [1, 2] : vector<1x1x128xf32> to vector<1xf32>
    %reduce_sum3A_1033 = vector.shape_cast %reduce_sum3A_1032 : vector<1xf32> to vector<1x1x1xf32>
    %reduce_sum3A_1034 = vector.extract %reduce_sum3A_1033[0, 0, 0] : f32 from vector<1x1x1xf32>
    %add3A_1035 = arith.addf %add3A_989, %reduce_sum3A_1034 : f32
    %get3A_1036 = arith.constant 22 : index
    %get3A_1037 = arith.constant 0 : index
    %get3A_1038 = memref.load %arg2[%get3A_1036, %get3A_1037] : memref<32x1xi32, #tpu.memory_space<smem>>
    %jit3A_1039 = arith.constant 128 : i32
    %div3A_1040 = arith.divsi %get3A_1038, %jit3A_1039 : i32
    %sign3A_1041 = arith.constant 0 : i32
    %sign3A_1042 = arith.cmpi sgt, %get3A_1038, %sign3A_1041 : i32
    %sign3A_1043 = arith.extui %sign3A_1042 : i1 to i32
    %sign3A_1044 = arith.constant 0 : i32
    %sign3A_1045 = arith.cmpi slt, %get3A_1038, %sign3A_1044 : i32
    %sign3A_1046 = arith.extui %sign3A_1045 : i1 to i32
    %sign3A_1047 = arith.subi %sign3A_1043, %sign3A_1046 : i32
    %sign3A_1048 = arith.constant 0 : i32
    %sign3A_1049 = arith.cmpi sgt, %jit3A_1039, %sign3A_1048 : i32
    %sign3A_1050 = arith.extui %sign3A_1049 : i1 to i32
    %sign3A_1051 = arith.constant 0 : i32
    %sign3A_1052 = arith.cmpi slt, %jit3A_1039, %sign3A_1051 : i32
    %sign3A_1053 = arith.extui %sign3A_1052 : i1 to i32
    %sign3A_1054 = arith.subi %sign3A_1050, %sign3A_1053 : i32
    %ne3A_1055 = arith.cmpi ne, %sign3A_1047, %sign3A_1054 : i32
    %rem3A_1056 = arith.remsi %get3A_1038, %jit3A_1039 : i32
    %ne3A_1057 = arith.constant 0 : i32
    %ne3A_1058 = arith.cmpi ne, %rem3A_1056, %ne3A_1057 : i32
    %and3A_1059 = arith.andi %ne3A_1055, %ne3A_1058 : i1
    %sub3A_1060 = arith.constant 1 : i32
    %sub3A_1061 = arith.subi %div3A_1040, %sub3A_1060 : i32
    %select_n3A_1062 = arith.select %and3A_1059, %sub3A_1061, %div3A_1040 : i32
    %mul3A_1063 = arith.constant 128 : i32
    %mul3A_1064 = arith.muli %select_n3A_1062, %mul3A_1063 : i32
    %get3A_1065 = arith.constant 22 : index
    %get3A_1066 = arith.index_cast %mul3A_1064 : i32 to index
    %get3A_1067 = vector.load %arg1[%get3A_1065, %get3A_1066] : memref<32x100000xf32, #tpu.memory_space<vmem>>, vector<1x128xf32>
    %iota3A_1068 = tpu.iota {dimensions = array<i32: 1>} : vector<1x128xi32>
    %add3A_1069 = vector.broadcast %mul3A_1064 : i32 to vector<1x128xi32>
    %add3A_1070 = arith.addi %add3A_1069, %iota3A_1068 : vector<1x128xi32>
    %eq3A_1071 = vector.broadcast %get3A_1038 : i32 to vector<1x128xi32>
    %eq3A_1072 = arith.cmpi eq, %add3A_1070, %eq3A_1071 : vector<1x128xi32>
    %jit3A_1073 = arith.constant 0.000000e+00 : f32
    %broadcast_in_dim3A_1074 = vector.broadcast %jit3A_1073 : f32 to vector<1x128xf32>
    %select_n3A_1075 = arith.select %eq3A_1072, %get3A_1067, %broadcast_in_dim3A_1074 : vector<1x128xi1>, vector<1x128xf32>
    %reduce_sum3A_1076 = vector.shape_cast %select_n3A_1075 : vector<1x128xf32> to vector<1x1x128xf32>
    %reduce_sum3A_1077 = arith.constant dense<0.000000e+00> : vector<1xf32>
    %reduce_sum3A_1078 = vector.multi_reduction <add>, %reduce_sum3A_1076, %reduce_sum3A_1077 [1, 2] : vector<1x1x128xf32> to vector<1xf32>
    %reduce_sum3A_1079 = vector.shape_cast %reduce_sum3A_1078 : vector<1xf32> to vector<1x1x1xf32>
    %reduce_sum3A_1080 = vector.extract %reduce_sum3A_1079[0, 0, 0] : f32 from vector<1x1x1xf32>
    %add3A_1081 = arith.addf %add3A_1035, %reduce_sum3A_1080 : f32
    %get3A_1082 = arith.constant 23 : index
    %get3A_1083 = arith.constant 0 : index
    %get3A_1084 = memref.load %arg2[%get3A_1082, %get3A_1083] : memref<32x1xi32, #tpu.memory_space<smem>>
    %jit3A_1085 = arith.constant 128 : i32
    %div3A_1086 = arith.divsi %get3A_1084, %jit3A_1085 : i32
    %sign3A_1087 = arith.constant 0 : i32
    %sign3A_1088 = arith.cmpi sgt, %get3A_1084, %sign3A_1087 : i32
    %sign3A_1089 = arith.extui %sign3A_1088 : i1 to i32
    %sign3A_1090 = arith.constant 0 : i32
    %sign3A_1091 = arith.cmpi slt, %get3A_1084, %sign3A_1090 : i32
    %sign3A_1092 = arith.extui %sign3A_1091 : i1 to i32
    %sign3A_1093 = arith.subi %sign3A_1089, %sign3A_1092 : i32
    %sign3A_1094 = arith.constant 0 : i32
    %sign3A_1095 = arith.cmpi sgt, %jit3A_1085, %sign3A_1094 : i32
    %sign3A_1096 = arith.extui %sign3A_1095 : i1 to i32
    %sign3A_1097 = arith.constant 0 : i32
    %sign3A_1098 = arith.cmpi slt, %jit3A_1085, %sign3A_1097 : i32
    %sign3A_1099 = arith.extui %sign3A_1098 : i1 to i32
    %sign3A_1100 = arith.subi %sign3A_1096, %sign3A_1099 : i32
    %ne3A_1101 = arith.cmpi ne, %sign3A_1093, %sign3A_1100 : i32
    %rem3A_1102 = arith.remsi %get3A_1084, %jit3A_1085 : i32
    %ne3A_1103 = arith.constant 0 : i32
    %ne3A_1104 = arith.cmpi ne, %rem3A_1102, %ne3A_1103 : i32
    %and3A_1105 = arith.andi %ne3A_1101, %ne3A_1104 : i1
    %sub3A_1106 = arith.constant 1 : i32
    %sub3A_1107 = arith.subi %div3A_1086, %sub3A_1106 : i32
    %select_n3A_1108 = arith.select %and3A_1105, %sub3A_1107, %div3A_1086 : i32
    %mul3A_1109 = arith.constant 128 : i32
    %mul3A_1110 = arith.muli %select_n3A_1108, %mul3A_1109 : i32
    %get3A_1111 = arith.constant 23 : index
    %get3A_1112 = arith.index_cast %mul3A_1110 : i32 to index
    %get3A_1113 = vector.load %arg1[%get3A_1111, %get3A_1112] : memref<32x100000xf32, #tpu.memory_space<vmem>>, vector<1x128xf32>
    %iota3A_1114 = tpu.iota {dimensions = array<i32: 1>} : vector<1x128xi32>
    %add3A_1115 = vector.broadcast %mul3A_1110 : i32 to vector<1x128xi32>
    %add3A_1116 = arith.addi %add3A_1115, %iota3A_1114 : vector<1x128xi32>
    %eq3A_1117 = vector.broadcast %get3A_1084 : i32 to vector<1x128xi32>
    %eq3A_1118 = arith.cmpi eq, %add3A_1116, %eq3A_1117 : vector<1x128xi32>
    %jit3A_1119 = arith.constant 0.000000e+00 : f32
    %broadcast_in_dim3A_1120 = vector.broadcast %jit3A_1119 : f32 to vector<1x128xf32>
    %select_n3A_1121 = arith.select %eq3A_1118, %get3A_1113, %broadcast_in_dim3A_1120 : vector<1x128xi1>, vector<1x128xf32>
    %reduce_sum3A_1122 = vector.shape_cast %select_n3A_1121 : vector<1x128xf32> to vector<1x1x128xf32>
    %reduce_sum3A_1123 = arith.constant dense<0.000000e+00> : vector<1xf32>
    %reduce_sum3A_1124 = vector.multi_reduction <add>, %reduce_sum3A_1122, %reduce_sum3A_1123 [1, 2] : vector<1x1x128xf32> to vector<1xf32>
    %reduce_sum3A_1125 = vector.shape_cast %reduce_sum3A_1124 : vector<1xf32> to vector<1x1x1xf32>
    %reduce_sum3A_1126 = vector.extract %reduce_sum3A_1125[0, 0, 0] : f32 from vector<1x1x1xf32>
    %add3A_1127 = arith.addf %add3A_1081, %reduce_sum3A_1126 : f32
    %get3A_1128 = arith.constant 24 : index
    %get3A_1129 = arith.constant 0 : index
    %get3A_1130 = memref.load %arg2[%get3A_1128, %get3A_1129] : memref<32x1xi32, #tpu.memory_space<smem>>
    %jit3A_1131 = arith.constant 128 : i32
    %div3A_1132 = arith.divsi %get3A_1130, %jit3A_1131 : i32
    %sign3A_1133 = arith.constant 0 : i32
    %sign3A_1134 = arith.cmpi sgt, %get3A_1130, %sign3A_1133 : i32
    %sign3A_1135 = arith.extui %sign3A_1134 : i1 to i32
    %sign3A_1136 = arith.constant 0 : i32
    %sign3A_1137 = arith.cmpi slt, %get3A_1130, %sign3A_1136 : i32
    %sign3A_1138 = arith.extui %sign3A_1137 : i1 to i32
    %sign3A_1139 = arith.subi %sign3A_1135, %sign3A_1138 : i32
    %sign3A_1140 = arith.constant 0 : i32
    %sign3A_1141 = arith.cmpi sgt, %jit3A_1131, %sign3A_1140 : i32
    %sign3A_1142 = arith.extui %sign3A_1141 : i1 to i32
    %sign3A_1143 = arith.constant 0 : i32
    %sign3A_1144 = arith.cmpi slt, %jit3A_1131, %sign3A_1143 : i32
    %sign3A_1145 = arith.extui %sign3A_1144 : i1 to i32
    %sign3A_1146 = arith.subi %sign3A_1142, %sign3A_1145 : i32
    %ne3A_1147 = arith.cmpi ne, %sign3A_1139, %sign3A_1146 : i32
    %rem3A_1148 = arith.remsi %get3A_1130, %jit3A_1131 : i32
    %ne3A_1149 = arith.constant 0 : i32
    %ne3A_1150 = arith.cmpi ne, %rem3A_1148, %ne3A_1149 : i32
    %and3A_1151 = arith.andi %ne3A_1147, %ne3A_1150 : i1
    %sub3A_1152 = arith.constant 1 : i32
    %sub3A_1153 = arith.subi %div3A_1132, %sub3A_1152 : i32
    %select_n3A_1154 = arith.select %and3A_1151, %sub3A_1153, %div3A_1132 : i32
    %mul3A_1155 = arith.constant 128 : i32
    %mul3A_1156 = arith.muli %select_n3A_1154, %mul3A_1155 : i32
    %get3A_1157 = arith.constant 24 : index
    %get3A_1158 = arith.index_cast %mul3A_1156 : i32 to index
    %get3A_1159 = vector.load %arg1[%get3A_1157, %get3A_1158] : memref<32x100000xf32, #tpu.memory_space<vmem>>, vector<1x128xf32>
    %iota3A_1160 = tpu.iota {dimensions = array<i32: 1>} : vector<1x128xi32>
    %add3A_1161 = vector.broadcast %mul3A_1156 : i32 to vector<1x128xi32>
    %add3A_1162 = arith.addi %add3A_1161, %iota3A_1160 : vector<1x128xi32>
    %eq3A_1163 = vector.broadcast %get3A_1130 : i32 to vector<1x128xi32>
    %eq3A_1164 = arith.cmpi eq, %add3A_1162, %eq3A_1163 : vector<1x128xi32>
    %jit3A_1165 = arith.constant 0.000000e+00 : f32
    %broadcast_in_dim3A_1166 = vector.broadcast %jit3A_1165 : f32 to vector<1x128xf32>
    %select_n3A_1167 = arith.select %eq3A_1164, %get3A_1159, %broadcast_in_dim3A_1166 : vector<1x128xi1>, vector<1x128xf32>
    %reduce_sum3A_1168 = vector.shape_cast %select_n3A_1167 : vector<1x128xf32> to vector<1x1x128xf32>
    %reduce_sum3A_1169 = arith.constant dense<0.000000e+00> : vector<1xf32>
    %reduce_sum3A_1170 = vector.multi_reduction <add>, %reduce_sum3A_1168, %reduce_sum3A_1169 [1, 2] : vector<1x1x128xf32> to vector<1xf32>
    %reduce_sum3A_1171 = vector.shape_cast %reduce_sum3A_1170 : vector<1xf32> to vector<1x1x1xf32>
    %reduce_sum3A_1172 = vector.extract %reduce_sum3A_1171[0, 0, 0] : f32 from vector<1x1x1xf32>
    %add3A_1173 = arith.addf %add3A_1127, %reduce_sum3A_1172 : f32
    %get3A_1174 = arith.constant 25 : index
    %get3A_1175 = arith.constant 0 : index
    %get3A_1176 = memref.load %arg2[%get3A_1174, %get3A_1175] : memref<32x1xi32, #tpu.memory_space<smem>>
    %jit3A_1177 = arith.constant 128 : i32
    %div3A_1178 = arith.divsi %get3A_1176, %jit3A_1177 : i32
    %sign3A_1179 = arith.constant 0 : i32
    %sign3A_1180 = arith.cmpi sgt, %get3A_1176, %sign3A_1179 : i32
    %sign3A_1181 = arith.extui %sign3A_1180 : i1 to i32
    %sign3A_1182 = arith.constant 0 : i32
    %sign3A_1183 = arith.cmpi slt, %get3A_1176, %sign3A_1182 : i32
    %sign3A_1184 = arith.extui %sign3A_1183 : i1 to i32
    %sign3A_1185 = arith.subi %sign3A_1181, %sign3A_1184 : i32
    %sign3A_1186 = arith.constant 0 : i32
    %sign3A_1187 = arith.cmpi sgt, %jit3A_1177, %sign3A_1186 : i32
    %sign3A_1188 = arith.extui %sign3A_1187 : i1 to i32
    %sign3A_1189 = arith.constant 0 : i32
    %sign3A_1190 = arith.cmpi slt, %jit3A_1177, %sign3A_1189 : i32
    %sign3A_1191 = arith.extui %sign3A_1190 : i1 to i32
    %sign3A_1192 = arith.subi %sign3A_1188, %sign3A_1191 : i32
    %ne3A_1193 = arith.cmpi ne, %sign3A_1185, %sign3A_1192 : i32
    %rem3A_1194 = arith.remsi %get3A_1176, %jit3A_1177 : i32
    %ne3A_1195 = arith.constant 0 : i32
    %ne3A_1196 = arith.cmpi ne, %rem3A_1194, %ne3A_1195 : i32
    %and3A_1197 = arith.andi %ne3A_1193, %ne3A_1196 : i1
    %sub3A_1198 = arith.constant 1 : i32
    %sub3A_1199 = arith.subi %div3A_1178, %sub3A_1198 : i32
    %select_n3A_1200 = arith.select %and3A_1197, %sub3A_1199, %div3A_1178 : i32
    %mul3A_1201 = arith.constant 128 : i32
    %mul3A_1202 = arith.muli %select_n3A_1200, %mul3A_1201 : i32
    %get3A_1203 = arith.constant 25 : index
    %get3A_1204 = arith.index_cast %mul3A_1202 : i32 to index
    %get3A_1205 = vector.load %arg1[%get3A_1203, %get3A_1204] : memref<32x100000xf32, #tpu.memory_space<vmem>>, vector<1x128xf32>
    %iota3A_1206 = tpu.iota {dimensions = array<i32: 1>} : vector<1x128xi32>
    %add3A_1207 = vector.broadcast %mul3A_1202 : i32 to vector<1x128xi32>
    %add3A_1208 = arith.addi %add3A_1207, %iota3A_1206 : vector<1x128xi32>
    %eq3A_1209 = vector.broadcast %get3A_1176 : i32 to vector<1x128xi32>
    %eq3A_1210 = arith.cmpi eq, %add3A_1208, %eq3A_1209 : vector<1x128xi32>
    %jit3A_1211 = arith.constant 0.000000e+00 : f32
    %broadcast_in_dim3A_1212 = vector.broadcast %jit3A_1211 : f32 to vector<1x128xf32>
    %select_n3A_1213 = arith.select %eq3A_1210, %get3A_1205, %broadcast_in_dim3A_1212 : vector<1x128xi1>, vector<1x128xf32>
    %reduce_sum3A_1214 = vector.shape_cast %select_n3A_1213 : vector<1x128xf32> to vector<1x1x128xf32>
    %reduce_sum3A_1215 = arith.constant dense<0.000000e+00> : vector<1xf32>
    %reduce_sum3A_1216 = vector.multi_reduction <add>, %reduce_sum3A_1214, %reduce_sum3A_1215 [1, 2] : vector<1x1x128xf32> to vector<1xf32>
    %reduce_sum3A_1217 = vector.shape_cast %reduce_sum3A_1216 : vector<1xf32> to vector<1x1x1xf32>
    %reduce_sum3A_1218 = vector.extract %reduce_sum3A_1217[0, 0, 0] : f32 from vector<1x1x1xf32>
    %add3A_1219 = arith.addf %add3A_1173, %reduce_sum3A_1218 : f32
    %get3A_1220 = arith.constant 26 : index
    %get3A_1221 = arith.constant 0 : index
    %get3A_1222 = memref.load %arg2[%get3A_1220, %get3A_1221] : memref<32x1xi32, #tpu.memory_space<smem>>
    %jit3A_1223 = arith.constant 128 : i32
    %div3A_1224 = arith.divsi %get3A_1222, %jit3A_1223 : i32
    %sign3A_1225 = arith.constant 0 : i32
    %sign3A_1226 = arith.cmpi sgt, %get3A_1222, %sign3A_1225 : i32
    %sign3A_1227 = arith.extui %sign3A_1226 : i1 to i32
    %sign3A_1228 = arith.constant 0 : i32
    %sign3A_1229 = arith.cmpi slt, %get3A_1222, %sign3A_1228 : i32
    %sign3A_1230 = arith.extui %sign3A_1229 : i1 to i32
    %sign3A_1231 = arith.subi %sign3A_1227, %sign3A_1230 : i32
    %sign3A_1232 = arith.constant 0 : i32
    %sign3A_1233 = arith.cmpi sgt, %jit3A_1223, %sign3A_1232 : i32
    %sign3A_1234 = arith.extui %sign3A_1233 : i1 to i32
    %sign3A_1235 = arith.constant 0 : i32
    %sign3A_1236 = arith.cmpi slt, %jit3A_1223, %sign3A_1235 : i32
    %sign3A_1237 = arith.extui %sign3A_1236 : i1 to i32
    %sign3A_1238 = arith.subi %sign3A_1234, %sign3A_1237 : i32
    %ne3A_1239 = arith.cmpi ne, %sign3A_1231, %sign3A_1238 : i32
    %rem3A_1240 = arith.remsi %get3A_1222, %jit3A_1223 : i32
    %ne3A_1241 = arith.constant 0 : i32
    %ne3A_1242 = arith.cmpi ne, %rem3A_1240, %ne3A_1241 : i32
    %and3A_1243 = arith.andi %ne3A_1239, %ne3A_1242 : i1
    %sub3A_1244 = arith.constant 1 : i32
    %sub3A_1245 = arith.subi %div3A_1224, %sub3A_1244 : i32
    %select_n3A_1246 = arith.select %and3A_1243, %sub3A_1245, %div3A_1224 : i32
    %mul3A_1247 = arith.constant 128 : i32
    %mul3A_1248 = arith.muli %select_n3A_1246, %mul3A_1247 : i32
    %get3A_1249 = arith.constant 26 : index
    %get3A_1250 = arith.index_cast %mul3A_1248 : i32 to index
    %get3A_1251 = vector.load %arg1[%get3A_1249, %get3A_1250] : memref<32x100000xf32, #tpu.memory_space<vmem>>, vector<1x128xf32>
    %iota3A_1252 = tpu.iota {dimensions = array<i32: 1>} : vector<1x128xi32>
    %add3A_1253 = vector.broadcast %mul3A_1248 : i32 to vector<1x128xi32>
    %add3A_1254 = arith.addi %add3A_1253, %iota3A_1252 : vector<1x128xi32>
    %eq3A_1255 = vector.broadcast %get3A_1222 : i32 to vector<1x128xi32>
    %eq3A_1256 = arith.cmpi eq, %add3A_1254, %eq3A_1255 : vector<1x128xi32>
    %jit3A_1257 = arith.constant 0.000000e+00 : f32
    %broadcast_in_dim3A_1258 = vector.broadcast %jit3A_1257 : f32 to vector<1x128xf32>
    %select_n3A_1259 = arith.select %eq3A_1256, %get3A_1251, %broadcast_in_dim3A_1258 : vector<1x128xi1>, vector<1x128xf32>
    %reduce_sum3A_1260 = vector.shape_cast %select_n3A_1259 : vector<1x128xf32> to vector<1x1x128xf32>
    %reduce_sum3A_1261 = arith.constant dense<0.000000e+00> : vector<1xf32>
    %reduce_sum3A_1262 = vector.multi_reduction <add>, %reduce_sum3A_1260, %reduce_sum3A_1261 [1, 2] : vector<1x1x128xf32> to vector<1xf32>
    %reduce_sum3A_1263 = vector.shape_cast %reduce_sum3A_1262 : vector<1xf32> to vector<1x1x1xf32>
    %reduce_sum3A_1264 = vector.extract %reduce_sum3A_1263[0, 0, 0] : f32 from vector<1x1x1xf32>
    %add3A_1265 = arith.addf %add3A_1219, %reduce_sum3A_1264 : f32
    %get3A_1266 = arith.constant 27 : index
    %get3A_1267 = arith.constant 0 : index
    %get3A_1268 = memref.load %arg2[%get3A_1266, %get3A_1267] : memref<32x1xi32, #tpu.memory_space<smem>>
    %jit3A_1269 = arith.constant 128 : i32
    %div3A_1270 = arith.divsi %get3A_1268, %jit3A_1269 : i32
    %sign3A_1271 = arith.constant 0 : i32
    %sign3A_1272 = arith.cmpi sgt, %get3A_1268, %sign3A_1271 : i32
    %sign3A_1273 = arith.extui %sign3A_1272 : i1 to i32
    %sign3A_1274 = arith.constant 0 : i32
    %sign3A_1275 = arith.cmpi slt, %get3A_1268, %sign3A_1274 : i32
    %sign3A_1276 = arith.extui %sign3A_1275 : i1 to i32
    %sign3A_1277 = arith.subi %sign3A_1273, %sign3A_1276 : i32
    %sign3A_1278 = arith.constant 0 : i32
    %sign3A_1279 = arith.cmpi sgt, %jit3A_1269, %sign3A_1278 : i32
    %sign3A_1280 = arith.extui %sign3A_1279 : i1 to i32
    %sign3A_1281 = arith.constant 0 : i32
    %sign3A_1282 = arith.cmpi slt, %jit3A_1269, %sign3A_1281 : i32
    %sign3A_1283 = arith.extui %sign3A_1282 : i1 to i32
    %sign3A_1284 = arith.subi %sign3A_1280, %sign3A_1283 : i32
    %ne3A_1285 = arith.cmpi ne, %sign3A_1277, %sign3A_1284 : i32
    %rem3A_1286 = arith.remsi %get3A_1268, %jit3A_1269 : i32
    %ne3A_1287 = arith.constant 0 : i32
    %ne3A_1288 = arith.cmpi ne, %rem3A_1286, %ne3A_1287 : i32
    %and3A_1289 = arith.andi %ne3A_1285, %ne3A_1288 : i1
    %sub3A_1290 = arith.constant 1 : i32
    %sub3A_1291 = arith.subi %div3A_1270, %sub3A_1290 : i32
    %select_n3A_1292 = arith.select %and3A_1289, %sub3A_1291, %div3A_1270 : i32
    %mul3A_1293 = arith.constant 128 : i32
    %mul3A_1294 = arith.muli %select_n3A_1292, %mul3A_1293 : i32
    %get3A_1295 = arith.constant 27 : index
    %get3A_1296 = arith.index_cast %mul3A_1294 : i32 to index
    %get3A_1297 = vector.load %arg1[%get3A_1295, %get3A_1296] : memref<32x100000xf32, #tpu.memory_space<vmem>>, vector<1x128xf32>
    %iota3A_1298 = tpu.iota {dimensions = array<i32: 1>} : vector<1x128xi32>
    %add3A_1299 = vector.broadcast %mul3A_1294 : i32 to vector<1x128xi32>
    %add3A_1300 = arith.addi %add3A_1299, %iota3A_1298 : vector<1x128xi32>
    %eq3A_1301 = vector.broadcast %get3A_1268 : i32 to vector<1x128xi32>
    %eq3A_1302 = arith.cmpi eq, %add3A_1300, %eq3A_1301 : vector<1x128xi32>
    %jit3A_1303 = arith.constant 0.000000e+00 : f32
    %broadcast_in_dim3A_1304 = vector.broadcast %jit3A_1303 : f32 to vector<1x128xf32>
    %select_n3A_1305 = arith.select %eq3A_1302, %get3A_1297, %broadcast_in_dim3A_1304 : vector<1x128xi1>, vector<1x128xf32>
    %reduce_sum3A_1306 = vector.shape_cast %select_n3A_1305 : vector<1x128xf32> to vector<1x1x128xf32>
    %reduce_sum3A_1307 = arith.constant dense<0.000000e+00> : vector<1xf32>
    %reduce_sum3A_1308 = vector.multi_reduction <add>, %reduce_sum3A_1306, %reduce_sum3A_1307 [1, 2] : vector<1x1x128xf32> to vector<1xf32>
    %reduce_sum3A_1309 = vector.shape_cast %reduce_sum3A_1308 : vector<1xf32> to vector<1x1x1xf32>
    %reduce_sum3A_1310 = vector.extract %reduce_sum3A_1309[0, 0, 0] : f32 from vector<1x1x1xf32>
    %add3A_1311 = arith.addf %add3A_1265, %reduce_sum3A_1310 : f32
    %get3A_1312 = arith.constant 28 : index
    %get3A_1313 = arith.constant 0 : index
    %get3A_1314 = memref.load %arg2[%get3A_1312, %get3A_1313] : memref<32x1xi32, #tpu.memory_space<smem>>
    %jit3A_1315 = arith.constant 128 : i32
    %div3A_1316 = arith.divsi %get3A_1314, %jit3A_1315 : i32
    %sign3A_1317 = arith.constant 0 : i32
    %sign3A_1318 = arith.cmpi sgt, %get3A_1314, %sign3A_1317 : i32
    %sign3A_1319 = arith.extui %sign3A_1318 : i1 to i32
    %sign3A_1320 = arith.constant 0 : i32
    %sign3A_1321 = arith.cmpi slt, %get3A_1314, %sign3A_1320 : i32
    %sign3A_1322 = arith.extui %sign3A_1321 : i1 to i32
    %sign3A_1323 = arith.subi %sign3A_1319, %sign3A_1322 : i32
    %sign3A_1324 = arith.constant 0 : i32
    %sign3A_1325 = arith.cmpi sgt, %jit3A_1315, %sign3A_1324 : i32
    %sign3A_1326 = arith.extui %sign3A_1325 : i1 to i32
    %sign3A_1327 = arith.constant 0 : i32
    %sign3A_1328 = arith.cmpi slt, %jit3A_1315, %sign3A_1327 : i32
    %sign3A_1329 = arith.extui %sign3A_1328 : i1 to i32
    %sign3A_1330 = arith.subi %sign3A_1326, %sign3A_1329 : i32
    %ne3A_1331 = arith.cmpi ne, %sign3A_1323, %sign3A_1330 : i32
    %rem3A_1332 = arith.remsi %get3A_1314, %jit3A_1315 : i32
    %ne3A_1333 = arith.constant 0 : i32
    %ne3A_1334 = arith.cmpi ne, %rem3A_1332, %ne3A_1333 : i32
    %and3A_1335 = arith.andi %ne3A_1331, %ne3A_1334 : i1
    %sub3A_1336 = arith.constant 1 : i32
    %sub3A_1337 = arith.subi %div3A_1316, %sub3A_1336 : i32
    %select_n3A_1338 = arith.select %and3A_1335, %sub3A_1337, %div3A_1316 : i32
    %mul3A_1339 = arith.constant 128 : i32
    %mul3A_1340 = arith.muli %select_n3A_1338, %mul3A_1339 : i32
    %get3A_1341 = arith.constant 28 : index
    %get3A_1342 = arith.index_cast %mul3A_1340 : i32 to index
    %get3A_1343 = vector.load %arg1[%get3A_1341, %get3A_1342] : memref<32x100000xf32, #tpu.memory_space<vmem>>, vector<1x128xf32>
    %iota3A_1344 = tpu.iota {dimensions = array<i32: 1>} : vector<1x128xi32>
    %add3A_1345 = vector.broadcast %mul3A_1340 : i32 to vector<1x128xi32>
    %add3A_1346 = arith.addi %add3A_1345, %iota3A_1344 : vector<1x128xi32>
    %eq3A_1347 = vector.broadcast %get3A_1314 : i32 to vector<1x128xi32>
    %eq3A_1348 = arith.cmpi eq, %add3A_1346, %eq3A_1347 : vector<1x128xi32>
    %jit3A_1349 = arith.constant 0.000000e+00 : f32
    %broadcast_in_dim3A_1350 = vector.broadcast %jit3A_1349 : f32 to vector<1x128xf32>
    %select_n3A_1351 = arith.select %eq3A_1348, %get3A_1343, %broadcast_in_dim3A_1350 : vector<1x128xi1>, vector<1x128xf32>
    %reduce_sum3A_1352 = vector.shape_cast %select_n3A_1351 : vector<1x128xf32> to vector<1x1x128xf32>
    %reduce_sum3A_1353 = arith.constant dense<0.000000e+00> : vector<1xf32>
    %reduce_sum3A_1354 = vector.multi_reduction <add>, %reduce_sum3A_1352, %reduce_sum3A_1353 [1, 2] : vector<1x1x128xf32> to vector<1xf32>
    %reduce_sum3A_1355 = vector.shape_cast %reduce_sum3A_1354 : vector<1xf32> to vector<1x1x1xf32>
    %reduce_sum3A_1356 = vector.extract %reduce_sum3A_1355[0, 0, 0] : f32 from vector<1x1x1xf32>
    %add3A_1357 = arith.addf %add3A_1311, %reduce_sum3A_1356 : f32
    %get3A_1358 = arith.constant 29 : index
    %get3A_1359 = arith.constant 0 : index
    %get3A_1360 = memref.load %arg2[%get3A_1358, %get3A_1359] : memref<32x1xi32, #tpu.memory_space<smem>>
    %jit3A_1361 = arith.constant 128 : i32
    %div3A_1362 = arith.divsi %get3A_1360, %jit3A_1361 : i32
    %sign3A_1363 = arith.constant 0 : i32
    %sign3A_1364 = arith.cmpi sgt, %get3A_1360, %sign3A_1363 : i32
    %sign3A_1365 = arith.extui %sign3A_1364 : i1 to i32
    %sign3A_1366 = arith.constant 0 : i32
    %sign3A_1367 = arith.cmpi slt, %get3A_1360, %sign3A_1366 : i32
    %sign3A_1368 = arith.extui %sign3A_1367 : i1 to i32
    %sign3A_1369 = arith.subi %sign3A_1365, %sign3A_1368 : i32
    %sign3A_1370 = arith.constant 0 : i32
    %sign3A_1371 = arith.cmpi sgt, %jit3A_1361, %sign3A_1370 : i32
    %sign3A_1372 = arith.extui %sign3A_1371 : i1 to i32
    %sign3A_1373 = arith.constant 0 : i32
    %sign3A_1374 = arith.cmpi slt, %jit3A_1361, %sign3A_1373 : i32
    %sign3A_1375 = arith.extui %sign3A_1374 : i1 to i32
    %sign3A_1376 = arith.subi %sign3A_1372, %sign3A_1375 : i32
    %ne3A_1377 = arith.cmpi ne, %sign3A_1369, %sign3A_1376 : i32
    %rem3A_1378 = arith.remsi %get3A_1360, %jit3A_1361 : i32
    %ne3A_1379 = arith.constant 0 : i32
    %ne3A_1380 = arith.cmpi ne, %rem3A_1378, %ne3A_1379 : i32
    %and3A_1381 = arith.andi %ne3A_1377, %ne3A_1380 : i1
    %sub3A_1382 = arith.constant 1 : i32
    %sub3A_1383 = arith.subi %div3A_1362, %sub3A_1382 : i32
    %select_n3A_1384 = arith.select %and3A_1381, %sub3A_1383, %div3A_1362 : i32
    %mul3A_1385 = arith.constant 128 : i32
    %mul3A_1386 = arith.muli %select_n3A_1384, %mul3A_1385 : i32
    %get3A_1387 = arith.constant 29 : index
    %get3A_1388 = arith.index_cast %mul3A_1386 : i32 to index
    %get3A_1389 = vector.load %arg1[%get3A_1387, %get3A_1388] : memref<32x100000xf32, #tpu.memory_space<vmem>>, vector<1x128xf32>
    %iota3A_1390 = tpu.iota {dimensions = array<i32: 1>} : vector<1x128xi32>
    %add3A_1391 = vector.broadcast %mul3A_1386 : i32 to vector<1x128xi32>
    %add3A_1392 = arith.addi %add3A_1391, %iota3A_1390 : vector<1x128xi32>
    %eq3A_1393 = vector.broadcast %get3A_1360 : i32 to vector<1x128xi32>
    %eq3A_1394 = arith.cmpi eq, %add3A_1392, %eq3A_1393 : vector<1x128xi32>
    %jit3A_1395 = arith.constant 0.000000e+00 : f32
    %broadcast_in_dim3A_1396 = vector.broadcast %jit3A_1395 : f32 to vector<1x128xf32>
    %select_n3A_1397 = arith.select %eq3A_1394, %get3A_1389, %broadcast_in_dim3A_1396 : vector<1x128xi1>, vector<1x128xf32>
    %reduce_sum3A_1398 = vector.shape_cast %select_n3A_1397 : vector<1x128xf32> to vector<1x1x128xf32>
    %reduce_sum3A_1399 = arith.constant dense<0.000000e+00> : vector<1xf32>
    %reduce_sum3A_1400 = vector.multi_reduction <add>, %reduce_sum3A_1398, %reduce_sum3A_1399 [1, 2] : vector<1x1x128xf32> to vector<1xf32>
    %reduce_sum3A_1401 = vector.shape_cast %reduce_sum3A_1400 : vector<1xf32> to vector<1x1x1xf32>
    %reduce_sum3A_1402 = vector.extract %reduce_sum3A_1401[0, 0, 0] : f32 from vector<1x1x1xf32>
    %add3A_1403 = arith.addf %add3A_1357, %reduce_sum3A_1402 : f32
    %get3A_1404 = arith.constant 30 : index
    %get3A_1405 = arith.constant 0 : index
    %get3A_1406 = memref.load %arg2[%get3A_1404, %get3A_1405] : memref<32x1xi32, #tpu.memory_space<smem>>
    %jit3A_1407 = arith.constant 128 : i32
    %div3A_1408 = arith.divsi %get3A_1406, %jit3A_1407 : i32
    %sign3A_1409 = arith.constant 0 : i32
    %sign3A_1410 = arith.cmpi sgt, %get3A_1406, %sign3A_1409 : i32
    %sign3A_1411 = arith.extui %sign3A_1410 : i1 to i32
    %sign3A_1412 = arith.constant 0 : i32
    %sign3A_1413 = arith.cmpi slt, %get3A_1406, %sign3A_1412 : i32
    %sign3A_1414 = arith.extui %sign3A_1413 : i1 to i32
    %sign3A_1415 = arith.subi %sign3A_1411, %sign3A_1414 : i32
    %sign3A_1416 = arith.constant 0 : i32
    %sign3A_1417 = arith.cmpi sgt, %jit3A_1407, %sign3A_1416 : i32
    %sign3A_1418 = arith.extui %sign3A_1417 : i1 to i32
    %sign3A_1419 = arith.constant 0 : i32
    %sign3A_1420 = arith.cmpi slt, %jit3A_1407, %sign3A_1419 : i32
    %sign3A_1421 = arith.extui %sign3A_1420 : i1 to i32
    %sign3A_1422 = arith.subi %sign3A_1418, %sign3A_1421 : i32
    %ne3A_1423 = arith.cmpi ne, %sign3A_1415, %sign3A_1422 : i32
    %rem3A_1424 = arith.remsi %get3A_1406, %jit3A_1407 : i32
    %ne3A_1425 = arith.constant 0 : i32
    %ne3A_1426 = arith.cmpi ne, %rem3A_1424, %ne3A_1425 : i32
    %and3A_1427 = arith.andi %ne3A_1423, %ne3A_1426 : i1
    %sub3A_1428 = arith.constant 1 : i32
    %sub3A_1429 = arith.subi %div3A_1408, %sub3A_1428 : i32
    %select_n3A_1430 = arith.select %and3A_1427, %sub3A_1429, %div3A_1408 : i32
    %mul3A_1431 = arith.constant 128 : i32
    %mul3A_1432 = arith.muli %select_n3A_1430, %mul3A_1431 : i32
    %get3A_1433 = arith.constant 30 : index
    %get3A_1434 = arith.index_cast %mul3A_1432 : i32 to index
    %get3A_1435 = vector.load %arg1[%get3A_1433, %get3A_1434] : memref<32x100000xf32, #tpu.memory_space<vmem>>, vector<1x128xf32>
    %iota3A_1436 = tpu.iota {dimensions = array<i32: 1>} : vector<1x128xi32>
    %add3A_1437 = vector.broadcast %mul3A_1432 : i32 to vector<1x128xi32>
    %add3A_1438 = arith.addi %add3A_1437, %iota3A_1436 : vector<1x128xi32>
    %eq3A_1439 = vector.broadcast %get3A_1406 : i32 to vector<1x128xi32>
    %eq3A_1440 = arith.cmpi eq, %add3A_1438, %eq3A_1439 : vector<1x128xi32>
    %jit3A_1441 = arith.constant 0.000000e+00 : f32
    %broadcast_in_dim3A_1442 = vector.broadcast %jit3A_1441 : f32 to vector<1x128xf32>
    %select_n3A_1443 = arith.select %eq3A_1440, %get3A_1435, %broadcast_in_dim3A_1442 : vector<1x128xi1>, vector<1x128xf32>
    %reduce_sum3A_1444 = vector.shape_cast %select_n3A_1443 : vector<1x128xf32> to vector<1x1x128xf32>
    %reduce_sum3A_1445 = arith.constant dense<0.000000e+00> : vector<1xf32>
    %reduce_sum3A_1446 = vector.multi_reduction <add>, %reduce_sum3A_1444, %reduce_sum3A_1445 [1, 2] : vector<1x1x128xf32> to vector<1xf32>
    %reduce_sum3A_1447 = vector.shape_cast %reduce_sum3A_1446 : vector<1xf32> to vector<1x1x1xf32>
    %reduce_sum3A_1448 = vector.extract %reduce_sum3A_1447[0, 0, 0] : f32 from vector<1x1x1xf32>
    %add3A_1449 = arith.addf %add3A_1403, %reduce_sum3A_1448 : f32
    %get3A_1450 = arith.constant 31 : index
    %get3A_1451 = arith.constant 0 : index
    %get3A_1452 = memref.load %arg2[%get3A_1450, %get3A_1451] : memref<32x1xi32, #tpu.memory_space<smem>>
    %jit3A_1453 = arith.constant 128 : i32
    %div3A_1454 = arith.divsi %get3A_1452, %jit3A_1453 : i32
    %sign3A_1455 = arith.constant 0 : i32
    %sign3A_1456 = arith.cmpi sgt, %get3A_1452, %sign3A_1455 : i32
    %sign3A_1457 = arith.extui %sign3A_1456 : i1 to i32
    %sign3A_1458 = arith.constant 0 : i32
    %sign3A_1459 = arith.cmpi slt, %get3A_1452, %sign3A_1458 : i32
    %sign3A_1460 = arith.extui %sign3A_1459 : i1 to i32
    %sign3A_1461 = arith.subi %sign3A_1457, %sign3A_1460 : i32
    %sign3A_1462 = arith.constant 0 : i32
    %sign3A_1463 = arith.cmpi sgt, %jit3A_1453, %sign3A_1462 : i32
    %sign3A_1464 = arith.extui %sign3A_1463 : i1 to i32
    %sign3A_1465 = arith.constant 0 : i32
    %sign3A_1466 = arith.cmpi slt, %jit3A_1453, %sign3A_1465 : i32
    %sign3A_1467 = arith.extui %sign3A_1466 : i1 to i32
    %sign3A_1468 = arith.subi %sign3A_1464, %sign3A_1467 : i32
    %ne3A_1469 = arith.cmpi ne, %sign3A_1461, %sign3A_1468 : i32
    %rem3A_1470 = arith.remsi %get3A_1452, %jit3A_1453 : i32
    %ne3A_1471 = arith.constant 0 : i32
    %ne3A_1472 = arith.cmpi ne, %rem3A_1470, %ne3A_1471 : i32
    %and3A_1473 = arith.andi %ne3A_1469, %ne3A_1472 : i1
    %sub3A_1474 = arith.constant 1 : i32
    %sub3A_1475 = arith.subi %div3A_1454, %sub3A_1474 : i32
    %select_n3A_1476 = arith.select %and3A_1473, %sub3A_1475, %div3A_1454 : i32
    %mul3A_1477 = arith.constant 128 : i32
    %mul3A_1478 = arith.muli %select_n3A_1476, %mul3A_1477 : i32
    %get3A_1479 = arith.constant 31 : index
    %get3A_1480 = arith.index_cast %mul3A_1478 : i32 to index
    %get3A_1481 = vector.load %arg1[%get3A_1479, %get3A_1480] : memref<32x100000xf32, #tpu.memory_space<vmem>>, vector<1x128xf32>
    %iota3A_1482 = tpu.iota {dimensions = array<i32: 1>} : vector<1x128xi32>
    %add3A_1483 = vector.broadcast %mul3A_1478 : i32 to vector<1x128xi32>
    %add3A_1484 = arith.addi %add3A_1483, %iota3A_1482 : vector<1x128xi32>
    %eq3A_1485 = vector.broadcast %get3A_1452 : i32 to vector<1x128xi32>
    %eq3A_1486 = arith.cmpi eq, %add3A_1484, %eq3A_1485 : vector<1x128xi32>
    %jit3A_1487 = arith.constant 0.000000e+00 : f32
    %broadcast_in_dim3A_1488 = vector.broadcast %jit3A_1487 : f32 to vector<1x128xf32>
    %select_n3A_1489 = arith.select %eq3A_1486, %get3A_1481, %broadcast_in_dim3A_1488 : vector<1x128xi1>, vector<1x128xf32>
    %reduce_sum3A_1490 = vector.shape_cast %select_n3A_1489 : vector<1x128xf32> to vector<1x1x128xf32>
    %reduce_sum3A_1491 = arith.constant dense<0.000000e+00> : vector<1xf32>
    %reduce_sum3A_1492 = vector.multi_reduction <add>, %reduce_sum3A_1490, %reduce_sum3A_1491 [1, 2] : vector<1x1x128xf32> to vector<1xf32>
    %reduce_sum3A_1493 = vector.shape_cast %reduce_sum3A_1492 : vector<1xf32> to vector<1x1x1xf32>
    %reduce_sum3A_1494 = vector.extract %reduce_sum3A_1493[0, 0, 0] : f32 from vector<1x1x1xf32>
    %add3A_1495 = arith.addf %add3A_1449, %reduce_sum3A_1494 : f32
    %get3A_1496 = arith.constant 0 : index
    %get3A_1497 = arith.constant 0 : index
    %get3A_1498 = memref.load %arg4[%get3A_1496, %get3A_1497] : memref<1x1xf32, #tpu.memory_space<smem>>
    %mul3A_1499 = arith.constant -1.000020e-06 : f32
    %mul3A_1500 = arith.mulf %mul3A_1499, %reduce_sum3A_7 : f32
    %mul3A_1501 = arith.constant 1.000020e-06 : f32
    %mul3A_1502 = arith.mulf %mul3A_1501, %reduce_sum3A_20 : f32
    %add3A_1503 = arith.addf %mul3A_1500, %mul3A_1502 : f32
    %mul3A_1504 = arith.constant -8.999990e-01 : f32
    %mul3A_1505 = arith.mulf %mul3A_1504, %add3A_1495 : f32
    %add3A_1506 = arith.addf %add3A_1503, %mul3A_1505 : f32
    %mul3A_1507 = arith.constant -1.38157666E-5 : f32
    %mul3A_1508 = arith.mulf %mul3A_1507, %reduce_sum3A_30 : f32
    %add3A_1509 = arith.addf %add3A_1506, %mul3A_1508 : f32
    %add3A_1510 = arith.addf %get3A_1498, %add3A_1509 : f32
    %swap3A = arith.constant 0 : index
    %swap3A_1511 = arith.constant 0 : index
    %swap3A_1512 = memref.load %arg4[%swap3A, %swap3A_1511] : memref<1x1xf32, #tpu.memory_space<smem>>
    memref.store %add3A_1510, %arg4[%swap3A, %swap3A_1511] : memref<1x1xf32, #tpu.memory_space<smem>>
    return
  }
  func.func @transform_0(%arg0: i32) -> (i32, i32) {
    %add3A = arith.constant 8 : i32
    %add3A_0 = arith.addi %arg0, %add3A : i32
    %c0_i32 = arith.constant 0 : i32
    %c0_i32_1 = arith.constant 0 : i32
    return %add3A_0, %c0_i32 : i32, i32
  }
  func.func @transform_1(%arg0: i32) -> (i32, i32) {
    %add3A = arith.constant 8 : i32
    %add3A_0 = arith.addi %arg0, %add3A : i32
    %c0_i32 = arith.constant 0 : i32
    %c0_i32_1 = arith.constant 0 : i32
    return %add3A_0, %c0_i32 : i32, i32
  }
  func.func @transform_2(%arg0: i32) -> (i32, i32) {
    %add3A = arith.constant 8 : i32
    %add3A_0 = arith.addi %arg0, %add3A : i32
    %c0_i32 = arith.constant 0 : i32
    %c0_i32_1 = arith.constant 0 : i32
    return %add3A_0, %c0_i32 : i32, i32
  }
  func.func @transform_3(%arg0: i32) -> (i32, i32) {
    %c0_i32 = arith.constant 0 : i32
    %c0_i32_0 = arith.constant 0 : i32
    %c0_i32_1 = arith.constant 0 : i32
    return %c0_i32, %c0_i32_0 : i32, i32
  }
}

</mosaic_0001>

<sc_bundles>
// kernel: kernel.5.cloned.1.call-start
scs
__scs_entry_jumppad:
0x0: {  	(pc) =	sbr.rel $0x88, $3  }
0x1: {  	(tag) =	ssettag $0x0;
	lr =	simm.s32 $0x1  }
0x2: {  	[smem:$0x3F9F] =	sst lr;
	_ =	strace $0xD0000000  }
0x3: {  	_ = 	snop  }
0x4: {  	_ = 	snop  }
0x5: {  	_ = 	snop  }
0x6: {  	_ = 	snop  }
0x7: {  	_ = 	snop  }
__scs_overlays_trampoline_lowered:
0x8: {  	[smem:$0x3FAE] =	sst s0  }
0x9: {  	[smem:$0x3FAF] =	sst s1  }
0xa: {  	[smem:$0x3FB0] =	sst s2  }
0xb: {  	[smem:$0x3FB1] =	sst s3  }
0xc: {  	[smem:$0x3FB2] =	sst s4  }
0xd: {  	[smem:$0x3FB3] =	sst s5  }
0xe: {  	[smem:$0x3FB4] =	sst s6  }
0xf: {  	[smem:$0x3FB5] =	sst s7  }
0x10: {  	[smem:$0x3FB6] =	sst s8  }
0x11: {  	[smem:$0x3FB7] =	sst s9;
	s0 =	simm.s32 @!p0 $0x0  }
0x12: {  	s1 =	sld [smem:$0x3F9D];
	s0 =	simm.s32 @p0 $0x1  }
0x13: {  	[smem:$0x3FB8] =	sst s0;
	s0 =	simm.s32 @!p1 $0x0  }
0x14: {  	s2 =	sld [smem:$0x3F9C];
	s0 =	simm.s32 @p1 $0x1  }
0x15: {  	[smem:$0x3FB9] =	sst s0;
	s0 =	simm.s32 @!p2 $0x0  }
0x16: {  	s3 =	sld [smem:$0x3FDB];
	s0 =	simm.s32 @p2 $0x1  }
0x17: {  	s4 =	simm.s32 $0x1BF5;
	[smem:$0x3FBB] =	sst s0  }
0x18: {  	s0 =	sld [smem:$0x3F9E];
	_ =	swait.ge [sflag:s4], $0x0  }
0x19: {  	s7 =	sld [smem:$0x3F9F]  }
0x1a: {  	s8 =	sadd.s32 $0xFFFFE003, lr  }
0x1b: {  	s9 =	sadd.s32 $0xFFFFFEF7, lr;
	s5 =	simm.s32 $0xFFFFFFFF;
	p2 =	slt.u32 s8, $0xFFFFF086  }
0x1c: {  	p1 =	slt.u32 s9, $0xF7A;
	s5 =	simm.s32 @!p2 $0x0  }
0x1d: {  	s5 =	simm.s32 @p1 $0x1;
	p0 =	seq.s32 s7, s2  }
0x1e: {  	s7 =	smul.u32 @!p0 $0xF7A, s2;
	p2 =	seq.s32 @!p0 s5, $0x0  }
0x1f: {  	s9 =	smul.u32 $0xF7A, s1;
	s8 =	simm.s32 @!p0 $0x1BF5;
	p2 =	por !p2, p0  }
0x20: {  	[sflag:s8] =	ssyncset.s32 @!p0 $0xFFFFF086;
	s6 =	sadd.s32 @!p0 s3, s7;
	s7 =	simm.s32 @!p0 $0x108  }
0x21: {  	s3 =	sadd.s32 s3, s9;
	s6 =	sadd.s32 @!p0 $0x88, s6;
	s7 =	simm.s32 @p2 $0x1082  }
0x22: {  	[simem:s7], [sflag:s8] =	dma.local @!p0 [hbm:s6], $0xF7A  }
0x23: {  	s9 =	sor.u32 $0xD0000000, s2;
	s6 =	simm.s32 $0x108;
	_ =	swait.ge @!p0 [sflag:s8], $0x0  }
0x24: {  	s3 =	sadd.s32 $0x88, s3;
	s6 =	simm.s32 @!p1 $0x1082;
	[sflag:s4] =	ssyncset.s32 $0xFFFFF086  }
0x25: {  	[simem:s6], [sflag:s4] =	dma.local [hbm:s3], $0xF7A  }
0x26: {  	[smem:$0x3F9F] =	sst s1;
	(tag) =	ssettag s2;
	_ =	strace s9  }
0x27: {  	s1 =	sld [smem:$0x3FAF]  }
0x28: {  	s2 =	sld [smem:$0x3FB0]  }
0x29: {  	s4 =	sld [smem:$0x3FB2]  }
0x2a: {  	p0 =	seq.s32 s5, $0x0;
	s5 =	sld [smem:$0x3FB3]  }
0x2b: {  	s6 =	sld [smem:$0x3FB4]  }
0x2c: {  	s7 =	sld [smem:$0x3FB5]  }
0x2d: {  	s3 =	simm.s32 $0x108;
	s8 =	sld [smem:$0x3FB6]  }
0x2e: {  	s3 =	simm.s32 @!p0 $0x1082;
	s9 =	sld [smem:$0x3FB7]  }
0x2f: {  	lr =	sadd.s32 s0, s3;
	s0 =	sld [smem:$0x3FAE]  }
0x30: {  	s3 =	sld [smem:$0x3FB1]  }
0x31: {  	[smem:$0x3FBA] =	sst s10  }
0x32: {  	s10 =	sld [smem:$0x3FB8];
	_ =	sdelay $0x3  }
0x33: {  	p0 =	seq.s32 s10, $0x1;
	s10 =	sld [smem:$0x3FBA];
	_ =	sdelay $0x3  }
0x34: {  	[smem:$0x3FBA] =	sst s10  }
0x35: {  	s10 =	sld [smem:$0x3FB9];
	_ =	sdelay $0x3  }
0x36: {  	p1 =	seq.s32 s10, $0x1;
	s10 =	sld [smem:$0x3FBA];
	_ =	sdelay $0x3  }
0x37: {  	[smem:$0x3FBA] =	sst s10  }
0x38: {  	s10 =	sld [smem:$0x3FBB]  }
0x39: {  	_ = 	snop;
	(pc) =	sbr.ind lr, $3  }
0x3a: {  	_ = 	snop  }
0x3b: {  	_ = 	snop  }
0x3c: {  	p2 =	seq.s32 s10, $0x1;
	s10 =	sld [smem:$0x3FBA]  }
0x3d: {  	_ =	shalt  }
0x3e: {  	_ =	shalt  }
0x3f: {  	_ =	shalt  }
0x40: {  	_ =	shalt  }
0x41: {  	_ =	shalt  }
0x42: {  	_ =	shalt  }
0x43: {  	_ =	shalt  }
0x44: {  	_ =	shalt  }
0x45: {  	_ =	shalt  }
0x46: {  	_ =	shalt  }
0x47: {  	_ =	shalt  }
0x48: {  	_ =	shalt  }
0x49: {  	_ =	shalt  }
0x4a: {  	_ =	shalt  }
0x4b: {  	_ =	shalt  }
0x4c: {  	_ =	shalt  }
0x4d: {  	_ =	shalt  }
0x4e: {  	_ =	shalt  }
0x4f: {  	_ =	shalt  }
0x50: {  	_ =	shalt  }
0x51: {  	_ =	shalt  }
0x52: {  	_ =	shalt  }
0x53: {  	_ =	shalt  }
0x54: {  	_ =	shalt  }
0x55: {  	_ =	shalt  }
0x56: {  	_ =	shalt  }
0x57: {  	_ =	shalt  }
0x58: {  	_ =	shalt  }
0x59: {  	_ =	shalt  }
0x5a: {  	_ =	shalt  }
0x5b: {  	_ =	shalt  }
0x5c: {  	_ =	shalt  }
0x5d: {  	_ =	shalt  }
0x5e: {  	_ =	shalt  }
0x5f: {  	_ =	shalt  }
0x60: {  	_ =	shalt  }
0x61: {  	_ =	shalt  }
0x62: {  	_ =	shalt  }
0x63: {  	_ =	shalt  }
0x64: {  	_ =	shalt  }
0x65: {  	_ =	shalt  }
0x66: {  	_ =	shalt  }
0x67: {  	_ =	shalt  }
0x68: {  	_ =	shalt  }
0x69: {  	_ =	shalt  }
0x6a: {  	_ =	shalt  }
0x6b: {  	_ =	shalt  }
0x6c: {  	_ =	shalt  }
0x6d: {  	_ =	shalt  }
0x6e: {  	_ =	shalt  }
0x6f: {  	_ =	shalt  }
0x70: {  	_ =	shalt  }
0x71: {  	_ =	shalt  }
0x72: {  	_ =	shalt  }
0x73: {  	_ =	shalt  }
0x74: {  	_ =	shalt  }
0x75: {  	_ =	shalt  }
0x76: {  	_ =	shalt  }
0x77: {  	_ =	shalt  }
0x78: {  	_ =	shalt  }
0x79: {  	_ =	shalt  }
0x7a: {  	_ =	shalt  }
0x7b: {  	_ =	shalt  }
0x7c: {  	_ =	shalt  }
0x7d: {  	_ =	shalt  }
0x7e: {  	_ =	shalt  }
0x7f: {  	_ =	shalt  }
0x80: {  	_ =	shalt  }
0x81: {  	_ =	shalt  }
0x82: {  	_ =	shalt  }
0x83: {  	_ =	shalt  }
0x84: {  	_ =	shalt  }
0x85: {  	_ =	shalt  }
0x86: {  	_ =	shalt  }
0x87: {  	_ =	shalt  }
.Lfunc_end0:
.L_simem_size_0:
called_computation_lowered:
.L_overlay_start_0:
0x88: {  	s2 =	sld [smem:$0x3FD9]  }
0x89: {  	s3 =	sld [smem:$0x3FFE];
	_ =	sdelay $0x1  }
0x8a: {  	s1 =	srdreg.scid  }
0x8b: {  	s0 =	sand.u32 $0x1, s1  }
0x8c: {  	s17 =	sshll.u32 s0, $0xA;
	s2 =	sadd.s32 s3, s2  }
0x8d: {  	s2 =	sadd.s32 s2, s17  }
0x8e: {  	[smem:$0x3FC6] =	sst s2  }
0x8f: {  	_ = 	snop  }
0x90: {  	s2 =	sld [smem:$0x3FC8];
	(tm) =	ssettm $0x1  }
0x91: {  	s18 =	sld [smem:$0x3FFB];
	_ =	sdelay $0x3  }
0x92: {  	_ =	strace s18  }
0x93: {  	s3 =	sld [smem:$0x3FFC];
	_ =	sdelay $0x3  }
0x94: {  	_ =	strace s3  }
0x95: {  	s3 =	sld [smem:$0x3FFD];
	_ =	sdelay $0x3  }
0x96: {  	_ =	strace s3  }
0x97: {  	_ =	strace $0x8FFFFFFF  }
0x98: {  	s19 =	sld [smem:$0x3FDB];
	_ =	sdelay $0x1  }
0x99: {  	s4 =	simm.s32 $_scs_section_size  }
0x9a: {  	s5 =	simm.s32 $_size__tile_overlayer_lowered;
	s6 =	simm.s32 $_tile_overlayer_lowered  }
0x9b: {  	s22 =	simm.s32 $0x1BFF;
	s21 =	sshll.u32 s6, $0x1;
	s3 =	sadd.s32 s4, s19  }
0x9c: {  	s7 =	simm.s32 $0x0;
	s20 =	sshll.u32 s5, $0x1;
	s5 =	sadd.s32 s21, s3  }
0x9d: {  	[timem:s7], [sflag:s22] =	dma.local [hbm:s5], s20  }
0x9e: {  	_ =	swait.ge [sflag:s22], s20  }
0x9f: {  	s4 =	ssub.s32 $0x0, s20;
	[sflag:s22] =	ssyncset.done $0x0  }
0xa0: {  	[sflag:s22] =	ssyncadd.s32 s4;
	_ =	sdelay $0x1  }
0xa1: {  	s23 =	simm.s32 $0x1B8B  }
0xa2: {  	_ =	swait.ge [sflag:s23], $0x1  }
0xa3: {  	[sflag:s23] =	ssyncset.done $0x0  }
0xa4: {  	s25 =	simm.s32 $0x1B8E;
	s24 =	sld [smem:$0x3FFE];
	[sflag:s23] =	ssyncadd.s32 $0xFFFFFFFF  }
0xa5: {  	s26 =	simm.s32 $execute0_lowered;
	[smem:$0x3FD2] =	sst s25  }
0xa6: {  	s5 =	sshll.u32 s26, $0x1;
	_ =	strace $0x80000046;
	[dreg:$0x1] =	wrdreg $0xFFFFFFFF  }
0xa7: {  	s28 =	simm.s32 $_size_execute0_lowered;
	s3 =	sadd.s32 s3, s5;
	[dreg:$0x0] =	wrdreg $0x0  }
0xa8: {  	s5 =	sshll.u32 s28, $0x1;
	[dreg:$0x2] =	wrdreg s3  }
0xa9: {  	[dreg:$0x3] =	wrdreg s5  }
0xaa: {  	[dreg:$0x4] =	wrdreg $0xC0  }
0xab: {  	_ =	task [dreg:s7], $0x5FFFF  }
0xac: {  	[dreg:$0x1] =	wrdreg $0xFFFFFFFF  }
0xad: {  	[dreg:$0x0] =	wrdreg $0x60  }
0xae: {  	[dreg:$0x2] =	wrdreg s24  }
0xaf: {  	[dreg:$0x3] =	wrdreg s2  }
0xb0: {  	[dreg:$0x4] =	wrdreg $0x9  }
0xb1: {  	_ =	task.clear_ibuf [dreg:s7], $0x5FFFF;
	_ =	strace $0x90000046  }
0xb2: {  	s29 =	simm.s32 $0x9;
	_ =	strace $0x80000048  }
0xb3: {  	_ =	swait.ge [sflag:s29], $0x1  }
0xb4: {  	[sflag:s29] =	ssyncadd.s32 $0xFFFFFFFF  }
0xb5: {  	_ =	strace $0x90000048  }
0xb6: {  	_ =	sfence  }
0xb7: {  	s30 =	sld [smem:$0x0];
	_ =	sdelay $0x2  }
0xb8: {  	s31 =	sshll.u32 s1, $0xD;
	s1 =	sshrl.u32 s1, $0x2  }
0xb9: {  	s3 =	sand.u32 $0x4000, s31;
	s1 =	sadd.s32 s1, s30  }
0xba: {  	s0 =	sor.u32 s3, s0;
	s1 =	sshll.u32 s1, $0x11  }
0xbb: {  	s0 =	sor.u32 s1, s0  }
0xbc: {  	s0 =	sadd.s32 $0x8F2B, s0  }
0xbd: {  	[sflag:s0] =	ssyncadd.remote.s32 $0x1  }
0xbe: {  	_ =	sfence.sel $0xFFFF  }
0xbf: {  	[dreg:$0x0] =	wrdreg $0xFFFFFFFF;
	(pc) =	sbr.abs _section_cstart, $3  }
0xc0: {  	[dreg:$0x1] =	wrdreg $0xFFFFFFFF  }
0xc1: {  	_ =	task.clear_ibuf [dreg:s7], $0x2FFFF;
	_ =	strace $0x9FFFFFFF  }
0xc2: {  	(tm) =	ssettm $0x7FFFFFFF  }
0xc3: {  	_ =	shalt  }
tec
execute0_lowered:
.L_overlay_start_1:
0x0: {  	(tag) =	ssettag $0x1  }
0x1: {  	s3 =	rddreg [dreg:$0x0];
	s1 =	srdreg.scid  }
0x2: {  	s0 =	stileid.u32;
	s4 =	rddreg [dreg:$0x1];
	s2 =	simm.s32 $0x0  }
0x3: {  	s10 =	simm.s32 $0x1;
	s11 =	simm.s32 $0x2;
	s12 =	simm.s32 $0x5880  }
0x4: {  	s5 =	sand.u32 $0x1, s1;
	s6 =	sshll.u32 s0, $0x1;
	s1 =	rddreg [dreg:$0x2]  }
0x5: {  	v0 =	vimm.s32 $0x1;
	v1 =	vimm.s32 $0x2;
	v2 =	vimm.s32 $0x3;
	s13 =	simm.s32 $0x0;
	[smem:$0x7FF] =	sst s2;
	s6 =	sor.u32 s5, s6  }
0x6: {  	v3 =	vimm.s32 $0x4;
	v4 =	vimm.s32 $0x5;
	v5 =	vimm.s32 $0x6;
	s5 =	ssub.s32 $0x2, s5;
	s7 =	smul.u32 $0x18700, s6;
	s8 =	sshll.u32 s6, $0x1  }
0x7: {  	v6 =	vimm.s32 $0x7;
	v7 =	vimm.s32 $0x283C;
	v8 =	vimm.s32 $0x28BC;
	_ =	strace $0x80000047;
	s31 =	sshrl.u32 s5, $0x1;
	s8 =	sadd.s32 s8, s3  }
0x8: {  	v9 =	vimm.s32 $0x293C;
	v10 =	vimm.s32 $0x29BC;
	v11 =	vimm.s32 $0x2A3C;
	s9 =	ssub.s32 s5, s31;
	s7 =	sadd.s32 s7, s3;
	s3 =	sadd.s32 s4, s6  }
0x9: {  	v12 =	vimm.s32 $0x2ABC;
	v14 =	vimm.f32 $0.0e+00;
	vm0 =	vcmask $0x300;
	s5 =	sadd.s32 $0xC38600, s8;
	s6 =	smax.u32 s9, $0x1;
	s8 =	simm.s32 $0x80  }
0xa: {  	v13 =	vimm.s32 $0x2B3C;
	v15 =	vimm.s32 $0x2BBC;
	v14 =	vsel vm0, $0x3F800000, v14;
	s9 =	simm.s32 $0x2C80;
	s4 =	sadd.s32 $0x600, s7;
	s7 =	simm.s32 $0x3  }
.LBB2_1:
0xb: {  	[tilespmem:s2], [sflag:$0x3] =	stream.linear.gather [hbm4b:s3+s2], $0x8, $0x38;
	[tilespmem:$0x5900] =	vst v63  }
0xc: {  	_ =	swait.ge [sflag:s7], $0x8  }
0xd: {  	[sflag:s7] =	ssyncset.done $0x0  }
0xe: {  	[sflag:s7] =	ssyncadd.s32 $0xFFFFFFF8  }
0xf: {  	v23 =	vld.msk [tilespmem:s2+$0x0], $0xffff  }
0x10: {  	v20 =	vld.idx.msk [tilespmem:v0+s2+$0x0], $0xffff  }
0x11: {  	v21 =	vld.idx.msk [tilespmem:v1+s2+$0x0], $0xffff  }
0x12: {  	v22 =	vld.idx.msk [tilespmem:v2+s2+$0x0], $0xffff  }
0x13: {  	v17 =	vld.idx.msk [tilespmem:v3+s2+$0x0], $0xffff  }
0x14: {  	v18 =	vld.idx.msk [tilespmem:v4+s2+$0x0], $0xffff  }
0x15: {  	s14 =	simm.s32 $0x0;
	v19 =	vld.idx.msk [tilespmem:v5+s2+$0x0], $0xffff  }
0x16: {  	v25 =	vimm.f32 $0.0e+00;
	v24 =	vimm.f32 $0.0e+00;
	v26 =	vimm.f32 $0.0e+00;
	v16 =	vld.idx.msk [tilespmem:v6+s2+$0x0], $0xffff;
	[tilespmem:s8], [sflag:$0x1] =	stream.linear.gather [hbm4b:s4+s2], $0x2C00, $0x38  }
.LBB2_2:
0x17: {  	s15 =	smul.u32 $0xB00, s14;
	_ =	sdelay $0x1  }
0x18: {  	s16 =	sadd.s32 $0x580, s15  }
0x19: {  	s18 =	simm.s32 $0x0;
	s17 =	sadd.s32 s16, s4  }
0x1a: {  	[tilespmem:s9], [sflag:$0x2] =	stream.linear.gather [hbm4b:s17+s18], $0x2C00, $0x38;
	[tilespmem:$0x5900] =	vst v63  }
0x1b: {  	_ =	swait.ge [sflag:s10], $0x2C00  }
0x1c: {  	[sflag:s10] =	ssyncset.done $0x0  }
0x1d: {  	s31 =	simm.s32 $0x0;
	[sflag:s10] =	ssyncadd.s32 $0xFFFFD400  }
0x1e: {  	v27 =	vld [tilespmem:s31+$0x80];
	_ =	sdelay $0x1  }
0x1f: {  	v28 =	vld [tilespmem:s31+$0x90];
	_ =	sdelay $0x1  }
0x20: {  	v29 =	vld [tilespmem:s31+$0xA0]  }
0x21: {  	v26 =	vadd.f32 v27, v26  }
0x22: {  	v27 =	vld [tilespmem:s31+$0xB0]  }
0x23: {  	v26 =	vadd.f32 v28, v26  }
0x24: {  	v28 =	vld [tilespmem:s31+$0xC0]  }
0x25: {  	v26 =	vadd.f32 v29, v26  }
0x26: {  	v29 =	vld [tilespmem:s31+$0xD0]  }
0x27: {  	v26 =	vadd.f32 v27, v26  }
0x28: {  	v27 =	vld [tilespmem:s31+$0xE0]  }
0x29: {  	v28 =	vadd.f32 v28, v26  }
0x2a: {  	v26 =	vld [tilespmem:s31+$0xF0]  }
0x2b: {  	s17 =	simm.s32 $0x400;
	s18 =	simm.s32 $0x2000;
	v28 =	vadd.f32 v29, v28  }
.LBB2_3:
0x2c: {  	p0 =	sne.s32 s18, $0xA000;
	v29 =	vld [tilespmem:s17+$0x80]  }
0x2d: {  	v27 =	vadd.f32 v27, v28  }
0x2e: {  	v28 =	vld [tilespmem:s17+$0x90]  }
0x2f: {  	v26 =	vadd.f32 v26, v27  }
0x30: {  	v27 =	vld [tilespmem:s17+$0xA0]  }
0x31: {  	v26 =	vadd.f32 v29, v26  }
0x32: {  	v29 =	vld [tilespmem:s17+$0xB0]  }
0x33: {  	v26 =	vadd.f32 v28, v26  }
0x34: {  	v28 =	vld [tilespmem:s17+$0xC0]  }
0x35: {  	v26 =	vadd.f32 v27, v26  }
0x36: {  	v30 =	vld [tilespmem:s17+$0xD0]  }
.Ltmp0:
0x37: {  	v26 =	vadd.f32 v29, v26;
	(pc) =	sbr.rel @p0 .LBB2_3-.Ltmp0, $4  }
0x38: {  	v27 =	vld [tilespmem:s17+$0xE0]  }
0x39: {  	v28 =	vadd.f32 v28, v26  }
0x3a: {  	v26 =	vld [tilespmem:s17+$0xF0]  }
0x3b: {  	s17 =	sshra.s32 s18, $0x2;
	s18 =	sadd.s32 $0x1000, s18;
	v28 =	vadd.f32 v30, v28  }
0x3c: {  	v29 =	vld [tilespmem:s17+$0x80]  }
0x3d: {  	v27 =	vadd.f32 v27, v28  }
0x3e: {  	v28 =	vld [tilespmem:s17+$0x90]  }
0x3f: {  	v26 =	vadd.f32 v26, v27  }
0x40: {  	v27 =	vld [tilespmem:s17+$0xA0]  }
0x41: {  	v26 =	vadd.f32 v29, v26  }
0x42: {  	v29 =	vld [tilespmem:s17+$0xB0]  }
0x43: {  	v26 =	vadd.f32 v28, v26  }
0x44: {  	v28 =	vld [tilespmem:s17+$0xC0]  }
0x45: {  	v26 =	vadd.f32 v27, v26  }
0x46: {  	v27 =	vld [tilespmem:s17+$0xD0]  }
0x47: {  	v26 =	vadd.f32 v29, v26  }
0x48: {  	v29 =	vld [tilespmem:s17+$0xE0]  }
0x49: {  	v26 =	vadd.f32 v28, v26  }
0x4a: {  	v28 =	vld [tilespmem:s17+$0xF0]  }
0x4b: {  	v26 =	vadd.f32 v27, v26  }
0x4c: {  	s31 =	simm.s32 $0x0;
	v41 =	vmov s15  }
0x4d: {  	vm0 =	vge.s32 v23, s15;
	vm1 =	vlt.s32 v23, s16;
	v27 =	vld [tilespmem:s31+$0x100];
	v26 =	vadd.f32 v29, v26  }
0x4e: {  	vm11 =	vmand vm0, vm1;
	vm6 =	vlt.u32 v41, $0x1863D  }
0x4f: {  	v30 =	vld [tilespmem:s31+$0x110];
	v29 =	vsub.s32 v23, v41;
	v28 =	vadd.f32 v28, v26;
	v26 =	vmov s16  }
0x50: {  	v32 =	vsub.s32 $0x1863C, v41;
	v29 =	vnsel vm11, $0x0, v29;
	vm7 =	vgt.u32 v26, $0x1863C  }
0x51: {  	v33 =	vld [tilespmem:s31+$0x120];
	v31 =	vand.u32 $0x7F, v29;
	v29 =	vshll.u32 v29, $0x3;
	vm14 =	vmand vm6, vm7  }
0x52: {  	v29 =	vand.u32 $0xFFFFFC00, v29;
	v27 =	vadd.f32 v27, v28;
	v32 =	vnsel vm14, $0x0, v32  }
0x53: {  	v28 =	vor.u32 v31, v29;
	v31 =	vld [tilespmem:s31+$0x130];
	v29 =	vshll.u32 v32, $0x3  }
0x54: {  	v32 =	vand.u32 $0x3C, v32;
	v27 =	vadd.f32 v30, v27;
	v29 =	vand.u32 $0xFFFFF800, v29  }
0x55: {  	v42 =	vor.u32 v32, v29;
	v29 =	vld [tilespmem:s31+$0x140]  }
0x56: {  	v27 =	vadd.f32 v33, v27;
	_ =	sdelay $0x1  }
0x57: {  	v63 =	vld [tilespmem:s31+$0x150];
	v30 =	vadd.f32 v31, v27;
	_ =	sdelay $0x1  }
0x58: {  	v31 =	vadd.f32 v29, v30;
	v30 =	vld [tilespmem:s31+$0x160]  }
0x59: {  	v28 =	vld.idx.msk [tilespmem:v28+s8+$0x0], $0xffff  }
0x5a: {  	v29 =	vld [tilespmem:s31+$0x170]  }
0x5b: {  	s17 =	simm.s32 $0x2000;
	s16 =	simm.s32 $0x400;
	v27 =	vld.idx.msk [tilespmem:v42+s8+$0x0], $0xffff;
	v31 =	vadd.f32 v63, v31  }
.LBB2_5:
0x5c: {  	p0 =	sne.s32 s17, $0xA000;
	v32 =	vld [tilespmem:s16+$0x100]  }
0x5d: {  	v30 =	vadd.f32 v30, v31  }
0x5e: {  	v31 =	vld [tilespmem:s16+$0x110]  }
0x5f: {  	v29 =	vadd.f32 v29, v30  }
0x60: {  	v30 =	vld [tilespmem:s16+$0x120]  }
0x61: {  	v29 =	vadd.f32 v32, v29  }
0x62: {  	v32 =	vld [tilespmem:s16+$0x130]  }
0x63: {  	v29 =	vadd.f32 v31, v29  }
0x64: {  	v31 =	vld [tilespmem:s16+$0x140]  }
0x65: {  	v29 =	vadd.f32 v30, v29  }
0x66: {  	v33 =	vld [tilespmem:s16+$0x150]  }
.Ltmp1:
0x67: {  	v29 =	vadd.f32 v32, v29;
	(pc) =	sbr.rel @p0 .LBB2_5-.Ltmp1, $4  }
0x68: {  	v30 =	vld [tilespmem:s16+$0x160]  }
0x69: {  	v31 =	vadd.f32 v31, v29  }
0x6a: {  	v29 =	vld [tilespmem:s16+$0x170]  }
0x6b: {  	s16 =	sshra.s32 s17, $0x2;
	s17 =	sadd.s32 $0x1000, s17;
	v31 =	vadd.f32 v33, v31  }
0x6c: {  	v32 =	vld [tilespmem:s16+$0x100]  }
0x6d: {  	v30 =	vadd.f32 v30, v31  }
0x6e: {  	v31 =	vld [tilespmem:s16+$0x110]  }
0x6f: {  	v29 =	vadd.f32 v29, v30  }
0x70: {  	v30 =	vld [tilespmem:s16+$0x120]  }
0x71: {  	v29 =	vadd.f32 v32, v29  }
0x72: {  	v58 =	vld [tilespmem:s16+$0x130]  }
0x73: {  	v29 =	vadd.f32 v31, v29  }
0x74: {  	v31 =	vld [tilespmem:s16+$0x140]  }
0x75: {  	v29 =	vadd.f32 v30, v29  }
0x76: {  	v30 =	vld [tilespmem:s16+$0x150]  }
0x77: {  	v29 =	vadd.f32 v58, v29  }
0x78: {  	v59 =	vld [tilespmem:s16+$0x160]  }
0x79: {  	v29 =	vadd.f32 v31, v29  }
0x7a: {  	v31 =	vld [tilespmem:s16+$0x170]  }
0x7b: {  	s31 =	simm.s32 $0x0;
	v29 =	vadd.f32 v30, v29  }
0x7c: {  	v30 =	vld [tilespmem:s31+$0x180]  }
0x7d: {  	vm0 =	vge.s32 v20, v41;
	vm1 =	vlt.s32 v20, v26;
	v29 =	vadd.f32 v59, v29  }
0x7e: {  	v60 =	vsub.s32 v20, v41;
	vm9 =	vmand vm0, vm1;
	v33 =	vld [tilespmem:s31+$0x190]  }
0x7f: {  	v29 =	vadd.f32 v31, v29;
	v31 =	vnsel vm9, $0x0, v60  }
0x80: {  	v34 =	vld [tilespmem:s31+$0x1A0];
	v32 =	vshll.u32 v31, $0x3  }
0x81: {  	v31 =	vand.u32 $0x7F, v31;
	v32 =	vand.u32 $0xFFFFFC00, v32;
	v29 =	vadd.f32 v30, v29  }
0x82: {  	v30 =	vor.u32 v32, v31;
	v31 =	vld [tilespmem:s31+$0x1B0]  }
0x83: {  	v29 =	vadd.f32 v33, v29  }
0x84: {  	v61 =	vor.u32 $0x80, v42;
	v62 =	vld [tilespmem:s31+$0x1C0]  }
0x85: {  	v29 =	vadd.f32 v34, v29  }
0x86: {  	v63 =	vld [tilespmem:s31+$0x1D0];
	v30 =	vor.u32 $0x80, v30  }
0x87: {  	v31 =	vadd.f32 v31, v29  }
0x88: {  	v32 =	vld [tilespmem:s31+$0x1E0]  }
0x89: {  	v29 =	vld.idx.msk [tilespmem:v61+s8+$0x0], $0xffff;
	v33 =	vadd.f32 v62, v31  }
0x8a: {  	v31 =	vld [tilespmem:s31+$0x1F0]  }
0x8b: {  	s17 =	simm.s32 $0x2000;
	s16 =	simm.s32 $0x400;
	v30 =	vld.idx.msk [tilespmem:v30+s8+$0x0], $0xffff;
	v33 =	vadd.f32 v63, v33  }
.LBB2_7:
0x8c: {  	p0 =	sne.s32 s17, $0xA000;
	v34 =	vld [tilespmem:s16+$0x180]  }
0x8d: {  	v32 =	vadd.f32 v32, v33  }
0x8e: {  	v33 =	vld [tilespmem:s16+$0x190]  }
0x8f: {  	v31 =	vadd.f32 v31, v32  }
0x90: {  	v32 =	vld [tilespmem:s16+$0x1A0]  }
0x91: {  	v31 =	vadd.f32 v34, v31  }
0x92: {  	v34 =	vld [tilespmem:s16+$0x1B0]  }
0x93: {  	v31 =	vadd.f32 v33, v31  }
0x94: {  	v33 =	vld [tilespmem:s16+$0x1C0]  }
0x95: {  	v31 =	vadd.f32 v32, v31  }
0x96: {  	v35 =	vld [tilespmem:s16+$0x1D0]  }
.Ltmp2:
0x97: {  	v31 =	vadd.f32 v34, v31;
	(pc) =	sbr.rel @p0 .LBB2_7-.Ltmp2, $4  }
0x98: {  	v32 =	vld [tilespmem:s16+$0x1E0]  }
0x99: {  	v33 =	vadd.f32 v33, v31  }
0x9a: {  	v31 =	vld [tilespmem:s16+$0x1F0]  }
0x9b: {  	s16 =	sshra.s32 s17, $0x2;
	s17 =	sadd.s32 $0x1000, s17;
	v33 =	vadd.f32 v35, v33  }
0x9c: {  	v34 =	vld [tilespmem:s16+$0x180]  }
0x9d: {  	v32 =	vadd.f32 v32, v33  }
0x9e: {  	v49 =	vld [tilespmem:s16+$0x190]  }
0x9f: {  	v31 =	vadd.f32 v31, v32  }
0xa0: {  	v50 =	vld [tilespmem:s16+$0x1A0]  }
0xa1: {  	v31 =	vadd.f32 v34, v31  }
0xa2: {  	v51 =	vld [tilespmem:s16+$0x1B0]  }
0xa3: {  	v31 =	vadd.f32 v49, v31  }
0xa4: {  	v52 =	vld [tilespmem:s16+$0x1C0]  }
0xa5: {  	v31 =	vadd.f32 v50, v31  }
0xa6: {  	v53 =	vld [tilespmem:s16+$0x1D0]  }
0xa7: {  	v31 =	vadd.f32 v51, v31  }
0xa8: {  	v54 =	vld [tilespmem:s16+$0x1E0]  }
0xa9: {  	v31 =	vadd.f32 v52, v31  }
0xaa: {  	v55 =	vld [tilespmem:s16+$0x1F0]  }
0xab: {  	s31 =	simm.s32 $0x0;
	v31 =	vadd.f32 v53, v31  }
0xac: {  	v56 =	vld [tilespmem:s31+$0x200]  }
0xad: {  	v31 =	vadd.f32 v54, v31  }
0xae: {  	vm0 =	vge.s32 v21, v41;
	vm1 =	vlt.s32 v21, v26;
	v35 =	vld [tilespmem:s31+$0x210]  }
0xaf: {  	v57 =	vsub.s32 v21, v41;
	vm3 =	vmand vm0, vm1;
	v31 =	vadd.f32 v55, v31  }
0xb0: {  	v36 =	vld [tilespmem:s31+$0x220];
	v58 =	vnsel vm3, $0x0, v57  }
0xb1: {  	v34 =	vshll.u32 v58, $0x3;
	v31 =	vadd.f32 v56, v31  }
0xb2: {  	v60 =	vld [tilespmem:s31+$0x230];
	v33 =	vand.u32 $0x7F, v58;
	v34 =	vand.u32 $0xFFFFFC00, v34  }
0xb3: {  	v59 =	vor.u32 v34, v33;
	v31 =	vadd.f32 v35, v31  }
0xb4: {  	v62 =	vld [tilespmem:s31+$0x240];
	v32 =	vor.u32 $0x100, v59  }
0xb5: {  	v31 =	vadd.f32 v36, v31  }
0xb6: {  	v61 =	vor.u32 $0x100, v42;
	v63 =	vld [tilespmem:s31+$0x250]  }
0xb7: {  	v33 =	vadd.f32 v60, v31  }
0xb8: {  	v34 =	vld [tilespmem:s31+$0x260]  }
0xb9: {  	v32 =	vld.idx.msk [tilespmem:v32+s8+$0x0], $0xffff;
	v35 =	vadd.f32 v62, v33  }
0xba: {  	v33 =	vld [tilespmem:s31+$0x270]  }
0xbb: {  	s16 =	simm.s32 $0x400;
	s17 =	simm.s32 $0x2000;
	v31 =	vld.idx.msk [tilespmem:v61+s8+$0x0], $0xffff;
	v35 =	vadd.f32 v63, v35  }
.LBB2_9:
0xbc: {  	p0 =	sne.s32 s17, $0xA000;
	v36 =	vld [tilespmem:s16+$0x200]  }
0xbd: {  	v34 =	vadd.f32 v34, v35  }
0xbe: {  	v35 =	vld [tilespmem:s16+$0x210]  }
0xbf: {  	v33 =	vadd.f32 v33, v34  }
0xc0: {  	v34 =	vld [tilespmem:s16+$0x220]  }
0xc1: {  	v33 =	vadd.f32 v36, v33  }
0xc2: {  	v36 =	vld [tilespmem:s16+$0x230]  }
0xc3: {  	v33 =	vadd.f32 v35, v33  }
0xc4: {  	v35 =	vld [tilespmem:s16+$0x240]  }
0xc5: {  	v33 =	vadd.f32 v34, v33  }
0xc6: {  	v37 =	vld [tilespmem:s16+$0x250]  }
.Ltmp3:
0xc7: {  	v33 =	vadd.f32 v36, v33;
	(pc) =	sbr.rel @p0 .LBB2_9-.Ltmp3, $4  }
0xc8: {  	v34 =	vld [tilespmem:s16+$0x260]  }
0xc9: {  	v35 =	vadd.f32 v35, v33  }
0xca: {  	v33 =	vld [tilespmem:s16+$0x270]  }
0xcb: {  	s16 =	sshra.s32 s17, $0x2;
	s17 =	sadd.s32 $0x1000, s17;
	v35 =	vadd.f32 v37, v35  }
0xcc: {  	v36 =	vld [tilespmem:s16+$0x200]  }
0xcd: {  	v34 =	vadd.f32 v34, v35  }
0xce: {  	v49 =	vld [tilespmem:s16+$0x210]  }
0xcf: {  	v33 =	vadd.f32 v33, v34  }
0xd0: {  	v50 =	vld [tilespmem:s16+$0x220]  }
0xd1: {  	v33 =	vadd.f32 v36, v33  }
0xd2: {  	v51 =	vld [tilespmem:s16+$0x230]  }
0xd3: {  	v33 =	vadd.f32 v49, v33  }
0xd4: {  	v52 =	vld [tilespmem:s16+$0x240]  }
0xd5: {  	v33 =	vadd.f32 v50, v33  }
0xd6: {  	v53 =	vld [tilespmem:s16+$0x250]  }
0xd7: {  	v33 =	vadd.f32 v51, v33  }
0xd8: {  	v54 =	vld [tilespmem:s16+$0x260]  }
0xd9: {  	v33 =	vadd.f32 v52, v33  }
0xda: {  	v55 =	vld [tilespmem:s16+$0x270]  }
0xdb: {  	s31 =	simm.s32 $0x0;
	v33 =	vadd.f32 v53, v33  }
0xdc: {  	v56 =	vld [tilespmem:s31+$0x280]  }
0xdd: {  	v33 =	vadd.f32 v54, v33  }
0xde: {  	vm0 =	vge.s32 v22, v41;
	vm1 =	vlt.s32 v22, v26;
	v37 =	vld [tilespmem:s31+$0x290]  }
0xdf: {  	v57 =	vsub.s32 v22, v41;
	vm4 =	vmand vm0, vm1;
	v33 =	vadd.f32 v55, v33  }
0xe0: {  	v38 =	vld [tilespmem:s31+$0x2A0];
	v58 =	vnsel vm4, $0x0, v57  }
0xe1: {  	v36 =	vshll.u32 v58, $0x3;
	v33 =	vadd.f32 v56, v33  }
0xe2: {  	v60 =	vld [tilespmem:s31+$0x2B0];
	v35 =	vand.u32 $0x7F, v58;
	v36 =	vand.u32 $0xFFFFFC00, v36  }
0xe3: {  	v59 =	vor.u32 v36, v35;
	v33 =	vadd.f32 v37, v33  }
0xe4: {  	v62 =	vld [tilespmem:s31+$0x2C0];
	v34 =	vor.u32 $0x180, v59  }
0xe5: {  	v33 =	vadd.f32 v38, v33  }
0xe6: {  	v61 =	vor.u32 $0x180, v42;
	v63 =	vld [tilespmem:s31+$0x2D0]  }
0xe7: {  	v35 =	vadd.f32 v60, v33  }
0xe8: {  	v36 =	vld [tilespmem:s31+$0x2E0]  }
0xe9: {  	v34 =	vld.idx.msk [tilespmem:v34+s8+$0x0], $0xffff;
	v37 =	vadd.f32 v62, v35  }
0xea: {  	v35 =	vld [tilespmem:s31+$0x2F0]  }
0xeb: {  	s16 =	simm.s32 $0x400;
	s17 =	simm.s32 $0x2000;
	v33 =	vld.idx.msk [tilespmem:v61+s8+$0x0], $0xffff;
	v37 =	vadd.f32 v63, v37  }
.LBB2_11:
0xec: {  	p0 =	sne.s32 s17, $0xA000;
	v38 =	vld [tilespmem:s16+$0x280]  }
0xed: {  	v36 =	vadd.f32 v36, v37  }
0xee: {  	v37 =	vld [tilespmem:s16+$0x290]  }
0xef: {  	v35 =	vadd.f32 v35, v36  }
0xf0: {  	v36 =	vld [tilespmem:s16+$0x2A0]  }
0xf1: {  	v35 =	vadd.f32 v38, v35  }
0xf2: {  	v38 =	vld [tilespmem:s16+$0x2B0]  }
0xf3: {  	v35 =	vadd.f32 v37, v35  }
0xf4: {  	v37 =	vld [tilespmem:s16+$0x2C0]  }
0xf5: {  	v35 =	vadd.f32 v36, v35  }
0xf6: {  	v39 =	vld [tilespmem:s16+$0x2D0]  }
.Ltmp4:
0xf7: {  	v35 =	vadd.f32 v38, v35;
	(pc) =	sbr.rel @p0 .LBB2_11-.Ltmp4, $4  }
0xf8: {  	v36 =	vld [tilespmem:s16+$0x2E0]  }
0xf9: {  	v37 =	vadd.f32 v37, v35  }
0xfa: {  	v35 =	vld [tilespmem:s16+$0x2F0]  }
0xfb: {  	s16 =	sshra.s32 s17, $0x2;
	s17 =	sadd.s32 $0x1000, s17;
	v37 =	vadd.f32 v39, v37  }
0xfc: {  	v38 =	vld [tilespmem:s16+$0x280]  }
0xfd: {  	v36 =	vadd.f32 v36, v37  }
0xfe: {  	v49 =	vld [tilespmem:s16+$0x290]  }
0xff: {  	v35 =	vadd.f32 v35, v36  }
0x100: {  	v50 =	vld [tilespmem:s16+$0x2A0]  }
0x101: {  	v35 =	vadd.f32 v38, v35  }
0x102: {  	v51 =	vld [tilespmem:s16+$0x2B0]  }
0x103: {  	v35 =	vadd.f32 v49, v35  }
0x104: {  	v52 =	vld [tilespmem:s16+$0x2C0]  }
0x105: {  	v35 =	vadd.f32 v50, v35  }
0x106: {  	v53 =	vld [tilespmem:s16+$0x2D0]  }
0x107: {  	v35 =	vadd.f32 v51, v35  }
0x108: {  	v54 =	vld [tilespmem:s16+$0x2E0]  }
0x109: {  	v35 =	vadd.f32 v52, v35  }
0x10a: {  	v55 =	vld [tilespmem:s16+$0x2F0]  }
0x10b: {  	s31 =	simm.s32 $0x0;
	v35 =	vadd.f32 v53, v35  }
0x10c: {  	v56 =	vld [tilespmem:s31+$0x300]  }
0x10d: {  	v35 =	vadd.f32 v54, v35  }
0x10e: {  	vm0 =	vge.s32 v17, v41;
	vm1 =	vlt.s32 v17, v26;
	v39 =	vld [tilespmem:s31+$0x310]  }
0x10f: {  	v57 =	vsub.s32 v17, v41;
	vm15 =	vmand vm0, vm1;
	v35 =	vadd.f32 v55, v35  }
0x110: {  	v40 =	vld [tilespmem:s31+$0x320];
	v58 =	vnsel vm15, $0x0, v57  }
0x111: {  	v38 =	vshll.u32 v58, $0x3;
	v35 =	vadd.f32 v56, v35  }
0x112: {  	v60 =	vld [tilespmem:s31+$0x330];
	v37 =	vand.u32 $0x7F, v58;
	v38 =	vand.u32 $0xFFFFFC00, v38  }
0x113: {  	v59 =	vor.u32 v38, v37;
	v35 =	vadd.f32 v39, v35  }
0x114: {  	v62 =	vld [tilespmem:s31+$0x340];
	v36 =	vor.u32 $0x200, v59  }
0x115: {  	v35 =	vadd.f32 v40, v35  }
0x116: {  	v61 =	vor.u32 $0x200, v42;
	v63 =	vld [tilespmem:s31+$0x350]  }
0x117: {  	v37 =	vadd.f32 v60, v35  }
0x118: {  	v38 =	vld [tilespmem:s31+$0x360]  }
0x119: {  	v36 =	vld.idx.msk [tilespmem:v36+s8+$0x0], $0xffff;
	v39 =	vadd.f32 v62, v37  }
0x11a: {  	v37 =	vld [tilespmem:s31+$0x370]  }
0x11b: {  	s16 =	simm.s32 $0x400;
	s17 =	simm.s32 $0x2000;
	v35 =	vld.idx.msk [tilespmem:v61+s8+$0x0], $0xffff;
	v39 =	vadd.f32 v63, v39  }
.LBB2_13:
0x11c: {  	p0 =	sne.s32 s17, $0xA000;
	v40 =	vld [tilespmem:s16+$0x300]  }
0x11d: {  	v38 =	vadd.f32 v38, v39  }
0x11e: {  	v39 =	vld [tilespmem:s16+$0x310]  }
0x11f: {  	v37 =	vadd.f32 v37, v38  }
0x120: {  	v38 =	vld [tilespmem:s16+$0x320]  }
0x121: {  	v37 =	vadd.f32 v40, v37  }
0x122: {  	v40 =	vld [tilespmem:s16+$0x330]  }
0x123: {  	v37 =	vadd.f32 v39, v37  }
0x124: {  	v39 =	vld [tilespmem:s16+$0x340]  }
0x125: {  	v37 =	vadd.f32 v38, v37  }
0x126: {  	v43 =	vld [tilespmem:s16+$0x350]  }
.Ltmp5:
0x127: {  	v37 =	vadd.f32 v40, v37;
	(pc) =	sbr.rel @p0 .LBB2_13-.Ltmp5, $4  }
0x128: {  	v38 =	vld [tilespmem:s16+$0x360]  }
0x129: {  	v39 =	vadd.f32 v39, v37  }
0x12a: {  	v37 =	vld [tilespmem:s16+$0x370]  }
0x12b: {  	s16 =	sshra.s32 s17, $0x2;
	s17 =	sadd.s32 $0x1000, s17;
	v39 =	vadd.f32 v43, v39  }
0x12c: {  	v40 =	vld [tilespmem:s16+$0x300]  }
0x12d: {  	v38 =	vadd.f32 v38, v39  }
0x12e: {  	v49 =	vld [tilespmem:s16+$0x310]  }
0x12f: {  	v37 =	vadd.f32 v37, v38  }
0x130: {  	v50 =	vld [tilespmem:s16+$0x320]  }
0x131: {  	v37 =	vadd.f32 v40, v37  }
0x132: {  	v51 =	vld [tilespmem:s16+$0x330]  }
0x133: {  	v37 =	vadd.f32 v49, v37  }
0x134: {  	v52 =	vld [tilespmem:s16+$0x340]  }
0x135: {  	v37 =	vadd.f32 v50, v37  }
0x136: {  	v53 =	vld [tilespmem:s16+$0x350]  }
0x137: {  	v37 =	vadd.f32 v51, v37  }
0x138: {  	v54 =	vld [tilespmem:s16+$0x360]  }
0x139: {  	v37 =	vadd.f32 v52, v37  }
0x13a: {  	v55 =	vld [tilespmem:s16+$0x370]  }
0x13b: {  	s31 =	simm.s32 $0x0;
	v37 =	vadd.f32 v53, v37  }
0x13c: {  	v56 =	vld [tilespmem:s31+$0x380]  }
0x13d: {  	v37 =	vadd.f32 v54, v37  }
0x13e: {  	vm0 =	vge.s32 v18, v41;
	vm1 =	vlt.s32 v18, v26;
	v43 =	vld [tilespmem:s31+$0x390]  }
0x13f: {  	v57 =	vsub.s32 v18, v41;
	vm0 =	vmand vm0, vm1;
	v37 =	vadd.f32 v55, v37  }
0x140: {  	v44 =	vld [tilespmem:s31+$0x3A0];
	v58 =	vnsel vm0, $0x0, v57  }
0x141: {  	v40 =	vshll.u32 v58, $0x3;
	v37 =	vadd.f32 v56, v37  }
0x142: {  	v60 =	vld [tilespmem:s31+$0x3B0];
	v39 =	vand.u32 $0x7F, v58;
	v40 =	vand.u32 $0xFFFFFC00, v40  }
0x143: {  	v59 =	vor.u32 v40, v39;
	v37 =	vadd.f32 v43, v37  }
0x144: {  	v62 =	vld [tilespmem:s31+$0x3C0];
	v38 =	vor.u32 $0x280, v59  }
0x145: {  	v37 =	vadd.f32 v44, v37  }
0x146: {  	v61 =	vor.u32 $0x280, v42;
	v63 =	vld [tilespmem:s31+$0x3D0]  }
0x147: {  	v39 =	vadd.f32 v60, v37  }
0x148: {  	v40 =	vld [tilespmem:s31+$0x3E0]  }
0x149: {  	v37 =	vld.idx.msk [tilespmem:v38+s8+$0x0], $0xffff;
	v43 =	vadd.f32 v62, v39  }
0x14a: {  	v39 =	vld [tilespmem:s31+$0x3F0]  }
0x14b: {  	s16 =	simm.s32 $0x400;
	s17 =	simm.s32 $0x2000;
	v38 =	vld.idx.msk [tilespmem:v61+s8+$0x0], $0xffff;
	v43 =	vadd.f32 v63, v43  }
.LBB2_15:
0x14c: {  	p0 =	sne.s32 s17, $0xA000;
	v44 =	vld [tilespmem:s16+$0x380]  }
0x14d: {  	v40 =	vadd.f32 v40, v43  }
0x14e: {  	v43 =	vld [tilespmem:s16+$0x390]  }
0x14f: {  	v39 =	vadd.f32 v39, v40  }
0x150: {  	v40 =	vld [tilespmem:s16+$0x3A0]  }
0x151: {  	v39 =	vadd.f32 v44, v39  }
0x152: {  	v44 =	vld [tilespmem:s16+$0x3B0]  }
0x153: {  	v39 =	vadd.f32 v43, v39  }
0x154: {  	v43 =	vld [tilespmem:s16+$0x3C0]  }
0x155: {  	v39 =	vadd.f32 v40, v39  }
0x156: {  	v45 =	vld [tilespmem:s16+$0x3D0]  }
.Ltmp6:
0x157: {  	v39 =	vadd.f32 v44, v39;
	(pc) =	sbr.rel @p0 .LBB2_15-.Ltmp6, $4  }
0x158: {  	v40 =	vld [tilespmem:s16+$0x3E0]  }
0x159: {  	v43 =	vadd.f32 v43, v39  }
0x15a: {  	v39 =	vld [tilespmem:s16+$0x3F0]  }
0x15b: {  	s16 =	sshra.s32 s17, $0x2;
	s17 =	sadd.s32 $0x1000, s17;
	v43 =	vadd.f32 v45, v43  }
0x15c: {  	v44 =	vld [tilespmem:s16+$0x380]  }
0x15d: {  	v40 =	vadd.f32 v40, v43  }
0x15e: {  	v48 =	vld [tilespmem:s16+$0x390]  }
0x15f: {  	v39 =	vadd.f32 v39, v40  }
0x160: {  	v49 =	vld [tilespmem:s16+$0x3A0]  }
0x161: {  	v39 =	vadd.f32 v44, v39  }
0x162: {  	v50 =	vld [tilespmem:s16+$0x3B0]  }
0x163: {  	v39 =	vadd.f32 v48, v39  }
0x164: {  	v51 =	vld [tilespmem:s16+$0x3C0]  }
0x165: {  	v39 =	vadd.f32 v49, v39  }
0x166: {  	v52 =	vld [tilespmem:s16+$0x3D0]  }
0x167: {  	v39 =	vadd.f32 v50, v39  }
0x168: {  	v53 =	vld [tilespmem:s16+$0x3E0]  }
0x169: {  	v39 =	vadd.f32 v51, v39  }
0x16a: {  	v54 =	vld [tilespmem:s16+$0x3F0]  }
0x16b: {  	s31 =	simm.s32 $0x0;
	v39 =	vadd.f32 v52, v39  }
0x16c: {  	v55 =	vld [tilespmem:s31+$0x400]  }
0x16d: {  	v39 =	vadd.f32 v53, v39  }
0x16e: {  	vm1 =	vge.s32 v19, v41;
	vm5 =	vlt.s32 v19, v26;
	v45 =	vld [tilespmem:s31+$0x410]  }
0x16f: {  	v56 =	vsub.s32 v19, v41;
	vm1 =	vmand vm1, vm5;
	v39 =	vadd.f32 v54, v39  }
0x170: {  	v57 =	vimm.s32 $0x0;
	v46 =	vld [tilespmem:s31+$0x420];
	v58 =	vnsel vm1, $0x0, v56  }
0x171: {  	v43 =	vsel vm1, $0xFFFFFFFF, v57;
	v44 =	vshll.u32 v58, $0x3;
	v39 =	vadd.f32 v55, v39  }
0x172: {  	v60 =	vld [tilespmem:s31+$0x430];
	[tilespmem:$0x1FFF0] =	vst v43;
	v43 =	vand.u32 $0x7F, v58;
	v44 =	vand.u32 $0xFFFFFC00, v44  }
0x173: {  	v59 =	vor.u32 v44, v43;
	v39 =	vadd.f32 v45, v39  }
0x174: {  	v62 =	vld [tilespmem:s31+$0x440];
	v40 =	vor.u32 $0x300, v59  }
0x175: {  	v39 =	vadd.f32 v46, v39  }
0x176: {  	v61 =	vor.u32 $0x300, v42;
	v63 =	vld [tilespmem:s31+$0x450]  }
0x177: {  	v43 =	vadd.f32 v60, v39  }
0x178: {  	v44 =	vld [tilespmem:s31+$0x460]  }
0x179: {  	v39 =	vld.idx.msk [tilespmem:v40+s8+$0x0], $0xffff;
	v45 =	vadd.f32 v62, v43  }
0x17a: {  	v43 =	vld [tilespmem:s31+$0x470]  }
0x17b: {  	s16 =	simm.s32 $0x400;
	s17 =	simm.s32 $0x2000;
	v40 =	vld.idx.msk [tilespmem:v61+s8+$0x0], $0xffff;
	v45 =	vadd.f32 v63, v45  }
.LBB2_17:
0x17c: {  	p0 =	sne.s32 s17, $0xA000;
	v46 =	vld [tilespmem:s16+$0x400]  }
0x17d: {  	v44 =	vadd.f32 v44, v45  }
0x17e: {  	v45 =	vld [tilespmem:s16+$0x410]  }
0x17f: {  	v43 =	vadd.f32 v43, v44  }
0x180: {  	v44 =	vld [tilespmem:s16+$0x420]  }
0x181: {  	v43 =	vadd.f32 v46, v43  }
0x182: {  	v46 =	vld [tilespmem:s16+$0x430]  }
0x183: {  	v43 =	vadd.f32 v45, v43  }
0x184: {  	v45 =	vld [tilespmem:s16+$0x440]  }
0x185: {  	v43 =	vadd.f32 v44, v43  }
0x186: {  	v47 =	vld [tilespmem:s16+$0x450]  }
.Ltmp7:
0x187: {  	v43 =	vadd.f32 v46, v43;
	(pc) =	sbr.rel @p0 .LBB2_17-.Ltmp7, $4  }
0x188: {  	v44 =	vld [tilespmem:s16+$0x460]  }
0x189: {  	v45 =	vadd.f32 v45, v43  }
0x18a: {  	v43 =	vld [tilespmem:s16+$0x470]  }
0x18b: {  	s16 =	sshra.s32 s17, $0x2;
	s17 =	sadd.s32 $0x1000, s17;
	v45 =	vadd.f32 v47, v45  }
0x18c: {  	v46 =	vld [tilespmem:s16+$0x400]  }
0x18d: {  	vm5 =	vge.s32 v16, v41;
	vm6 =	vlt.s32 v16, v26;
	v44 =	vadd.f32 v44, v45  }
0x18e: {  	v49 =	vsub.s32 v16, v41;
	v51 =	vld [tilespmem:s16+$0x410];
	vm1 =	vmand vm5, vm6  }
0x18f: {  	v41 =	vnsel vm1, $0x0, v49;
	v43 =	vadd.f32 v43, v44  }
0x190: {  	v53 =	vld [tilespmem:s16+$0x420];
	v47 =	vshll.u32 v41, $0x3  }
0x191: {  	v41 =	vand.u32 $0x7F, v41;
	v52 =	vand.u32 $0xFFFFFC00, v47;
	v43 =	vadd.f32 v46, v43  }
0x192: {  	v54 =	vld [tilespmem:s16+$0x430];
	v42 =	vor.u32 $0x380, v42;
	v41 =	vor.u32 v52, v41  }
0x193: {  	v55 =	vld [tilespmem:s16+$0x440];
	v41 =	vor.u32 $0x380, v41;
	v43 =	vadd.f32 v51, v43  }
0x194: {  	v56 =	vld [tilespmem:s16+$0x450]  }
0x195: {  	v48 =	vld [tilespmem:s16+$0x460];
	v43 =	vadd.f32 v53, v43  }
0x196: {  	v50 =	vimm.s32 $0x0;
	v57 =	vld [tilespmem:s16+$0x470];
	s15 =	sadd.s32 $0xB00, s15  }
0x197: {  	s17 =	simm.s32 $0x0;
	s30 =	sadd.s32 s15, s4;
	v45 =	vsel vm1, $0xFFFFFFFF, v50;
	v42 =	vld.idx.msk [tilespmem:v42+s8+$0x0], $0xffff;
	v43 =	vadd.f32 v54, v43  }
0x198: {  	[tilespmem:$0x1FFE0] =	vst v45;
	v41 =	vld.idx.msk [tilespmem:v41+s8+$0x0], $0xffff;
	[tilespmem:s8], [sflag:$0x1] =	stream.linear.gather [hbm4b:s30+s17], $0x2C00, $0x38  }
0x199: {  	_ =	swait.ge [sflag:s11], $0x2C00;
	v43 =	vadd.f32 v55, v43  }
0x19a: {  	[sflag:s11] =	ssyncset.done $0x0  }
0x19b: {  	s31 =	simm.s32 $0x0;
	[sflag:s11] =	ssyncadd.s32 $0xFFFFD400;
	v43 =	vadd.f32 v56, v43  }
0x19c: {  	v58 =	vld [tilespmem:s31+$0x2C80]  }
0x19d: {  	v43 =	vadd.f32 v48, v43  }
0x19e: {  	v59 =	vld [tilespmem:s31+$0x2C90]  }
0x19f: {  	v43 =	vadd.f32 v57, v43  }
0x1a0: {  	v60 =	vld [tilespmem:s31+$0x2CA0]  }
0x1a1: {  	v43 =	vadd.f32 v58, v43  }
0x1a2: {  	v61 =	vld [tilespmem:s31+$0x2CB0]  }
0x1a3: {  	v43 =	vadd.f32 v59, v43  }
0x1a4: {  	v62 =	vld [tilespmem:s31+$0x2CC0]  }
0x1a5: {  	v43 =	vadd.f32 v60, v43  }
0x1a6: {  	v63 =	vld [tilespmem:s31+$0x2CD0]  }
0x1a7: {  	v43 =	vadd.f32 v61, v43  }
0x1a8: {  	v44 =	vld [tilespmem:s31+$0x2CE0]  }
0x1a9: {  	v45 =	vadd.f32 v62, v43  }
0x1aa: {  	v43 =	vld [tilespmem:s31+$0x2CF0]  }
0x1ab: {  	s16 =	simm.s32 $0x400;
	s17 =	simm.s32 $0x2000;
	v45 =	vadd.f32 v63, v45  }
.LBB2_19:
0x1ac: {  	p0 =	sne.s32 s17, $0xA000;
	v46 =	vld [tilespmem:s16+$0x2C80]  }
0x1ad: {  	v44 =	vadd.f32 v44, v45  }
0x1ae: {  	v45 =	vld [tilespmem:s16+$0x2C90]  }
0x1af: {  	v43 =	vadd.f32 v43, v44  }
0x1b0: {  	v44 =	vld [tilespmem:s16+$0x2CA0]  }
0x1b1: {  	v43 =	vadd.f32 v46, v43  }
0x1b2: {  	v46 =	vld [tilespmem:s16+$0x2CB0]  }
0x1b3: {  	v43 =	vadd.f32 v45, v43  }
0x1b4: {  	v45 =	vld [tilespmem:s16+$0x2CC0]  }
0x1b5: {  	v43 =	vadd.f32 v44, v43  }
0x1b6: {  	v47 =	vld [tilespmem:s16+$0x2CD0]  }
.Ltmp8:
0x1b7: {  	v43 =	vadd.f32 v46, v43;
	(pc) =	sbr.rel @p0 .LBB2_19-.Ltmp8, $4  }
0x1b8: {  	v44 =	vld [tilespmem:s16+$0x2CE0]  }
0x1b9: {  	v45 =	vadd.f32 v45, v43  }
0x1ba: {  	v43 =	vld [tilespmem:s16+$0x2CF0]  }
0x1bb: {  	s16 =	sshra.s32 s17, $0x2;
	s17 =	sadd.s32 $0x1000, s17;
	v45 =	vadd.f32 v47, v45  }
0x1bc: {  	v46 =	vld [tilespmem:s16+$0x2C80]  }
0x1bd: {  	v44 =	vadd.f32 v44, v45  }
0x1be: {  	v48 =	vld [tilespmem:s16+$0x2C90]  }
0x1bf: {  	v43 =	vadd.f32 v43, v44  }
0x1c0: {  	v49 =	vld [tilespmem:s16+$0x2CA0]  }
0x1c1: {  	v43 =	vadd.f32 v46, v43  }
0x1c2: {  	v50 =	vld [tilespmem:s16+$0x2CB0]  }
0x1c3: {  	v43 =	vadd.f32 v48, v43  }
0x1c4: {  	v51 =	vld [tilespmem:s16+$0x2CC0]  }
0x1c5: {  	v43 =	vadd.f32 v49, v43  }
0x1c6: {  	v52 =	vld [tilespmem:s16+$0x2CD0]  }
0x1c7: {  	v43 =	vadd.f32 v50, v43  }
0x1c8: {  	v53 =	vld [tilespmem:s16+$0x2CE0]  }
0x1c9: {  	v43 =	vadd.f32 v51, v43  }
0x1ca: {  	v54 =	vld [tilespmem:s16+$0x2CF0]  }
0x1cb: {  	s31 =	simm.s32 $0x0;
	v43 =	vadd.f32 v52, v43  }
0x1cc: {  	v55 =	vld [tilespmem:s31+$0x2D00]  }
0x1cd: {  	vm5 =	vge.s32 v23, v26;
	v43 =	vadd.f32 v53, v43  }
0x1ce: {  	vm6 =	vlt.s32 v23, s15;
	v47 =	vsub.s32 v23, v26;
	v56 =	vimm.s32 $0x0;
	v58 =	vld [tilespmem:s31+$0x2D10]  }
0x1cf: {  	vm1 =	vmand vm5, vm6;
	vm5 =	vlt.u32 v26, $0x1863D;
	v43 =	vadd.f32 v54, v43  }
0x1d0: {  	v45 =	vsel vm1, $0xFFFFFFFF, v56;
	v57 =	vnsel vm1, $0x0, v47;
	v44 =	vmov s15;
	v50 =	vld [tilespmem:s31+$0x2D20]  }
0x1d1: {  	[tilespmem:$0x1FFC0] =	vst v45;
	v45 =	vshll.u32 v57, $0x3;
	vm6 =	vgt.u32 v44, $0x1863C;
	v43 =	vadd.f32 v55, v43  }
0x1d2: {  	v60 =	vld [tilespmem:s31+$0x2D30];
	v45 =	vand.u32 $0xFFFFFC00, v45;
	vm1 =	vmand vm5, vm6;
	v49 =	vsub.s32 $0x1863C, v26  }
0x1d3: {  	v48 =	vand.u32 $0x7F, v57;
	v49 =	vnsel vm1, $0x0, v49;
	v47 =	vadd.f32 v58, v43  }
0x1d4: {  	v61 =	vld [tilespmem:s31+$0x2D40];
	v45 =	vor.u32 v48, v45;
	v59 =	vshll.u32 v49, $0x3  }
0x1d5: {  	v49 =	vand.u32 $0x3C, v49;
	v46 =	vand.u32 $0xFFFFFC00, v59;
	v62 =	vadd.f32 v50, v47  }
0x1d6: {  	v63 =	vld [tilespmem:s31+$0x2D50];
	v43 =	vor.u32 v49, v46  }
0x1d7: {  	v47 =	vadd.f32 v60, v62  }
0x1d8: {  	v48 =	vld [tilespmem:s31+$0x2D60]  }
0x1d9: {  	v51 =	vimm.s32 $0x0;
	v45 =	vld.idx.msk [tilespmem:v45+s9+$0x0], $0xffff;
	v49 =	vadd.f32 v61, v47  }
0x1da: {  	v51 =	vsel vm1, $0xFFFFFFFF, v51;
	v47 =	vld [tilespmem:s31+$0x2D70]  }
0x1db: {  	s16 =	simm.s32 $0x2000;
	s15 =	simm.s32 $0x400;
	[tilespmem:$0x1FFD0] =	vst v51;
	v46 =	vld.idx.msk [tilespmem:v43+s9+$0x0], $0xffff;
	v49 =	vadd.f32 v63, v49  }
.LBB2_21:
0x1dc: {  	p0 =	sne.s32 s16, $0xA000;
	v50 =	vld [tilespmem:s15+$0x2D00]  }
0x1dd: {  	v48 =	vadd.f32 v48, v49  }
0x1de: {  	v49 =	vld [tilespmem:s15+$0x2D10]  }
0x1df: {  	v47 =	vadd.f32 v47, v48  }
0x1e0: {  	v48 =	vld [tilespmem:s15+$0x2D20]  }
0x1e1: {  	v47 =	vadd.f32 v50, v47  }
0x1e2: {  	v50 =	vld [tilespmem:s15+$0x2D30]  }
0x1e3: {  	v47 =	vadd.f32 v49, v47  }
0x1e4: {  	v49 =	vld [tilespmem:s15+$0x2D40]  }
0x1e5: {  	v47 =	vadd.f32 v48, v47  }
0x1e6: {  	v51 =	vld [tilespmem:s15+$0x2D50]  }
.Ltmp9:
0x1e7: {  	v47 =	vadd.f32 v50, v47;
	(pc) =	sbr.rel @p0 .LBB2_21-.Ltmp9, $4  }
0x1e8: {  	v48 =	vld [tilespmem:s15+$0x2D60]  }
0x1e9: {  	v49 =	vadd.f32 v49, v47  }
0x1ea: {  	v47 =	vld [tilespmem:s15+$0x2D70]  }
0x1eb: {  	s15 =	sshra.s32 s16, $0x2;
	s16 =	sadd.s32 $0x1000, s16;
	v49 =	vadd.f32 v51, v49  }
0x1ec: {  	v50 =	vld [tilespmem:s15+$0x2D00]  }
0x1ed: {  	v48 =	vadd.f32 v48, v49  }
0x1ee: {  	v56 =	vld [tilespmem:s15+$0x2D10]  }
0x1ef: {  	v47 =	vadd.f32 v47, v48  }
0x1f0: {  	v57 =	vld [tilespmem:s15+$0x2D20]  }
0x1f1: {  	v47 =	vadd.f32 v50, v47  }
0x1f2: {  	v58 =	vld [tilespmem:s15+$0x2D30]  }
0x1f3: {  	v47 =	vadd.f32 v56, v47  }
0x1f4: {  	v59 =	vld [tilespmem:s15+$0x2D40]  }
0x1f5: {  	v47 =	vadd.f32 v57, v47  }
0x1f6: {  	v60 =	vld [tilespmem:s15+$0x2D50]  }
0x1f7: {  	v47 =	vadd.f32 v58, v47  }
0x1f8: {  	v61 =	vld [tilespmem:s15+$0x2D60]  }
0x1f9: {  	v47 =	vadd.f32 v59, v47  }
0x1fa: {  	v62 =	vld [tilespmem:s15+$0x2D70]  }
0x1fb: {  	s31 =	simm.s32 $0x0;
	v47 =	vadd.f32 v60, v47  }
0x1fc: {  	v63 =	vld [tilespmem:s31+$0x2D80]  }
0x1fd: {  	v47 =	vadd.f32 v61, v47  }
0x1fe: {  	vm5 =	vge.s32 v20, v26;
	vm6 =	vlt.s32 v20, v44;
	v51 =	vld [tilespmem:s31+$0x2D90]  }
0x1ff: {  	vm1 =	vmand vm5, vm6;
	v56 =	vsub.s32 v20, v26;
	v47 =	vadd.f32 v62, v47  }
0x200: {  	v52 =	vld [tilespmem:s31+$0x2DA0];
	v57 =	vimm.s32 $0x0;
	v58 =	vnsel vm1, $0x0, v56  }
0x201: {  	v49 =	vsel vm1, $0xFFFFFFFF, v57;
	v50 =	vshll.u32 v58, $0x3;
	v47 =	vadd.f32 v63, v47  }
0x202: {  	[tilespmem:$0x1FFB0] =	vst v49;
	v49 =	vand.u32 $0x7F, v58;
	v50 =	vand.u32 $0xFFFFFC00, v50;
	v60 =	vld [tilespmem:s31+$0x2DB0]  }
0x203: {  	v59 =	vor.u32 v50, v49;
	v47 =	vadd.f32 v51, v47  }
0x204: {  	v48 =	vor.u32 $0x80, v59;
	v62 =	vld [tilespmem:s31+$0x2DC0]  }
0x205: {  	v47 =	vadd.f32 v52, v47  }
0x206: {  	v61 =	vor.u32 $0x80, v43;
	v63 =	vld [tilespmem:s31+$0x2DD0]  }
0x207: {  	v49 =	vadd.f32 v60, v47  }
0x208: {  	v50 =	vld [tilespmem:s31+$0x2DE0]  }
0x209: {  	v48 =	vld.idx.msk [tilespmem:v48+s9+$0x0], $0xffff;
	v51 =	vadd.f32 v62, v49  }
0x20a: {  	v49 =	vld [tilespmem:s31+$0x2DF0]  }
0x20b: {  	s15 =	simm.s32 $0x400;
	s16 =	simm.s32 $0x2000;
	v47 =	vld.idx.msk [tilespmem:v61+s9+$0x0], $0xffff;
	v51 =	vadd.f32 v63, v51  }
.LBB2_23:
0x20c: {  	p0 =	sne.s32 s16, $0xA000;
	v52 =	vld [tilespmem:s15+$0x2D80]  }
0x20d: {  	v50 =	vadd.f32 v50, v51  }
0x20e: {  	v51 =	vld [tilespmem:s15+$0x2D90]  }
0x20f: {  	v49 =	vadd.f32 v49, v50  }
0x210: {  	v50 =	vld [tilespmem:s15+$0x2DA0]  }
0x211: {  	v49 =	vadd.f32 v52, v49  }
0x212: {  	v52 =	vld [tilespmem:s15+$0x2DB0]  }
0x213: {  	v49 =	vadd.f32 v51, v49  }
0x214: {  	v51 =	vld [tilespmem:s15+$0x2DC0]  }
0x215: {  	v49 =	vadd.f32 v50, v49  }
0x216: {  	v53 =	vld [tilespmem:s15+$0x2DD0]  }
.Ltmp10:
0x217: {  	v49 =	vadd.f32 v52, v49;
	(pc) =	sbr.rel @p0 .LBB2_23-.Ltmp10, $4  }
0x218: {  	v50 =	vld [tilespmem:s15+$0x2DE0]  }
0x219: {  	v51 =	vadd.f32 v51, v49  }
0x21a: {  	v49 =	vld [tilespmem:s15+$0x2DF0]  }
0x21b: {  	s15 =	sshra.s32 s16, $0x2;
	s16 =	sadd.s32 $0x1000, s16;
	v51 =	vadd.f32 v53, v51  }
0x21c: {  	v52 =	vld [tilespmem:s15+$0x2D80]  }
0x21d: {  	v50 =	vadd.f32 v50, v51  }
0x21e: {  	v56 =	vld [tilespmem:s15+$0x2D90]  }
0x21f: {  	v49 =	vadd.f32 v49, v50  }
0x220: {  	v57 =	vld [tilespmem:s15+$0x2DA0]  }
0x221: {  	v49 =	vadd.f32 v52, v49  }
0x222: {  	v58 =	vld [tilespmem:s15+$0x2DB0]  }
0x223: {  	v49 =	vadd.f32 v56, v49  }
0x224: {  	v59 =	vld [tilespmem:s15+$0x2DC0]  }
0x225: {  	v49 =	vadd.f32 v57, v49  }
0x226: {  	v60 =	vld [tilespmem:s15+$0x2DD0]  }
0x227: {  	v49 =	vadd.f32 v58, v49  }
0x228: {  	v61 =	vld [tilespmem:s15+$0x2DE0]  }
0x229: {  	v49 =	vadd.f32 v59, v49  }
0x22a: {  	v62 =	vld [tilespmem:s15+$0x2DF0]  }
0x22b: {  	s31 =	simm.s32 $0x0;
	v49 =	vadd.f32 v60, v49  }
0x22c: {  	v63 =	vld [tilespmem:s31+$0x2E00]  }
0x22d: {  	v49 =	vadd.f32 v61, v49  }
0x22e: {  	vm5 =	vge.s32 v21, v26;
	vm6 =	vlt.s32 v21, v44;
	v53 =	vld [tilespmem:s31+$0x2E10]  }
0x22f: {  	vm1 =	vmand vm5, vm6;
	v56 =	vsub.s32 v21, v26;
	v49 =	vadd.f32 v62, v49  }
0x230: {  	v54 =	vld [tilespmem:s31+$0x2E20];
	v57 =	vimm.s32 $0x0;
	v58 =	vnsel vm1, $0x0, v56  }
0x231: {  	v51 =	vsel vm1, $0xFFFFFFFF, v57;
	v52 =	vshll.u32 v58, $0x3;
	v49 =	vadd.f32 v63, v49  }
0x232: {  	[tilespmem:$0x1FFA0] =	vst v51;
	v51 =	vand.u32 $0x7F, v58;
	v52 =	vand.u32 $0xFFFFFC00, v52;
	v60 =	vld [tilespmem:s31+$0x2E30]  }
0x233: {  	v59 =	vor.u32 v52, v51;
	v49 =	vadd.f32 v53, v49  }
0x234: {  	v50 =	vor.u32 $0x100, v59;
	v62 =	vld [tilespmem:s31+$0x2E40]  }
0x235: {  	v49 =	vadd.f32 v54, v49  }
0x236: {  	v61 =	vor.u32 $0x100, v43;
	v63 =	vld [tilespmem:s31+$0x2E50]  }
0x237: {  	v51 =	vadd.f32 v60, v49  }
0x238: {  	v52 =	vld [tilespmem:s31+$0x2E60]  }
0x239: {  	v50 =	vld.idx.msk [tilespmem:v50+s9+$0x0], $0xffff;
	v53 =	vadd.f32 v62, v51  }
0x23a: {  	v51 =	vld [tilespmem:s31+$0x2E70]  }
0x23b: {  	s15 =	simm.s32 $0x400;
	s16 =	simm.s32 $0x2000;
	v49 =	vld.idx.msk [tilespmem:v61+s9+$0x0], $0xffff;
	v53 =	vadd.f32 v63, v53  }
.LBB2_25:
0x23c: {  	p0 =	sne.s32 s16, $0xA000;
	v54 =	vld [tilespmem:s15+$0x2E00]  }
0x23d: {  	v52 =	vadd.f32 v52, v53  }
0x23e: {  	v53 =	vld [tilespmem:s15+$0x2E10]  }
0x23f: {  	v51 =	vadd.f32 v51, v52  }
0x240: {  	v52 =	vld [tilespmem:s15+$0x2E20]  }
0x241: {  	v51 =	vadd.f32 v54, v51  }
0x242: {  	v54 =	vld [tilespmem:s15+$0x2E30]  }
0x243: {  	v51 =	vadd.f32 v53, v51  }
0x244: {  	v53 =	vld [tilespmem:s15+$0x2E40]  }
0x245: {  	v51 =	vadd.f32 v52, v51  }
0x246: {  	v55 =	vld [tilespmem:s15+$0x2E50]  }
.Ltmp11:
0x247: {  	v51 =	vadd.f32 v54, v51;
	(pc) =	sbr.rel @p0 .LBB2_25-.Ltmp11, $4  }
0x248: {  	v52 =	vld [tilespmem:s15+$0x2E60]  }
0x249: {  	v53 =	vadd.f32 v53, v51  }
0x24a: {  	v51 =	vld [tilespmem:s15+$0x2E70]  }
0x24b: {  	s15 =	sshra.s32 s16, $0x2;
	s16 =	sadd.s32 $0x1000, s16;
	v53 =	vadd.f32 v55, v53  }
0x24c: {  	v54 =	vld [tilespmem:s15+$0x2E00]  }
0x24d: {  	v52 =	vadd.f32 v52, v53  }
0x24e: {  	v61 =	vld [tilespmem:s15+$0x2E10]  }
0x24f: {  	v51 =	vadd.f32 v51, v52  }
0x250: {  	v62 =	vld [tilespmem:s15+$0x2E20]  }
0x251: {  	v51 =	vadd.f32 v54, v51  }
0x252: {  	v63 =	vld [tilespmem:s15+$0x2E30]  }
0x253: {  	v51 =	vadd.f32 v61, v51  }
0x254: {  	v57 =	vld [tilespmem:s15+$0x2E40]  }
0x255: {  	v51 =	vadd.f32 v62, v51  }
0x256: {  	v58 =	vld [tilespmem:s15+$0x2E50]  }
0x257: {  	v51 =	vadd.f32 v63, v51  }
0x258: {  	v59 =	vld [tilespmem:s15+$0x2E60]  }
0x259: {  	v51 =	vadd.f32 v57, v51  }
0x25a: {  	v60 =	vld [tilespmem:s15+$0x2E70]  }
0x25b: {  	s31 =	simm.s32 $0x0;
	v51 =	vadd.f32 v58, v51  }
0x25c: {  	v61 =	vld [tilespmem:s31+$0x2E80]  }
0x25d: {  	v51 =	vadd.f32 v59, v51  }
0x25e: {  	vm6 =	vge.s32 v22, v26;
	vm7 =	vlt.s32 v22, v44;
	v55 =	vld [tilespmem:s31+$0x2E90]  }
0x25f: {  	vm6 =	vmand vm6, vm7;
	v62 =	vsub.s32 v22, v26;
	v51 =	vadd.f32 v60, v51  }
0x260: {  	v56 =	vld [tilespmem:s31+$0x2EA0];
	v63 =	vnsel vm6, $0x0, v62  }
0x261: {  	v54 =	vshll.u32 v63, $0x3;
	v51 =	vadd.f32 v61, v51  }
0x262: {  	v53 =	vand.u32 $0x7F, v63;
	v54 =	vand.u32 $0xFFFFFC00, v54;
	v60 =	vld [tilespmem:s31+$0x2EB0]  }
0x263: {  	v59 =	vor.u32 v54, v53;
	v51 =	vadd.f32 v55, v51  }
0x264: {  	v62 =	vld [tilespmem:s31+$0x2EC0];
	v52 =	vor.u32 $0x180, v59  }
0x265: {  	v51 =	vadd.f32 v56, v51  }
0x266: {  	v63 =	vld [tilespmem:s31+$0x2ED0];
	v61 =	vor.u32 $0x180, v43  }
0x267: {  	v53 =	vadd.f32 v60, v51  }
0x268: {  	v54 =	vld [tilespmem:s31+$0x2EE0]  }
0x269: {  	v52 =	vld.idx.msk [tilespmem:v52+s9+$0x0], $0xffff;
	v55 =	vadd.f32 v62, v53  }
0x26a: {  	v53 =	vld [tilespmem:s31+$0x2EF0]  }
0x26b: {  	s15 =	simm.s32 $0x400;
	s16 =	simm.s32 $0x2000;
	v51 =	vld.idx.msk [tilespmem:v61+s9+$0x0], $0xffff;
	v55 =	vadd.f32 v63, v55  }
.LBB2_27:
0x26c: {  	p0 =	sne.s32 s16, $0xA000;
	v56 =	vld [tilespmem:s15+$0x2E80]  }
0x26d: {  	v54 =	vadd.f32 v54, v55  }
0x26e: {  	v55 =	vld [tilespmem:s15+$0x2E90]  }
0x26f: {  	v53 =	vadd.f32 v53, v54  }
0x270: {  	v54 =	vld [tilespmem:s15+$0x2EA0]  }
0x271: {  	v53 =	vadd.f32 v56, v53  }
0x272: {  	v56 =	vld [tilespmem:s15+$0x2EB0]  }
0x273: {  	v53 =	vadd.f32 v55, v53  }
0x274: {  	v55 =	vld [tilespmem:s15+$0x2EC0]  }
0x275: {  	v53 =	vadd.f32 v54, v53  }
0x276: {  	v57 =	vld [tilespmem:s15+$0x2ED0]  }
.Ltmp12:
0x277: {  	v53 =	vadd.f32 v56, v53;
	(pc) =	sbr.rel @p0 .LBB2_27-.Ltmp12, $4  }
0x278: {  	v54 =	vld [tilespmem:s15+$0x2EE0]  }
0x279: {  	v55 =	vadd.f32 v55, v53  }
0x27a: {  	v53 =	vld [tilespmem:s15+$0x2EF0]  }
0x27b: {  	s15 =	sshra.s32 s16, $0x2;
	s16 =	sadd.s32 $0x1000, s16;
	v55 =	vadd.f32 v57, v55  }
0x27c: {  	v56 =	vld [tilespmem:s15+$0x2E80]  }
0x27d: {  	v54 =	vadd.f32 v54, v55  }
0x27e: {  	v62 =	vld [tilespmem:s15+$0x2E90]  }
0x27f: {  	v53 =	vadd.f32 v53, v54  }
0x280: {  	v63 =	vld [tilespmem:s15+$0x2EA0]  }
0x281: {  	v53 =	vadd.f32 v56, v53  }
0x282: {  	v60 =	vld [tilespmem:s15+$0x2EB0]  }
0x283: {  	v53 =	vadd.f32 v62, v53  }
0x284: {  	v61 =	vld [tilespmem:s15+$0x2EC0]  }
0x285: {  	v53 =	vadd.f32 v63, v53  }
0x286: {  	v62 =	vld [tilespmem:s15+$0x2ED0]  }
0x287: {  	v53 =	vadd.f32 v60, v53  }
0x288: {  	v63 =	vld [tilespmem:s15+$0x2EE0]  }
0x289: {  	v53 =	vadd.f32 v61, v53  }
0x28a: {  	v60 =	vld [tilespmem:s15+$0x2EF0]  }
0x28b: {  	s31 =	simm.s32 $0x0;
	v53 =	vadd.f32 v62, v53  }
0x28c: {  	v61 =	vld [tilespmem:s31+$0x2F00]  }
0x28d: {  	v53 =	vadd.f32 v63, v53  }
0x28e: {  	vm7 =	vge.s32 v17, v26;
	vm8 =	vlt.s32 v17, v44;
	v57 =	vld [tilespmem:s31+$0x2F10]  }
0x28f: {  	vm8 =	vmand vm7, vm8;
	v62 =	vsub.s32 v17, v26;
	v53 =	vadd.f32 v60, v53  }
0x290: {  	v58 =	vld [tilespmem:s31+$0x2F20];
	v63 =	vnsel vm8, $0x0, v62  }
0x291: {  	v56 =	vshll.u32 v63, $0x3;
	v53 =	vadd.f32 v61, v53  }
0x292: {  	v55 =	vand.u32 $0x7F, v63;
	v56 =	vand.u32 $0xFFFFFC00, v56;
	v60 =	vld [tilespmem:s31+$0x2F30]  }
0x293: {  	v59 =	vor.u32 v56, v55;
	v53 =	vadd.f32 v57, v53  }
0x294: {  	v62 =	vld [tilespmem:s31+$0x2F40];
	v54 =	vor.u32 $0x200, v59  }
0x295: {  	v53 =	vadd.f32 v58, v53  }
0x296: {  	v63 =	vld [tilespmem:s31+$0x2F50];
	v61 =	vor.u32 $0x200, v43  }
0x297: {  	v55 =	vadd.f32 v60, v53  }
0x298: {  	v56 =	vld [tilespmem:s31+$0x2F60]  }
0x299: {  	v54 =	vld.idx.msk [tilespmem:v54+s9+$0x0], $0xffff;
	v57 =	vadd.f32 v62, v55  }
0x29a: {  	v55 =	vld [tilespmem:s31+$0x2F70]  }
0x29b: {  	s16 =	simm.s32 $0x2000;
	s15 =	simm.s32 $0x400;
	v53 =	vld.idx.msk [tilespmem:v61+s9+$0x0], $0xffff;
	v57 =	vadd.f32 v63, v57  }
.LBB2_29:
0x29c: {  	p0 =	sne.s32 s16, $0xA000;
	v58 =	vld [tilespmem:s15+$0x2F00]  }
0x29d: {  	v56 =	vadd.f32 v56, v57  }
0x29e: {  	v57 =	vld [tilespmem:s15+$0x2F10]  }
0x29f: {  	v55 =	vadd.f32 v55, v56  }
0x2a0: {  	v56 =	vld [tilespmem:s15+$0x2F20]  }
0x2a1: {  	v55 =	vadd.f32 v58, v55  }
0x2a2: {  	v58 =	vld [tilespmem:s15+$0x2F30]  }
0x2a3: {  	v55 =	vadd.f32 v57, v55  }
0x2a4: {  	v57 =	vld [tilespmem:s15+$0x2F40]  }
0x2a5: {  	v55 =	vadd.f32 v56, v55  }
0x2a6: {  	v59 =	vld [tilespmem:s15+$0x2F50]  }
.Ltmp13:
0x2a7: {  	v55 =	vadd.f32 v58, v55;
	(pc) =	sbr.rel @p0 .LBB2_29-.Ltmp13, $4  }
0x2a8: {  	v56 =	vld [tilespmem:s15+$0x2F60]  }
0x2a9: {  	v57 =	vadd.f32 v57, v55  }
0x2aa: {  	v55 =	vld [tilespmem:s15+$0x2F70]  }
0x2ab: {  	s15 =	sshra.s32 s16, $0x2;
	s16 =	sadd.s32 $0x1000, s16;
	v57 =	vadd.f32 v59, v57  }
0x2ac: {  	v58 =	vld [tilespmem:s15+$0x2F00]  }
0x2ad: {  	v56 =	vadd.f32 v56, v57  }
0x2ae: {  	v63 =	vld [tilespmem:s15+$0x2F10]  }
0x2af: {  	v55 =	vadd.f32 v55, v56  }
0x2b0: {  	v60 =	vld [tilespmem:s15+$0x2F20]  }
0x2b1: {  	v55 =	vadd.f32 v58, v55  }
0x2b2: {  	v61 =	vld [tilespmem:s15+$0x2F30]  }
0x2b3: {  	v55 =	vadd.f32 v63, v55  }
0x2b4: {  	v62 =	vld [tilespmem:s15+$0x2F40]  }
0x2b5: {  	v55 =	vadd.f32 v60, v55  }
0x2b6: {  	v63 =	vld [tilespmem:s15+$0x2F50]  }
0x2b7: {  	v55 =	vadd.f32 v61, v55  }
0x2b8: {  	v60 =	vld [tilespmem:s15+$0x2F60]  }
0x2b9: {  	v55 =	vadd.f32 v62, v55  }
0x2ba: {  	v61 =	vld [tilespmem:s15+$0x2F70]  }
0x2bb: {  	s31 =	simm.s32 $0x0;
	v55 =	vadd.f32 v63, v55  }
0x2bc: {  	vm7 =	vge.s32 v18, v26;
	vm12 =	vlt.s32 v18, v44;
	v56 =	vld [tilespmem:s31+$0x2F80]  }
0x2bd: {  	vm12 =	vmand vm7, vm12;
	v62 =	vsub.s32 v18, v26;
	v55 =	vadd.f32 v60, v55  }
0x2be: {  	v59 =	vld [tilespmem:s31+$0x2F90];
	v57 =	vnsel vm12, $0x0, v62  }
0x2bf: {  	v58 =	vshll.u32 v57, $0x3;
	v55 =	vadd.f32 v61, v55  }
0x2c0: {  	v57 =	vand.u32 $0x7F, v57;
	v58 =	vand.u32 $0xFFFFFC00, v58;
	v60 =	vld [tilespmem:s31+$0x2FA0]  }
0x2c1: {  	v63 =	vor.u32 v58, v57;
	v55 =	vadd.f32 v56, v55  }
0x2c2: {  	v57 =	vld [tilespmem:s31+$0x2FB0];
	v56 =	vor.u32 $0x280, v63  }
0x2c3: {  	v58 =	vor.u32 $0x280, v43;
	v55 =	vadd.f32 v59, v55;
	_ =	sdelay $0x1  }
0x2c4: {  	v59 =	vld [tilespmem:s31+$0x2FC0];
	v55 =	vadd.f32 v60, v55  }
0x2c5: {  	v60 =	vld [tilespmem:s31+$0x2FD0]  }
0x2c6: {  	v57 =	vadd.f32 v57, v55;
	v55 =	vld.idx.msk [tilespmem:v56+s9+$0x0], $0xffff  }
0x2c7: {  	v56 =	vld.idx.msk [tilespmem:v58+s9+$0x0], $0xffff  }
0x2c8: {  	v58 =	vld [tilespmem:s31+$0x2FE0]  }
0x2c9: {  	v59 =	vadd.f32 v59, v57  }
0x2ca: {  	v57 =	vld [tilespmem:s31+$0x2FF0]  }
0x2cb: {  	s16 =	simm.s32 $0x2000;
	s15 =	simm.s32 $0x400;
	v59 =	vadd.f32 v60, v59  }
.LBB2_31:
0x2cc: {  	p0 =	sne.s32 s16, $0xA000;
	v60 =	vld [tilespmem:s15+$0x2F80]  }
0x2cd: {  	v58 =	vadd.f32 v58, v59  }
0x2ce: {  	v59 =	vld [tilespmem:s15+$0x2F90]  }
0x2cf: {  	v57 =	vadd.f32 v57, v58  }
0x2d0: {  	v58 =	vld [tilespmem:s15+$0x2FA0]  }
0x2d1: {  	v57 =	vadd.f32 v60, v57  }
0x2d2: {  	v60 =	vld [tilespmem:s15+$0x2FB0]  }
0x2d3: {  	v57 =	vadd.f32 v59, v57  }
0x2d4: {  	v59 =	vld [tilespmem:s15+$0x2FC0]  }
0x2d5: {  	v57 =	vadd.f32 v58, v57  }
0x2d6: {  	v61 =	vld [tilespmem:s15+$0x2FD0]  }
.Ltmp14:
0x2d7: {  	v57 =	vadd.f32 v60, v57;
	(pc) =	sbr.rel @p0 .LBB2_31-.Ltmp14, $4  }
0x2d8: {  	v58 =	vld [tilespmem:s15+$0x2FE0]  }
0x2d9: {  	v59 =	vadd.f32 v59, v57  }
0x2da: {  	v57 =	vld [tilespmem:s15+$0x2FF0]  }
0x2db: {  	s15 =	sshra.s32 s16, $0x2;
	s16 =	sadd.s32 $0x1000, s16;
	v59 =	vadd.f32 v61, v59  }
0x2dc: {  	v60 =	vld [tilespmem:s15+$0x2F80]  }
0x2dd: {  	v58 =	vadd.f32 v58, v59  }
0x2de: {  	v59 =	vld [tilespmem:s15+$0x2F90]  }
0x2df: {  	v57 =	vadd.f32 v57, v58  }
0x2e0: {  	v58 =	vld [tilespmem:s15+$0x2FA0]  }
0x2e1: {  	v57 =	vadd.f32 v60, v57  }
0x2e2: {  	v60 =	vld [tilespmem:s15+$0x2FB0]  }
0x2e3: {  	v57 =	vadd.f32 v59, v57  }
0x2e4: {  	v59 =	vld [tilespmem:s15+$0x2FC0]  }
0x2e5: {  	v57 =	vadd.f32 v58, v57  }
0x2e6: {  	v58 =	vld [tilespmem:s15+$0x2FD0]  }
0x2e7: {  	v57 =	vadd.f32 v60, v57  }
0x2e8: {  	v60 =	vld [tilespmem:s15+$0x2FE0]  }
0x2e9: {  	v57 =	vadd.f32 v59, v57  }
0x2ea: {  	v59 =	vld [tilespmem:s15+$0x2FF0]  }
0x2eb: {  	s31 =	simm.s32 $0x0;
	v57 =	vadd.f32 v58, v57  }
0x2ec: {  	v58 =	vld [tilespmem:s31+$0x3000]  }
0x2ed: {  	vm7 =	vge.s32 v19, v26;
	vm13 =	vlt.s32 v19, v44;
	v57 =	vadd.f32 v60, v57  }
0x2ee: {  	vm13 =	vmand vm7, vm13;
	v61 =	vld [tilespmem:s31+$0x3010];
	v60 =	vsub.s32 v19, v26  }
0x2ef: {  	v57 =	vadd.f32 v59, v57;
	v59 =	vnsel vm13, $0x0, v60  }
0x2f0: {  	v62 =	vld [tilespmem:s31+$0x3020];
	v60 =	vshll.u32 v59, $0x3  }
0x2f1: {  	v59 =	vand.u32 $0x7F, v59;
	v60 =	vand.u32 $0xFFFFFC00, v60;
	v57 =	vadd.f32 v58, v57  }
0x2f2: {  	v63 =	vor.u32 v60, v59;
	v59 =	vld [tilespmem:s31+$0x3030];
	v60 =	vor.u32 $0x300, v43  }
0x2f3: {  	v57 =	vadd.f32 v61, v57  }
0x2f4: {  	v61 =	vld [tilespmem:s31+$0x3040]  }
0x2f5: {  	v57 =	vadd.f32 v62, v57  }
0x2f6: {  	v58 =	vor.u32 $0x300, v63;
	v62 =	vld [tilespmem:s31+$0x3050]  }
0x2f7: {  	v59 =	vadd.f32 v59, v57;
	v57 =	vld.idx.msk [tilespmem:v60+s9+$0x0], $0xffff  }
0x2f8: {  	v60 =	vld [tilespmem:s31+$0x3060]  }
0x2f9: {  	v61 =	vadd.f32 v61, v59  }
0x2fa: {  	v59 =	vld [tilespmem:s31+$0x3070]  }
0x2fb: {  	s16 =	simm.s32 $0x2000;
	s15 =	simm.s32 $0x400;
	v58 =	vld.idx.msk [tilespmem:v58+s9+$0x0], $0xffff;
	v61 =	vadd.f32 v62, v61  }
.LBB2_33:
0x2fc: {  	p0 =	sne.s32 s16, $0xA000;
	v62 =	vld [tilespmem:s15+$0x3000]  }
0x2fd: {  	v60 =	vadd.f32 v60, v61  }
0x2fe: {  	v61 =	vld [tilespmem:s15+$0x3010]  }
0x2ff: {  	v59 =	vadd.f32 v59, v60  }
0x300: {  	v60 =	vld [tilespmem:s15+$0x3020]  }
0x301: {  	v59 =	vadd.f32 v62, v59  }
0x302: {  	v62 =	vld [tilespmem:s15+$0x3030]  }
0x303: {  	v59 =	vadd.f32 v61, v59  }
0x304: {  	v61 =	vld [tilespmem:s15+$0x3040]  }
0x305: {  	v59 =	vadd.f32 v60, v59  }
0x306: {  	v63 =	vld [tilespmem:s15+$0x3050]  }
.Ltmp15:
0x307: {  	v59 =	vadd.f32 v62, v59;
	(pc) =	sbr.rel @p0 .LBB2_33-.Ltmp15, $4  }
0x308: {  	v60 =	vld [tilespmem:s15+$0x3060]  }
0x309: {  	v61 =	vadd.f32 v61, v59  }
0x30a: {  	v59 =	vld [tilespmem:s15+$0x3070]  }
0x30b: {  	s15 =	sshra.s32 s16, $0x2;
	s16 =	sadd.s32 $0x1000, s16;
	v61 =	vadd.f32 v63, v61  }
0x30c: {  	vm7 =	vmmov $0x1  }
0x30d: {  	vm10 =	vmand vm11, vm7  }
0x30e: {  	vm14 =	vmand vm14, vm7;
	vm11 =	vne.s32 v23, $0x1863C;
	vm3 =	vmand vm3, vm7  }
0x30f: {  	vm0 =	vmand vm0, vm7;
	v28 =	vnsel vm10, $0x0, v28;
	vm10 =	vmand vm11, vm14  }
0x310: {  	v32 =	vnsel vm3, $0x0, v32;
	vm3 =	vmand vm4, vm7;
	vm4 =	vne.s32 v22, $0x1863C  }
0x311: {  	v27 =	vnsel vm10, $0x0, v27;
	vm10 =	vmand vm9, vm7;
	v24 =	vadd.f32 v28, v24  }
0x312: {  	vm9 =	vne.s32 v20, $0x1863C;
	v34 =	vnsel vm3, $0x0, v34;
	v30 =	vnsel vm10, $0x0, v30  }
0x313: {  	vm3 =	vne.s32 v17, $0x1863C;
	vm10 =	vmand vm9, vm14;
	v24 =	vadd.f32 v30, v24  }
0x314: {  	v25 =	vadd.f32 v27, v25;
	v29 =	vnsel vm10, $0x0, v29;
	vm10 =	vne.s32 v21, $0x1863C  }
0x315: {  	v27 =	vnsel vm0, $0x0, v37;
	vm2 =	vmand vm10, vm14;
	v24 =	vadd.f32 v32, v24  }
0x316: {  	v25 =	vadd.f32 v29, v25;
	v31 =	vnsel vm2, $0x0, v31;
	vm2 =	vmand vm4, vm14  }
0x317: {  	v33 =	vnsel vm2, $0x0, v33;
	vm2 =	vmand vm15, vm7;
	v24 =	vadd.f32 v34, v24  }
0x318: {  	vm0 =	vne.s32 v19, $0x1863C;
	v25 =	vadd.f32 v31, v25;
	v36 =	vnsel vm2, $0x0, v36  }
0x319: {  	vm15 =	vmand vm0, vm14;
	vm2 =	vmand vm3, vm14;
	v24 =	vadd.f32 v36, v24  }
0x31a: {  	v62 =	vnsel vm15, $0x0, v40;
	v40 =	vld [tilespmem:$0x1FFE0];
	v28 =	vnsel vm2, $0x0, v35;
	vm2 =	vne.s32 v18, $0x1863C  }
0x31b: {  	vm1 =	vmand vm2, vm14;
	v24 =	vadd.f32 v27, v24;
	v27 =	vld [tilespmem:$0x1FFD0]  }
0x31c: {  	v25 =	vadd.f32 v33, v25;
	v30 =	vnsel vm1, $0x0, v38;
	v38 =	vadd.f32 v60, v61;
	v61 =	vld [tilespmem:$0x1FFF0];
	_ =	sdelay $0x1  }
0x31d: {  	v25 =	vadd.f32 v28, v25  }
0x31e: {  	v60 =	vld [tilespmem:s15+$0x3000];
	vm5 =	vnez.u8 v40  }
0x31f: {  	v25 =	vadd.f32 v30, v25;
	vm15 =	vmand vm5, vm7;
	vm5 =	vnez.u8 v27;
	v27 =	vld [tilespmem:$0x1FFC0]  }
0x320: {  	v63 =	vld [tilespmem:s15+$0x3010];
	vm1 =	vnez.u8 v61  }
0x321: {  	v29 =	vadd.f32 v59, v38;
	v25 =	vadd.f32 v62, v25;
	v62 =	vld [tilespmem:$0x1FFB0];
	vm1 =	vmand vm1, vm7  }
0x322: {  	vm6 =	vmand vm6, vm7;
	v31 =	vnsel vm1, $0x0, v39;
	vm1 =	vne.s32 v16, $0x1863C  }
0x323: {  	v41 =	vnsel vm15, $0x0, v41;
	v60 =	vadd.f32 v60, v29;
	vm14 =	vmand vm1, vm14  }
0x324: {  	v39 =	vld [tilespmem:$0x1FFA0];
	v59 =	vnsel vm14, $0x0, v42;
	vm14 =	vmand vm5, vm7;
	vm5 =	vnez.u8 v27  }
0x325: {  	v24 =	vadd.f32 v31, v24;
	vm15 =	vmand vm5, vm7;
	vm5 =	vmand vm11, vm14  }
0x326: {  	v28 =	vadd.f32 v63, v60;
	v63 =	vld [tilespmem:s15+$0x3020];
	v61 =	vnsel vm5, $0x0, v46;
	vm5 =	vnez.u8 v62  }
0x327: {  	vm8 =	vmand vm8, vm7;
	v24 =	vadd.f32 v41, v24;
	vm5 =	vmand vm5, vm7  }
0x328: {  	v25 =	vadd.f32 v59, v25;
	v37 =	vnsel vm5, $0x0, v48;
	vm5 =	vmand vm9, vm14  }
0x329: {  	v40 =	vld [tilespmem:s15+$0x3030];
	v27 =	vnsel vm15, $0x0, v45;
	v38 =	vnsel vm5, $0x0, v47;
	vm5 =	vnez.u8 v39  }
0x32a: {  	vm15 =	vlt.s32 v16, v44;
	v24 =	vadd.f32 v27, v24;
	vm5 =	vmand vm5, vm7  }
0x32b: {  	v27 =	vadd.f32 v63, v28;
	v41 =	vnsel vm5, $0x0, v50;
	vm5 =	vge.s32 v16, v26  }
0x32c: {  	v25 =	vadd.f32 v61, v25;
	v26 =	vsub.s32 v16, v26;
	vm5 =	vmand vm5, vm15  }
0x32d: {  	v45 =	vld [tilespmem:s15+$0x3040];
	v46 =	vnsel vm6, $0x0, v52;
	v24 =	vadd.f32 v37, v24;
	v26 =	vnsel vm5, $0x0, v26  }
0x32e: {  	v27 =	vadd.f32 v40, v27;
	v25 =	vadd.f32 v38, v25;
	v44 =	vshll.u32 v26, $0x3  }
0x32f: {  	vm15 =	vmand vm10, vm14;
	v26 =	vand.u32 $0x7F, v26;
	v28 =	vand.u32 $0xFFFFFC00, v44  }
0x330: {  	v47 =	vor.u32 $0x380, v43;
	v42 =	vnsel vm15, $0x0, v49;
	v26 =	vor.u32 v28, v26  }
0x331: {  	vm6 =	vmand vm4, vm14;
	v25 =	vadd.f32 v42, v25;
	v26 =	vor.u32 $0x380, v26  }
0x332: {  	v27 =	vadd.f32 v45, v27;
	v24 =	vadd.f32 v41, v24;
	v49 =	vnsel vm6, $0x0, v51  }
0x333: {  	v48 =	vld [tilespmem:s15+$0x3050];
	v51 =	vnsel vm8, $0x0, v54;
	vm6 =	vmand vm3, vm14;
	v25 =	vadd.f32 v49, v25  }
0x334: {  	v50 =	vld [tilespmem:s15+$0x3060];
	vm8 =	vmand vm2, vm14;
	v24 =	vadd.f32 v46, v24;
	v54 =	vnsel vm6, $0x0, v53  }
0x335: {  	vm6 =	vmand vm12, vm7;
	v59 =	vnsel vm8, $0x0, v56;
	v60 =	vld.idx.msk [tilespmem:v47+s9+$0x0], $0xffff;
	v25 =	vadd.f32 v54, v25  }
0x336: {  	s14 =	sadd.s32 $0x1, s14;
	v55 =	vnsel vm6, $0x0, v55;
	vm6 =	vmand vm13, vm7;
	v24 =	vadd.f32 v51, v24;
	v26 =	vld.idx.msk [tilespmem:v26+s9+$0x0], $0xffff  }
0x337: {  	p0 =	sne.s32 s14, $0x23;
	v52 =	vld [tilespmem:s15+$0x3070];
	v61 =	vnsel vm6, $0x0, v58;
	vm6 =	vmand vm0, vm14;
	v25 =	vadd.f32 v59, v25  }
.Ltmp16:
0x338: {  	v27 =	vadd.f32 v48, v27;
	v62 =	vnsel vm6, $0x0, v57;
	v24 =	vadd.f32 v55, v24;
	(pc) =	sbr.rel @p0 .LBB2_2-.Ltmp16, $4  }
0x339: {  	vm5 =	vmand vm5, vm7;
	vm6 =	vmand vm1, vm14;
	v25 =	vadd.f32 v62, v25  }
0x33a: {  	v27 =	vadd.f32 v50, v27;
	v28 =	vnsel vm6, $0x0, v60;
	v24 =	vadd.f32 v61, v24  }
0x33b: {  	v25 =	vadd.f32 v28, v25;
	v63 =	vnsel vm5, $0x0, v26  }
0x33c: {  	v26 =	vadd.f32 v52, v27;
	v24 =	vadd.f32 v63, v24  }
0x33d: {  	_ =	swait.ge [sflag:s10], $0x2C00  }
0x33e: {  	[sflag:s10] =	ssyncset.done $0x0  }
0x33f: {  	s14 =	simm.s32 $0x0;
	[sflag:s10] =	ssyncadd.s32 $0xFFFFD400  }
0x340: {  	v27 =	vld [tilespmem:s14+$0x80];
	_ =	sdelay $0x1  }
0x341: {  	v28 =	vld [tilespmem:s14+$0x90];
	_ =	sdelay $0x1  }
0x342: {  	v29 =	vld [tilespmem:s14+$0xA0]  }
0x343: {  	v26 =	vadd.f32 v27, v26  }
0x344: {  	v27 =	vld [tilespmem:s14+$0xB0]  }
0x345: {  	v26 =	vadd.f32 v28, v26  }
0x346: {  	v28 =	vld [tilespmem:s14+$0xC0]  }
0x347: {  	v26 =	vadd.f32 v29, v26  }
0x348: {  	v29 =	vld [tilespmem:s14+$0xD0]  }
0x349: {  	v26 =	vadd.f32 v27, v26  }
0x34a: {  	v27 =	vld [tilespmem:s14+$0xE0]  }
0x34b: {  	v28 =	vadd.f32 v28, v26  }
0x34c: {  	v26 =	vld [tilespmem:s14+$0xF0]  }
0x34d: {  	s15 =	simm.s32 $0x2000;
	s14 =	simm.s32 $0x400;
	v28 =	vadd.f32 v29, v28  }
.LBB2_36:
0x34e: {  	p0 =	sne.s32 s15, $0xA000;
	v29 =	vld [tilespmem:s14+$0x80]  }
0x34f: {  	v27 =	vadd.f32 v27, v28  }
0x350: {  	v28 =	vld [tilespmem:s14+$0x90]  }
0x351: {  	v26 =	vadd.f32 v26, v27  }
0x352: {  	v27 =	vld [tilespmem:s14+$0xA0]  }
0x353: {  	v26 =	vadd.f32 v29, v26  }
0x354: {  	v29 =	vld [tilespmem:s14+$0xB0]  }
0x355: {  	v26 =	vadd.f32 v28, v26  }
0x356: {  	v28 =	vld [tilespmem:s14+$0xC0]  }
0x357: {  	v26 =	vadd.f32 v27, v26  }
0x358: {  	v30 =	vld [tilespmem:s14+$0xD0]  }
.Ltmp17:
0x359: {  	v26 =	vadd.f32 v29, v26;
	(pc) =	sbr.rel @p0 .LBB2_36-.Ltmp17, $4  }
0x35a: {  	v27 =	vld [tilespmem:s14+$0xE0]  }
0x35b: {  	v28 =	vadd.f32 v28, v26  }
0x35c: {  	v26 =	vld [tilespmem:s14+$0xF0]  }
0x35d: {  	s14 =	sshra.s32 s15, $0x2;
	s15 =	sadd.s32 $0x1000, s15;
	v28 =	vadd.f32 v30, v28  }
0x35e: {  	v29 =	vld [tilespmem:s14+$0x80]  }
0x35f: {  	v27 =	vadd.f32 v27, v28  }
0x360: {  	v28 =	vld [tilespmem:s14+$0x90]  }
0x361: {  	v26 =	vadd.f32 v26, v27  }
0x362: {  	v27 =	vld [tilespmem:s14+$0xA0]  }
0x363: {  	v26 =	vadd.f32 v29, v26  }
0x364: {  	v29 =	vld [tilespmem:s14+$0xB0]  }
0x365: {  	v26 =	vadd.f32 v28, v26  }
0x366: {  	v28 =	vld [tilespmem:s14+$0xC0]  }
0x367: {  	v26 =	vadd.f32 v27, v26  }
0x368: {  	v27 =	vld [tilespmem:s14+$0xD0]  }
0x369: {  	v26 =	vadd.f32 v29, v26  }
0x36a: {  	v29 =	vld [tilespmem:s14+$0xE0]  }
0x36b: {  	v26 =	vadd.f32 v28, v26  }
0x36c: {  	v28 =	vld [tilespmem:s14+$0xF0]  }
0x36d: {  	v26 =	vadd.f32 v27, v26  }
0x36e: {  	s31 =	simm.s32 $0x0  }
0x36f: {  	v27 =	vld [tilespmem:s31+$0x100];
	v26 =	vadd.f32 v29, v26  }
0x370: {  	v29 =	vadd.s32 $0xFFFE7F00, v23  }
0x371: {  	v30 =	vld [tilespmem:s31+$0x110];
	vm5 =	vlt.u32 v29, $0x580;
	v26 =	vadd.f32 v28, v26;
	v28 =	vimm.s32 $0x0  }
0x372: {  	v28 =	vsel vm5, $0xFFFFFFFF, v28  }
0x373: {  	[tilespmem:$0x1FF90] =	vst v28;
	v28 =	vnsel vm5, $0x0, v29;
	v29 =	vld [tilespmem:s31+$0x120]  }
0x374: {  	v26 =	vadd.f32 v27, v26;
	v31 =	vshll.u32 v28, $0x3  }
0x375: {  	v27 =	vand.u32 $0x7F, v28;
	v28 =	vand.u32 $0xFFFFFC00, v31;
	v31 =	vld [tilespmem:s31+$0x130]  }
0x376: {  	v26 =	vadd.f32 v30, v26  }
0x377: {  	v27 =	vor.u32 v27, v28;
	v28 =	vld [tilespmem:s31+$0x140]  }
0x378: {  	v26 =	vadd.f32 v29, v26;
	_ =	sdelay $0x1  }
0x379: {  	v30 =	vld [tilespmem:s31+$0x150];
	v29 =	vadd.f32 v31, v26;
	_ =	sdelay $0x1  }
0x37a: {  	v31 =	vadd.f32 v28, v29;
	v29 =	vld [tilespmem:s31+$0x160]  }
0x37b: {  	v26 =	vld.idx.msk [tilespmem:v27+s8+$0x0], $0xffff  }
0x37c: {  	v28 =	vld [tilespmem:s31+$0x170]  }
0x37d: {  	s15 =	simm.s32 $0x2000;
	s14 =	simm.s32 $0x400;
	v27 =	vld.idx.msk [tilespmem:v7+s8+$0x0], $0xffff;
	v30 =	vadd.f32 v30, v31  }
.LBB2_38:
0x37e: {  	p0 =	sne.s32 s15, $0xA000;
	v31 =	vld [tilespmem:s14+$0x100]  }
0x37f: {  	v29 =	vadd.f32 v29, v30  }
0x380: {  	v30 =	vld [tilespmem:s14+$0x110]  }
0x381: {  	v28 =	vadd.f32 v28, v29  }
0x382: {  	v29 =	vld [tilespmem:s14+$0x120]  }
0x383: {  	v28 =	vadd.f32 v31, v28  }
0x384: {  	v31 =	vld [tilespmem:s14+$0x130]  }
0x385: {  	v28 =	vadd.f32 v30, v28  }
0x386: {  	v30 =	vld [tilespmem:s14+$0x140]  }
0x387: {  	v28 =	vadd.f32 v29, v28  }
0x388: {  	v32 =	vld [tilespmem:s14+$0x150]  }
.Ltmp18:
0x389: {  	v28 =	vadd.f32 v31, v28;
	(pc) =	sbr.rel @p0 .LBB2_38-.Ltmp18, $4  }
0x38a: {  	v29 =	vld [tilespmem:s14+$0x160]  }
0x38b: {  	v30 =	vadd.f32 v30, v28  }
0x38c: {  	v28 =	vld [tilespmem:s14+$0x170]  }
0x38d: {  	s14 =	sshra.s32 s15, $0x2;
	s15 =	sadd.s32 $0x1000, s15;
	v30 =	vadd.f32 v32, v30  }
0x38e: {  	v31 =	vld [tilespmem:s14+$0x100]  }
0x38f: {  	v29 =	vadd.f32 v29, v30  }
0x390: {  	v30 =	vld [tilespmem:s14+$0x110]  }
0x391: {  	v28 =	vadd.f32 v28, v29  }
0x392: {  	v29 =	vld [tilespmem:s14+$0x120]  }
0x393: {  	v28 =	vadd.f32 v31, v28  }
0x394: {  	v31 =	vld [tilespmem:s14+$0x130]  }
0x395: {  	v28 =	vadd.f32 v30, v28  }
0x396: {  	v30 =	vld [tilespmem:s14+$0x140]  }
0x397: {  	v28 =	vadd.f32 v29, v28  }
0x398: {  	v29 =	vld [tilespmem:s14+$0x150]  }
0x399: {  	v28 =	vadd.f32 v31, v28  }
0x39a: {  	v31 =	vld [tilespmem:s14+$0x160]  }
0x39b: {  	v28 =	vadd.f32 v30, v28  }
0x39c: {  	v30 =	vld [tilespmem:s14+$0x170]  }
0x39d: {  	v28 =	vadd.f32 v29, v28;
	_ =	sdelay $0x1  }
0x39e: {  	s31 =	simm.s32 $0x0;
	v28 =	vadd.f32 v31, v28  }
0x39f: {  	v29 =	vld [tilespmem:s31+$0x180];
	v31 =	vadd.s32 $0xFFFE7F00, v20  }
0x3a0: {  	vm5 =	vlt.u32 v31, $0x580;
	v28 =	vadd.f32 v30, v28;
	v30 =	vimm.s32 $0x0  }
0x3a1: {  	v32 =	vld [tilespmem:s31+$0x190];
	v30 =	vsel vm5, $0xFFFFFFFF, v30  }
0x3a2: {  	[tilespmem:$0x1FF80] =	vst v30;
	v30 =	vnsel vm5, $0x0, v31  }
0x3a3: {  	v33 =	vld [tilespmem:s31+$0x1A0];
	v31 =	vshll.u32 v30, $0x3  }
0x3a4: {  	v28 =	vadd.f32 v29, v28;
	v30 =	vand.u32 $0x7F, v30;
	v31 =	vand.u32 $0xFFFFFC00, v31  }
0x3a5: {  	v29 =	vor.u32 v31, v30;
	v30 =	vld [tilespmem:s31+$0x1B0]  }
0x3a6: {  	v28 =	vadd.f32 v32, v28  }
0x3a7: {  	v31 =	vld [tilespmem:s31+$0x1C0]  }
0x3a8: {  	v28 =	vadd.f32 v33, v28;
	_ =	sdelay $0x1  }
0x3a9: {  	v62 =	vld [tilespmem:s31+$0x1D0];
	v29 =	vor.u32 $0x80, v29;
	v30 =	vadd.f32 v30, v28;
	_ =	sdelay $0x1  }
0x3aa: {  	v63 =	vadd.f32 v31, v30;
	v31 =	vld [tilespmem:s31+$0x1E0]  }
0x3ab: {  	v28 =	vld.idx.msk [tilespmem:v8+s8+$0x0], $0xffff  }
0x3ac: {  	v30 =	vld [tilespmem:s31+$0x1F0]  }
0x3ad: {  	s15 =	simm.s32 $0x2000;
	s14 =	simm.s32 $0x400;
	v29 =	vld.idx.msk [tilespmem:v29+s8+$0x0], $0xffff;
	v32 =	vadd.f32 v62, v63  }
.LBB2_40:
0x3ae: {  	p0 =	sne.s32 s15, $0xA000;
	v33 =	vld [tilespmem:s14+$0x180]  }
0x3af: {  	v31 =	vadd.f32 v31, v32  }
0x3b0: {  	v32 =	vld [tilespmem:s14+$0x190]  }
0x3b1: {  	v30 =	vadd.f32 v30, v31  }
0x3b2: {  	v31 =	vld [tilespmem:s14+$0x1A0]  }
0x3b3: {  	v30 =	vadd.f32 v33, v30  }
0x3b4: {  	v33 =	vld [tilespmem:s14+$0x1B0]  }
0x3b5: {  	v30 =	vadd.f32 v32, v30  }
0x3b6: {  	v32 =	vld [tilespmem:s14+$0x1C0]  }
0x3b7: {  	v30 =	vadd.f32 v31, v30  }
0x3b8: {  	v34 =	vld [tilespmem:s14+$0x1D0]  }
.Ltmp19:
0x3b9: {  	v30 =	vadd.f32 v33, v30;
	(pc) =	sbr.rel @p0 .LBB2_40-.Ltmp19, $4  }
0x3ba: {  	v31 =	vld [tilespmem:s14+$0x1E0]  }
0x3bb: {  	v32 =	vadd.f32 v32, v30  }
0x3bc: {  	v30 =	vld [tilespmem:s14+$0x1F0]  }
0x3bd: {  	s14 =	sshra.s32 s15, $0x2;
	s15 =	sadd.s32 $0x1000, s15;
	v32 =	vadd.f32 v34, v32  }
0x3be: {  	v33 =	vld [tilespmem:s14+$0x180]  }
0x3bf: {  	v31 =	vadd.f32 v31, v32  }
0x3c0: {  	v52 =	vld [tilespmem:s14+$0x190]  }
0x3c1: {  	v30 =	vadd.f32 v30, v31  }
0x3c2: {  	v31 =	vld [tilespmem:s14+$0x1A0]  }
0x3c3: {  	v30 =	vadd.f32 v33, v30  }
0x3c4: {  	v53 =	vld [tilespmem:s14+$0x1B0]  }
0x3c5: {  	v30 =	vadd.f32 v52, v30  }
0x3c6: {  	v54 =	vld [tilespmem:s14+$0x1C0]  }
0x3c7: {  	v30 =	vadd.f32 v31, v30  }
0x3c8: {  	v31 =	vld [tilespmem:s14+$0x1D0]  }
0x3c9: {  	v30 =	vadd.f32 v53, v30  }
0x3ca: {  	v55 =	vld [tilespmem:s14+$0x1E0]  }
0x3cb: {  	v30 =	vadd.f32 v54, v30  }
0x3cc: {  	v56 =	vld [tilespmem:s14+$0x1F0]  }
0x3cd: {  	s31 =	simm.s32 $0x0;
	v30 =	vadd.f32 v31, v30  }
0x3ce: {  	v31 =	vld [tilespmem:s31+$0x200]  }
0x3cf: {  	v30 =	vadd.f32 v55, v30  }
0x3d0: {  	v57 =	vadd.s32 $0xFFFE7F00, v21;
	v34 =	vld [tilespmem:s31+$0x210]  }
0x3d1: {  	vm5 =	vlt.u32 v57, $0x580;
	v30 =	vadd.f32 v56, v30  }
0x3d2: {  	v58 =	vimm.s32 $0x0;
	v35 =	vld [tilespmem:s31+$0x220];
	v59 =	vnsel vm5, $0x0, v57  }
0x3d3: {  	v32 =	vsel vm5, $0xFFFFFFFF, v58;
	v33 =	vshll.u32 v59, $0x3;
	v30 =	vadd.f32 v31, v30  }
0x3d4: {  	v60 =	vld [tilespmem:s31+$0x230];
	[tilespmem:$0x1FF70] =	vst v32;
	v32 =	vand.u32 $0x7F, v59;
	v33 =	vand.u32 $0xFFFFFC00, v33  }
0x3d5: {  	v31 =	vor.u32 v33, v32;
	v30 =	vadd.f32 v34, v30  }
0x3d6: {  	v61 =	vld [tilespmem:s31+$0x240];
	v31 =	vor.u32 $0x100, v31  }
0x3d7: {  	v30 =	vadd.f32 v35, v30  }
0x3d8: {  	v62 =	vld [tilespmem:s31+$0x250]  }
0x3d9: {  	v32 =	vadd.f32 v60, v30  }
0x3da: {  	v33 =	vld [tilespmem:s31+$0x260]  }
0x3db: {  	v31 =	vld.idx.msk [tilespmem:v31+s8+$0x0], $0xffff;
	v63 =	vadd.f32 v61, v32  }
0x3dc: {  	v32 =	vld [tilespmem:s31+$0x270]  }
0x3dd: {  	s15 =	simm.s32 $0x2000;
	s14 =	simm.s32 $0x400;
	v30 =	vld.idx.msk [tilespmem:v9+s8+$0x0], $0xffff;
	v34 =	vadd.f32 v62, v63  }
.LBB2_42:
0x3de: {  	p0 =	sne.s32 s15, $0xA000;
	v35 =	vld [tilespmem:s14+$0x200]  }
0x3df: {  	v33 =	vadd.f32 v33, v34  }
0x3e0: {  	v34 =	vld [tilespmem:s14+$0x210]  }
0x3e1: {  	v32 =	vadd.f32 v32, v33  }
0x3e2: {  	v33 =	vld [tilespmem:s14+$0x220]  }
0x3e3: {  	v32 =	vadd.f32 v35, v32  }
0x3e4: {  	v35 =	vld [tilespmem:s14+$0x230]  }
0x3e5: {  	v32 =	vadd.f32 v34, v32  }
0x3e6: {  	v34 =	vld [tilespmem:s14+$0x240]  }
0x3e7: {  	v32 =	vadd.f32 v33, v32  }
0x3e8: {  	v36 =	vld [tilespmem:s14+$0x250]  }
.Ltmp20:
0x3e9: {  	v32 =	vadd.f32 v35, v32;
	(pc) =	sbr.rel @p0 .LBB2_42-.Ltmp20, $4  }
0x3ea: {  	v33 =	vld [tilespmem:s14+$0x260]  }
0x3eb: {  	v34 =	vadd.f32 v34, v32  }
0x3ec: {  	v32 =	vld [tilespmem:s14+$0x270]  }
0x3ed: {  	s14 =	sshra.s32 s15, $0x2;
	s15 =	sadd.s32 $0x1000, s15;
	v34 =	vadd.f32 v36, v34  }
0x3ee: {  	v35 =	vld [tilespmem:s14+$0x200]  }
0x3ef: {  	v33 =	vadd.f32 v33, v34  }
0x3f0: {  	v49 =	vld [tilespmem:s14+$0x210]  }
0x3f1: {  	v32 =	vadd.f32 v32, v33  }
0x3f2: {  	v50 =	vld [tilespmem:s14+$0x220]  }
0x3f3: {  	v32 =	vadd.f32 v35, v32  }
0x3f4: {  	v51 =	vld [tilespmem:s14+$0x230]  }
0x3f5: {  	v32 =	vadd.f32 v49, v32  }
0x3f6: {  	v52 =	vld [tilespmem:s14+$0x240]  }
0x3f7: {  	v32 =	vadd.f32 v50, v32  }
0x3f8: {  	v53 =	vld [tilespmem:s14+$0x250]  }
0x3f9: {  	v32 =	vadd.f32 v51, v32  }
0x3fa: {  	v54 =	vld [tilespmem:s14+$0x260]  }
0x3fb: {  	v32 =	vadd.f32 v52, v32  }
0x3fc: {  	v55 =	vld [tilespmem:s14+$0x270]  }
0x3fd: {  	s31 =	simm.s32 $0x0;
	v32 =	vadd.f32 v53, v32  }
0x3fe: {  	v56 =	vld [tilespmem:s31+$0x280]  }
0x3ff: {  	v32 =	vadd.f32 v54, v32  }
0x400: {  	v57 =	vadd.s32 $0xFFFE7F00, v22;
	v36 =	vld [tilespmem:s31+$0x290]  }
0x401: {  	vm12 =	vlt.u32 v57, $0x580;
	v32 =	vadd.f32 v55, v32  }
0x402: {  	v37 =	vld [tilespmem:s31+$0x2A0];
	v58 =	vnsel vm12, $0x0, v57  }
0x403: {  	v35 =	vshll.u32 v58, $0x3;
	v32 =	vadd.f32 v56, v32  }
0x404: {  	v60 =	vld [tilespmem:s31+$0x2B0];
	v34 =	vand.u32 $0x7F, v58;
	v35 =	vand.u32 $0xFFFFFC00, v35  }
0x405: {  	v59 =	vor.u32 v35, v34;
	v32 =	vadd.f32 v36, v32  }
0x406: {  	v61 =	vld [tilespmem:s31+$0x2C0];
	v33 =	vor.u32 $0x180, v59  }
0x407: {  	v32 =	vadd.f32 v37, v32  }
0x408: {  	v62 =	vld [tilespmem:s31+$0x2D0]  }
0x409: {  	v34 =	vadd.f32 v60, v32  }
0x40a: {  	v35 =	vld [tilespmem:s31+$0x2E0]  }
0x40b: {  	v33 =	vld.idx.msk [tilespmem:v33+s8+$0x0], $0xffff;
	v63 =	vadd.f32 v61, v34  }
0x40c: {  	v34 =	vld [tilespmem:s31+$0x2F0]  }
0x40d: {  	s14 =	simm.s32 $0x400;
	s15 =	simm.s32 $0x2000;
	v32 =	vld.idx.msk [tilespmem:v10+s8+$0x0], $0xffff;
	v36 =	vadd.f32 v62, v63  }
.LBB2_44:
0x40e: {  	p0 =	sne.s32 s15, $0xA000;
	v37 =	vld [tilespmem:s14+$0x280]  }
0x40f: {  	v35 =	vadd.f32 v35, v36  }
0x410: {  	v36 =	vld [tilespmem:s14+$0x290]  }
0x411: {  	v34 =	vadd.f32 v34, v35  }
0x412: {  	v35 =	vld [tilespmem:s14+$0x2A0]  }
0x413: {  	v34 =	vadd.f32 v37, v34  }
0x414: {  	v37 =	vld [tilespmem:s14+$0x2B0]  }
0x415: {  	v34 =	vadd.f32 v36, v34  }
0x416: {  	v36 =	vld [tilespmem:s14+$0x2C0]  }
0x417: {  	v34 =	vadd.f32 v35, v34  }
0x418: {  	v38 =	vld [tilespmem:s14+$0x2D0]  }
.Ltmp21:
0x419: {  	v34 =	vadd.f32 v37, v34;
	(pc) =	sbr.rel @p0 .LBB2_44-.Ltmp21, $4  }
0x41a: {  	v35 =	vld [tilespmem:s14+$0x2E0]  }
0x41b: {  	v36 =	vadd.f32 v36, v34  }
0x41c: {  	v34 =	vld [tilespmem:s14+$0x2F0]  }
0x41d: {  	s14 =	sshra.s32 s15, $0x2;
	s15 =	sadd.s32 $0x1000, s15;
	v36 =	vadd.f32 v38, v36  }
0x41e: {  	v37 =	vld [tilespmem:s14+$0x280]  }
0x41f: {  	v35 =	vadd.f32 v35, v36  }
0x420: {  	v49 =	vld [tilespmem:s14+$0x290]  }
0x421: {  	v34 =	vadd.f32 v34, v35  }
0x422: {  	v50 =	vld [tilespmem:s14+$0x2A0]  }
0x423: {  	v34 =	vadd.f32 v37, v34  }
0x424: {  	v51 =	vld [tilespmem:s14+$0x2B0]  }
0x425: {  	v34 =	vadd.f32 v49, v34  }
0x426: {  	v52 =	vld [tilespmem:s14+$0x2C0]  }
0x427: {  	v34 =	vadd.f32 v50, v34  }
0x428: {  	v53 =	vld [tilespmem:s14+$0x2D0]  }
0x429: {  	v34 =	vadd.f32 v51, v34  }
0x42a: {  	v54 =	vld [tilespmem:s14+$0x2E0]  }
0x42b: {  	v34 =	vadd.f32 v52, v34  }
0x42c: {  	v55 =	vld [tilespmem:s14+$0x2F0]  }
0x42d: {  	s31 =	simm.s32 $0x0;
	v34 =	vadd.f32 v53, v34  }
0x42e: {  	v56 =	vld [tilespmem:s31+$0x300]  }
0x42f: {  	v34 =	vadd.f32 v54, v34  }
0x430: {  	v57 =	vadd.s32 $0xFFFE7F00, v17;
	v38 =	vld [tilespmem:s31+$0x310]  }
0x431: {  	vm13 =	vlt.u32 v57, $0x580;
	v34 =	vadd.f32 v55, v34  }
0x432: {  	v39 =	vld [tilespmem:s31+$0x320];
	v58 =	vnsel vm13, $0x0, v57  }
0x433: {  	v37 =	vshll.u32 v58, $0x3;
	v34 =	vadd.f32 v56, v34  }
0x434: {  	v60 =	vld [tilespmem:s31+$0x330];
	v36 =	vand.u32 $0x7F, v58;
	v37 =	vand.u32 $0xFFFFFC00, v37  }
0x435: {  	v59 =	vor.u32 v37, v36;
	v34 =	vadd.f32 v38, v34  }
0x436: {  	v61 =	vld [tilespmem:s31+$0x340];
	v35 =	vor.u32 $0x200, v59  }
0x437: {  	v34 =	vadd.f32 v39, v34  }
0x438: {  	v62 =	vld [tilespmem:s31+$0x350]  }
0x439: {  	v36 =	vadd.f32 v60, v34  }
0x43a: {  	v37 =	vld [tilespmem:s31+$0x360]  }
0x43b: {  	v35 =	vld.idx.msk [tilespmem:v35+s8+$0x0], $0xffff;
	v63 =	vadd.f32 v61, v36  }
0x43c: {  	v36 =	vld [tilespmem:s31+$0x370]  }
0x43d: {  	s14 =	simm.s32 $0x400;
	s15 =	simm.s32 $0x2000;
	v34 =	vld.idx.msk [tilespmem:v11+s8+$0x0], $0xffff;
	v38 =	vadd.f32 v62, v63  }
.LBB2_46:
0x43e: {  	p0 =	sne.s32 s15, $0xA000;
	v39 =	vld [tilespmem:s14+$0x300]  }
0x43f: {  	v37 =	vadd.f32 v37, v38  }
0x440: {  	v38 =	vld [tilespmem:s14+$0x310]  }
0x441: {  	v36 =	vadd.f32 v36, v37  }
0x442: {  	v37 =	vld [tilespmem:s14+$0x320]  }
0x443: {  	v36 =	vadd.f32 v39, v36  }
0x444: {  	v39 =	vld [tilespmem:s14+$0x330]  }
0x445: {  	v36 =	vadd.f32 v38, v36  }
0x446: {  	v38 =	vld [tilespmem:s14+$0x340]  }
0x447: {  	v36 =	vadd.f32 v37, v36  }
0x448: {  	v40 =	vld [tilespmem:s14+$0x350]  }
.Ltmp22:
0x449: {  	v36 =	vadd.f32 v39, v36;
	(pc) =	sbr.rel @p0 .LBB2_46-.Ltmp22, $4  }
0x44a: {  	v37 =	vld [tilespmem:s14+$0x360]  }
0x44b: {  	v38 =	vadd.f32 v38, v36  }
0x44c: {  	v36 =	vld [tilespmem:s14+$0x370]  }
0x44d: {  	s14 =	sshra.s32 s15, $0x2;
	s15 =	sadd.s32 $0x1000, s15;
	v38 =	vadd.f32 v40, v38  }
0x44e: {  	v39 =	vld [tilespmem:s14+$0x300]  }
0x44f: {  	v37 =	vadd.f32 v37, v38  }
0x450: {  	v49 =	vld [tilespmem:s14+$0x310]  }
0x451: {  	v36 =	vadd.f32 v36, v37  }
0x452: {  	v50 =	vld [tilespmem:s14+$0x320]  }
0x453: {  	v36 =	vadd.f32 v39, v36  }
0x454: {  	v51 =	vld [tilespmem:s14+$0x330]  }
0x455: {  	v36 =	vadd.f32 v49, v36  }
0x456: {  	v52 =	vld [tilespmem:s14+$0x340]  }
0x457: {  	v36 =	vadd.f32 v50, v36  }
0x458: {  	v53 =	vld [tilespmem:s14+$0x350]  }
0x459: {  	v36 =	vadd.f32 v51, v36  }
0x45a: {  	v54 =	vld [tilespmem:s14+$0x360]  }
0x45b: {  	v36 =	vadd.f32 v52, v36  }
0x45c: {  	v55 =	vld [tilespmem:s14+$0x370]  }
0x45d: {  	s31 =	simm.s32 $0x0;
	v36 =	vadd.f32 v53, v36  }
0x45e: {  	v56 =	vld [tilespmem:s31+$0x380]  }
0x45f: {  	v36 =	vadd.f32 v54, v36  }
0x460: {  	v57 =	vadd.s32 $0xFFFE7F00, v18;
	v40 =	vld [tilespmem:s31+$0x390]  }
0x461: {  	vm14 =	vlt.u32 v57, $0x580;
	v36 =	vadd.f32 v55, v36  }
0x462: {  	v41 =	vld [tilespmem:s31+$0x3A0];
	v58 =	vnsel vm14, $0x0, v57  }
0x463: {  	v39 =	vshll.u32 v58, $0x3;
	v36 =	vadd.f32 v56, v36  }
0x464: {  	v60 =	vld [tilespmem:s31+$0x3B0];
	v38 =	vand.u32 $0x7F, v58;
	v39 =	vand.u32 $0xFFFFFC00, v39  }
0x465: {  	v59 =	vor.u32 v39, v38;
	v36 =	vadd.f32 v40, v36  }
0x466: {  	v61 =	vld [tilespmem:s31+$0x3C0];
	v37 =	vor.u32 $0x280, v59  }
0x467: {  	v36 =	vadd.f32 v41, v36  }
0x468: {  	v62 =	vld [tilespmem:s31+$0x3D0]  }
0x469: {  	v38 =	vadd.f32 v60, v36  }
0x46a: {  	v39 =	vld [tilespmem:s31+$0x3E0]  }
0x46b: {  	v37 =	vld.idx.msk [tilespmem:v37+s8+$0x0], $0xffff;
	v63 =	vadd.f32 v61, v38  }
0x46c: {  	v38 =	vld [tilespmem:s31+$0x3F0]  }
0x46d: {  	s14 =	simm.s32 $0x400;
	s15 =	simm.s32 $0x2000;
	v36 =	vld.idx.msk [tilespmem:v12+s8+$0x0], $0xffff;
	v40 =	vadd.f32 v62, v63  }
.LBB2_48:
0x46e: {  	p0 =	sne.s32 s15, $0xA000;
	v41 =	vld [tilespmem:s14+$0x380]  }
0x46f: {  	v39 =	vadd.f32 v39, v40  }
0x470: {  	v40 =	vld [tilespmem:s14+$0x390]  }
0x471: {  	v38 =	vadd.f32 v38, v39  }
0x472: {  	v39 =	vld [tilespmem:s14+$0x3A0]  }
0x473: {  	v38 =	vadd.f32 v41, v38  }
0x474: {  	v41 =	vld [tilespmem:s14+$0x3B0]  }
0x475: {  	v38 =	vadd.f32 v40, v38  }
0x476: {  	v40 =	vld [tilespmem:s14+$0x3C0]  }
0x477: {  	v38 =	vadd.f32 v39, v38  }
0x478: {  	v42 =	vld [tilespmem:s14+$0x3D0]  }
.Ltmp23:
0x479: {  	v38 =	vadd.f32 v41, v38;
	(pc) =	sbr.rel @p0 .LBB2_48-.Ltmp23, $4  }
0x47a: {  	v39 =	vld [tilespmem:s14+$0x3E0]  }
0x47b: {  	v40 =	vadd.f32 v40, v38  }
0x47c: {  	v38 =	vld [tilespmem:s14+$0x3F0]  }
0x47d: {  	s14 =	sshra.s32 s15, $0x2;
	s15 =	sadd.s32 $0x1000, s15;
	v40 =	vadd.f32 v42, v40  }
0x47e: {  	v41 =	vld [tilespmem:s14+$0x380]  }
0x47f: {  	v39 =	vadd.f32 v39, v40  }
0x480: {  	v49 =	vld [tilespmem:s14+$0x390]  }
0x481: {  	v38 =	vadd.f32 v38, v39  }
0x482: {  	v50 =	vld [tilespmem:s14+$0x3A0]  }
0x483: {  	v38 =	vadd.f32 v41, v38  }
0x484: {  	v51 =	vld [tilespmem:s14+$0x3B0]  }
0x485: {  	v38 =	vadd.f32 v49, v38  }
0x486: {  	v52 =	vld [tilespmem:s14+$0x3C0]  }
0x487: {  	v38 =	vadd.f32 v50, v38  }
0x488: {  	v53 =	vld [tilespmem:s14+$0x3D0]  }
0x489: {  	v38 =	vadd.f32 v51, v38  }
0x48a: {  	v54 =	vld [tilespmem:s14+$0x3E0]  }
0x48b: {  	v38 =	vadd.f32 v52, v38  }
0x48c: {  	v55 =	vld [tilespmem:s14+$0x3F0]  }
0x48d: {  	s31 =	simm.s32 $0x0;
	v38 =	vadd.f32 v53, v38  }
0x48e: {  	v56 =	vld [tilespmem:s31+$0x400]  }
0x48f: {  	v38 =	vadd.f32 v54, v38  }
0x490: {  	v57 =	vadd.s32 $0xFFFE7F00, v19;
	v42 =	vld [tilespmem:s31+$0x410]  }
0x491: {  	vm15 =	vlt.u32 v57, $0x580;
	v38 =	vadd.f32 v55, v38  }
0x492: {  	v43 =	vld [tilespmem:s31+$0x420];
	v58 =	vnsel vm15, $0x0, v57  }
0x493: {  	v41 =	vshll.u32 v58, $0x3;
	v38 =	vadd.f32 v56, v38  }
0x494: {  	v60 =	vld [tilespmem:s31+$0x430];
	v40 =	vand.u32 $0x7F, v58;
	v41 =	vand.u32 $0xFFFFFC00, v41  }
0x495: {  	v59 =	vor.u32 v41, v40;
	v38 =	vadd.f32 v42, v38  }
0x496: {  	v61 =	vld [tilespmem:s31+$0x440];
	v39 =	vor.u32 $0x300, v59  }
0x497: {  	v38 =	vadd.f32 v43, v38  }
0x498: {  	v62 =	vld [tilespmem:s31+$0x450]  }
0x499: {  	v40 =	vadd.f32 v60, v38  }
0x49a: {  	v41 =	vld [tilespmem:s31+$0x460]  }
0x49b: {  	v39 =	vld.idx.msk [tilespmem:v39+s8+$0x0], $0xffff;
	v63 =	vadd.f32 v61, v40  }
0x49c: {  	v40 =	vld [tilespmem:s31+$0x470]  }
0x49d: {  	s14 =	simm.s32 $0x400;
	s15 =	simm.s32 $0x2000;
	v38 =	vld.idx.msk [tilespmem:v13+s8+$0x0], $0xffff;
	v42 =	vadd.f32 v62, v63  }
.LBB2_50:
0x49e: {  	p0 =	sne.s32 s15, $0xA000;
	v43 =	vld [tilespmem:s14+$0x400]  }
0x49f: {  	v41 =	vadd.f32 v41, v42  }
0x4a0: {  	v42 =	vld [tilespmem:s14+$0x410]  }
0x4a1: {  	v40 =	vadd.f32 v40, v41  }
0x4a2: {  	v41 =	vld [tilespmem:s14+$0x420]  }
0x4a3: {  	v40 =	vadd.f32 v43, v40  }
0x4a4: {  	v43 =	vld [tilespmem:s14+$0x430]  }
0x4a5: {  	v40 =	vadd.f32 v42, v40  }
0x4a6: {  	v42 =	vld [tilespmem:s14+$0x440]  }
0x4a7: {  	v40 =	vadd.f32 v41, v40  }
0x4a8: {  	v44 =	vld [tilespmem:s14+$0x450]  }
.Ltmp24:
0x4a9: {  	v40 =	vadd.f32 v43, v40;
	(pc) =	sbr.rel @p0 .LBB2_50-.Ltmp24, $4  }
0x4aa: {  	v41 =	vld [tilespmem:s14+$0x460]  }
0x4ab: {  	v42 =	vadd.f32 v42, v40  }
0x4ac: {  	v40 =	vld [tilespmem:s14+$0x470]  }
0x4ad: {  	s14 =	sshra.s32 s15, $0x2;
	s15 =	sadd.s32 $0x1000, s15;
	v42 =	vadd.f32 v44, v42  }
0x4ae: {  	vm5 =	veq.s32 v23, $0x1863C;
	vm6 =	veq.s32 v21, $0x1863C  }
0x4af: {  	vm8 =	veq.s32 v22, $0x1863C;
	vm4 =	vmand vm4, vm7;
	vm3 =	vmand vm3, vm7  }
0x4b0: {  	v58 =	vadd.s32 $0xFFFE7F00, v16;
	vm2 =	vmand vm2, vm7;
	vm0 =	vmand vm0, vm7  }
0x4b1: {  	v23 =	vnsel vm5, $0x0, v14;
	vm5 =	veq.s32 v20, $0x1863C;
	v21 =	vnsel vm6, $0x0, v14  }
0x4b2: {  	v22 =	vnsel vm8, $0x0, v14;
	vm6 =	veq.s32 v18, $0x1863C;
	vm8 =	veq.s32 v19, $0x1863C  }
0x4b3: {  	v43 =	vld [tilespmem:$0x1FF90];
	v41 =	vadd.f32 v41, v42;
	v32 =	vnsel vm4, $0x0, v32;
	v34 =	vnsel vm3, $0x0, v34  }
0x4b4: {  	v54 =	vld [tilespmem:s14+$0x400];
	v46 =	vnsel vm2, $0x0, v36;
	v20 =	vnsel vm5, $0x0, v14;
	vm5 =	veq.s32 v17, $0x1863C  }
0x4b5: {  	v55 =	vld [tilespmem:$0x1FF70];
	v18 =	vnsel vm6, $0x0, v14;
	v19 =	vnsel vm8, $0x0, v14;
	vm6 =	vmand vm11, vm7  }
0x4b6: {  	vm11 =	vmand vm9, vm7;
	v17 =	vnsel vm5, $0x0, v14;
	v27 =	vnsel vm6, $0x0, v27  }
0x4b7: {  	v53 =	vld [tilespmem:$0x1FF80];
	v28 =	vnsel vm11, $0x0, v28;
	vm11 =	vmand vm10, vm7;
	v40 =	vadd.f32 v40, v41  }
0x4b8: {  	vm10 =	vmand vm14, vm7;
	v20 =	vadd.f32 v20, v23;
	v30 =	vnsel vm11, $0x0, v30  }
0x4b9: {  	v56 =	vld [tilespmem:s14+$0x410];
	v25 =	vadd.f32 v27, v25;
	vm11 =	vlt.u32 v58, $0x580;
	v37 =	vnsel vm10, $0x0, v37  }
0x4ba: {  	vm8 =	vnez.u8 v43;
	vm9 =	vnez.u8 v55;
	v40 =	vadd.f32 v54, v40  }
0x4bb: {  	v57 =	vld [tilespmem:s14+$0x420];
	v27 =	vnsel vm11, $0x0, v58;
	v20 =	vadd.f32 v21, v20;
	vm5 =	vmand vm8, vm7  }
0x4bc: {  	vm8 =	vnez.u8 v53;
	vm6 =	vmand vm9, vm7;
	v25 =	vadd.f32 v28, v25  }
0x4bd: {  	v59 =	vld [tilespmem:s14+$0x430];
	v61 =	vshll.u32 v27, $0x3;
	v27 =	vand.u32 $0x7F, v27;
	v26 =	vnsel vm5, $0x0, v26  }
0x4be: {  	vm8 =	vmand vm8, vm7;
	v40 =	vadd.f32 v56, v40;
	v24 =	vadd.f32 v26, v24  }
0x4bf: {  	v60 =	vld [tilespmem:s14+$0x440];
	v29 =	vnsel vm8, $0x0, v29;
	v26 =	vand.u32 $0xFFFFFC00, v61;
	v25 =	vadd.f32 v30, v25  }
0x4c0: {  	v62 =	vadd.f32 v57, v40;
	v26 =	vor.u32 v26, v27;
	v24 =	vadd.f32 v29, v24  }
0x4c1: {  	v63 =	vld [tilespmem:s14+$0x450];
	v31 =	vnsel vm6, $0x0, v31;
	v44 =	vor.u32 $0x380, v26;
	v25 =	vadd.f32 v32, v25  }
0x4c2: {  	v50 =	vld.idx.msk [tilespmem:v15+s8+$0x0], $0xffff;
	vm8 =	vmand vm12, vm7;
	v43 =	vadd.f32 v59, v62;
	v24 =	vadd.f32 v31, v24  }
0x4c3: {  	v45 =	vld [tilespmem:s14+$0x460];
	vm9 =	vmand vm13, vm7;
	v33 =	vnsel vm8, $0x0, v33;
	v49 =	vadd.f32 v34, v25  }
0x4c4: {  	v53 =	vnsel vm0, $0x0, v38;
	v27 =	vadd.f32 v60, v43;
	v48 =	vadd.f32 v33, v24  }
0x4c5: {  	v47 =	vld [tilespmem:s14+$0x470];
	v35 =	vnsel vm9, $0x0, v35;
	v20 =	vadd.f32 v22, v20;
	v52 =	vadd.f32 v46, v49  }
0x4c6: {  	vm13 =	vmand vm1, vm7;
	v27 =	vadd.f32 v63, v27;
	v23 =	vld.idx.msk [tilespmem:v44+s8+$0x0], $0xffff;
	v21 =	vadd.f32 v35, v48  }
0x4c7: {  	v56 =	vnsel vm13, $0x0, v50;
	v17 =	vadd.f32 v17, v20;
	v55 =	vadd.f32 v53, v52  }
0x4c8: {  	vm12 =	vmand vm15, vm7;
	v26 =	vadd.f32 v45, v27;
	v54 =	vadd.f32 v37, v21  }
0x4c9: {  	v51 =	vnsel vm12, $0x0, v39;
	v17 =	vadd.f32 v18, v17;
	v59 =	vadd.f32 v56, v55  }
0x4ca: {  	vm14 =	vmand vm11, vm7;
	v57 =	vadd.f32 v47, v26;
	v58 =	vadd.f32 v51, v54  }
0x4cb: {  	vm15 =	veq.s32 v16, $0x1863C;
	v17 =	vadd.f32 v19, v17;
	v60 =	vnsel vm14, $0x0, v23  }
0x4cc: {  	v62 =	vmul.f32 $1.000020010e-06, v59;
	v61 =	vmul.f32 $1.000020010e-06, v57;
	v16 =	vadd.f32 v60, v58  }
0x4cd: {  	v63 =	vnsel vm15, $0x0, v14  }
0x4ce: {  	v17 =	vadd.f32 v63, v17;
	v18 =	vsub.f32 v62, v61;
	v16 =	vmul.f32 $-8.999990220e-01, v16;
	_ =	sdelay $0x1  }
0x4cf: {  	v17 =	vmul.f32 $-1.381576660e-05, v17;
	v16 =	vadd.f32 v16, v18;
	_ =	sdelay $0x1  }
0x4d0: {  	s13 =	sadd.s32 $0x1, s13;
	v16 =	vadd.f32 v17, v16  }
0x4d1: {  	p0 =	sne.s32 s13, s6  }
.Ltmp25:
0x4d2: {  	[tilespmem:$0x5880] =	vst v16;
	(pc) =	sbr.rel @p0 .LBB2_1-.Ltmp25, $4  }
0x4d3: {  	[hbm4b:s5+s2] =	stream.linear.scatter [tilespmem:s12], [sflag:$0x3], $0x10, $0x38;
	[tilespmem:$0x5900] =	vst v63  }
0x4d4: {  	_ =	swait.ge [sflag:s7], $0x10  }
0x4d5: {  	[sflag:s7] =	ssyncset.done $0x0  }
0x4d6: {  	[sflag:s7] =	ssyncadd.s32 $0xFFFFFFF0  }
0x4d7: {  	_ =	sfence.sel $0x180000  }
0x4d8: {  	[bflag:$0x0] =	sbarrier.arrive $0xFFFF  }
0x4d9: {  	p0 =	sne.s32 s0, $0x0;
	_ =	strace $0x90000047  }
0x4da: {  	s0 =	sadd.s32 @!p0 $0x100000, s1;
	[bflag:$0x2] =	sbarrier.arrive $0xFFFF  }
0x4db: {  	[sflag:s0] =	ssyncadd.tile.s32 @!p0 $0x1;
	_ =	shalt  }
.Lfunc_end2:
_tile_overlayer_lowered:
.L_overlay_start_2:
0x4dc: {  	(tag) =	ssettag $0x2  }
0x4dd: {  	s0 =	rddreg [dreg:$0x0];
	s2 =	stileid.u32  }
0x4de: {  	s1 =	rddreg [dreg:$0x1];
	p0 =	sne.s32 s2, $0x0  }
0x4df: {  	s3 =	rddreg [dreg:$0x2];
	[bflag:$0x3] =	sbarrier.arrive $0xFFFF;
	s2 =	simm.s32 @!p0 $0x1C03  }
0x4e0: {  	[timem:s3], [sflag:s2] =	dma.local @!p0 [hbm:s0], s1  }
0x4e1: {  	s0 =	simm.s32 @!p0 $0x3  }
0x4e2: {  	_ =	swait.ge @!p0 [sflag:s0], s1  }
0x4e3: {  	s1 =	ssub.s32 @!p0 $0x0, s1;
	[sflag:s0] =	ssyncset.done @!p0 $0x0  }
0x4e4: {  	[sflag:s0] =	ssyncadd.s32 @!p0 s1  }
0x4e5: {  	[bflag:$0x3] =	sbarrier.arrive $0xFFFF  }
0x4e6: {  	_ =	shalt  }

</sc_bundles>
